<compile_context>
chip_gen: v7x
topology: tpu7x:2x2x1
jax: 0.10.2.dev20260603
libtpu: 0.0.44.dev20260713+nightly
codegen_flags: <defaults>
</compile_context>

<pallas_src>
import functools

import jax
import jax.numpy as jnp
import numpy as np
from jax import lax
from jax.experimental import pallas as pl
from jax.experimental.pallas import tpu as pltpu
from jax.experimental.pallas import tpu_sc as plsc

NUM_CHANNEL = 4
NGRAM_SIZE = 3
LEVELS = 100
DIM = 10000
SEQ_LEN = 256
CHOSEN_FEAT = [547, 548, 549, 551, 554, 556, 557, 558, 559, 560, 561, 562,
               563, 565, 566, 567, 570, 576, 580, 581, 582, 583, 584, 585,
               588, 593, 598, 599, 600]


NW = 32
WCOLS = 320
WIN = 336
SCPAD = (NW - 1) * WCOLS + WIN
NCH = WIN // 16
NQ = WCOLS // 16


def _sc_body(ltpad_hbm, keyspad_hbm, sig_hbm, out_hbm,
             tbl_v, keys_v, sig_v, ch_v, samp_v, idx_s):
    wid = lax.axis_index("s") * 2 + lax.axis_index("c")
    base = wid * WCOLS

    pltpu.sync_copy(ltpad_hbm.at[:, pl.ds(base, WIN)], tbl_v)
    pltpu.sync_copy(keyspad_hbm.at[:, pl.ds(base, WIN)], keys_v)
    pltpu.sync_copy(sig_hbm, sig_v)

    lane = lax.iota(jnp.int32, 16)

    @plsc.parallel_loop(0, SEQ_LEN * NUM_CHANNEL // 16)
    def body_idx(jj):
        s = sig_v[pl.ds(jj * 16, 16)]
        iv = jnp.clip((s * LEVELS).astype(jnp.int32), 0, LEVELS - 1)
        for k in range(16):
            idx_s[jj * 16 + k] = jnp.max(jnp.where(lane == k, iv, -1))

    for j in range(NCH):
        kv = [keys_v[c, pl.ds(j * 16, 16)] for c in range(4)]

        @plsc.parallel_loop(0, SEQ_LEN, unroll=4)
        def body_a(t, j=j, kv=kv):
            acc = tbl_v[idx_s[4 * t + 0], pl.ds(j * 16, 16)] * kv[0]
            acc = acc + tbl_v[idx_s[4 * t + 1], pl.ds(j * 16, 16)] * kv[1]
            acc = acc + tbl_v[idx_s[4 * t + 2], pl.ds(j * 16, 16)] * kv[2]
            acc = acc + tbl_v[idx_s[4 * t + 3], pl.ds(j * 16, 16)] * kv[3]
            ch_v[t, pl.ds(j * 16, 16)] = acc

    for q in range(NQ):
        @plsc.parallel_loop(0, SEQ_LEN - NGRAM_SIZE + 1, unroll=4,
                            carry=jnp.zeros((16,), jnp.float32))
        def body_b(t, acc, q=q):
            g = (ch_v[t, pl.ds(q * 16, 16)]
                 * ch_v[t + 1, pl.ds(q * 16 + 1, 16)]
                 * ch_v[t + 2, pl.ds(q * 16 + 2, 16)])
            return acc + g
        samp_v[pl.ds(q * 16, 16)] = body_b

    pltpu.sync_copy(samp_v, out_hbm.at[pl.ds(base, WCOLS)])


def _sc_sample_hv(signals, keys, level_table):
    ltpad = jnp.concatenate(
        [level_table[:, -2:], level_table,
         jnp.zeros((LEVELS, SCPAD - DIM - 2), level_table.dtype)], axis=1)
    kpad = jnp.concatenate(
        [keys[:, -2:], keys,
         jnp.zeros((NUM_CHANNEL, SCPAD - DIM - 2), keys.dtype)], axis=1)
    mesh = plsc.VectorSubcoreMesh(core_axis_name="c", subcore_axis_name="s")
    return pl.kernel(
        _sc_body, mesh=mesh,
        compiler_params=pltpu.CompilerParams(use_tc_tiling_on_sc=False,
                                             needs_layout_passes=False),
        out_type=jax.ShapeDtypeStruct((NW * WCOLS,), jnp.float32),
        scratch_types=[
            pltpu.VMEM((LEVELS, WIN), jnp.float32),
            pltpu.VMEM((NUM_CHANNEL, WIN), jnp.float32),
            pltpu.VMEM((SEQ_LEN * NUM_CHANNEL,), jnp.float32),
            pltpu.VMEM((SEQ_LEN, WIN), jnp.float32),
            pltpu.VMEM((WCOLS,), jnp.float32),
            pltpu.SMEM((SEQ_LEN * NUM_CHANNEL,), jnp.int32),
        ],
    )(ltpad, kpad, signals.reshape(-1))



BLK = 2048
NBLK = pl.cdiv(DIM, BLK)


def _expr_kernel(vals_ref, wf_ref, bf_ref, mf_ref, wm_ref, bm_ref, out_ref):
    proj = vals_ref[...] * wf_ref[...]
    fhv = jnp.cos(proj + bf_ref[...]) * jnp.sin(proj)

    wm = wm_ref[...].astype(jnp.bfloat16)
    mf = mf_ref[...].astype(jnp.bfloat16)
    mrows = []
    for e in range(6):
        r = lax.dot_general(wm[e], mf[e][:, None],
                            (((1,), (0,)), ((), ())),
                            preferred_element_type=jnp.float32)
        mrows.append(r[:, 0])
    mproj = jnp.stack(mrows)
    mhv = jnp.cos(mproj + bm_ref[...]) * jnp.sin(mproj)
    mfcc_hv = mhv[0] * mhv[1] * mhv[2] * mhv[3] * mhv[4] * mhv[5]

    f = {cf: fhv[j] for j, cf in enumerate(CHOSEN_FEAT)}
    expr = (f[547] * f[559] * f[565]
            + f[548] * f[560] * f[566]
            + f[549] * f[561] * f[567]
            + f[551] * f[554]
            + f[556] * f[558] * f[584] * f[557] * f[585] * f[581] * f[580]
            * f[582] * f[583] * f[598] * f[600] * f[599]
            + f[562] + f[563]
            + f[570] * f[588]
            + f[576] + f[593]
            + mfcc_hv)
    out_ref[0, :] = expr


def _expr_part(feat, W_feat, b_feat, W_mfcc, b_mfcc):
    sel = np.array([cf - 1 for cf in CHOSEN_FEAT])
    vals = feat[sel][:, None]
    mf = feat[: 6 * 91].reshape(6, 91)
    return pl.pallas_call(
        _expr_kernel,
        grid=(NBLK,),
        in_specs=[
            pl.BlockSpec((len(CHOSEN_FEAT), 1), lambda i: (0, 0)),
            pl.BlockSpec((len(CHOSEN_FEAT), BLK), lambda i: (0, i)),
            pl.BlockSpec((len(CHOSEN_FEAT), BLK), lambda i: (0, i)),
            pl.BlockSpec((6, 91), lambda i: (0, 0)),
            pl.BlockSpec((6, BLK, 91), lambda i: (0, i, 0)),
            pl.BlockSpec((6, BLK), lambda i: (0, i)),
        ],
        out_specs=pl.BlockSpec((1, BLK), lambda i: (0, i)),
        out_shape=jax.ShapeDtypeStruct((1, DIM), jnp.float32),
    )(vals, W_feat, b_feat, mf, W_mfcc, b_mfcc)



def _combine_kernel(samp_ref, expr_ref, out_ref):
    out = samp_ref[0, :DIM] * expr_ref[0, :]
    out_ref[0, :] = jnp.where(out > 0, 1.0, -1.0)


def _combine(sample, expr):
    return pl.pallas_call(
        _combine_kernel,
        out_shape=jax.ShapeDtypeStruct((1, DIM), jnp.float32),
    )(sample.reshape(1, -1), expr)


@jax.jit
def _run(signals, feat, keys, level_table, W_feat, b_feat, W_mfcc, b_mfcc):
    expr = _expr_part(feat, W_feat, b_feat, W_mfcc, b_mfcc)
    sample = _sc_sample_hv(signals, keys, level_table)
    return _combine(sample, expr).reshape(-1)


def kernel(signals, feat, keys, level_table, W_feat, b_feat, W_mfcc, b_mfcc):
    return _run(signals, feat, keys, level_table, W_feat, b_feat,
                W_mfcc, b_mfcc)

# --- scband reference (transcript-rebuilt; emitter-appended) ---
"""Pipeline reference for scband-hdc-generic-encoder-18253611008356 (READ-ONLY COPY).

The authoritative reference and input builder live on the scoring server;
editing this copy changes nothing except your own understanding.
"""

import jax, jax.numpy as jnp
import numpy as np

NUM_CHANNEL = 4
NGRAM_SIZE = 3
MFCC_COV_FEAT_LENGTH = 91
MFCC_COV_NUM = 6
LEVELS = 100
DIM = 10000
SEQ_LEN = 256
CHOSEN_FEAT = [547, 548, 549, 551, 554, 556, 557, 558, 559, 560, 561, 562, 563, 565, 566, 567, 570, 576, 580, 581, 582, 583, 584, 585, 588, 593, 598, 599, 600]


def setup_inputs(seed: int = 0) -> dict:
    key = jax.random.key(seed)
    ks = jax.random.split(key, 9)
    signals = jax.random.uniform(ks[0], (SEQ_LEN, NUM_CHANNEL), dtype=jnp.float32)
    feat = jax.random.uniform(ks[1], (600,), dtype=jnp.float32)
    # Random embedding: random +/-1 MAP hypervectors per channel
    keys_hv = jnp.where(jax.random.bernoulli(ks[2], 0.5, (NUM_CHANNEL, DIM)), 1.0, -1.0).astype(jnp.float32)
    # Level embedding: interpolate between two random +/-1 hypervectors
    hv0 = jnp.where(jax.random.bernoulli(ks[3], 0.5, (DIM,)), 1.0, -1.0)
    hv1 = jnp.where(jax.random.bernoulli(ks[4], 0.5, (DIM,)), 1.0, -1.0)
    thresh = jnp.linspace(0.0, 1.0, LEVELS)[:, None]
    pos = jnp.arange(DIM)[None, :] / DIM
    level_table = jnp.where(pos < thresh, hv1[None, :], hv0[None, :]).astype(jnp.float32)
    # Sinusoid kernels for scalar features (in_features=1): weight [29, D], bias [29, D]
    W_feat = jax.random.normal(ks[5], (len(CHOSEN_FEAT), DIM), dtype=jnp.float32)
    b_feat = jax.random.uniform(ks[6], (len(CHOSEN_FEAT), DIM), dtype=jnp.float32) * 2.0 * np.pi
    # Sinusoid kernels for MFCC cov blocks (in_features=91): weight [6, D, 91], bias [6, D]
    W_mfcc = jax.random.normal(ks[7], (MFCC_COV_NUM, DIM, MFCC_COV_FEAT_LENGTH), dtype=jnp.float32)
    b_mfcc = jax.random.uniform(ks[8], (MFCC_COV_NUM, DIM), dtype=jnp.float32) * 2.0 * np.pi
    return {"signals": signals, "feat": feat, "keys": keys_hv, "level_table": level_table,
            "W_feat": W_feat, "b_feat": b_feat, "W_mfcc": W_mfcc, "b_mfcc": b_mfcc}


def reference(signals, feat, keys, level_table, W_feat, b_feat, W_mfcc, b_mfcc):
    levels = level_table.shape[0]
    # Level embedding: quantize continuous signal to level index, gather hypervectors
    idx = jnp.clip(jnp.floor(signals * levels).astype(jnp.int32), 0, levels - 1)
    emb = jnp.take(level_table, idx, axis=0)              # [T, C, D]
    # generic = ngrams(hash_table(keys, values), n)
    bound = keys[None, :, :] * emb                        # bind keys with values
    ch = jnp.sum(bound, axis=1)                           # multiset over channels -> [T, D]
    n = NGRAM_SIZE
    T = ch.shape[0]
    grams = jnp.ones((T - n + 1, ch.shape[1]), ch.dtype)
    for j in range(n):
        # permute = circular shift along hypervector dim; bind = multiply
        grams = grams * jnp.roll(ch[j:T - n + 1 + j], n - 1 - j, axis=-1)
    sample_hv = jnp.sum(grams, axis=0)                    # multiset over n-grams -> [D]
    # Sinusoid scalar-feature kernels: cos(xW + b) * sin(xW)
    sel = jnp.array([cf - 1 for cf in CHOSEN_FEAT])
    vals = feat[sel]                                      # [29]
    proj = vals[:, None] * W_feat                         # [29, D]
    fhv = jnp.cos(proj + b_feat) * jnp.sin(proj)          # [29, D]
    f = {cf: fhv[i] for i, cf in enumerate(CHOSEN_FEAT)}
    # MFCC covariance block kernels
    mf = feat[: MFCC_COV_NUM * MFCC_COV_FEAT_LENGTH].reshape(MFCC_COV_NUM, MFCC_COV_FEAT_LENGTH)
    mproj = jnp.einsum('edf,ef->ed', W_mfcc, mf)          # [6, D]
    mhv = jnp.cos(mproj + b_mfcc) * jnp.sin(mproj)
    mfcc_hv = jnp.prod(mhv, axis=0)                       # multibind -> [D]
    expr = (f[547] * f[559] * f[565]
            + f[548] * f[560] * f[566]
            + f[549] * f[561] * f[567]
            + f[551] * f[554]
            + f[556] * f[558] * f[584] * f[557] * f[585] * f[581] * f[580] * f[582] * f[583] * f[598] * f[600] * f[599]
            + f[562] + f[563]
            + f[570] * f[588]
            + f[576] + f[593]
            + mfcc_hv)
    out = sample_hv * expr
    out = jnp.where(out > 0, 1.0, -1.0).astype(out.dtype)  # hard_quantize
    return out.flatten()

if __name__ == "__main__":
    import jax
    _d = setup_inputs()
    print(jax.jit(kernel)(*tuple(_d.values())))

</pallas_src>

<mosaic_0001>
#map = affine_map<(d0, d1) -> (0, 0)>
#map1 = affine_map<(d0, d1) -> (0)>
module attributes {stable_mosaic.version = 14 : i64} {
  func.func @_sc_body(%arg0: i32, %arg1: i32, %arg2: memref<100x10256xf32, #tpu.memory_space<hbm>>, %arg3: memref<4x10256xf32, #tpu.memory_space<hbm>>, %arg4: memref<1024xf32, #tpu.memory_space<hbm>>, %arg5: memref<10240xf32, #tpu.memory_space<hbm>>, %arg6: memref<100x336xf32, #tpu.memory_space<vmem>>, %arg7: memref<4x336xf32, #tpu.memory_space<vmem>>, %arg8: memref<1024xf32, #tpu.memory_space<vmem>>, %arg9: memref<256x336xf32, #tpu.memory_space<vmem>>, %arg10: memref<320xf32, #tpu.memory_space<vmem>>, %arg11: memref<1024xi32, #tpu.memory_space<smem>>) attributes {dimension_semantics = [#tpu.dimension_semantics<core_parallel>, #tpu.dimension_semantics<subcore_parallel>], iteration_bounds = array<i64: 2, 16>, scalar_prefetch = 0 : i64, scratch_operands = 6 : i64, tpu.core_type = #tpu.core_type<sc_vector_subcore>, window_params = [{transform_indices = #map}, {transform_indices = #map}, {transform_indices = #map1}, {transform_indices = #map1}]} {
    %mul3A = arith.constant 2 : i32
    %mul3A_0 = arith.muli %arg1, %mul3A : i32
    %add3A = arith.addi %mul3A_0, %arg0 : i32
    %mul3A_1 = arith.constant 320 : i32
    %mul3A_2 = arith.muli %add3A, %mul3A_1 : i32
    "tpu.region"() ({
      %run_scoped3A = tpu.sem_alloc : memref<!tpu.dma_semaphore, #tpu.memory_space<semaphore_mem>>
      %dma_start3A = arith.constant 0 : i32
      %dma_start3A_561 = tpu.memref_slice %arg2[%dma_start3A, %mul3A_2] : memref<100x10256xf32, #tpu.memory_space<hbm>> -> memref<100x336xf32, #tpu.memory_space<hbm>>
      %dma_start3A_562 = arith.constant 0 : i32
      %dma_start3A_563 = tpu.memref_slice %arg2[%dma_start3A_562, %mul3A_2] : memref<100x10256xf32, #tpu.memory_space<hbm>> -> memref<100x336xf32, #tpu.memory_space<hbm>>
      tpu.enqueue_dma source(%dma_start3A_563 : memref<100x336xf32, #tpu.memory_space<hbm>>) target(%arg6 : memref<100x336xf32, #tpu.memory_space<vmem>>) target_semaphore(%run_scoped3A : memref<!tpu.dma_semaphore, #tpu.memory_space<semaphore_mem>>)
      %dma_wait3A = arith.constant 0 : i32
      %dma_wait3A_564 = tpu.memref_slice %arg2[%dma_wait3A, %mul3A_2] : memref<100x10256xf32, #tpu.memory_space<hbm>> -> memref<100x336xf32, #tpu.memory_space<hbm>>
      %dma_wait3A_565 = arith.constant 0 : i32
      %dma_wait3A_566 = tpu.memref_slice %arg2[%dma_wait3A_565, %mul3A_2] : memref<100x10256xf32, #tpu.memory_space<hbm>> -> memref<100x336xf32, #tpu.memory_space<hbm>>
      tpu.wait_dma2 semaphore(%run_scoped3A : memref<!tpu.dma_semaphore, #tpu.memory_space<semaphore_mem>>) src(%dma_wait3A_566 : memref<100x336xf32, #tpu.memory_space<hbm>>) dst(%arg6 : memref<100x336xf32, #tpu.memory_space<vmem>>)
      tpu.yield
    }) : () -> ()
    "tpu.region"() ({
      %run_scoped3A = tpu.sem_alloc : memref<!tpu.dma_semaphore, #tpu.memory_space<semaphore_mem>>
      %dma_start3A = arith.constant 0 : i32
      %dma_start3A_561 = tpu.memref_slice %arg3[%dma_start3A, %mul3A_2] : memref<4x10256xf32, #tpu.memory_space<hbm>> -> memref<4x336xf32, #tpu.memory_space<hbm>>
      %dma_start3A_562 = arith.constant 0 : i32
      %dma_start3A_563 = tpu.memref_slice %arg3[%dma_start3A_562, %mul3A_2] : memref<4x10256xf32, #tpu.memory_space<hbm>> -> memref<4x336xf32, #tpu.memory_space<hbm>>
      tpu.enqueue_dma source(%dma_start3A_563 : memref<4x336xf32, #tpu.memory_space<hbm>>) target(%arg7 : memref<4x336xf32, #tpu.memory_space<vmem>>) target_semaphore(%run_scoped3A : memref<!tpu.dma_semaphore, #tpu.memory_space<semaphore_mem>>)
      %dma_wait3A = arith.constant 0 : i32
      %dma_wait3A_564 = tpu.memref_slice %arg3[%dma_wait3A, %mul3A_2] : memref<4x10256xf32, #tpu.memory_space<hbm>> -> memref<4x336xf32, #tpu.memory_space<hbm>>
      %dma_wait3A_565 = arith.constant 0 : i32
      %dma_wait3A_566 = tpu.memref_slice %arg3[%dma_wait3A_565, %mul3A_2] : memref<4x10256xf32, #tpu.memory_space<hbm>> -> memref<4x336xf32, #tpu.memory_space<hbm>>
      tpu.wait_dma2 semaphore(%run_scoped3A : memref<!tpu.dma_semaphore, #tpu.memory_space<semaphore_mem>>) src(%dma_wait3A_566 : memref<4x336xf32, #tpu.memory_space<hbm>>) dst(%arg7 : memref<4x336xf32, #tpu.memory_space<vmem>>)
      tpu.yield
    }) : () -> ()
    "tpu.region"() ({
      %run_scoped3A = tpu.sem_alloc : memref<!tpu.dma_semaphore, #tpu.memory_space<semaphore_mem>>
      tpu.enqueue_dma source(%arg4 : memref<1024xf32, #tpu.memory_space<hbm>>) target(%arg8 : memref<1024xf32, #tpu.memory_space<vmem>>) target_semaphore(%run_scoped3A : memref<!tpu.dma_semaphore, #tpu.memory_space<semaphore_mem>>)
      tpu.wait_dma2 semaphore(%run_scoped3A : memref<!tpu.dma_semaphore, #tpu.memory_space<semaphore_mem>>) src(%arg4 : memref<1024xf32, #tpu.memory_space<hbm>>) dst(%arg8 : memref<1024xf32, #tpu.memory_space<vmem>>)
      tpu.yield
    }) : () -> ()
    %iota3A = tpu.iota {dimensions = array<i32: 0>} : vector<16xi32>
    %parallel_loop3A = arith.constant 0 : i32
    %parallel_loop3A_3 = arith.constant 64 : i32
    %parallel_loop3A_4 = arith.constant 1 : i32
    scf.for %parallel_loop3A_561 = %parallel_loop3A to %parallel_loop3A_3 step %parallel_loop3A_4  : i32 {
      %parallel_loop3A_562 = arith.constant 16 : i32
      %parallel_loop3A_563 = arith.muli %parallel_loop3A_561, %parallel_loop3A_562 : i32
      %parallel_loop3A_564 = arith.index_cast %parallel_loop3A_563 : i32 to index
      %parallel_loop3A_565 = tpu.vector_load %arg8[%parallel_loop3A_564] {strides = array<i32>} : memref<1024xf32, #tpu.memory_space<vmem>>, vector<16xf32>,
      %parallel_loop3A_566 = arith.constant 1.000000e+02 : f32
      %parallel_loop3A_567 = vector.broadcast %parallel_loop3A_566 : f32 to vector<16xf32>
      %parallel_loop3A_568 = arith.mulf %parallel_loop3A_565, %parallel_loop3A_567 : vector<16xf32>
      %parallel_loop3A_569 = arith.fptosi %parallel_loop3A_568 : vector<16xf32> to vector<16xi32>
      %parallel_loop3A_570 = arith.constant 0 : i32
      %parallel_loop3A_571 = arith.constant 99 : i32
      %parallel_loop3A_572 = vector.broadcast %parallel_loop3A_570 : i32 to vector<16xi32>
      %parallel_loop3A_573 = arith.maxsi %parallel_loop3A_572, %parallel_loop3A_569 : vector<16xi32>
      %parallel_loop3A_574 = vector.broadcast %parallel_loop3A_571 : i32 to vector<16xi32>
      %parallel_loop3A_575 = arith.minsi %parallel_loop3A_574, %parallel_loop3A_573 : vector<16xi32>
      %parallel_loop3A_576 = arith.constant 0 : i32
      %parallel_loop3A_577 = vector.broadcast %parallel_loop3A_576 : i32 to vector<16xi32>
      %parallel_loop3A_578 = arith.cmpi eq, %iota3A, %parallel_loop3A_577 : vector<16xi32>
      %parallel_loop3A_579 = arith.constant -1 : i32
      %parallel_loop3A_580 = vector.broadcast %parallel_loop3A_579 : i32 to vector<16xi32>
      %parallel_loop3A_581 = arith.select %parallel_loop3A_578, %parallel_loop3A_575, %parallel_loop3A_580 : vector<16xi1>, vector<16xi32>
      %parallel_loop3A_582 = arith.constant true
      %parallel_loop3A_583 = vector.broadcast %parallel_loop3A_582 : i1 to vector<16xi1>
      %parallel_loop3A_584 = arith.constant -2147483648 : i32
      %parallel_loop3A_585 = vector.broadcast %parallel_loop3A_584 : i32 to vector<16xi32>
      %parallel_loop3A_586 = arith.xori %parallel_loop3A_581, %parallel_loop3A_585 : vector<16xi32>
      %parallel_loop3A_587 = tpu.scan <max>, %parallel_loop3A_586 masked %parallel_loop3A_583 : vector<16xi32>, vector<16xi1> -> vector<16xi32>
      %parallel_loop3A_588 = arith.xori %parallel_loop3A_587, %parallel_loop3A_585 : vector<16xi32>
      %parallel_loop3A_589 = vector.extract %parallel_loop3A_588[15] : i32 from vector<16xi32>
      %parallel_loop3A_590 = arith.constant 16 : i32
      %parallel_loop3A_591 = arith.muli %parallel_loop3A_561, %parallel_loop3A_590 : i32
      %parallel_loop3A_592 = arith.constant 0 : i32
      %parallel_loop3A_593 = arith.addi %parallel_loop3A_591, %parallel_loop3A_592 : i32
      %parallel_loop3A_594 = arith.index_cast %parallel_loop3A_593 : i32 to index
      %parallel_loop3A_595 = memref.load %arg11[%parallel_loop3A_594] : memref<1024xi32, #tpu.memory_space<smem>>
      memref.store %parallel_loop3A_589, %arg11[%parallel_loop3A_594] : memref<1024xi32, #tpu.memory_space<smem>>
      %parallel_loop3A_596 = arith.constant 1 : i32
      %parallel_loop3A_597 = vector.broadcast %parallel_loop3A_596 : i32 to vector<16xi32>
      %parallel_loop3A_598 = arith.cmpi eq, %iota3A, %parallel_loop3A_597 : vector<16xi32>
      %parallel_loop3A_599 = arith.constant -1 : i32
      %parallel_loop3A_600 = vector.broadcast %parallel_loop3A_599 : i32 to vector<16xi32>
      %parallel_loop3A_601 = arith.select %parallel_loop3A_598, %parallel_loop3A_575, %parallel_loop3A_600 : vector<16xi1>, vector<16xi32>
      %parallel_loop3A_602 = arith.constant true
      %parallel_loop3A_603 = vector.broadcast %parallel_loop3A_602 : i1 to vector<16xi1>
      %parallel_loop3A_604 = arith.constant -2147483648 : i32
      %parallel_loop3A_605 = vector.broadcast %parallel_loop3A_604 : i32 to vector<16xi32>
      %parallel_loop3A_606 = arith.xori %parallel_loop3A_601, %parallel_loop3A_605 : vector<16xi32>
      %parallel_loop3A_607 = tpu.scan <max>, %parallel_loop3A_606 masked %parallel_loop3A_603 : vector<16xi32>, vector<16xi1> -> vector<16xi32>
      %parallel_loop3A_608 = arith.xori %parallel_loop3A_607, %parallel_loop3A_605 : vector<16xi32>
      %parallel_loop3A_609 = vector.extract %parallel_loop3A_608[15] : i32 from vector<16xi32>
      %parallel_loop3A_610 = arith.constant 16 : i32
      %parallel_loop3A_611 = arith.muli %parallel_loop3A_561, %parallel_loop3A_610 : i32
      %parallel_loop3A_612 = arith.constant 1 : i32
      %parallel_loop3A_613 = arith.addi %parallel_loop3A_611, %parallel_loop3A_612 : i32
      %parallel_loop3A_614 = arith.index_cast %parallel_loop3A_613 : i32 to index
      %parallel_loop3A_615 = memref.load %arg11[%parallel_loop3A_614] : memref<1024xi32, #tpu.memory_space<smem>>
      memref.store %parallel_loop3A_609, %arg11[%parallel_loop3A_614] : memref<1024xi32, #tpu.memory_space<smem>>
      %parallel_loop3A_616 = arith.constant 2 : i32
      %parallel_loop3A_617 = vector.broadcast %parallel_loop3A_616 : i32 to vector<16xi32>
      %parallel_loop3A_618 = arith.cmpi eq, %iota3A, %parallel_loop3A_617 : vector<16xi32>
      %parallel_loop3A_619 = arith.constant -1 : i32
      %parallel_loop3A_620 = vector.broadcast %parallel_loop3A_619 : i32 to vector<16xi32>
      %parallel_loop3A_621 = arith.select %parallel_loop3A_618, %parallel_loop3A_575, %parallel_loop3A_620 : vector<16xi1>, vector<16xi32>
      %parallel_loop3A_622 = arith.constant true
      %parallel_loop3A_623 = vector.broadcast %parallel_loop3A_622 : i1 to vector<16xi1>
      %parallel_loop3A_624 = arith.constant -2147483648 : i32
      %parallel_loop3A_625 = vector.broadcast %parallel_loop3A_624 : i32 to vector<16xi32>
      %parallel_loop3A_626 = arith.xori %parallel_loop3A_621, %parallel_loop3A_625 : vector<16xi32>
      %parallel_loop3A_627 = tpu.scan <max>, %parallel_loop3A_626 masked %parallel_loop3A_623 : vector<16xi32>, vector<16xi1> -> vector<16xi32>
      %parallel_loop3A_628 = arith.xori %parallel_loop3A_627, %parallel_loop3A_625 : vector<16xi32>
      %parallel_loop3A_629 = vector.extract %parallel_loop3A_628[15] : i32 from vector<16xi32>
      %parallel_loop3A_630 = arith.constant 16 : i32
      %parallel_loop3A_631 = arith.muli %parallel_loop3A_561, %parallel_loop3A_630 : i32
      %parallel_loop3A_632 = arith.constant 2 : i32
      %parallel_loop3A_633 = arith.addi %parallel_loop3A_631, %parallel_loop3A_632 : i32
      %parallel_loop3A_634 = arith.index_cast %parallel_loop3A_633 : i32 to index
      %parallel_loop3A_635 = memref.load %arg11[%parallel_loop3A_634] : memref<1024xi32, #tpu.memory_space<smem>>
      memref.store %parallel_loop3A_629, %arg11[%parallel_loop3A_634] : memref<1024xi32, #tpu.memory_space<smem>>
      %parallel_loop3A_636 = arith.constant 3 : i32
      %parallel_loop3A_637 = vector.broadcast %parallel_loop3A_636 : i32 to vector<16xi32>
      %parallel_loop3A_638 = arith.cmpi eq, %iota3A, %parallel_loop3A_637 : vector<16xi32>
      %parallel_loop3A_639 = arith.constant -1 : i32
      %parallel_loop3A_640 = vector.broadcast %parallel_loop3A_639 : i32 to vector<16xi32>
      %parallel_loop3A_641 = arith.select %parallel_loop3A_638, %parallel_loop3A_575, %parallel_loop3A_640 : vector<16xi1>, vector<16xi32>
      %parallel_loop3A_642 = arith.constant true
      %parallel_loop3A_643 = vector.broadcast %parallel_loop3A_642 : i1 to vector<16xi1>
      %parallel_loop3A_644 = arith.constant -2147483648 : i32
      %parallel_loop3A_645 = vector.broadcast %parallel_loop3A_644 : i32 to vector<16xi32>
      %parallel_loop3A_646 = arith.xori %parallel_loop3A_641, %parallel_loop3A_645 : vector<16xi32>
      %parallel_loop3A_647 = tpu.scan <max>, %parallel_loop3A_646 masked %parallel_loop3A_643 : vector<16xi32>, vector<16xi1> -> vector<16xi32>
      %parallel_loop3A_648 = arith.xori %parallel_loop3A_647, %parallel_loop3A_645 : vector<16xi32>
      %parallel_loop3A_649 = vector.extract %parallel_loop3A_648[15] : i32 from vector<16xi32>
      %parallel_loop3A_650 = arith.constant 16 : i32
      %parallel_loop3A_651 = arith.muli %parallel_loop3A_561, %parallel_loop3A_650 : i32
      %parallel_loop3A_652 = arith.constant 3 : i32
      %parallel_loop3A_653 = arith.addi %parallel_loop3A_651, %parallel_loop3A_652 : i32
      %parallel_loop3A_654 = arith.index_cast %parallel_loop3A_653 : i32 to index
      %parallel_loop3A_655 = memref.load %arg11[%parallel_loop3A_654] : memref<1024xi32, #tpu.memory_space<smem>>
      memref.store %parallel_loop3A_649, %arg11[%parallel_loop3A_654] : memref<1024xi32, #tpu.memory_space<smem>>
      %parallel_loop3A_656 = arith.constant 4 : i32
      %parallel_loop3A_657 = vector.broadcast %parallel_loop3A_656 : i32 to vector<16xi32>
      %parallel_loop3A_658 = arith.cmpi eq, %iota3A, %parallel_loop3A_657 : vector<16xi32>
      %parallel_loop3A_659 = arith.constant -1 : i32
      %parallel_loop3A_660 = vector.broadcast %parallel_loop3A_659 : i32 to vector<16xi32>
      %parallel_loop3A_661 = arith.select %parallel_loop3A_658, %parallel_loop3A_575, %parallel_loop3A_660 : vector<16xi1>, vector<16xi32>
      %parallel_loop3A_662 = arith.constant true
      %parallel_loop3A_663 = vector.broadcast %parallel_loop3A_662 : i1 to vector<16xi1>
      %parallel_loop3A_664 = arith.constant -2147483648 : i32
      %parallel_loop3A_665 = vector.broadcast %parallel_loop3A_664 : i32 to vector<16xi32>
      %parallel_loop3A_666 = arith.xori %parallel_loop3A_661, %parallel_loop3A_665 : vector<16xi32>
      %parallel_loop3A_667 = tpu.scan <max>, %parallel_loop3A_666 masked %parallel_loop3A_663 : vector<16xi32>, vector<16xi1> -> vector<16xi32>
      %parallel_loop3A_668 = arith.xori %parallel_loop3A_667, %parallel_loop3A_665 : vector<16xi32>
      %parallel_loop3A_669 = vector.extract %parallel_loop3A_668[15] : i32 from vector<16xi32>
      %parallel_loop3A_670 = arith.constant 16 : i32
      %parallel_loop3A_671 = arith.muli %parallel_loop3A_561, %parallel_loop3A_670 : i32
      %parallel_loop3A_672 = arith.constant 4 : i32
      %parallel_loop3A_673 = arith.addi %parallel_loop3A_671, %parallel_loop3A_672 : i32
      %parallel_loop3A_674 = arith.index_cast %parallel_loop3A_673 : i32 to index
      %parallel_loop3A_675 = memref.load %arg11[%parallel_loop3A_674] : memref<1024xi32, #tpu.memory_space<smem>>
      memref.store %parallel_loop3A_669, %arg11[%parallel_loop3A_674] : memref<1024xi32, #tpu.memory_space<smem>>
      %parallel_loop3A_676 = arith.constant 5 : i32
      %parallel_loop3A_677 = vector.broadcast %parallel_loop3A_676 : i32 to vector<16xi32>
      %parallel_loop3A_678 = arith.cmpi eq, %iota3A, %parallel_loop3A_677 : vector<16xi32>
      %parallel_loop3A_679 = arith.constant -1 : i32
      %parallel_loop3A_680 = vector.broadcast %parallel_loop3A_679 : i32 to vector<16xi32>
      %parallel_loop3A_681 = arith.select %parallel_loop3A_678, %parallel_loop3A_575, %parallel_loop3A_680 : vector<16xi1>, vector<16xi32>
      %parallel_loop3A_682 = arith.constant true
      %parallel_loop3A_683 = vector.broadcast %parallel_loop3A_682 : i1 to vector<16xi1>
      %parallel_loop3A_684 = arith.constant -2147483648 : i32
      %parallel_loop3A_685 = vector.broadcast %parallel_loop3A_684 : i32 to vector<16xi32>
      %parallel_loop3A_686 = arith.xori %parallel_loop3A_681, %parallel_loop3A_685 : vector<16xi32>
      %parallel_loop3A_687 = tpu.scan <max>, %parallel_loop3A_686 masked %parallel_loop3A_683 : vector<16xi32>, vector<16xi1> -> vector<16xi32>
      %parallel_loop3A_688 = arith.xori %parallel_loop3A_687, %parallel_loop3A_685 : vector<16xi32>
      %parallel_loop3A_689 = vector.extract %parallel_loop3A_688[15] : i32 from vector<16xi32>
      %parallel_loop3A_690 = arith.constant 16 : i32
      %parallel_loop3A_691 = arith.muli %parallel_loop3A_561, %parallel_loop3A_690 : i32
      %parallel_loop3A_692 = arith.constant 5 : i32
      %parallel_loop3A_693 = arith.addi %parallel_loop3A_691, %parallel_loop3A_692 : i32
      %parallel_loop3A_694 = arith.index_cast %parallel_loop3A_693 : i32 to index
      %parallel_loop3A_695 = memref.load %arg11[%parallel_loop3A_694] : memref<1024xi32, #tpu.memory_space<smem>>
      memref.store %parallel_loop3A_689, %arg11[%parallel_loop3A_694] : memref<1024xi32, #tpu.memory_space<smem>>
      %parallel_loop3A_696 = arith.constant 6 : i32
      %parallel_loop3A_697 = vector.broadcast %parallel_loop3A_696 : i32 to vector<16xi32>
      %parallel_loop3A_698 = arith.cmpi eq, %iota3A, %parallel_loop3A_697 : vector<16xi32>
      %parallel_loop3A_699 = arith.constant -1 : i32
      %parallel_loop3A_700 = vector.broadcast %parallel_loop3A_699 : i32 to vector<16xi32>
      %parallel_loop3A_701 = arith.select %parallel_loop3A_698, %parallel_loop3A_575, %parallel_loop3A_700 : vector<16xi1>, vector<16xi32>
      %parallel_loop3A_702 = arith.constant true
      %parallel_loop3A_703 = vector.broadcast %parallel_loop3A_702 : i1 to vector<16xi1>
      %parallel_loop3A_704 = arith.constant -2147483648 : i32
      %parallel_loop3A_705 = vector.broadcast %parallel_loop3A_704 : i32 to vector<16xi32>
      %parallel_loop3A_706 = arith.xori %parallel_loop3A_701, %parallel_loop3A_705 : vector<16xi32>
      %parallel_loop3A_707 = tpu.scan <max>, %parallel_loop3A_706 masked %parallel_loop3A_703 : vector<16xi32>, vector<16xi1> -> vector<16xi32>
      %parallel_loop3A_708 = arith.xori %parallel_loop3A_707, %parallel_loop3A_705 : vector<16xi32>
      %parallel_loop3A_709 = vector.extract %parallel_loop3A_708[15] : i32 from vector<16xi32>
      %parallel_loop3A_710 = arith.constant 16 : i32
      %parallel_loop3A_711 = arith.muli %parallel_loop3A_561, %parallel_loop3A_710 : i32
      %parallel_loop3A_712 = arith.constant 6 : i32
      %parallel_loop3A_713 = arith.addi %parallel_loop3A_711, %parallel_loop3A_712 : i32
      %parallel_loop3A_714 = arith.index_cast %parallel_loop3A_713 : i32 to index
      %parallel_loop3A_715 = memref.load %arg11[%parallel_loop3A_714] : memref<1024xi32, #tpu.memory_space<smem>>
      memref.store %parallel_loop3A_709, %arg11[%parallel_loop3A_714] : memref<1024xi32, #tpu.memory_space<smem>>
      %parallel_loop3A_716 = arith.constant 7 : i32
      %parallel_loop3A_717 = vector.broadcast %parallel_loop3A_716 : i32 to vector<16xi32>
      %parallel_loop3A_718 = arith.cmpi eq, %iota3A, %parallel_loop3A_717 : vector<16xi32>
      %parallel_loop3A_719 = arith.constant -1 : i32
      %parallel_loop3A_720 = vector.broadcast %parallel_loop3A_719 : i32 to vector<16xi32>
      %parallel_loop3A_721 = arith.select %parallel_loop3A_718, %parallel_loop3A_575, %parallel_loop3A_720 : vector<16xi1>, vector<16xi32>
      %parallel_loop3A_722 = arith.constant true
      %parallel_loop3A_723 = vector.broadcast %parallel_loop3A_722 : i1 to vector<16xi1>
      %parallel_loop3A_724 = arith.constant -2147483648 : i32
      %parallel_loop3A_725 = vector.broadcast %parallel_loop3A_724 : i32 to vector<16xi32>
      %parallel_loop3A_726 = arith.xori %parallel_loop3A_721, %parallel_loop3A_725 : vector<16xi32>
      %parallel_loop3A_727 = tpu.scan <max>, %parallel_loop3A_726 masked %parallel_loop3A_723 : vector<16xi32>, vector<16xi1> -> vector<16xi32>
      %parallel_loop3A_728 = arith.xori %parallel_loop3A_727, %parallel_loop3A_725 : vector<16xi32>
      %parallel_loop3A_729 = vector.extract %parallel_loop3A_728[15] : i32 from vector<16xi32>
      %parallel_loop3A_730 = arith.constant 16 : i32
      %parallel_loop3A_731 = arith.muli %parallel_loop3A_561, %parallel_loop3A_730 : i32
      %parallel_loop3A_732 = arith.constant 7 : i32
      %parallel_loop3A_733 = arith.addi %parallel_loop3A_731, %parallel_loop3A_732 : i32
      %parallel_loop3A_734 = arith.index_cast %parallel_loop3A_733 : i32 to index
      %parallel_loop3A_735 = memref.load %arg11[%parallel_loop3A_734] : memref<1024xi32, #tpu.memory_space<smem>>
      memref.store %parallel_loop3A_729, %arg11[%parallel_loop3A_734] : memref<1024xi32, #tpu.memory_space<smem>>
      %parallel_loop3A_736 = arith.constant 8 : i32
      %parallel_loop3A_737 = vector.broadcast %parallel_loop3A_736 : i32 to vector<16xi32>
      %parallel_loop3A_738 = arith.cmpi eq, %iota3A, %parallel_loop3A_737 : vector<16xi32>
      %parallel_loop3A_739 = arith.constant -1 : i32
      %parallel_loop3A_740 = vector.broadcast %parallel_loop3A_739 : i32 to vector<16xi32>
      %parallel_loop3A_741 = arith.select %parallel_loop3A_738, %parallel_loop3A_575, %parallel_loop3A_740 : vector<16xi1>, vector<16xi32>
      %parallel_loop3A_742 = arith.constant true
      %parallel_loop3A_743 = vector.broadcast %parallel_loop3A_742 : i1 to vector<16xi1>
      %parallel_loop3A_744 = arith.constant -2147483648 : i32
      %parallel_loop3A_745 = vector.broadcast %parallel_loop3A_744 : i32 to vector<16xi32>
      %parallel_loop3A_746 = arith.xori %parallel_loop3A_741, %parallel_loop3A_745 : vector<16xi32>
      %parallel_loop3A_747 = tpu.scan <max>, %parallel_loop3A_746 masked %parallel_loop3A_743 : vector<16xi32>, vector<16xi1> -> vector<16xi32>
      %parallel_loop3A_748 = arith.xori %parallel_loop3A_747, %parallel_loop3A_745 : vector<16xi32>
      %parallel_loop3A_749 = vector.extract %parallel_loop3A_748[15] : i32 from vector<16xi32>
      %parallel_loop3A_750 = arith.constant 16 : i32
      %parallel_loop3A_751 = arith.muli %parallel_loop3A_561, %parallel_loop3A_750 : i32
      %parallel_loop3A_752 = arith.constant 8 : i32
      %parallel_loop3A_753 = arith.addi %parallel_loop3A_751, %parallel_loop3A_752 : i32
      %parallel_loop3A_754 = arith.index_cast %parallel_loop3A_753 : i32 to index
      %parallel_loop3A_755 = memref.load %arg11[%parallel_loop3A_754] : memref<1024xi32, #tpu.memory_space<smem>>
      memref.store %parallel_loop3A_749, %arg11[%parallel_loop3A_754] : memref<1024xi32, #tpu.memory_space<smem>>
      %parallel_loop3A_756 = arith.constant 9 : i32
      %parallel_loop3A_757 = vector.broadcast %parallel_loop3A_756 : i32 to vector<16xi32>
      %parallel_loop3A_758 = arith.cmpi eq, %iota3A, %parallel_loop3A_757 : vector<16xi32>
      %parallel_loop3A_759 = arith.constant -1 : i32
      %parallel_loop3A_760 = vector.broadcast %parallel_loop3A_759 : i32 to vector<16xi32>
      %parallel_loop3A_761 = arith.select %parallel_loop3A_758, %parallel_loop3A_575, %parallel_loop3A_760 : vector<16xi1>, vector<16xi32>
      %parallel_loop3A_762 = arith.constant true
      %parallel_loop3A_763 = vector.broadcast %parallel_loop3A_762 : i1 to vector<16xi1>
      %parallel_loop3A_764 = arith.constant -2147483648 : i32
      %parallel_loop3A_765 = vector.broadcast %parallel_loop3A_764 : i32 to vector<16xi32>
      %parallel_loop3A_766 = arith.xori %parallel_loop3A_761, %parallel_loop3A_765 : vector<16xi32>
      %parallel_loop3A_767 = tpu.scan <max>, %parallel_loop3A_766 masked %parallel_loop3A_763 : vector<16xi32>, vector<16xi1> -> vector<16xi32>
      %parallel_loop3A_768 = arith.xori %parallel_loop3A_767, %parallel_loop3A_765 : vector<16xi32>
      %parallel_loop3A_769 = vector.extract %parallel_loop3A_768[15] : i32 from vector<16xi32>
      %parallel_loop3A_770 = arith.constant 16 : i32
      %parallel_loop3A_771 = arith.muli %parallel_loop3A_561, %parallel_loop3A_770 : i32
      %parallel_loop3A_772 = arith.constant 9 : i32
      %parallel_loop3A_773 = arith.addi %parallel_loop3A_771, %parallel_loop3A_772 : i32
      %parallel_loop3A_774 = arith.index_cast %parallel_loop3A_773 : i32 to index
      %parallel_loop3A_775 = memref.load %arg11[%parallel_loop3A_774] : memref<1024xi32, #tpu.memory_space<smem>>
      memref.store %parallel_loop3A_769, %arg11[%parallel_loop3A_774] : memref<1024xi32, #tpu.memory_space<smem>>
      %parallel_loop3A_776 = arith.constant 10 : i32
      %parallel_loop3A_777 = vector.broadcast %parallel_loop3A_776 : i32 to vector<16xi32>
      %parallel_loop3A_778 = arith.cmpi eq, %iota3A, %parallel_loop3A_777 : vector<16xi32>
      %parallel_loop3A_779 = arith.constant -1 : i32
      %parallel_loop3A_780 = vector.broadcast %parallel_loop3A_779 : i32 to vector<16xi32>
      %parallel_loop3A_781 = arith.select %parallel_loop3A_778, %parallel_loop3A_575, %parallel_loop3A_780 : vector<16xi1>, vector<16xi32>
      %parallel_loop3A_782 = arith.constant true
      %parallel_loop3A_783 = vector.broadcast %parallel_loop3A_782 : i1 to vector<16xi1>
      %parallel_loop3A_784 = arith.constant -2147483648 : i32
      %parallel_loop3A_785 = vector.broadcast %parallel_loop3A_784 : i32 to vector<16xi32>
      %parallel_loop3A_786 = arith.xori %parallel_loop3A_781, %parallel_loop3A_785 : vector<16xi32>
      %parallel_loop3A_787 = tpu.scan <max>, %parallel_loop3A_786 masked %parallel_loop3A_783 : vector<16xi32>, vector<16xi1> -> vector<16xi32>
      %parallel_loop3A_788 = arith.xori %parallel_loop3A_787, %parallel_loop3A_785 : vector<16xi32>
      %parallel_loop3A_789 = vector.extract %parallel_loop3A_788[15] : i32 from vector<16xi32>
      %parallel_loop3A_790 = arith.constant 16 : i32
      %parallel_loop3A_791 = arith.muli %parallel_loop3A_561, %parallel_loop3A_790 : i32
      %parallel_loop3A_792 = arith.constant 10 : i32
      %parallel_loop3A_793 = arith.addi %parallel_loop3A_791, %parallel_loop3A_792 : i32
      %parallel_loop3A_794 = arith.index_cast %parallel_loop3A_793 : i32 to index
      %parallel_loop3A_795 = memref.load %arg11[%parallel_loop3A_794] : memref<1024xi32, #tpu.memory_space<smem>>
      memref.store %parallel_loop3A_789, %arg11[%parallel_loop3A_794] : memref<1024xi32, #tpu.memory_space<smem>>
      %parallel_loop3A_796 = arith.constant 11 : i32
      %parallel_loop3A_797 = vector.broadcast %parallel_loop3A_796 : i32 to vector<16xi32>
      %parallel_loop3A_798 = arith.cmpi eq, %iota3A, %parallel_loop3A_797 : vector<16xi32>
      %parallel_loop3A_799 = arith.constant -1 : i32
      %parallel_loop3A_800 = vector.broadcast %parallel_loop3A_799 : i32 to vector<16xi32>
      %parallel_loop3A_801 = arith.select %parallel_loop3A_798, %parallel_loop3A_575, %parallel_loop3A_800 : vector<16xi1>, vector<16xi32>
      %parallel_loop3A_802 = arith.constant true
      %parallel_loop3A_803 = vector.broadcast %parallel_loop3A_802 : i1 to vector<16xi1>
      %parallel_loop3A_804 = arith.constant -2147483648 : i32
      %parallel_loop3A_805 = vector.broadcast %parallel_loop3A_804 : i32 to vector<16xi32>
      %parallel_loop3A_806 = arith.xori %parallel_loop3A_801, %parallel_loop3A_805 : vector<16xi32>
      %parallel_loop3A_807 = tpu.scan <max>, %parallel_loop3A_806 masked %parallel_loop3A_803 : vector<16xi32>, vector<16xi1> -> vector<16xi32>
      %parallel_loop3A_808 = arith.xori %parallel_loop3A_807, %parallel_loop3A_805 : vector<16xi32>
      %parallel_loop3A_809 = vector.extract %parallel_loop3A_808[15] : i32 from vector<16xi32>
      %parallel_loop3A_810 = arith.constant 16 : i32
      %parallel_loop3A_811 = arith.muli %parallel_loop3A_561, %parallel_loop3A_810 : i32
      %parallel_loop3A_812 = arith.constant 11 : i32
      %parallel_loop3A_813 = arith.addi %parallel_loop3A_811, %parallel_loop3A_812 : i32
      %parallel_loop3A_814 = arith.index_cast %parallel_loop3A_813 : i32 to index
      %parallel_loop3A_815 = memref.load %arg11[%parallel_loop3A_814] : memref<1024xi32, #tpu.memory_space<smem>>
      memref.store %parallel_loop3A_809, %arg11[%parallel_loop3A_814] : memref<1024xi32, #tpu.memory_space<smem>>
      %parallel_loop3A_816 = arith.constant 12 : i32
      %parallel_loop3A_817 = vector.broadcast %parallel_loop3A_816 : i32 to vector<16xi32>
      %parallel_loop3A_818 = arith.cmpi eq, %iota3A, %parallel_loop3A_817 : vector<16xi32>
      %parallel_loop3A_819 = arith.constant -1 : i32
      %parallel_loop3A_820 = vector.broadcast %parallel_loop3A_819 : i32 to vector<16xi32>
      %parallel_loop3A_821 = arith.select %parallel_loop3A_818, %parallel_loop3A_575, %parallel_loop3A_820 : vector<16xi1>, vector<16xi32>
      %parallel_loop3A_822 = arith.constant true
      %parallel_loop3A_823 = vector.broadcast %parallel_loop3A_822 : i1 to vector<16xi1>
      %parallel_loop3A_824 = arith.constant -2147483648 : i32
      %parallel_loop3A_825 = vector.broadcast %parallel_loop3A_824 : i32 to vector<16xi32>
      %parallel_loop3A_826 = arith.xori %parallel_loop3A_821, %parallel_loop3A_825 : vector<16xi32>
      %parallel_loop3A_827 = tpu.scan <max>, %parallel_loop3A_826 masked %parallel_loop3A_823 : vector<16xi32>, vector<16xi1> -> vector<16xi32>
      %parallel_loop3A_828 = arith.xori %parallel_loop3A_827, %parallel_loop3A_825 : vector<16xi32>
      %parallel_loop3A_829 = vector.extract %parallel_loop3A_828[15] : i32 from vector<16xi32>
      %parallel_loop3A_830 = arith.constant 16 : i32
      %parallel_loop3A_831 = arith.muli %parallel_loop3A_561, %parallel_loop3A_830 : i32
      %parallel_loop3A_832 = arith.constant 12 : i32
      %parallel_loop3A_833 = arith.addi %parallel_loop3A_831, %parallel_loop3A_832 : i32
      %parallel_loop3A_834 = arith.index_cast %parallel_loop3A_833 : i32 to index
      %parallel_loop3A_835 = memref.load %arg11[%parallel_loop3A_834] : memref<1024xi32, #tpu.memory_space<smem>>
      memref.store %parallel_loop3A_829, %arg11[%parallel_loop3A_834] : memref<1024xi32, #tpu.memory_space<smem>>
      %parallel_loop3A_836 = arith.constant 13 : i32
      %parallel_loop3A_837 = vector.broadcast %parallel_loop3A_836 : i32 to vector<16xi32>
      %parallel_loop3A_838 = arith.cmpi eq, %iota3A, %parallel_loop3A_837 : vector<16xi32>
      %parallel_loop3A_839 = arith.constant -1 : i32
      %parallel_loop3A_840 = vector.broadcast %parallel_loop3A_839 : i32 to vector<16xi32>
      %parallel_loop3A_841 = arith.select %parallel_loop3A_838, %parallel_loop3A_575, %parallel_loop3A_840 : vector<16xi1>, vector<16xi32>
      %parallel_loop3A_842 = arith.constant true
      %parallel_loop3A_843 = vector.broadcast %parallel_loop3A_842 : i1 to vector<16xi1>
      %parallel_loop3A_844 = arith.constant -2147483648 : i32
      %parallel_loop3A_845 = vector.broadcast %parallel_loop3A_844 : i32 to vector<16xi32>
      %parallel_loop3A_846 = arith.xori %parallel_loop3A_841, %parallel_loop3A_845 : vector<16xi32>
      %parallel_loop3A_847 = tpu.scan <max>, %parallel_loop3A_846 masked %parallel_loop3A_843 : vector<16xi32>, vector<16xi1> -> vector<16xi32>
      %parallel_loop3A_848 = arith.xori %parallel_loop3A_847, %parallel_loop3A_845 : vector<16xi32>
      %parallel_loop3A_849 = vector.extract %parallel_loop3A_848[15] : i32 from vector<16xi32>
      %parallel_loop3A_850 = arith.constant 16 : i32
      %parallel_loop3A_851 = arith.muli %parallel_loop3A_561, %parallel_loop3A_850 : i32
      %parallel_loop3A_852 = arith.constant 13 : i32
      %parallel_loop3A_853 = arith.addi %parallel_loop3A_851, %parallel_loop3A_852 : i32
      %parallel_loop3A_854 = arith.index_cast %parallel_loop3A_853 : i32 to index
      %parallel_loop3A_855 = memref.load %arg11[%parallel_loop3A_854] : memref<1024xi32, #tpu.memory_space<smem>>
      memref.store %parallel_loop3A_849, %arg11[%parallel_loop3A_854] : memref<1024xi32, #tpu.memory_space<smem>>
      %parallel_loop3A_856 = arith.constant 14 : i32
      %parallel_loop3A_857 = vector.broadcast %parallel_loop3A_856 : i32 to vector<16xi32>
      %parallel_loop3A_858 = arith.cmpi eq, %iota3A, %parallel_loop3A_857 : vector<16xi32>
      %parallel_loop3A_859 = arith.constant -1 : i32
      %parallel_loop3A_860 = vector.broadcast %parallel_loop3A_859 : i32 to vector<16xi32>
      %parallel_loop3A_861 = arith.select %parallel_loop3A_858, %parallel_loop3A_575, %parallel_loop3A_860 : vector<16xi1>, vector<16xi32>
      %parallel_loop3A_862 = arith.constant true
      %parallel_loop3A_863 = vector.broadcast %parallel_loop3A_862 : i1 to vector<16xi1>
      %parallel_loop3A_864 = arith.constant -2147483648 : i32
      %parallel_loop3A_865 = vector.broadcast %parallel_loop3A_864 : i32 to vector<16xi32>
      %parallel_loop3A_866 = arith.xori %parallel_loop3A_861, %parallel_loop3A_865 : vector<16xi32>
      %parallel_loop3A_867 = tpu.scan <max>, %parallel_loop3A_866 masked %parallel_loop3A_863 : vector<16xi32>, vector<16xi1> -> vector<16xi32>
      %parallel_loop3A_868 = arith.xori %parallel_loop3A_867, %parallel_loop3A_865 : vector<16xi32>
      %parallel_loop3A_869 = vector.extract %parallel_loop3A_868[15] : i32 from vector<16xi32>
      %parallel_loop3A_870 = arith.constant 16 : i32
      %parallel_loop3A_871 = arith.muli %parallel_loop3A_561, %parallel_loop3A_870 : i32
      %parallel_loop3A_872 = arith.constant 14 : i32
      %parallel_loop3A_873 = arith.addi %parallel_loop3A_871, %parallel_loop3A_872 : i32
      %parallel_loop3A_874 = arith.index_cast %parallel_loop3A_873 : i32 to index
      %parallel_loop3A_875 = memref.load %arg11[%parallel_loop3A_874] : memref<1024xi32, #tpu.memory_space<smem>>
      memref.store %parallel_loop3A_869, %arg11[%parallel_loop3A_874] : memref<1024xi32, #tpu.memory_space<smem>>
      %parallel_loop3A_876 = arith.constant 15 : i32
      %parallel_loop3A_877 = vector.broadcast %parallel_loop3A_876 : i32 to vector<16xi32>
      %parallel_loop3A_878 = arith.cmpi eq, %iota3A, %parallel_loop3A_877 : vector<16xi32>
      %parallel_loop3A_879 = arith.constant -1 : i32
      %parallel_loop3A_880 = vector.broadcast %parallel_loop3A_879 : i32 to vector<16xi32>
      %parallel_loop3A_881 = arith.select %parallel_loop3A_878, %parallel_loop3A_575, %parallel_loop3A_880 : vector<16xi1>, vector<16xi32>
      %parallel_loop3A_882 = arith.constant true
      %parallel_loop3A_883 = vector.broadcast %parallel_loop3A_882 : i1 to vector<16xi1>
      %parallel_loop3A_884 = arith.constant -2147483648 : i32
      %parallel_loop3A_885 = vector.broadcast %parallel_loop3A_884 : i32 to vector<16xi32>
      %parallel_loop3A_886 = arith.xori %parallel_loop3A_881, %parallel_loop3A_885 : vector<16xi32>
      %parallel_loop3A_887 = tpu.scan <max>, %parallel_loop3A_886 masked %parallel_loop3A_883 : vector<16xi32>, vector<16xi1> -> vector<16xi32>
      %parallel_loop3A_888 = arith.xori %parallel_loop3A_887, %parallel_loop3A_885 : vector<16xi32>
      %parallel_loop3A_889 = vector.extract %parallel_loop3A_888[15] : i32 from vector<16xi32>
      %parallel_loop3A_890 = arith.constant 16 : i32
      %parallel_loop3A_891 = arith.muli %parallel_loop3A_561, %parallel_loop3A_890 : i32
      %parallel_loop3A_892 = arith.constant 15 : i32
      %parallel_loop3A_893 = arith.addi %parallel_loop3A_891, %parallel_loop3A_892 : i32
      %parallel_loop3A_894 = arith.index_cast %parallel_loop3A_893 : i32 to index
      %parallel_loop3A_895 = memref.load %arg11[%parallel_loop3A_894] : memref<1024xi32, #tpu.memory_space<smem>>
      memref.store %parallel_loop3A_889, %arg11[%parallel_loop3A_894] : memref<1024xi32, #tpu.memory_space<smem>>
    } {sc.loop_unroll_factor = 1 : i64, sc.parallel_access}
    %get3A = arith.constant 0 : i32
    %get3A_5 = arith.index_cast %get3A : i32 to index
    %get3A_6 = arith.constant 0 : index
    %get3A_7 = tpu.vector_load %arg7[%get3A_5, %get3A_6] {strides = array<i32>} : memref<4x336xf32, #tpu.memory_space<vmem>>, vector<16xf32>,
    %get3A_8 = arith.constant 1 : i32
    %get3A_9 = arith.index_cast %get3A_8 : i32 to index
    %get3A_10 = arith.constant 0 : index
    %get3A_11 = tpu.vector_load %arg7[%get3A_9, %get3A_10] {strides = array<i32>} : memref<4x336xf32, #tpu.memory_space<vmem>>, vector<16xf32>,
    %get3A_12 = arith.constant 2 : i32
    %get3A_13 = arith.index_cast %get3A_12 : i32 to index
    %get3A_14 = arith.constant 0 : index
    %get3A_15 = tpu.vector_load %arg7[%get3A_13, %get3A_14] {strides = array<i32>} : memref<4x336xf32, #tpu.memory_space<vmem>>, vector<16xf32>,
    %get3A_16 = arith.constant 3 : i32
    %get3A_17 = arith.index_cast %get3A_16 : i32 to index
    %get3A_18 = arith.constant 0 : index
    %get3A_19 = tpu.vector_load %arg7[%get3A_17, %get3A_18] {strides = array<i32>} : memref<4x336xf32, #tpu.memory_space<vmem>>, vector<16xf32>,
    %parallel_loop3A_20 = arith.constant 0 : i32
    %parallel_loop3A_21 = arith.constant 256 : i32
    %parallel_loop3A_22 = arith.constant 1 : i32
    scf.for %parallel_loop3A_561 = %parallel_loop3A_20 to %parallel_loop3A_21 step %parallel_loop3A_22  : i32 {
      %parallel_loop3A_562 = arith.constant 4 : i32
      %parallel_loop3A_563 = arith.muli %parallel_loop3A_562, %parallel_loop3A_561 : i32
      %parallel_loop3A_564 = arith.constant 0 : i32
      %parallel_loop3A_565 = arith.addi %parallel_loop3A_563, %parallel_loop3A_564 : i32
      %parallel_loop3A_566 = arith.index_cast %parallel_loop3A_565 : i32 to index
      %parallel_loop3A_567 = memref.load %arg11[%parallel_loop3A_566] : memref<1024xi32, #tpu.memory_space<smem>>
      %parallel_loop3A_568 = arith.index_cast %parallel_loop3A_567 : i32 to index
      %parallel_loop3A_569 = arith.constant 0 : index
      %parallel_loop3A_570 = tpu.vector_load %arg6[%parallel_loop3A_568, %parallel_loop3A_569] {strides = array<i32>} : memref<100x336xf32, #tpu.memory_space<vmem>>, vector<16xf32>,
      %parallel_loop3A_571 = arith.mulf %parallel_loop3A_570, %get3A_7 : vector<16xf32>
      %parallel_loop3A_572 = arith.constant 4 : i32
      %parallel_loop3A_573 = arith.muli %parallel_loop3A_572, %parallel_loop3A_561 : i32
      %parallel_loop3A_574 = arith.constant 1 : i32
      %parallel_loop3A_575 = arith.addi %parallel_loop3A_573, %parallel_loop3A_574 : i32
      %parallel_loop3A_576 = arith.index_cast %parallel_loop3A_575 : i32 to index
      %parallel_loop3A_577 = memref.load %arg11[%parallel_loop3A_576] : memref<1024xi32, #tpu.memory_space<smem>>
      %parallel_loop3A_578 = arith.index_cast %parallel_loop3A_577 : i32 to index
      %parallel_loop3A_579 = arith.constant 0 : index
      %parallel_loop3A_580 = tpu.vector_load %arg6[%parallel_loop3A_578, %parallel_loop3A_579] {strides = array<i32>} : memref<100x336xf32, #tpu.memory_space<vmem>>, vector<16xf32>,
      %parallel_loop3A_581 = arith.mulf %parallel_loop3A_580, %get3A_11 : vector<16xf32>
      %parallel_loop3A_582 = arith.addf %parallel_loop3A_571, %parallel_loop3A_581 : vector<16xf32>
      %parallel_loop3A_583 = arith.constant 4 : i32
      %parallel_loop3A_584 = arith.muli %parallel_loop3A_583, %parallel_loop3A_561 : i32
      %parallel_loop3A_585 = arith.constant 2 : i32
      %parallel_loop3A_586 = arith.addi %parallel_loop3A_584, %parallel_loop3A_585 : i32
      %parallel_loop3A_587 = arith.index_cast %parallel_loop3A_586 : i32 to index
      %parallel_loop3A_588 = memref.load %arg11[%parallel_loop3A_587] : memref<1024xi32, #tpu.memory_space<smem>>
      %parallel_loop3A_589 = arith.index_cast %parallel_loop3A_588 : i32 to index
      %parallel_loop3A_590 = arith.constant 0 : index
      %parallel_loop3A_591 = tpu.vector_load %arg6[%parallel_loop3A_589, %parallel_loop3A_590] {strides = array<i32>} : memref<100x336xf32, #tpu.memory_space<vmem>>, vector<16xf32>,
      %parallel_loop3A_592 = arith.mulf %parallel_loop3A_591, %get3A_15 : vector<16xf32>
      %parallel_loop3A_593 = arith.addf %parallel_loop3A_582, %parallel_loop3A_592 : vector<16xf32>
      %parallel_loop3A_594 = arith.constant 4 : i32
      %parallel_loop3A_595 = arith.muli %parallel_loop3A_594, %parallel_loop3A_561 : i32
      %parallel_loop3A_596 = arith.constant 3 : i32
      %parallel_loop3A_597 = arith.addi %parallel_loop3A_595, %parallel_loop3A_596 : i32
      %parallel_loop3A_598 = arith.index_cast %parallel_loop3A_597 : i32 to index
      %parallel_loop3A_599 = memref.load %arg11[%parallel_loop3A_598] : memref<1024xi32, #tpu.memory_space<smem>>
      %parallel_loop3A_600 = arith.index_cast %parallel_loop3A_599 : i32 to index
      %parallel_loop3A_601 = arith.constant 0 : index
      %parallel_loop3A_602 = tpu.vector_load %arg6[%parallel_loop3A_600, %parallel_loop3A_601] {strides = array<i32>} : memref<100x336xf32, #tpu.memory_space<vmem>>, vector<16xf32>,
      %parallel_loop3A_603 = arith.mulf %parallel_loop3A_602, %get3A_19 : vector<16xf32>
      %parallel_loop3A_604 = arith.addf %parallel_loop3A_593, %parallel_loop3A_603 : vector<16xf32>
      %parallel_loop3A_605 = arith.index_cast %parallel_loop3A_561 : i32 to index
      %parallel_loop3A_606 = arith.constant 0 : index
      %parallel_loop3A_607 = tpu.vector_load %arg9[%parallel_loop3A_605, %parallel_loop3A_606] {strides = array<i32>} : memref<256x336xf32, #tpu.memory_space<vmem>>, vector<16xf32>,
      tpu.vector_store %arg9[%parallel_loop3A_605, %parallel_loop3A_606], %parallel_loop3A_604 {strides = array<i32>} : memref<256x336xf32, #tpu.memory_space<vmem>>, vector<16xf32>,
    } {sc.loop_unroll_factor = 4 : i64, sc.parallel_access}
    %get3A_23 = arith.constant 0 : i32
    %get3A_24 = arith.index_cast %get3A_23 : i32 to index
    %get3A_25 = arith.constant 16 : index
    %get3A_26 = tpu.vector_load %arg7[%get3A_24, %get3A_25] {strides = array<i32>} : memref<4x336xf32, #tpu.memory_space<vmem>>, vector<16xf32>,
    %get3A_27 = arith.constant 1 : i32
    %get3A_28 = arith.index_cast %get3A_27 : i32 to index
    %get3A_29 = arith.constant 16 : index
    %get3A_30 = tpu.vector_load %arg7[%get3A_28, %get3A_29] {strides = array<i32>} : memref<4x336xf32, #tpu.memory_space<vmem>>, vector<16xf32>,
    %get3A_31 = arith.constant 2 : i32
    %get3A_32 = arith.index_cast %get3A_31 : i32 to index
    %get3A_33 = arith.constant 16 : index
    %get3A_34 = tpu.vector_load %arg7[%get3A_32, %get3A_33] {strides = array<i32>} : memref<4x336xf32, #tpu.memory_space<vmem>>, vector<16xf32>,
    %get3A_35 = arith.constant 3 : i32
    %get3A_36 = arith.index_cast %get3A_35 : i32 to index
    %get3A_37 = arith.constant 16 : index
    %get3A_38 = tpu.vector_load %arg7[%get3A_36, %get3A_37] {strides = array<i32>} : memref<4x336xf32, #tpu.memory_space<vmem>>, vector<16xf32>,
    %parallel_loop3A_39 = arith.constant 0 : i32
    %parallel_loop3A_40 = arith.constant 256 : i32
    %parallel_loop3A_41 = arith.constant 1 : i32
    scf.for %parallel_loop3A_561 = %parallel_loop3A_39 to %parallel_loop3A_40 step %parallel_loop3A_41  : i32 {
      %parallel_loop3A_562 = arith.constant 4 : i32
      %parallel_loop3A_563 = arith.muli %parallel_loop3A_562, %parallel_loop3A_561 : i32
      %parallel_loop3A_564 = arith.constant 0 : i32
      %parallel_loop3A_565 = arith.addi %parallel_loop3A_563, %parallel_loop3A_564 : i32
      %parallel_loop3A_566 = arith.index_cast %parallel_loop3A_565 : i32 to index
      %parallel_loop3A_567 = memref.load %arg11[%parallel_loop3A_566] : memref<1024xi32, #tpu.memory_space<smem>>
      %parallel_loop3A_568 = arith.index_cast %parallel_loop3A_567 : i32 to index
      %parallel_loop3A_569 = arith.constant 16 : index
      %parallel_loop3A_570 = tpu.vector_load %arg6[%parallel_loop3A_568, %parallel_loop3A_569] {strides = array<i32>} : memref<100x336xf32, #tpu.memory_space<vmem>>, vector<16xf32>,
      %parallel_loop3A_571 = arith.mulf %parallel_loop3A_570, %get3A_26 : vector<16xf32>
      %parallel_loop3A_572 = arith.constant 4 : i32
      %parallel_loop3A_573 = arith.muli %parallel_loop3A_572, %parallel_loop3A_561 : i32
      %parallel_loop3A_574 = arith.constant 1 : i32
      %parallel_loop3A_575 = arith.addi %parallel_loop3A_573, %parallel_loop3A_574 : i32
      %parallel_loop3A_576 = arith.index_cast %parallel_loop3A_575 : i32 to index
      %parallel_loop3A_577 = memref.load %arg11[%parallel_loop3A_576] : memref<1024xi32, #tpu.memory_space<smem>>
      %parallel_loop3A_578 = arith.index_cast %parallel_loop3A_577 : i32 to index
      %parallel_loop3A_579 = arith.constant 16 : index
      %parallel_loop3A_580 = tpu.vector_load %arg6[%parallel_loop3A_578, %parallel_loop3A_579] {strides = array<i32>} : memref<100x336xf32, #tpu.memory_space<vmem>>, vector<16xf32>,
      %parallel_loop3A_581 = arith.mulf %parallel_loop3A_580, %get3A_30 : vector<16xf32>
      %parallel_loop3A_582 = arith.addf %parallel_loop3A_571, %parallel_loop3A_581 : vector<16xf32>
      %parallel_loop3A_583 = arith.constant 4 : i32
      %parallel_loop3A_584 = arith.muli %parallel_loop3A_583, %parallel_loop3A_561 : i32
      %parallel_loop3A_585 = arith.constant 2 : i32
      %parallel_loop3A_586 = arith.addi %parallel_loop3A_584, %parallel_loop3A_585 : i32
      %parallel_loop3A_587 = arith.index_cast %parallel_loop3A_586 : i32 to index
      %parallel_loop3A_588 = memref.load %arg11[%parallel_loop3A_587] : memref<1024xi32, #tpu.memory_space<smem>>
      %parallel_loop3A_589 = arith.index_cast %parallel_loop3A_588 : i32 to index
      %parallel_loop3A_590 = arith.constant 16 : index
      %parallel_loop3A_591 = tpu.vector_load %arg6[%parallel_loop3A_589, %parallel_loop3A_590] {strides = array<i32>} : memref<100x336xf32, #tpu.memory_space<vmem>>, vector<16xf32>,
      %parallel_loop3A_592 = arith.mulf %parallel_loop3A_591, %get3A_34 : vector<16xf32>
      %parallel_loop3A_593 = arith.addf %parallel_loop3A_582, %parallel_loop3A_592 : vector<16xf32>
      %parallel_loop3A_594 = arith.constant 4 : i32
      %parallel_loop3A_595 = arith.muli %parallel_loop3A_594, %parallel_loop3A_561 : i32
      %parallel_loop3A_596 = arith.constant 3 : i32
      %parallel_loop3A_597 = arith.addi %parallel_loop3A_595, %parallel_loop3A_596 : i32
      %parallel_loop3A_598 = arith.index_cast %parallel_loop3A_597 : i32 to index
      %parallel_loop3A_599 = memref.load %arg11[%parallel_loop3A_598] : memref<1024xi32, #tpu.memory_space<smem>>
      %parallel_loop3A_600 = arith.index_cast %parallel_loop3A_599 : i32 to index
      %parallel_loop3A_601 = arith.constant 16 : index
      %parallel_loop3A_602 = tpu.vector_load %arg6[%parallel_loop3A_600, %parallel_loop3A_601] {strides = array<i32>} : memref<100x336xf32, #tpu.memory_space<vmem>>, vector<16xf32>,
      %parallel_loop3A_603 = arith.mulf %parallel_loop3A_602, %get3A_38 : vector<16xf32>
      %parallel_loop3A_604 = arith.addf %parallel_loop3A_593, %parallel_loop3A_603 : vector<16xf32>
      %parallel_loop3A_605 = arith.index_cast %parallel_loop3A_561 : i32 to index
      %parallel_loop3A_606 = arith.constant 16 : index
      %parallel_loop3A_607 = tpu.vector_load %arg9[%parallel_loop3A_605, %parallel_loop3A_606] {strides = array<i32>} : memref<256x336xf32, #tpu.memory_space<vmem>>, vector<16xf32>,
      tpu.vector_store %arg9[%parallel_loop3A_605, %parallel_loop3A_606], %parallel_loop3A_604 {strides = array<i32>} : memref<256x336xf32, #tpu.memory_space<vmem>>, vector<16xf32>,
    } {sc.loop_unroll_factor = 4 : i64, sc.parallel_access}
    %get3A_42 = arith.constant 0 : i32
    %get3A_43 = arith.index_cast %get3A_42 : i32 to index
    %get3A_44 = arith.constant 32 : index
    %get3A_45 = tpu.vector_load %arg7[%get3A_43, %get3A_44] {strides = array<i32>} : memref<4x336xf32, #tpu.memory_space<vmem>>, vector<16xf32>,
    %get3A_46 = arith.constant 1 : i32
    %get3A_47 = arith.index_cast %get3A_46 : i32 to index
    %get3A_48 = arith.constant 32 : index
    %get3A_49 = tpu.vector_load %arg7[%get3A_47, %get3A_48] {strides = array<i32>} : memref<4x336xf32, #tpu.memory_space<vmem>>, vector<16xf32>,
    %get3A_50 = arith.constant 2 : i32
    %get3A_51 = arith.index_cast %get3A_50 : i32 to index
    %get3A_52 = arith.constant 32 : index
    %get3A_53 = tpu.vector_load %arg7[%get3A_51, %get3A_52] {strides = array<i32>} : memref<4x336xf32, #tpu.memory_space<vmem>>, vector<16xf32>,
    %get3A_54 = arith.constant 3 : i32
    %get3A_55 = arith.index_cast %get3A_54 : i32 to index
    %get3A_56 = arith.constant 32 : index
    %get3A_57 = tpu.vector_load %arg7[%get3A_55, %get3A_56] {strides = array<i32>} : memref<4x336xf32, #tpu.memory_space<vmem>>, vector<16xf32>,
    %parallel_loop3A_58 = arith.constant 0 : i32
    %parallel_loop3A_59 = arith.constant 256 : i32
    %parallel_loop3A_60 = arith.constant 1 : i32
    scf.for %parallel_loop3A_561 = %parallel_loop3A_58 to %parallel_loop3A_59 step %parallel_loop3A_60  : i32 {
      %parallel_loop3A_562 = arith.constant 4 : i32
      %parallel_loop3A_563 = arith.muli %parallel_loop3A_562, %parallel_loop3A_561 : i32
      %parallel_loop3A_564 = arith.constant 0 : i32
      %parallel_loop3A_565 = arith.addi %parallel_loop3A_563, %parallel_loop3A_564 : i32
      %parallel_loop3A_566 = arith.index_cast %parallel_loop3A_565 : i32 to index
      %parallel_loop3A_567 = memref.load %arg11[%parallel_loop3A_566] : memref<1024xi32, #tpu.memory_space<smem>>
      %parallel_loop3A_568 = arith.index_cast %parallel_loop3A_567 : i32 to index
      %parallel_loop3A_569 = arith.constant 32 : index
      %parallel_loop3A_570 = tpu.vector_load %arg6[%parallel_loop3A_568, %parallel_loop3A_569] {strides = array<i32>} : memref<100x336xf32, #tpu.memory_space<vmem>>, vector<16xf32>,
      %parallel_loop3A_571 = arith.mulf %parallel_loop3A_570, %get3A_45 : vector<16xf32>
      %parallel_loop3A_572 = arith.constant 4 : i32
      %parallel_loop3A_573 = arith.muli %parallel_loop3A_572, %parallel_loop3A_561 : i32
      %parallel_loop3A_574 = arith.constant 1 : i32
      %parallel_loop3A_575 = arith.addi %parallel_loop3A_573, %parallel_loop3A_574 : i32
      %parallel_loop3A_576 = arith.index_cast %parallel_loop3A_575 : i32 to index
      %parallel_loop3A_577 = memref.load %arg11[%parallel_loop3A_576] : memref<1024xi32, #tpu.memory_space<smem>>
      %parallel_loop3A_578 = arith.index_cast %parallel_loop3A_577 : i32 to index
      %parallel_loop3A_579 = arith.constant 32 : index
      %parallel_loop3A_580 = tpu.vector_load %arg6[%parallel_loop3A_578, %parallel_loop3A_579] {strides = array<i32>} : memref<100x336xf32, #tpu.memory_space<vmem>>, vector<16xf32>,
      %parallel_loop3A_581 = arith.mulf %parallel_loop3A_580, %get3A_49 : vector<16xf32>
      %parallel_loop3A_582 = arith.addf %parallel_loop3A_571, %parallel_loop3A_581 : vector<16xf32>
      %parallel_loop3A_583 = arith.constant 4 : i32
      %parallel_loop3A_584 = arith.muli %parallel_loop3A_583, %parallel_loop3A_561 : i32
      %parallel_loop3A_585 = arith.constant 2 : i32
      %parallel_loop3A_586 = arith.addi %parallel_loop3A_584, %parallel_loop3A_585 : i32
      %parallel_loop3A_587 = arith.index_cast %parallel_loop3A_586 : i32 to index
      %parallel_loop3A_588 = memref.load %arg11[%parallel_loop3A_587] : memref<1024xi32, #tpu.memory_space<smem>>
      %parallel_loop3A_589 = arith.index_cast %parallel_loop3A_588 : i32 to index
      %parallel_loop3A_590 = arith.constant 32 : index
      %parallel_loop3A_591 = tpu.vector_load %arg6[%parallel_loop3A_589, %parallel_loop3A_590] {strides = array<i32>} : memref<100x336xf32, #tpu.memory_space<vmem>>, vector<16xf32>,
      %parallel_loop3A_592 = arith.mulf %parallel_loop3A_591, %get3A_53 : vector<16xf32>
      %parallel_loop3A_593 = arith.addf %parallel_loop3A_582, %parallel_loop3A_592 : vector<16xf32>
      %parallel_loop3A_594 = arith.constant 4 : i32
      %parallel_loop3A_595 = arith.muli %parallel_loop3A_594, %parallel_loop3A_561 : i32
      %parallel_loop3A_596 = arith.constant 3 : i32
      %parallel_loop3A_597 = arith.addi %parallel_loop3A_595, %parallel_loop3A_596 : i32
      %parallel_loop3A_598 = arith.index_cast %parallel_loop3A_597 : i32 to index
      %parallel_loop3A_599 = memref.load %arg11[%parallel_loop3A_598] : memref<1024xi32, #tpu.memory_space<smem>>
      %parallel_loop3A_600 = arith.index_cast %parallel_loop3A_599 : i32 to index
      %parallel_loop3A_601 = arith.constant 32 : index
      %parallel_loop3A_602 = tpu.vector_load %arg6[%parallel_loop3A_600, %parallel_loop3A_601] {strides = array<i32>} : memref<100x336xf32, #tpu.memory_space<vmem>>, vector<16xf32>,
      %parallel_loop3A_603 = arith.mulf %parallel_loop3A_602, %get3A_57 : vector<16xf32>
      %parallel_loop3A_604 = arith.addf %parallel_loop3A_593, %parallel_loop3A_603 : vector<16xf32>
      %parallel_loop3A_605 = arith.index_cast %parallel_loop3A_561 : i32 to index
      %parallel_loop3A_606 = arith.constant 32 : index
      %parallel_loop3A_607 = tpu.vector_load %arg9[%parallel_loop3A_605, %parallel_loop3A_606] {strides = array<i32>} : memref<256x336xf32, #tpu.memory_space<vmem>>, vector<16xf32>,
      tpu.vector_store %arg9[%parallel_loop3A_605, %parallel_loop3A_606], %parallel_loop3A_604 {strides = array<i32>} : memref<256x336xf32, #tpu.memory_space<vmem>>, vector<16xf32>,
    } {sc.loop_unroll_factor = 4 : i64, sc.parallel_access}
    %get3A_61 = arith.constant 0 : i32
    %get3A_62 = arith.index_cast %get3A_61 : i32 to index
    %get3A_63 = arith.constant 48 : index
    %get3A_64 = tpu.vector_load %arg7[%get3A_62, %get3A_63] {strides = array<i32>} : memref<4x336xf32, #tpu.memory_space<vmem>>, vector<16xf32>,
    %get3A_65 = arith.constant 1 : i32
    %get3A_66 = arith.index_cast %get3A_65 : i32 to index
    %get3A_67 = arith.constant 48 : index
    %get3A_68 = tpu.vector_load %arg7[%get3A_66, %get3A_67] {strides = array<i32>} : memref<4x336xf32, #tpu.memory_space<vmem>>, vector<16xf32>,
    %get3A_69 = arith.constant 2 : i32
    %get3A_70 = arith.index_cast %get3A_69 : i32 to index
    %get3A_71 = arith.constant 48 : index
    %get3A_72 = tpu.vector_load %arg7[%get3A_70, %get3A_71] {strides = array<i32>} : memref<4x336xf32, #tpu.memory_space<vmem>>, vector<16xf32>,
    %get3A_73 = arith.constant 3 : i32
    %get3A_74 = arith.index_cast %get3A_73 : i32 to index
    %get3A_75 = arith.constant 48 : index
    %get3A_76 = tpu.vector_load %arg7[%get3A_74, %get3A_75] {strides = array<i32>} : memref<4x336xf32, #tpu.memory_space<vmem>>, vector<16xf32>,
    %parallel_loop3A_77 = arith.constant 0 : i32
    %parallel_loop3A_78 = arith.constant 256 : i32
    %parallel_loop3A_79 = arith.constant 1 : i32
    scf.for %parallel_loop3A_561 = %parallel_loop3A_77 to %parallel_loop3A_78 step %parallel_loop3A_79  : i32 {
      %parallel_loop3A_562 = arith.constant 4 : i32
      %parallel_loop3A_563 = arith.muli %parallel_loop3A_562, %parallel_loop3A_561 : i32
      %parallel_loop3A_564 = arith.constant 0 : i32
      %parallel_loop3A_565 = arith.addi %parallel_loop3A_563, %parallel_loop3A_564 : i32
      %parallel_loop3A_566 = arith.index_cast %parallel_loop3A_565 : i32 to index
      %parallel_loop3A_567 = memref.load %arg11[%parallel_loop3A_566] : memref<1024xi32, #tpu.memory_space<smem>>
      %parallel_loop3A_568 = arith.index_cast %parallel_loop3A_567 : i32 to index
      %parallel_loop3A_569 = arith.constant 48 : index
      %parallel_loop3A_570 = tpu.vector_load %arg6[%parallel_loop3A_568, %parallel_loop3A_569] {strides = array<i32>} : memref<100x336xf32, #tpu.memory_space<vmem>>, vector<16xf32>,
      %parallel_loop3A_571 = arith.mulf %parallel_loop3A_570, %get3A_64 : vector<16xf32>
      %parallel_loop3A_572 = arith.constant 4 : i32
      %parallel_loop3A_573 = arith.muli %parallel_loop3A_572, %parallel_loop3A_561 : i32
      %parallel_loop3A_574 = arith.constant 1 : i32
      %parallel_loop3A_575 = arith.addi %parallel_loop3A_573, %parallel_loop3A_574 : i32
      %parallel_loop3A_576 = arith.index_cast %parallel_loop3A_575 : i32 to index
      %parallel_loop3A_577 = memref.load %arg11[%parallel_loop3A_576] : memref<1024xi32, #tpu.memory_space<smem>>
      %parallel_loop3A_578 = arith.index_cast %parallel_loop3A_577 : i32 to index
      %parallel_loop3A_579 = arith.constant 48 : index
      %parallel_loop3A_580 = tpu.vector_load %arg6[%parallel_loop3A_578, %parallel_loop3A_579] {strides = array<i32>} : memref<100x336xf32, #tpu.memory_space<vmem>>, vector<16xf32>,
      %parallel_loop3A_581 = arith.mulf %parallel_loop3A_580, %get3A_68 : vector<16xf32>
      %parallel_loop3A_582 = arith.addf %parallel_loop3A_571, %parallel_loop3A_581 : vector<16xf32>
      %parallel_loop3A_583 = arith.constant 4 : i32
      %parallel_loop3A_584 = arith.muli %parallel_loop3A_583, %parallel_loop3A_561 : i32
      %parallel_loop3A_585 = arith.constant 2 : i32
      %parallel_loop3A_586 = arith.addi %parallel_loop3A_584, %parallel_loop3A_585 : i32
      %parallel_loop3A_587 = arith.index_cast %parallel_loop3A_586 : i32 to index
      %parallel_loop3A_588 = memref.load %arg11[%parallel_loop3A_587] : memref<1024xi32, #tpu.memory_space<smem>>
      %parallel_loop3A_589 = arith.index_cast %parallel_loop3A_588 : i32 to index
      %parallel_loop3A_590 = arith.constant 48 : index
      %parallel_loop3A_591 = tpu.vector_load %arg6[%parallel_loop3A_589, %parallel_loop3A_590] {strides = array<i32>} : memref<100x336xf32, #tpu.memory_space<vmem>>, vector<16xf32>,
      %parallel_loop3A_592 = arith.mulf %parallel_loop3A_591, %get3A_72 : vector<16xf32>
      %parallel_loop3A_593 = arith.addf %parallel_loop3A_582, %parallel_loop3A_592 : vector<16xf32>
      %parallel_loop3A_594 = arith.constant 4 : i32
      %parallel_loop3A_595 = arith.muli %parallel_loop3A_594, %parallel_loop3A_561 : i32
      %parallel_loop3A_596 = arith.constant 3 : i32
      %parallel_loop3A_597 = arith.addi %parallel_loop3A_595, %parallel_loop3A_596 : i32
      %parallel_loop3A_598 = arith.index_cast %parallel_loop3A_597 : i32 to index
      %parallel_loop3A_599 = memref.load %arg11[%parallel_loop3A_598] : memref<1024xi32, #tpu.memory_space<smem>>
      %parallel_loop3A_600 = arith.index_cast %parallel_loop3A_599 : i32 to index
      %parallel_loop3A_601 = arith.constant 48 : index
      %parallel_loop3A_602 = tpu.vector_load %arg6[%parallel_loop3A_600, %parallel_loop3A_601] {strides = array<i32>} : memref<100x336xf32, #tpu.memory_space<vmem>>, vector<16xf32>,
      %parallel_loop3A_603 = arith.mulf %parallel_loop3A_602, %get3A_76 : vector<16xf32>
      %parallel_loop3A_604 = arith.addf %parallel_loop3A_593, %parallel_loop3A_603 : vector<16xf32>
      %parallel_loop3A_605 = arith.index_cast %parallel_loop3A_561 : i32 to index
      %parallel_loop3A_606 = arith.constant 48 : index
      %parallel_loop3A_607 = tpu.vector_load %arg9[%parallel_loop3A_605, %parallel_loop3A_606] {strides = array<i32>} : memref<256x336xf32, #tpu.memory_space<vmem>>, vector<16xf32>,
      tpu.vector_store %arg9[%parallel_loop3A_605, %parallel_loop3A_606], %parallel_loop3A_604 {strides = array<i32>} : memref<256x336xf32, #tpu.memory_space<vmem>>, vector<16xf32>,
    } {sc.loop_unroll_factor = 4 : i64, sc.parallel_access}
    %get3A_80 = arith.constant 0 : i32
    %get3A_81 = arith.index_cast %get3A_80 : i32 to index
    %get3A_82 = arith.constant 64 : index
    %get3A_83 = tpu.vector_load %arg7[%get3A_81, %get3A_82] {strides = array<i32>} : memref<4x336xf32, #tpu.memory_space<vmem>>, vector<16xf32>,
    %get3A_84 = arith.constant 1 : i32
    %get3A_85 = arith.index_cast %get3A_84 : i32 to index
    %get3A_86 = arith.constant 64 : index
    %get3A_87 = tpu.vector_load %arg7[%get3A_85, %get3A_86] {strides = array<i32>} : memref<4x336xf32, #tpu.memory_space<vmem>>, vector<16xf32>,
    %get3A_88 = arith.constant 2 : i32
    %get3A_89 = arith.index_cast %get3A_88 : i32 to index
    %get3A_90 = arith.constant 64 : index
    %get3A_91 = tpu.vector_load %arg7[%get3A_89, %get3A_90] {strides = array<i32>} : memref<4x336xf32, #tpu.memory_space<vmem>>, vector<16xf32>,
    %get3A_92 = arith.constant 3 : i32
    %get3A_93 = arith.index_cast %get3A_92 : i32 to index
    %get3A_94 = arith.constant 64 : index
    %get3A_95 = tpu.vector_load %arg7[%get3A_93, %get3A_94] {strides = array<i32>} : memref<4x336xf32, #tpu.memory_space<vmem>>, vector<16xf32>,
    %parallel_loop3A_96 = arith.constant 0 : i32
    %parallel_loop3A_97 = arith.constant 256 : i32
    %parallel_loop3A_98 = arith.constant 1 : i32
    scf.for %parallel_loop3A_561 = %parallel_loop3A_96 to %parallel_loop3A_97 step %parallel_loop3A_98  : i32 {
      %parallel_loop3A_562 = arith.constant 4 : i32
      %parallel_loop3A_563 = arith.muli %parallel_loop3A_562, %parallel_loop3A_561 : i32
      %parallel_loop3A_564 = arith.constant 0 : i32
      %parallel_loop3A_565 = arith.addi %parallel_loop3A_563, %parallel_loop3A_564 : i32
      %parallel_loop3A_566 = arith.index_cast %parallel_loop3A_565 : i32 to index
      %parallel_loop3A_567 = memref.load %arg11[%parallel_loop3A_566] : memref<1024xi32, #tpu.memory_space<smem>>
      %parallel_loop3A_568 = arith.index_cast %parallel_loop3A_567 : i32 to index
      %parallel_loop3A_569 = arith.constant 64 : index
      %parallel_loop3A_570 = tpu.vector_load %arg6[%parallel_loop3A_568, %parallel_loop3A_569] {strides = array<i32>} : memref<100x336xf32, #tpu.memory_space<vmem>>, vector<16xf32>,
      %parallel_loop3A_571 = arith.mulf %parallel_loop3A_570, %get3A_83 : vector<16xf32>
      %parallel_loop3A_572 = arith.constant 4 : i32
      %parallel_loop3A_573 = arith.muli %parallel_loop3A_572, %parallel_loop3A_561 : i32
      %parallel_loop3A_574 = arith.constant 1 : i32
      %parallel_loop3A_575 = arith.addi %parallel_loop3A_573, %parallel_loop3A_574 : i32
      %parallel_loop3A_576 = arith.index_cast %parallel_loop3A_575 : i32 to index
      %parallel_loop3A_577 = memref.load %arg11[%parallel_loop3A_576] : memref<1024xi32, #tpu.memory_space<smem>>
      %parallel_loop3A_578 = arith.index_cast %parallel_loop3A_577 : i32 to index
      %parallel_loop3A_579 = arith.constant 64 : index
      %parallel_loop3A_580 = tpu.vector_load %arg6[%parallel_loop3A_578, %parallel_loop3A_579] {strides = array<i32>} : memref<100x336xf32, #tpu.memory_space<vmem>>, vector<16xf32>,
      %parallel_loop3A_581 = arith.mulf %parallel_loop3A_580, %get3A_87 : vector<16xf32>
      %parallel_loop3A_582 = arith.addf %parallel_loop3A_571, %parallel_loop3A_581 : vector<16xf32>
      %parallel_loop3A_583 = arith.constant 4 : i32
      %parallel_loop3A_584 = arith.muli %parallel_loop3A_583, %parallel_loop3A_561 : i32
      %parallel_loop3A_585 = arith.constant 2 : i32
      %parallel_loop3A_586 = arith.addi %parallel_loop3A_584, %parallel_loop3A_585 : i32
      %parallel_loop3A_587 = arith.index_cast %parallel_loop3A_586 : i32 to index
      %parallel_loop3A_588 = memref.load %arg11[%parallel_loop3A_587] : memref<1024xi32, #tpu.memory_space<smem>>
      %parallel_loop3A_589 = arith.index_cast %parallel_loop3A_588 : i32 to index
      %parallel_loop3A_590 = arith.constant 64 : index
      %parallel_loop3A_591 = tpu.vector_load %arg6[%parallel_loop3A_589, %parallel_loop3A_590] {strides = array<i32>} : memref<100x336xf32, #tpu.memory_space<vmem>>, vector<16xf32>,
      %parallel_loop3A_592 = arith.mulf %parallel_loop3A_591, %get3A_91 : vector<16xf32>
      %parallel_loop3A_593 = arith.addf %parallel_loop3A_582, %parallel_loop3A_592 : vector<16xf32>
      %parallel_loop3A_594 = arith.constant 4 : i32
      %parallel_loop3A_595 = arith.muli %parallel_loop3A_594, %parallel_loop3A_561 : i32
      %parallel_loop3A_596 = arith.constant 3 : i32
      %parallel_loop3A_597 = arith.addi %parallel_loop3A_595, %parallel_loop3A_596 : i32
      %parallel_loop3A_598 = arith.index_cast %parallel_loop3A_597 : i32 to index
      %parallel_loop3A_599 = memref.load %arg11[%parallel_loop3A_598] : memref<1024xi32, #tpu.memory_space<smem>>
      %parallel_loop3A_600 = arith.index_cast %parallel_loop3A_599 : i32 to index
      %parallel_loop3A_601 = arith.constant 64 : index
      %parallel_loop3A_602 = tpu.vector_load %arg6[%parallel_loop3A_600, %parallel_loop3A_601] {strides = array<i32>} : memref<100x336xf32, #tpu.memory_space<vmem>>, vector<16xf32>,
      %parallel_loop3A_603 = arith.mulf %parallel_loop3A_602, %get3A_95 : vector<16xf32>
      %parallel_loop3A_604 = arith.addf %parallel_loop3A_593, %parallel_loop3A_603 : vector<16xf32>
      %parallel_loop3A_605 = arith.index_cast %parallel_loop3A_561 : i32 to index
      %parallel_loop3A_606 = arith.constant 64 : index
      %parallel_loop3A_607 = tpu.vector_load %arg9[%parallel_loop3A_605, %parallel_loop3A_606] {strides = array<i32>} : memref<256x336xf32, #tpu.memory_space<vmem>>, vector<16xf32>,
      tpu.vector_store %arg9[%parallel_loop3A_605, %parallel_loop3A_606], %parallel_loop3A_604 {strides = array<i32>} : memref<256x336xf32, #tpu.memory_space<vmem>>, vector<16xf32>,
    } {sc.loop_unroll_factor = 4 : i64, sc.parallel_access}
    %get3A_99 = arith.constant 0 : i32
    %get3A_100 = arith.index_cast %get3A_99 : i32 to index
    %get3A_101 = arith.constant 80 : index
    %get3A_102 = tpu.vector_load %arg7[%get3A_100, %get3A_101] {strides = array<i32>} : memref<4x336xf32, #tpu.memory_space<vmem>>, vector<16xf32>,
    %get3A_103 = arith.constant 1 : i32
    %get3A_104 = arith.index_cast %get3A_103 : i32 to index
    %get3A_105 = arith.constant 80 : index
    %get3A_106 = tpu.vector_load %arg7[%get3A_104, %get3A_105] {strides = array<i32>} : memref<4x336xf32, #tpu.memory_space<vmem>>, vector<16xf32>,
    %get3A_107 = arith.constant 2 : i32
    %get3A_108 = arith.index_cast %get3A_107 : i32 to index
    %get3A_109 = arith.constant 80 : index
    %get3A_110 = tpu.vector_load %arg7[%get3A_108, %get3A_109] {strides = array<i32>} : memref<4x336xf32, #tpu.memory_space<vmem>>, vector<16xf32>,
    %get3A_111 = arith.constant 3 : i32
    %get3A_112 = arith.index_cast %get3A_111 : i32 to index
    %get3A_113 = arith.constant 80 : index
    %get3A_114 = tpu.vector_load %arg7[%get3A_112, %get3A_113] {strides = array<i32>} : memref<4x336xf32, #tpu.memory_space<vmem>>, vector<16xf32>,
    %parallel_loop3A_115 = arith.constant 0 : i32
    %parallel_loop3A_116 = arith.constant 256 : i32
    %parallel_loop3A_117 = arith.constant 1 : i32
    scf.for %parallel_loop3A_561 = %parallel_loop3A_115 to %parallel_loop3A_116 step %parallel_loop3A_117  : i32 {
      %parallel_loop3A_562 = arith.constant 4 : i32
      %parallel_loop3A_563 = arith.muli %parallel_loop3A_562, %parallel_loop3A_561 : i32
      %parallel_loop3A_564 = arith.constant 0 : i32
      %parallel_loop3A_565 = arith.addi %parallel_loop3A_563, %parallel_loop3A_564 : i32
      %parallel_loop3A_566 = arith.index_cast %parallel_loop3A_565 : i32 to index
      %parallel_loop3A_567 = memref.load %arg11[%parallel_loop3A_566] : memref<1024xi32, #tpu.memory_space<smem>>
      %parallel_loop3A_568 = arith.index_cast %parallel_loop3A_567 : i32 to index
      %parallel_loop3A_569 = arith.constant 80 : index
      %parallel_loop3A_570 = tpu.vector_load %arg6[%parallel_loop3A_568, %parallel_loop3A_569] {strides = array<i32>} : memref<100x336xf32, #tpu.memory_space<vmem>>, vector<16xf32>,
      %parallel_loop3A_571 = arith.mulf %parallel_loop3A_570, %get3A_102 : vector<16xf32>
      %parallel_loop3A_572 = arith.constant 4 : i32
      %parallel_loop3A_573 = arith.muli %parallel_loop3A_572, %parallel_loop3A_561 : i32
      %parallel_loop3A_574 = arith.constant 1 : i32
      %parallel_loop3A_575 = arith.addi %parallel_loop3A_573, %parallel_loop3A_574 : i32
      %parallel_loop3A_576 = arith.index_cast %parallel_loop3A_575 : i32 to index
      %parallel_loop3A_577 = memref.load %arg11[%parallel_loop3A_576] : memref<1024xi32, #tpu.memory_space<smem>>
      %parallel_loop3A_578 = arith.index_cast %parallel_loop3A_577 : i32 to index
      %parallel_loop3A_579 = arith.constant 80 : index
      %parallel_loop3A_580 = tpu.vector_load %arg6[%parallel_loop3A_578, %parallel_loop3A_579] {strides = array<i32>} : memref<100x336xf32, #tpu.memory_space<vmem>>, vector<16xf32>,
      %parallel_loop3A_581 = arith.mulf %parallel_loop3A_580, %get3A_106 : vector<16xf32>
      %parallel_loop3A_582 = arith.addf %parallel_loop3A_571, %parallel_loop3A_581 : vector<16xf32>
      %parallel_loop3A_583 = arith.constant 4 : i32
      %parallel_loop3A_584 = arith.muli %parallel_loop3A_583, %parallel_loop3A_561 : i32
      %parallel_loop3A_585 = arith.constant 2 : i32
      %parallel_loop3A_586 = arith.addi %parallel_loop3A_584, %parallel_loop3A_585 : i32
      %parallel_loop3A_587 = arith.index_cast %parallel_loop3A_586 : i32 to index
      %parallel_loop3A_588 = memref.load %arg11[%parallel_loop3A_587] : memref<1024xi32, #tpu.memory_space<smem>>
      %parallel_loop3A_589 = arith.index_cast %parallel_loop3A_588 : i32 to index
      %parallel_loop3A_590 = arith.constant 80 : index
      %parallel_loop3A_591 = tpu.vector_load %arg6[%parallel_loop3A_589, %parallel_loop3A_590] {strides = array<i32>} : memref<100x336xf32, #tpu.memory_space<vmem>>, vector<16xf32>,
      %parallel_loop3A_592 = arith.mulf %parallel_loop3A_591, %get3A_110 : vector<16xf32>
      %parallel_loop3A_593 = arith.addf %parallel_loop3A_582, %parallel_loop3A_592 : vector<16xf32>
      %parallel_loop3A_594 = arith.constant 4 : i32
      %parallel_loop3A_595 = arith.muli %parallel_loop3A_594, %parallel_loop3A_561 : i32
      %parallel_loop3A_596 = arith.constant 3 : i32
      %parallel_loop3A_597 = arith.addi %parallel_loop3A_595, %parallel_loop3A_596 : i32
      %parallel_loop3A_598 = arith.index_cast %parallel_loop3A_597 : i32 to index
      %parallel_loop3A_599 = memref.load %arg11[%parallel_loop3A_598] : memref<1024xi32, #tpu.memory_space<smem>>
      %parallel_loop3A_600 = arith.index_cast %parallel_loop3A_599 : i32 to index
      %parallel_loop3A_601 = arith.constant 80 : index
      %parallel_loop3A_602 = tpu.vector_load %arg6[%parallel_loop3A_600, %parallel_loop3A_601] {strides = array<i32>} : memref<100x336xf32, #tpu.memory_space<vmem>>, vector<16xf32>,
      %parallel_loop3A_603 = arith.mulf %parallel_loop3A_602, %get3A_114 : vector<16xf32>
      %parallel_loop3A_604 = arith.addf %parallel_loop3A_593, %parallel_loop3A_603 : vector<16xf32>
      %parallel_loop3A_605 = arith.index_cast %parallel_loop3A_561 : i32 to index
      %parallel_loop3A_606 = arith.constant 80 : index
      %parallel_loop3A_607 = tpu.vector_load %arg9[%parallel_loop3A_605, %parallel_loop3A_606] {strides = array<i32>} : memref<256x336xf32, #tpu.memory_space<vmem>>, vector<16xf32>,
      tpu.vector_store %arg9[%parallel_loop3A_605, %parallel_loop3A_606], %parallel_loop3A_604 {strides = array<i32>} : memref<256x336xf32, #tpu.memory_space<vmem>>, vector<16xf32>,
    } {sc.loop_unroll_factor = 4 : i64, sc.parallel_access}
    %get3A_118 = arith.constant 0 : i32
    %get3A_119 = arith.index_cast %get3A_118 : i32 to index
    %get3A_120 = arith.constant 96 : index
    %get3A_121 = tpu.vector_load %arg7[%get3A_119, %get3A_120] {strides = array<i32>} : memref<4x336xf32, #tpu.memory_space<vmem>>, vector<16xf32>,
    %get3A_122 = arith.constant 1 : i32
    %get3A_123 = arith.index_cast %get3A_122 : i32 to index
    %get3A_124 = arith.constant 96 : index
    %get3A_125 = tpu.vector_load %arg7[%get3A_123, %get3A_124] {strides = array<i32>} : memref<4x336xf32, #tpu.memory_space<vmem>>, vector<16xf32>,
    %get3A_126 = arith.constant 2 : i32
    %get3A_127 = arith.index_cast %get3A_126 : i32 to index
    %get3A_128 = arith.constant 96 : index
    %get3A_129 = tpu.vector_load %arg7[%get3A_127, %get3A_128] {strides = array<i32>} : memref<4x336xf32, #tpu.memory_space<vmem>>, vector<16xf32>,
    %get3A_130 = arith.constant 3 : i32
    %get3A_131 = arith.index_cast %get3A_130 : i32 to index
    %get3A_132 = arith.constant 96 : index
    %get3A_133 = tpu.vector_load %arg7[%get3A_131, %get3A_132] {strides = array<i32>} : memref<4x336xf32, #tpu.memory_space<vmem>>, vector<16xf32>,
    %parallel_loop3A_134 = arith.constant 0 : i32
    %parallel_loop3A_135 = arith.constant 256 : i32
    %parallel_loop3A_136 = arith.constant 1 : i32
    scf.for %parallel_loop3A_561 = %parallel_loop3A_134 to %parallel_loop3A_135 step %parallel_loop3A_136  : i32 {
      %parallel_loop3A_562 = arith.constant 4 : i32
      %parallel_loop3A_563 = arith.muli %parallel_loop3A_562, %parallel_loop3A_561 : i32
      %parallel_loop3A_564 = arith.constant 0 : i32
      %parallel_loop3A_565 = arith.addi %parallel_loop3A_563, %parallel_loop3A_564 : i32
      %parallel_loop3A_566 = arith.index_cast %parallel_loop3A_565 : i32 to index
      %parallel_loop3A_567 = memref.load %arg11[%parallel_loop3A_566] : memref<1024xi32, #tpu.memory_space<smem>>
      %parallel_loop3A_568 = arith.index_cast %parallel_loop3A_567 : i32 to index
      %parallel_loop3A_569 = arith.constant 96 : index
      %parallel_loop3A_570 = tpu.vector_load %arg6[%parallel_loop3A_568, %parallel_loop3A_569] {strides = array<i32>} : memref<100x336xf32, #tpu.memory_space<vmem>>, vector<16xf32>,
      %parallel_loop3A_571 = arith.mulf %parallel_loop3A_570, %get3A_121 : vector<16xf32>
      %parallel_loop3A_572 = arith.constant 4 : i32
      %parallel_loop3A_573 = arith.muli %parallel_loop3A_572, %parallel_loop3A_561 : i32
      %parallel_loop3A_574 = arith.constant 1 : i32
      %parallel_loop3A_575 = arith.addi %parallel_loop3A_573, %parallel_loop3A_574 : i32
      %parallel_loop3A_576 = arith.index_cast %parallel_loop3A_575 : i32 to index
      %parallel_loop3A_577 = memref.load %arg11[%parallel_loop3A_576] : memref<1024xi32, #tpu.memory_space<smem>>
      %parallel_loop3A_578 = arith.index_cast %parallel_loop3A_577 : i32 to index
      %parallel_loop3A_579 = arith.constant 96 : index
      %parallel_loop3A_580 = tpu.vector_load %arg6[%parallel_loop3A_578, %parallel_loop3A_579] {strides = array<i32>} : memref<100x336xf32, #tpu.memory_space<vmem>>, vector<16xf32>,
      %parallel_loop3A_581 = arith.mulf %parallel_loop3A_580, %get3A_125 : vector<16xf32>
      %parallel_loop3A_582 = arith.addf %parallel_loop3A_571, %parallel_loop3A_581 : vector<16xf32>
      %parallel_loop3A_583 = arith.constant 4 : i32
      %parallel_loop3A_584 = arith.muli %parallel_loop3A_583, %parallel_loop3A_561 : i32
      %parallel_loop3A_585 = arith.constant 2 : i32
      %parallel_loop3A_586 = arith.addi %parallel_loop3A_584, %parallel_loop3A_585 : i32
      %parallel_loop3A_587 = arith.index_cast %parallel_loop3A_586 : i32 to index
      %parallel_loop3A_588 = memref.load %arg11[%parallel_loop3A_587] : memref<1024xi32, #tpu.memory_space<smem>>
      %parallel_loop3A_589 = arith.index_cast %parallel_loop3A_588 : i32 to index
      %parallel_loop3A_590 = arith.constant 96 : index
      %parallel_loop3A_591 = tpu.vector_load %arg6[%parallel_loop3A_589, %parallel_loop3A_590] {strides = array<i32>} : memref<100x336xf32, #tpu.memory_space<vmem>>, vector<16xf32>,
      %parallel_loop3A_592 = arith.mulf %parallel_loop3A_591, %get3A_129 : vector<16xf32>
      %parallel_loop3A_593 = arith.addf %parallel_loop3A_582, %parallel_loop3A_592 : vector<16xf32>
      %parallel_loop3A_594 = arith.constant 4 : i32
      %parallel_loop3A_595 = arith.muli %parallel_loop3A_594, %parallel_loop3A_561 : i32
      %parallel_loop3A_596 = arith.constant 3 : i32
      %parallel_loop3A_597 = arith.addi %parallel_loop3A_595, %parallel_loop3A_596 : i32
      %parallel_loop3A_598 = arith.index_cast %parallel_loop3A_597 : i32 to index
      %parallel_loop3A_599 = memref.load %arg11[%parallel_loop3A_598] : memref<1024xi32, #tpu.memory_space<smem>>
      %parallel_loop3A_600 = arith.index_cast %parallel_loop3A_599 : i32 to index
      %parallel_loop3A_601 = arith.constant 96 : index
      %parallel_loop3A_602 = tpu.vector_load %arg6[%parallel_loop3A_600, %parallel_loop3A_601] {strides = array<i32>} : memref<100x336xf32, #tpu.memory_space<vmem>>, vector<16xf32>,
      %parallel_loop3A_603 = arith.mulf %parallel_loop3A_602, %get3A_133 : vector<16xf32>
      %parallel_loop3A_604 = arith.addf %parallel_loop3A_593, %parallel_loop3A_603 : vector<16xf32>
      %parallel_loop3A_605 = arith.index_cast %parallel_loop3A_561 : i32 to index
      %parallel_loop3A_606 = arith.constant 96 : index
      %parallel_loop3A_607 = tpu.vector_load %arg9[%parallel_loop3A_605, %parallel_loop3A_606] {strides = array<i32>} : memref<256x336xf32, #tpu.memory_space<vmem>>, vector<16xf32>,
      tpu.vector_store %arg9[%parallel_loop3A_605, %parallel_loop3A_606], %parallel_loop3A_604 {strides = array<i32>} : memref<256x336xf32, #tpu.memory_space<vmem>>, vector<16xf32>,
    } {sc.loop_unroll_factor = 4 : i64, sc.parallel_access}
    %get3A_137 = arith.constant 0 : i32
    %get3A_138 = arith.index_cast %get3A_137 : i32 to index
    %get3A_139 = arith.constant 112 : index
    %get3A_140 = tpu.vector_load %arg7[%get3A_138, %get3A_139] {strides = array<i32>} : memref<4x336xf32, #tpu.memory_space<vmem>>, vector<16xf32>,
    %get3A_141 = arith.constant 1 : i32
    %get3A_142 = arith.index_cast %get3A_141 : i32 to index
    %get3A_143 = arith.constant 112 : index
    %get3A_144 = tpu.vector_load %arg7[%get3A_142, %get3A_143] {strides = array<i32>} : memref<4x336xf32, #tpu.memory_space<vmem>>, vector<16xf32>,
    %get3A_145 = arith.constant 2 : i32
    %get3A_146 = arith.index_cast %get3A_145 : i32 to index
    %get3A_147 = arith.constant 112 : index
    %get3A_148 = tpu.vector_load %arg7[%get3A_146, %get3A_147] {strides = array<i32>} : memref<4x336xf32, #tpu.memory_space<vmem>>, vector<16xf32>,
    %get3A_149 = arith.constant 3 : i32
    %get3A_150 = arith.index_cast %get3A_149 : i32 to index
    %get3A_151 = arith.constant 112 : index
    %get3A_152 = tpu.vector_load %arg7[%get3A_150, %get3A_151] {strides = array<i32>} : memref<4x336xf32, #tpu.memory_space<vmem>>, vector<16xf32>,
    %parallel_loop3A_153 = arith.constant 0 : i32
    %parallel_loop3A_154 = arith.constant 256 : i32
    %parallel_loop3A_155 = arith.constant 1 : i32
    scf.for %parallel_loop3A_561 = %parallel_loop3A_153 to %parallel_loop3A_154 step %parallel_loop3A_155  : i32 {
      %parallel_loop3A_562 = arith.constant 4 : i32
      %parallel_loop3A_563 = arith.muli %parallel_loop3A_562, %parallel_loop3A_561 : i32
      %parallel_loop3A_564 = arith.constant 0 : i32
      %parallel_loop3A_565 = arith.addi %parallel_loop3A_563, %parallel_loop3A_564 : i32
      %parallel_loop3A_566 = arith.index_cast %parallel_loop3A_565 : i32 to index
      %parallel_loop3A_567 = memref.load %arg11[%parallel_loop3A_566] : memref<1024xi32, #tpu.memory_space<smem>>
      %parallel_loop3A_568 = arith.index_cast %parallel_loop3A_567 : i32 to index
      %parallel_loop3A_569 = arith.constant 112 : index
      %parallel_loop3A_570 = tpu.vector_load %arg6[%parallel_loop3A_568, %parallel_loop3A_569] {strides = array<i32>} : memref<100x336xf32, #tpu.memory_space<vmem>>, vector<16xf32>,
      %parallel_loop3A_571 = arith.mulf %parallel_loop3A_570, %get3A_140 : vector<16xf32>
      %parallel_loop3A_572 = arith.constant 4 : i32
      %parallel_loop3A_573 = arith.muli %parallel_loop3A_572, %parallel_loop3A_561 : i32
      %parallel_loop3A_574 = arith.constant 1 : i32
      %parallel_loop3A_575 = arith.addi %parallel_loop3A_573, %parallel_loop3A_574 : i32
      %parallel_loop3A_576 = arith.index_cast %parallel_loop3A_575 : i32 to index
      %parallel_loop3A_577 = memref.load %arg11[%parallel_loop3A_576] : memref<1024xi32, #tpu.memory_space<smem>>
      %parallel_loop3A_578 = arith.index_cast %parallel_loop3A_577 : i32 to index
      %parallel_loop3A_579 = arith.constant 112 : index
      %parallel_loop3A_580 = tpu.vector_load %arg6[%parallel_loop3A_578, %parallel_loop3A_579] {strides = array<i32>} : memref<100x336xf32, #tpu.memory_space<vmem>>, vector<16xf32>,
      %parallel_loop3A_581 = arith.mulf %parallel_loop3A_580, %get3A_144 : vector<16xf32>
      %parallel_loop3A_582 = arith.addf %parallel_loop3A_571, %parallel_loop3A_581 : vector<16xf32>
      %parallel_loop3A_583 = arith.constant 4 : i32
      %parallel_loop3A_584 = arith.muli %parallel_loop3A_583, %parallel_loop3A_561 : i32
      %parallel_loop3A_585 = arith.constant 2 : i32
      %parallel_loop3A_586 = arith.addi %parallel_loop3A_584, %parallel_loop3A_585 : i32
      %parallel_loop3A_587 = arith.index_cast %parallel_loop3A_586 : i32 to index
      %parallel_loop3A_588 = memref.load %arg11[%parallel_loop3A_587] : memref<1024xi32, #tpu.memory_space<smem>>
      %parallel_loop3A_589 = arith.index_cast %parallel_loop3A_588 : i32 to index
      %parallel_loop3A_590 = arith.constant 112 : index
      %parallel_loop3A_591 = tpu.vector_load %arg6[%parallel_loop3A_589, %parallel_loop3A_590] {strides = array<i32>} : memref<100x336xf32, #tpu.memory_space<vmem>>, vector<16xf32>,
      %parallel_loop3A_592 = arith.mulf %parallel_loop3A_591, %get3A_148 : vector<16xf32>
      %parallel_loop3A_593 = arith.addf %parallel_loop3A_582, %parallel_loop3A_592 : vector<16xf32>
      %parallel_loop3A_594 = arith.constant 4 : i32
      %parallel_loop3A_595 = arith.muli %parallel_loop3A_594, %parallel_loop3A_561 : i32
      %parallel_loop3A_596 = arith.constant 3 : i32
      %parallel_loop3A_597 = arith.addi %parallel_loop3A_595, %parallel_loop3A_596 : i32
      %parallel_loop3A_598 = arith.index_cast %parallel_loop3A_597 : i32 to index
      %parallel_loop3A_599 = memref.load %arg11[%parallel_loop3A_598] : memref<1024xi32, #tpu.memory_space<smem>>
      %parallel_loop3A_600 = arith.index_cast %parallel_loop3A_599 : i32 to index
      %parallel_loop3A_601 = arith.constant 112 : index
      %parallel_loop3A_602 = tpu.vector_load %arg6[%parallel_loop3A_600, %parallel_loop3A_601] {strides = array<i32>} : memref<100x336xf32, #tpu.memory_space<vmem>>, vector<16xf32>,
      %parallel_loop3A_603 = arith.mulf %parallel_loop3A_602, %get3A_152 : vector<16xf32>
      %parallel_loop3A_604 = arith.addf %parallel_loop3A_593, %parallel_loop3A_603 : vector<16xf32>
      %parallel_loop3A_605 = arith.index_cast %parallel_loop3A_561 : i32 to index
      %parallel_loop3A_606 = arith.constant 112 : index
      %parallel_loop3A_607 = tpu.vector_load %arg9[%parallel_loop3A_605, %parallel_loop3A_606] {strides = array<i32>} : memref<256x336xf32, #tpu.memory_space<vmem>>, vector<16xf32>,
      tpu.vector_store %arg9[%parallel_loop3A_605, %parallel_loop3A_606], %parallel_loop3A_604 {strides = array<i32>} : memref<256x336xf32, #tpu.memory_space<vmem>>, vector<16xf32>,
    } {sc.loop_unroll_factor = 4 : i64, sc.parallel_access}
    %get3A_156 = arith.constant 0 : i32
    %get3A_157 = arith.index_cast %get3A_156 : i32 to index
    %get3A_158 = arith.constant 128 : index
    %get3A_159 = tpu.vector_load %arg7[%get3A_157, %get3A_158] {strides = array<i32>} : memref<4x336xf32, #tpu.memory_space<vmem>>, vector<16xf32>,
    %get3A_160 = arith.constant 1 : i32
    %get3A_161 = arith.index_cast %get3A_160 : i32 to index
    %get3A_162 = arith.constant 128 : index
    %get3A_163 = tpu.vector_load %arg7[%get3A_161, %get3A_162] {strides = array<i32>} : memref<4x336xf32, #tpu.memory_space<vmem>>, vector<16xf32>,
    %get3A_164 = arith.constant 2 : i32
    %get3A_165 = arith.index_cast %get3A_164 : i32 to index
    %get3A_166 = arith.constant 128 : index
    %get3A_167 = tpu.vector_load %arg7[%get3A_165, %get3A_166] {strides = array<i32>} : memref<4x336xf32, #tpu.memory_space<vmem>>, vector<16xf32>,
    %get3A_168 = arith.constant 3 : i32
    %get3A_169 = arith.index_cast %get3A_168 : i32 to index
    %get3A_170 = arith.constant 128 : index
    %get3A_171 = tpu.vector_load %arg7[%get3A_169, %get3A_170] {strides = array<i32>} : memref<4x336xf32, #tpu.memory_space<vmem>>, vector<16xf32>,
    %parallel_loop3A_172 = arith.constant 0 : i32
    %parallel_loop3A_173 = arith.constant 256 : i32
    %parallel_loop3A_174 = arith.constant 1 : i32
    scf.for %parallel_loop3A_561 = %parallel_loop3A_172 to %parallel_loop3A_173 step %parallel_loop3A_174  : i32 {
      %parallel_loop3A_562 = arith.constant 4 : i32
      %parallel_loop3A_563 = arith.muli %parallel_loop3A_562, %parallel_loop3A_561 : i32
      %parallel_loop3A_564 = arith.constant 0 : i32
      %parallel_loop3A_565 = arith.addi %parallel_loop3A_563, %parallel_loop3A_564 : i32
      %parallel_loop3A_566 = arith.index_cast %parallel_loop3A_565 : i32 to index
      %parallel_loop3A_567 = memref.load %arg11[%parallel_loop3A_566] : memref<1024xi32, #tpu.memory_space<smem>>
      %parallel_loop3A_568 = arith.index_cast %parallel_loop3A_567 : i32 to index
      %parallel_loop3A_569 = arith.constant 128 : index
      %parallel_loop3A_570 = tpu.vector_load %arg6[%parallel_loop3A_568, %parallel_loop3A_569] {strides = array<i32>} : memref<100x336xf32, #tpu.memory_space<vmem>>, vector<16xf32>,
      %parallel_loop3A_571 = arith.mulf %parallel_loop3A_570, %get3A_159 : vector<16xf32>
      %parallel_loop3A_572 = arith.constant 4 : i32
      %parallel_loop3A_573 = arith.muli %parallel_loop3A_572, %parallel_loop3A_561 : i32
      %parallel_loop3A_574 = arith.constant 1 : i32
      %parallel_loop3A_575 = arith.addi %parallel_loop3A_573, %parallel_loop3A_574 : i32
      %parallel_loop3A_576 = arith.index_cast %parallel_loop3A_575 : i32 to index
      %parallel_loop3A_577 = memref.load %arg11[%parallel_loop3A_576] : memref<1024xi32, #tpu.memory_space<smem>>
      %parallel_loop3A_578 = arith.index_cast %parallel_loop3A_577 : i32 to index
      %parallel_loop3A_579 = arith.constant 128 : index
      %parallel_loop3A_580 = tpu.vector_load %arg6[%parallel_loop3A_578, %parallel_loop3A_579] {strides = array<i32>} : memref<100x336xf32, #tpu.memory_space<vmem>>, vector<16xf32>,
      %parallel_loop3A_581 = arith.mulf %parallel_loop3A_580, %get3A_163 : vector<16xf32>
      %parallel_loop3A_582 = arith.addf %parallel_loop3A_571, %parallel_loop3A_581 : vector<16xf32>
      %parallel_loop3A_583 = arith.constant 4 : i32
      %parallel_loop3A_584 = arith.muli %parallel_loop3A_583, %parallel_loop3A_561 : i32
      %parallel_loop3A_585 = arith.constant 2 : i32
      %parallel_loop3A_586 = arith.addi %parallel_loop3A_584, %parallel_loop3A_585 : i32
      %parallel_loop3A_587 = arith.index_cast %parallel_loop3A_586 : i32 to index
      %parallel_loop3A_588 = memref.load %arg11[%parallel_loop3A_587] : memref<1024xi32, #tpu.memory_space<smem>>
      %parallel_loop3A_589 = arith.index_cast %parallel_loop3A_588 : i32 to index
      %parallel_loop3A_590 = arith.constant 128 : index
      %parallel_loop3A_591 = tpu.vector_load %arg6[%parallel_loop3A_589, %parallel_loop3A_590] {strides = array<i32>} : memref<100x336xf32, #tpu.memory_space<vmem>>, vector<16xf32>,
      %parallel_loop3A_592 = arith.mulf %parallel_loop3A_591, %get3A_167 : vector<16xf32>
      %parallel_loop3A_593 = arith.addf %parallel_loop3A_582, %parallel_loop3A_592 : vector<16xf32>
      %parallel_loop3A_594 = arith.constant 4 : i32
      %parallel_loop3A_595 = arith.muli %parallel_loop3A_594, %parallel_loop3A_561 : i32
      %parallel_loop3A_596 = arith.constant 3 : i32
      %parallel_loop3A_597 = arith.addi %parallel_loop3A_595, %parallel_loop3A_596 : i32
      %parallel_loop3A_598 = arith.index_cast %parallel_loop3A_597 : i32 to index
      %parallel_loop3A_599 = memref.load %arg11[%parallel_loop3A_598] : memref<1024xi32, #tpu.memory_space<smem>>
      %parallel_loop3A_600 = arith.index_cast %parallel_loop3A_599 : i32 to index
      %parallel_loop3A_601 = arith.constant 128 : index
      %parallel_loop3A_602 = tpu.vector_load %arg6[%parallel_loop3A_600, %parallel_loop3A_601] {strides = array<i32>} : memref<100x336xf32, #tpu.memory_space<vmem>>, vector<16xf32>,
      %parallel_loop3A_603 = arith.mulf %parallel_loop3A_602, %get3A_171 : vector<16xf32>
      %parallel_loop3A_604 = arith.addf %parallel_loop3A_593, %parallel_loop3A_603 : vector<16xf32>
      %parallel_loop3A_605 = arith.index_cast %parallel_loop3A_561 : i32 to index
      %parallel_loop3A_606 = arith.constant 128 : index
      %parallel_loop3A_607 = tpu.vector_load %arg9[%parallel_loop3A_605, %parallel_loop3A_606] {strides = array<i32>} : memref<256x336xf32, #tpu.memory_space<vmem>>, vector<16xf32>,
      tpu.vector_store %arg9[%parallel_loop3A_605, %parallel_loop3A_606], %parallel_loop3A_604 {strides = array<i32>} : memref<256x336xf32, #tpu.memory_space<vmem>>, vector<16xf32>,
    } {sc.loop_unroll_factor = 4 : i64, sc.parallel_access}
    %get3A_175 = arith.constant 0 : i32
    %get3A_176 = arith.index_cast %get3A_175 : i32 to index
    %get3A_177 = arith.constant 144 : index
    %get3A_178 = tpu.vector_load %arg7[%get3A_176, %get3A_177] {strides = array<i32>} : memref<4x336xf32, #tpu.memory_space<vmem>>, vector<16xf32>,
    %get3A_179 = arith.constant 1 : i32
    %get3A_180 = arith.index_cast %get3A_179 : i32 to index
    %get3A_181 = arith.constant 144 : index
    %get3A_182 = tpu.vector_load %arg7[%get3A_180, %get3A_181] {strides = array<i32>} : memref<4x336xf32, #tpu.memory_space<vmem>>, vector<16xf32>,
    %get3A_183 = arith.constant 2 : i32
    %get3A_184 = arith.index_cast %get3A_183 : i32 to index
    %get3A_185 = arith.constant 144 : index
    %get3A_186 = tpu.vector_load %arg7[%get3A_184, %get3A_185] {strides = array<i32>} : memref<4x336xf32, #tpu.memory_space<vmem>>, vector<16xf32>,
    %get3A_187 = arith.constant 3 : i32
    %get3A_188 = arith.index_cast %get3A_187 : i32 to index
    %get3A_189 = arith.constant 144 : index
    %get3A_190 = tpu.vector_load %arg7[%get3A_188, %get3A_189] {strides = array<i32>} : memref<4x336xf32, #tpu.memory_space<vmem>>, vector<16xf32>,
    %parallel_loop3A_191 = arith.constant 0 : i32
    %parallel_loop3A_192 = arith.constant 256 : i32
    %parallel_loop3A_193 = arith.constant 1 : i32
    scf.for %parallel_loop3A_561 = %parallel_loop3A_191 to %parallel_loop3A_192 step %parallel_loop3A_193  : i32 {
      %parallel_loop3A_562 = arith.constant 4 : i32
      %parallel_loop3A_563 = arith.muli %parallel_loop3A_562, %parallel_loop3A_561 : i32
      %parallel_loop3A_564 = arith.constant 0 : i32
      %parallel_loop3A_565 = arith.addi %parallel_loop3A_563, %parallel_loop3A_564 : i32
      %parallel_loop3A_566 = arith.index_cast %parallel_loop3A_565 : i32 to index
      %parallel_loop3A_567 = memref.load %arg11[%parallel_loop3A_566] : memref<1024xi32, #tpu.memory_space<smem>>
      %parallel_loop3A_568 = arith.index_cast %parallel_loop3A_567 : i32 to index
      %parallel_loop3A_569 = arith.constant 144 : index
      %parallel_loop3A_570 = tpu.vector_load %arg6[%parallel_loop3A_568, %parallel_loop3A_569] {strides = array<i32>} : memref<100x336xf32, #tpu.memory_space<vmem>>, vector<16xf32>,
      %parallel_loop3A_571 = arith.mulf %parallel_loop3A_570, %get3A_178 : vector<16xf32>
      %parallel_loop3A_572 = arith.constant 4 : i32
      %parallel_loop3A_573 = arith.muli %parallel_loop3A_572, %parallel_loop3A_561 : i32
      %parallel_loop3A_574 = arith.constant 1 : i32
      %parallel_loop3A_575 = arith.addi %parallel_loop3A_573, %parallel_loop3A_574 : i32
      %parallel_loop3A_576 = arith.index_cast %parallel_loop3A_575 : i32 to index
      %parallel_loop3A_577 = memref.load %arg11[%parallel_loop3A_576] : memref<1024xi32, #tpu.memory_space<smem>>
      %parallel_loop3A_578 = arith.index_cast %parallel_loop3A_577 : i32 to index
      %parallel_loop3A_579 = arith.constant 144 : index
      %parallel_loop3A_580 = tpu.vector_load %arg6[%parallel_loop3A_578, %parallel_loop3A_579] {strides = array<i32>} : memref<100x336xf32, #tpu.memory_space<vmem>>, vector<16xf32>,
      %parallel_loop3A_581 = arith.mulf %parallel_loop3A_580, %get3A_182 : vector<16xf32>
      %parallel_loop3A_582 = arith.addf %parallel_loop3A_571, %parallel_loop3A_581 : vector<16xf32>
      %parallel_loop3A_583 = arith.constant 4 : i32
      %parallel_loop3A_584 = arith.muli %parallel_loop3A_583, %parallel_loop3A_561 : i32
      %parallel_loop3A_585 = arith.constant 2 : i32
      %parallel_loop3A_586 = arith.addi %parallel_loop3A_584, %parallel_loop3A_585 : i32
      %parallel_loop3A_587 = arith.index_cast %parallel_loop3A_586 : i32 to index
      %parallel_loop3A_588 = memref.load %arg11[%parallel_loop3A_587] : memref<1024xi32, #tpu.memory_space<smem>>
      %parallel_loop3A_589 = arith.index_cast %parallel_loop3A_588 : i32 to index
      %parallel_loop3A_590 = arith.constant 144 : index
      %parallel_loop3A_591 = tpu.vector_load %arg6[%parallel_loop3A_589, %parallel_loop3A_590] {strides = array<i32>} : memref<100x336xf32, #tpu.memory_space<vmem>>, vector<16xf32>,
      %parallel_loop3A_592 = arith.mulf %parallel_loop3A_591, %get3A_186 : vector<16xf32>
      %parallel_loop3A_593 = arith.addf %parallel_loop3A_582, %parallel_loop3A_592 : vector<16xf32>
      %parallel_loop3A_594 = arith.constant 4 : i32
      %parallel_loop3A_595 = arith.muli %parallel_loop3A_594, %parallel_loop3A_561 : i32
      %parallel_loop3A_596 = arith.constant 3 : i32
      %parallel_loop3A_597 = arith.addi %parallel_loop3A_595, %parallel_loop3A_596 : i32
      %parallel_loop3A_598 = arith.index_cast %parallel_loop3A_597 : i32 to index
      %parallel_loop3A_599 = memref.load %arg11[%parallel_loop3A_598] : memref<1024xi32, #tpu.memory_space<smem>>
      %parallel_loop3A_600 = arith.index_cast %parallel_loop3A_599 : i32 to index
      %parallel_loop3A_601 = arith.constant 144 : index
      %parallel_loop3A_602 = tpu.vector_load %arg6[%parallel_loop3A_600, %parallel_loop3A_601] {strides = array<i32>} : memref<100x336xf32, #tpu.memory_space<vmem>>, vector<16xf32>,
      %parallel_loop3A_603 = arith.mulf %parallel_loop3A_602, %get3A_190 : vector<16xf32>
      %parallel_loop3A_604 = arith.addf %parallel_loop3A_593, %parallel_loop3A_603 : vector<16xf32>
      %parallel_loop3A_605 = arith.index_cast %parallel_loop3A_561 : i32 to index
      %parallel_loop3A_606 = arith.constant 144 : index
      %parallel_loop3A_607 = tpu.vector_load %arg9[%parallel_loop3A_605, %parallel_loop3A_606] {strides = array<i32>} : memref<256x336xf32, #tpu.memory_space<vmem>>, vector<16xf32>,
      tpu.vector_store %arg9[%parallel_loop3A_605, %parallel_loop3A_606], %parallel_loop3A_604 {strides = array<i32>} : memref<256x336xf32, #tpu.memory_space<vmem>>, vector<16xf32>,
    } {sc.loop_unroll_factor = 4 : i64, sc.parallel_access}
    %get3A_194 = arith.constant 0 : i32
    %get3A_195 = arith.index_cast %get3A_194 : i32 to index
    %get3A_196 = arith.constant 160 : index
    %get3A_197 = tpu.vector_load %arg7[%get3A_195, %get3A_196] {strides = array<i32>} : memref<4x336xf32, #tpu.memory_space<vmem>>, vector<16xf32>,
    %get3A_198 = arith.constant 1 : i32
    %get3A_199 = arith.index_cast %get3A_198 : i32 to index
    %get3A_200 = arith.constant 160 : index
    %get3A_201 = tpu.vector_load %arg7[%get3A_199, %get3A_200] {strides = array<i32>} : memref<4x336xf32, #tpu.memory_space<vmem>>, vector<16xf32>,
    %get3A_202 = arith.constant 2 : i32
    %get3A_203 = arith.index_cast %get3A_202 : i32 to index
    %get3A_204 = arith.constant 160 : index
    %get3A_205 = tpu.vector_load %arg7[%get3A_203, %get3A_204] {strides = array<i32>} : memref<4x336xf32, #tpu.memory_space<vmem>>, vector<16xf32>,
    %get3A_206 = arith.constant 3 : i32
    %get3A_207 = arith.index_cast %get3A_206 : i32 to index
    %get3A_208 = arith.constant 160 : index
    %get3A_209 = tpu.vector_load %arg7[%get3A_207, %get3A_208] {strides = array<i32>} : memref<4x336xf32, #tpu.memory_space<vmem>>, vector<16xf32>,
    %parallel_loop3A_210 = arith.constant 0 : i32
    %parallel_loop3A_211 = arith.constant 256 : i32
    %parallel_loop3A_212 = arith.constant 1 : i32
    scf.for %parallel_loop3A_561 = %parallel_loop3A_210 to %parallel_loop3A_211 step %parallel_loop3A_212  : i32 {
      %parallel_loop3A_562 = arith.constant 4 : i32
      %parallel_loop3A_563 = arith.muli %parallel_loop3A_562, %parallel_loop3A_561 : i32
      %parallel_loop3A_564 = arith.constant 0 : i32
      %parallel_loop3A_565 = arith.addi %parallel_loop3A_563, %parallel_loop3A_564 : i32
      %parallel_loop3A_566 = arith.index_cast %parallel_loop3A_565 : i32 to index
      %parallel_loop3A_567 = memref.load %arg11[%parallel_loop3A_566] : memref<1024xi32, #tpu.memory_space<smem>>
      %parallel_loop3A_568 = arith.index_cast %parallel_loop3A_567 : i32 to index
      %parallel_loop3A_569 = arith.constant 160 : index
      %parallel_loop3A_570 = tpu.vector_load %arg6[%parallel_loop3A_568, %parallel_loop3A_569] {strides = array<i32>} : memref<100x336xf32, #tpu.memory_space<vmem>>, vector<16xf32>,
      %parallel_loop3A_571 = arith.mulf %parallel_loop3A_570, %get3A_197 : vector<16xf32>
      %parallel_loop3A_572 = arith.constant 4 : i32
      %parallel_loop3A_573 = arith.muli %parallel_loop3A_572, %parallel_loop3A_561 : i32
      %parallel_loop3A_574 = arith.constant 1 : i32
      %parallel_loop3A_575 = arith.addi %parallel_loop3A_573, %parallel_loop3A_574 : i32
      %parallel_loop3A_576 = arith.index_cast %parallel_loop3A_575 : i32 to index
      %parallel_loop3A_577 = memref.load %arg11[%parallel_loop3A_576] : memref<1024xi32, #tpu.memory_space<smem>>
      %parallel_loop3A_578 = arith.index_cast %parallel_loop3A_577 : i32 to index
      %parallel_loop3A_579 = arith.constant 160 : index
      %parallel_loop3A_580 = tpu.vector_load %arg6[%parallel_loop3A_578, %parallel_loop3A_579] {strides = array<i32>} : memref<100x336xf32, #tpu.memory_space<vmem>>, vector<16xf32>,
      %parallel_loop3A_581 = arith.mulf %parallel_loop3A_580, %get3A_201 : vector<16xf32>
      %parallel_loop3A_582 = arith.addf %parallel_loop3A_571, %parallel_loop3A_581 : vector<16xf32>
      %parallel_loop3A_583 = arith.constant 4 : i32
      %parallel_loop3A_584 = arith.muli %parallel_loop3A_583, %parallel_loop3A_561 : i32
      %parallel_loop3A_585 = arith.constant 2 : i32
      %parallel_loop3A_586 = arith.addi %parallel_loop3A_584, %parallel_loop3A_585 : i32
      %parallel_loop3A_587 = arith.index_cast %parallel_loop3A_586 : i32 to index
      %parallel_loop3A_588 = memref.load %arg11[%parallel_loop3A_587] : memref<1024xi32, #tpu.memory_space<smem>>
      %parallel_loop3A_589 = arith.index_cast %parallel_loop3A_588 : i32 to index
      %parallel_loop3A_590 = arith.constant 160 : index
      %parallel_loop3A_591 = tpu.vector_load %arg6[%parallel_loop3A_589, %parallel_loop3A_590] {strides = array<i32>} : memref<100x336xf32, #tpu.memory_space<vmem>>, vector<16xf32>,
      %parallel_loop3A_592 = arith.mulf %parallel_loop3A_591, %get3A_205 : vector<16xf32>
      %parallel_loop3A_593 = arith.addf %parallel_loop3A_582, %parallel_loop3A_592 : vector<16xf32>
      %parallel_loop3A_594 = arith.constant 4 : i32
      %parallel_loop3A_595 = arith.muli %parallel_loop3A_594, %parallel_loop3A_561 : i32
      %parallel_loop3A_596 = arith.constant 3 : i32
      %parallel_loop3A_597 = arith.addi %parallel_loop3A_595, %parallel_loop3A_596 : i32
      %parallel_loop3A_598 = arith.index_cast %parallel_loop3A_597 : i32 to index
      %parallel_loop3A_599 = memref.load %arg11[%parallel_loop3A_598] : memref<1024xi32, #tpu.memory_space<smem>>
      %parallel_loop3A_600 = arith.index_cast %parallel_loop3A_599 : i32 to index
      %parallel_loop3A_601 = arith.constant 160 : index
      %parallel_loop3A_602 = tpu.vector_load %arg6[%parallel_loop3A_600, %parallel_loop3A_601] {strides = array<i32>} : memref<100x336xf32, #tpu.memory_space<vmem>>, vector<16xf32>,
      %parallel_loop3A_603 = arith.mulf %parallel_loop3A_602, %get3A_209 : vector<16xf32>
      %parallel_loop3A_604 = arith.addf %parallel_loop3A_593, %parallel_loop3A_603 : vector<16xf32>
      %parallel_loop3A_605 = arith.index_cast %parallel_loop3A_561 : i32 to index
      %parallel_loop3A_606 = arith.constant 160 : index
      %parallel_loop3A_607 = tpu.vector_load %arg9[%parallel_loop3A_605, %parallel_loop3A_606] {strides = array<i32>} : memref<256x336xf32, #tpu.memory_space<vmem>>, vector<16xf32>,
      tpu.vector_store %arg9[%parallel_loop3A_605, %parallel_loop3A_606], %parallel_loop3A_604 {strides = array<i32>} : memref<256x336xf32, #tpu.memory_space<vmem>>, vector<16xf32>,
    } {sc.loop_unroll_factor = 4 : i64, sc.parallel_access}
    %get3A_213 = arith.constant 0 : i32
    %get3A_214 = arith.index_cast %get3A_213 : i32 to index
    %get3A_215 = arith.constant 176 : index
    %get3A_216 = tpu.vector_load %arg7[%get3A_214, %get3A_215] {strides = array<i32>} : memref<4x336xf32, #tpu.memory_space<vmem>>, vector<16xf32>,
    %get3A_217 = arith.constant 1 : i32
    %get3A_218 = arith.index_cast %get3A_217 : i32 to index
    %get3A_219 = arith.constant 176 : index
    %get3A_220 = tpu.vector_load %arg7[%get3A_218, %get3A_219] {strides = array<i32>} : memref<4x336xf32, #tpu.memory_space<vmem>>, vector<16xf32>,
    %get3A_221 = arith.constant 2 : i32
    %get3A_222 = arith.index_cast %get3A_221 : i32 to index
    %get3A_223 = arith.constant 176 : index
    %get3A_224 = tpu.vector_load %arg7[%get3A_222, %get3A_223] {strides = array<i32>} : memref<4x336xf32, #tpu.memory_space<vmem>>, vector<16xf32>,
    %get3A_225 = arith.constant 3 : i32
    %get3A_226 = arith.index_cast %get3A_225 : i32 to index
    %get3A_227 = arith.constant 176 : index
    %get3A_228 = tpu.vector_load %arg7[%get3A_226, %get3A_227] {strides = array<i32>} : memref<4x336xf32, #tpu.memory_space<vmem>>, vector<16xf32>,
    %parallel_loop3A_229 = arith.constant 0 : i32
    %parallel_loop3A_230 = arith.constant 256 : i32
    %parallel_loop3A_231 = arith.constant 1 : i32
    scf.for %parallel_loop3A_561 = %parallel_loop3A_229 to %parallel_loop3A_230 step %parallel_loop3A_231  : i32 {
      %parallel_loop3A_562 = arith.constant 4 : i32
      %parallel_loop3A_563 = arith.muli %parallel_loop3A_562, %parallel_loop3A_561 : i32
      %parallel_loop3A_564 = arith.constant 0 : i32
      %parallel_loop3A_565 = arith.addi %parallel_loop3A_563, %parallel_loop3A_564 : i32
      %parallel_loop3A_566 = arith.index_cast %parallel_loop3A_565 : i32 to index
      %parallel_loop3A_567 = memref.load %arg11[%parallel_loop3A_566] : memref<1024xi32, #tpu.memory_space<smem>>
      %parallel_loop3A_568 = arith.index_cast %parallel_loop3A_567 : i32 to index
      %parallel_loop3A_569 = arith.constant 176 : index
      %parallel_loop3A_570 = tpu.vector_load %arg6[%parallel_loop3A_568, %parallel_loop3A_569] {strides = array<i32>} : memref<100x336xf32, #tpu.memory_space<vmem>>, vector<16xf32>,
      %parallel_loop3A_571 = arith.mulf %parallel_loop3A_570, %get3A_216 : vector<16xf32>
      %parallel_loop3A_572 = arith.constant 4 : i32
      %parallel_loop3A_573 = arith.muli %parallel_loop3A_572, %parallel_loop3A_561 : i32
      %parallel_loop3A_574 = arith.constant 1 : i32
      %parallel_loop3A_575 = arith.addi %parallel_loop3A_573, %parallel_loop3A_574 : i32
      %parallel_loop3A_576 = arith.index_cast %parallel_loop3A_575 : i32 to index
      %parallel_loop3A_577 = memref.load %arg11[%parallel_loop3A_576] : memref<1024xi32, #tpu.memory_space<smem>>
      %parallel_loop3A_578 = arith.index_cast %parallel_loop3A_577 : i32 to index
      %parallel_loop3A_579 = arith.constant 176 : index
      %parallel_loop3A_580 = tpu.vector_load %arg6[%parallel_loop3A_578, %parallel_loop3A_579] {strides = array<i32>} : memref<100x336xf32, #tpu.memory_space<vmem>>, vector<16xf32>,
      %parallel_loop3A_581 = arith.mulf %parallel_loop3A_580, %get3A_220 : vector<16xf32>
      %parallel_loop3A_582 = arith.addf %parallel_loop3A_571, %parallel_loop3A_581 : vector<16xf32>
      %parallel_loop3A_583 = arith.constant 4 : i32
      %parallel_loop3A_584 = arith.muli %parallel_loop3A_583, %parallel_loop3A_561 : i32
      %parallel_loop3A_585 = arith.constant 2 : i32
      %parallel_loop3A_586 = arith.addi %parallel_loop3A_584, %parallel_loop3A_585 : i32
      %parallel_loop3A_587 = arith.index_cast %parallel_loop3A_586 : i32 to index
      %parallel_loop3A_588 = memref.load %arg11[%parallel_loop3A_587] : memref<1024xi32, #tpu.memory_space<smem>>
      %parallel_loop3A_589 = arith.index_cast %parallel_loop3A_588 : i32 to index
      %parallel_loop3A_590 = arith.constant 176 : index
      %parallel_loop3A_591 = tpu.vector_load %arg6[%parallel_loop3A_589, %parallel_loop3A_590] {strides = array<i32>} : memref<100x336xf32, #tpu.memory_space<vmem>>, vector<16xf32>,
      %parallel_loop3A_592 = arith.mulf %parallel_loop3A_591, %get3A_224 : vector<16xf32>
      %parallel_loop3A_593 = arith.addf %parallel_loop3A_582, %parallel_loop3A_592 : vector<16xf32>
      %parallel_loop3A_594 = arith.constant 4 : i32
      %parallel_loop3A_595 = arith.muli %parallel_loop3A_594, %parallel_loop3A_561 : i32
      %parallel_loop3A_596 = arith.constant 3 : i32
      %parallel_loop3A_597 = arith.addi %parallel_loop3A_595, %parallel_loop3A_596 : i32
      %parallel_loop3A_598 = arith.index_cast %parallel_loop3A_597 : i32 to index
      %parallel_loop3A_599 = memref.load %arg11[%parallel_loop3A_598] : memref<1024xi32, #tpu.memory_space<smem>>
      %parallel_loop3A_600 = arith.index_cast %parallel_loop3A_599 : i32 to index
      %parallel_loop3A_601 = arith.constant 176 : index
      %parallel_loop3A_602 = tpu.vector_load %arg6[%parallel_loop3A_600, %parallel_loop3A_601] {strides = array<i32>} : memref<100x336xf32, #tpu.memory_space<vmem>>, vector<16xf32>,
      %parallel_loop3A_603 = arith.mulf %parallel_loop3A_602, %get3A_228 : vector<16xf32>
      %parallel_loop3A_604 = arith.addf %parallel_loop3A_593, %parallel_loop3A_603 : vector<16xf32>
      %parallel_loop3A_605 = arith.index_cast %parallel_loop3A_561 : i32 to index
      %parallel_loop3A_606 = arith.constant 176 : index
      %parallel_loop3A_607 = tpu.vector_load %arg9[%parallel_loop3A_605, %parallel_loop3A_606] {strides = array<i32>} : memref<256x336xf32, #tpu.memory_space<vmem>>, vector<16xf32>,
      tpu.vector_store %arg9[%parallel_loop3A_605, %parallel_loop3A_606], %parallel_loop3A_604 {strides = array<i32>} : memref<256x336xf32, #tpu.memory_space<vmem>>, vector<16xf32>,
    } {sc.loop_unroll_factor = 4 : i64, sc.parallel_access}
    %get3A_232 = arith.constant 0 : i32
    %get3A_233 = arith.index_cast %get3A_232 : i32 to index
    %get3A_234 = arith.constant 192 : index
    %get3A_235 = tpu.vector_load %arg7[%get3A_233, %get3A_234] {strides = array<i32>} : memref<4x336xf32, #tpu.memory_space<vmem>>, vector<16xf32>,
    %get3A_236 = arith.constant 1 : i32
    %get3A_237 = arith.index_cast %get3A_236 : i32 to index
    %get3A_238 = arith.constant 192 : index
    %get3A_239 = tpu.vector_load %arg7[%get3A_237, %get3A_238] {strides = array<i32>} : memref<4x336xf32, #tpu.memory_space<vmem>>, vector<16xf32>,
    %get3A_240 = arith.constant 2 : i32
    %get3A_241 = arith.index_cast %get3A_240 : i32 to index
    %get3A_242 = arith.constant 192 : index
    %get3A_243 = tpu.vector_load %arg7[%get3A_241, %get3A_242] {strides = array<i32>} : memref<4x336xf32, #tpu.memory_space<vmem>>, vector<16xf32>,
    %get3A_244 = arith.constant 3 : i32
    %get3A_245 = arith.index_cast %get3A_244 : i32 to index
    %get3A_246 = arith.constant 192 : index
    %get3A_247 = tpu.vector_load %arg7[%get3A_245, %get3A_246] {strides = array<i32>} : memref<4x336xf32, #tpu.memory_space<vmem>>, vector<16xf32>,
    %parallel_loop3A_248 = arith.constant 0 : i32
    %parallel_loop3A_249 = arith.constant 256 : i32
    %parallel_loop3A_250 = arith.constant 1 : i32
    scf.for %parallel_loop3A_561 = %parallel_loop3A_248 to %parallel_loop3A_249 step %parallel_loop3A_250  : i32 {
      %parallel_loop3A_562 = arith.constant 4 : i32
      %parallel_loop3A_563 = arith.muli %parallel_loop3A_562, %parallel_loop3A_561 : i32
      %parallel_loop3A_564 = arith.constant 0 : i32
      %parallel_loop3A_565 = arith.addi %parallel_loop3A_563, %parallel_loop3A_564 : i32
      %parallel_loop3A_566 = arith.index_cast %parallel_loop3A_565 : i32 to index
      %parallel_loop3A_567 = memref.load %arg11[%parallel_loop3A_566] : memref<1024xi32, #tpu.memory_space<smem>>
      %parallel_loop3A_568 = arith.index_cast %parallel_loop3A_567 : i32 to index
      %parallel_loop3A_569 = arith.constant 192 : index
      %parallel_loop3A_570 = tpu.vector_load %arg6[%parallel_loop3A_568, %parallel_loop3A_569] {strides = array<i32>} : memref<100x336xf32, #tpu.memory_space<vmem>>, vector<16xf32>,
      %parallel_loop3A_571 = arith.mulf %parallel_loop3A_570, %get3A_235 : vector<16xf32>
      %parallel_loop3A_572 = arith.constant 4 : i32
      %parallel_loop3A_573 = arith.muli %parallel_loop3A_572, %parallel_loop3A_561 : i32
      %parallel_loop3A_574 = arith.constant 1 : i32
      %parallel_loop3A_575 = arith.addi %parallel_loop3A_573, %parallel_loop3A_574 : i32
      %parallel_loop3A_576 = arith.index_cast %parallel_loop3A_575 : i32 to index
      %parallel_loop3A_577 = memref.load %arg11[%parallel_loop3A_576] : memref<1024xi32, #tpu.memory_space<smem>>
      %parallel_loop3A_578 = arith.index_cast %parallel_loop3A_577 : i32 to index
      %parallel_loop3A_579 = arith.constant 192 : index
      %parallel_loop3A_580 = tpu.vector_load %arg6[%parallel_loop3A_578, %parallel_loop3A_579] {strides = array<i32>} : memref<100x336xf32, #tpu.memory_space<vmem>>, vector<16xf32>,
      %parallel_loop3A_581 = arith.mulf %parallel_loop3A_580, %get3A_239 : vector<16xf32>
      %parallel_loop3A_582 = arith.addf %parallel_loop3A_571, %parallel_loop3A_581 : vector<16xf32>
      %parallel_loop3A_583 = arith.constant 4 : i32
      %parallel_loop3A_584 = arith.muli %parallel_loop3A_583, %parallel_loop3A_561 : i32
      %parallel_loop3A_585 = arith.constant 2 : i32
      %parallel_loop3A_586 = arith.addi %parallel_loop3A_584, %parallel_loop3A_585 : i32
      %parallel_loop3A_587 = arith.index_cast %parallel_loop3A_586 : i32 to index
      %parallel_loop3A_588 = memref.load %arg11[%parallel_loop3A_587] : memref<1024xi32, #tpu.memory_space<smem>>
      %parallel_loop3A_589 = arith.index_cast %parallel_loop3A_588 : i32 to index
      %parallel_loop3A_590 = arith.constant 192 : index
      %parallel_loop3A_591 = tpu.vector_load %arg6[%parallel_loop3A_589, %parallel_loop3A_590] {strides = array<i32>} : memref<100x336xf32, #tpu.memory_space<vmem>>, vector<16xf32>,
      %parallel_loop3A_592 = arith.mulf %parallel_loop3A_591, %get3A_243 : vector<16xf32>
      %parallel_loop3A_593 = arith.addf %parallel_loop3A_582, %parallel_loop3A_592 : vector<16xf32>
      %parallel_loop3A_594 = arith.constant 4 : i32
      %parallel_loop3A_595 = arith.muli %parallel_loop3A_594, %parallel_loop3A_561 : i32
      %parallel_loop3A_596 = arith.constant 3 : i32
      %parallel_loop3A_597 = arith.addi %parallel_loop3A_595, %parallel_loop3A_596 : i32
      %parallel_loop3A_598 = arith.index_cast %parallel_loop3A_597 : i32 to index
      %parallel_loop3A_599 = memref.load %arg11[%parallel_loop3A_598] : memref<1024xi32, #tpu.memory_space<smem>>
      %parallel_loop3A_600 = arith.index_cast %parallel_loop3A_599 : i32 to index
      %parallel_loop3A_601 = arith.constant 192 : index
      %parallel_loop3A_602 = tpu.vector_load %arg6[%parallel_loop3A_600, %parallel_loop3A_601] {strides = array<i32>} : memref<100x336xf32, #tpu.memory_space<vmem>>, vector<16xf32>,
      %parallel_loop3A_603 = arith.mulf %parallel_loop3A_602, %get3A_247 : vector<16xf32>
      %parallel_loop3A_604 = arith.addf %parallel_loop3A_593, %parallel_loop3A_603 : vector<16xf32>
      %parallel_loop3A_605 = arith.index_cast %parallel_loop3A_561 : i32 to index
      %parallel_loop3A_606 = arith.constant 192 : index
      %parallel_loop3A_607 = tpu.vector_load %arg9[%parallel_loop3A_605, %parallel_loop3A_606] {strides = array<i32>} : memref<256x336xf32, #tpu.memory_space<vmem>>, vector<16xf32>,
      tpu.vector_store %arg9[%parallel_loop3A_605, %parallel_loop3A_606], %parallel_loop3A_604 {strides = array<i32>} : memref<256x336xf32, #tpu.memory_space<vmem>>, vector<16xf32>,
    } {sc.loop_unroll_factor = 4 : i64, sc.parallel_access}
    %get3A_251 = arith.constant 0 : i32
    %get3A_252 = arith.index_cast %get3A_251 : i32 to index
    %get3A_253 = arith.constant 208 : index
    %get3A_254 = tpu.vector_load %arg7[%get3A_252, %get3A_253] {strides = array<i32>} : memref<4x336xf32, #tpu.memory_space<vmem>>, vector<16xf32>,
    %get3A_255 = arith.constant 1 : i32
    %get3A_256 = arith.index_cast %get3A_255 : i32 to index
    %get3A_257 = arith.constant 208 : index
    %get3A_258 = tpu.vector_load %arg7[%get3A_256, %get3A_257] {strides = array<i32>} : memref<4x336xf32, #tpu.memory_space<vmem>>, vector<16xf32>,
    %get3A_259 = arith.constant 2 : i32
    %get3A_260 = arith.index_cast %get3A_259 : i32 to index
    %get3A_261 = arith.constant 208 : index
    %get3A_262 = tpu.vector_load %arg7[%get3A_260, %get3A_261] {strides = array<i32>} : memref<4x336xf32, #tpu.memory_space<vmem>>, vector<16xf32>,
    %get3A_263 = arith.constant 3 : i32
    %get3A_264 = arith.index_cast %get3A_263 : i32 to index
    %get3A_265 = arith.constant 208 : index
    %get3A_266 = tpu.vector_load %arg7[%get3A_264, %get3A_265] {strides = array<i32>} : memref<4x336xf32, #tpu.memory_space<vmem>>, vector<16xf32>,
    %parallel_loop3A_267 = arith.constant 0 : i32
    %parallel_loop3A_268 = arith.constant 256 : i32
    %parallel_loop3A_269 = arith.constant 1 : i32
    scf.for %parallel_loop3A_561 = %parallel_loop3A_267 to %parallel_loop3A_268 step %parallel_loop3A_269  : i32 {
      %parallel_loop3A_562 = arith.constant 4 : i32
      %parallel_loop3A_563 = arith.muli %parallel_loop3A_562, %parallel_loop3A_561 : i32
      %parallel_loop3A_564 = arith.constant 0 : i32
      %parallel_loop3A_565 = arith.addi %parallel_loop3A_563, %parallel_loop3A_564 : i32
      %parallel_loop3A_566 = arith.index_cast %parallel_loop3A_565 : i32 to index
      %parallel_loop3A_567 = memref.load %arg11[%parallel_loop3A_566] : memref<1024xi32, #tpu.memory_space<smem>>
      %parallel_loop3A_568 = arith.index_cast %parallel_loop3A_567 : i32 to index
      %parallel_loop3A_569 = arith.constant 208 : index
      %parallel_loop3A_570 = tpu.vector_load %arg6[%parallel_loop3A_568, %parallel_loop3A_569] {strides = array<i32>} : memref<100x336xf32, #tpu.memory_space<vmem>>, vector<16xf32>,
      %parallel_loop3A_571 = arith.mulf %parallel_loop3A_570, %get3A_254 : vector<16xf32>
      %parallel_loop3A_572 = arith.constant 4 : i32
      %parallel_loop3A_573 = arith.muli %parallel_loop3A_572, %parallel_loop3A_561 : i32
      %parallel_loop3A_574 = arith.constant 1 : i32
      %parallel_loop3A_575 = arith.addi %parallel_loop3A_573, %parallel_loop3A_574 : i32
      %parallel_loop3A_576 = arith.index_cast %parallel_loop3A_575 : i32 to index
      %parallel_loop3A_577 = memref.load %arg11[%parallel_loop3A_576] : memref<1024xi32, #tpu.memory_space<smem>>
      %parallel_loop3A_578 = arith.index_cast %parallel_loop3A_577 : i32 to index
      %parallel_loop3A_579 = arith.constant 208 : index
      %parallel_loop3A_580 = tpu.vector_load %arg6[%parallel_loop3A_578, %parallel_loop3A_579] {strides = array<i32>} : memref<100x336xf32, #tpu.memory_space<vmem>>, vector<16xf32>,
      %parallel_loop3A_581 = arith.mulf %parallel_loop3A_580, %get3A_258 : vector<16xf32>
      %parallel_loop3A_582 = arith.addf %parallel_loop3A_571, %parallel_loop3A_581 : vector<16xf32>
      %parallel_loop3A_583 = arith.constant 4 : i32
      %parallel_loop3A_584 = arith.muli %parallel_loop3A_583, %parallel_loop3A_561 : i32
      %parallel_loop3A_585 = arith.constant 2 : i32
      %parallel_loop3A_586 = arith.addi %parallel_loop3A_584, %parallel_loop3A_585 : i32
      %parallel_loop3A_587 = arith.index_cast %parallel_loop3A_586 : i32 to index
      %parallel_loop3A_588 = memref.load %arg11[%parallel_loop3A_587] : memref<1024xi32, #tpu.memory_space<smem>>
      %parallel_loop3A_589 = arith.index_cast %parallel_loop3A_588 : i32 to index
      %parallel_loop3A_590 = arith.constant 208 : index
      %parallel_loop3A_591 = tpu.vector_load %arg6[%parallel_loop3A_589, %parallel_loop3A_590] {strides = array<i32>} : memref<100x336xf32, #tpu.memory_space<vmem>>, vector<16xf32>,
      %parallel_loop3A_592 = arith.mulf %parallel_loop3A_591, %get3A_262 : vector<16xf32>
      %parallel_loop3A_593 = arith.addf %parallel_loop3A_582, %parallel_loop3A_592 : vector<16xf32>
      %parallel_loop3A_594 = arith.constant 4 : i32
      %parallel_loop3A_595 = arith.muli %parallel_loop3A_594, %parallel_loop3A_561 : i32
      %parallel_loop3A_596 = arith.constant 3 : i32
      %parallel_loop3A_597 = arith.addi %parallel_loop3A_595, %parallel_loop3A_596 : i32
      %parallel_loop3A_598 = arith.index_cast %parallel_loop3A_597 : i32 to index
      %parallel_loop3A_599 = memref.load %arg11[%parallel_loop3A_598] : memref<1024xi32, #tpu.memory_space<smem>>
      %parallel_loop3A_600 = arith.index_cast %parallel_loop3A_599 : i32 to index
      %parallel_loop3A_601 = arith.constant 208 : index
      %parallel_loop3A_602 = tpu.vector_load %arg6[%parallel_loop3A_600, %parallel_loop3A_601] {strides = array<i32>} : memref<100x336xf32, #tpu.memory_space<vmem>>, vector<16xf32>,
      %parallel_loop3A_603 = arith.mulf %parallel_loop3A_602, %get3A_266 : vector<16xf32>
      %parallel_loop3A_604 = arith.addf %parallel_loop3A_593, %parallel_loop3A_603 : vector<16xf32>
      %parallel_loop3A_605 = arith.index_cast %parallel_loop3A_561 : i32 to index
      %parallel_loop3A_606 = arith.constant 208 : index
      %parallel_loop3A_607 = tpu.vector_load %arg9[%parallel_loop3A_605, %parallel_loop3A_606] {strides = array<i32>} : memref<256x336xf32, #tpu.memory_space<vmem>>, vector<16xf32>,
      tpu.vector_store %arg9[%parallel_loop3A_605, %parallel_loop3A_606], %parallel_loop3A_604 {strides = array<i32>} : memref<256x336xf32, #tpu.memory_space<vmem>>, vector<16xf32>,
    } {sc.loop_unroll_factor = 4 : i64, sc.parallel_access}
    %get3A_270 = arith.constant 0 : i32
    %get3A_271 = arith.index_cast %get3A_270 : i32 to index
    %get3A_272 = arith.constant 224 : index
    %get3A_273 = tpu.vector_load %arg7[%get3A_271, %get3A_272] {strides = array<i32>} : memref<4x336xf32, #tpu.memory_space<vmem>>, vector<16xf32>,
    %get3A_274 = arith.constant 1 : i32
    %get3A_275 = arith.index_cast %get3A_274 : i32 to index
    %get3A_276 = arith.constant 224 : index
    %get3A_277 = tpu.vector_load %arg7[%get3A_275, %get3A_276] {strides = array<i32>} : memref<4x336xf32, #tpu.memory_space<vmem>>, vector<16xf32>,
    %get3A_278 = arith.constant 2 : i32
    %get3A_279 = arith.index_cast %get3A_278 : i32 to index
    %get3A_280 = arith.constant 224 : index
    %get3A_281 = tpu.vector_load %arg7[%get3A_279, %get3A_280] {strides = array<i32>} : memref<4x336xf32, #tpu.memory_space<vmem>>, vector<16xf32>,
    %get3A_282 = arith.constant 3 : i32
    %get3A_283 = arith.index_cast %get3A_282 : i32 to index
    %get3A_284 = arith.constant 224 : index
    %get3A_285 = tpu.vector_load %arg7[%get3A_283, %get3A_284] {strides = array<i32>} : memref<4x336xf32, #tpu.memory_space<vmem>>, vector<16xf32>,
    %parallel_loop3A_286 = arith.constant 0 : i32
    %parallel_loop3A_287 = arith.constant 256 : i32
    %parallel_loop3A_288 = arith.constant 1 : i32
    scf.for %parallel_loop3A_561 = %parallel_loop3A_286 to %parallel_loop3A_287 step %parallel_loop3A_288  : i32 {
      %parallel_loop3A_562 = arith.constant 4 : i32
      %parallel_loop3A_563 = arith.muli %parallel_loop3A_562, %parallel_loop3A_561 : i32
      %parallel_loop3A_564 = arith.constant 0 : i32
      %parallel_loop3A_565 = arith.addi %parallel_loop3A_563, %parallel_loop3A_564 : i32
      %parallel_loop3A_566 = arith.index_cast %parallel_loop3A_565 : i32 to index
      %parallel_loop3A_567 = memref.load %arg11[%parallel_loop3A_566] : memref<1024xi32, #tpu.memory_space<smem>>
      %parallel_loop3A_568 = arith.index_cast %parallel_loop3A_567 : i32 to index
      %parallel_loop3A_569 = arith.constant 224 : index
      %parallel_loop3A_570 = tpu.vector_load %arg6[%parallel_loop3A_568, %parallel_loop3A_569] {strides = array<i32>} : memref<100x336xf32, #tpu.memory_space<vmem>>, vector<16xf32>,
      %parallel_loop3A_571 = arith.mulf %parallel_loop3A_570, %get3A_273 : vector<16xf32>
      %parallel_loop3A_572 = arith.constant 4 : i32
      %parallel_loop3A_573 = arith.muli %parallel_loop3A_572, %parallel_loop3A_561 : i32
      %parallel_loop3A_574 = arith.constant 1 : i32
      %parallel_loop3A_575 = arith.addi %parallel_loop3A_573, %parallel_loop3A_574 : i32
      %parallel_loop3A_576 = arith.index_cast %parallel_loop3A_575 : i32 to index
      %parallel_loop3A_577 = memref.load %arg11[%parallel_loop3A_576] : memref<1024xi32, #tpu.memory_space<smem>>
      %parallel_loop3A_578 = arith.index_cast %parallel_loop3A_577 : i32 to index
      %parallel_loop3A_579 = arith.constant 224 : index
      %parallel_loop3A_580 = tpu.vector_load %arg6[%parallel_loop3A_578, %parallel_loop3A_579] {strides = array<i32>} : memref<100x336xf32, #tpu.memory_space<vmem>>, vector<16xf32>,
      %parallel_loop3A_581 = arith.mulf %parallel_loop3A_580, %get3A_277 : vector<16xf32>
      %parallel_loop3A_582 = arith.addf %parallel_loop3A_571, %parallel_loop3A_581 : vector<16xf32>
      %parallel_loop3A_583 = arith.constant 4 : i32
      %parallel_loop3A_584 = arith.muli %parallel_loop3A_583, %parallel_loop3A_561 : i32
      %parallel_loop3A_585 = arith.constant 2 : i32
      %parallel_loop3A_586 = arith.addi %parallel_loop3A_584, %parallel_loop3A_585 : i32
      %parallel_loop3A_587 = arith.index_cast %parallel_loop3A_586 : i32 to index
      %parallel_loop3A_588 = memref.load %arg11[%parallel_loop3A_587] : memref<1024xi32, #tpu.memory_space<smem>>
      %parallel_loop3A_589 = arith.index_cast %parallel_loop3A_588 : i32 to index
      %parallel_loop3A_590 = arith.constant 224 : index
      %parallel_loop3A_591 = tpu.vector_load %arg6[%parallel_loop3A_589, %parallel_loop3A_590] {strides = array<i32>} : memref<100x336xf32, #tpu.memory_space<vmem>>, vector<16xf32>,
      %parallel_loop3A_592 = arith.mulf %parallel_loop3A_591, %get3A_281 : vector<16xf32>
      %parallel_loop3A_593 = arith.addf %parallel_loop3A_582, %parallel_loop3A_592 : vector<16xf32>
      %parallel_loop3A_594 = arith.constant 4 : i32
      %parallel_loop3A_595 = arith.muli %parallel_loop3A_594, %parallel_loop3A_561 : i32
      %parallel_loop3A_596 = arith.constant 3 : i32
      %parallel_loop3A_597 = arith.addi %parallel_loop3A_595, %parallel_loop3A_596 : i32
      %parallel_loop3A_598 = arith.index_cast %parallel_loop3A_597 : i32 to index
      %parallel_loop3A_599 = memref.load %arg11[%parallel_loop3A_598] : memref<1024xi32, #tpu.memory_space<smem>>
      %parallel_loop3A_600 = arith.index_cast %parallel_loop3A_599 : i32 to index
      %parallel_loop3A_601 = arith.constant 224 : index
      %parallel_loop3A_602 = tpu.vector_load %arg6[%parallel_loop3A_600, %parallel_loop3A_601] {strides = array<i32>} : memref<100x336xf32, #tpu.memory_space<vmem>>, vector<16xf32>,
      %parallel_loop3A_603 = arith.mulf %parallel_loop3A_602, %get3A_285 : vector<16xf32>
      %parallel_loop3A_604 = arith.addf %parallel_loop3A_593, %parallel_loop3A_603 : vector<16xf32>
      %parallel_loop3A_605 = arith.index_cast %parallel_loop3A_561 : i32 to index
      %parallel_loop3A_606 = arith.constant 224 : index
      %parallel_loop3A_607 = tpu.vector_load %arg9[%parallel_loop3A_605, %parallel_loop3A_606] {strides = array<i32>} : memref<256x336xf32, #tpu.memory_space<vmem>>, vector<16xf32>,
      tpu.vector_store %arg9[%parallel_loop3A_605, %parallel_loop3A_606], %parallel_loop3A_604 {strides = array<i32>} : memref<256x336xf32, #tpu.memory_space<vmem>>, vector<16xf32>,
    } {sc.loop_unroll_factor = 4 : i64, sc.parallel_access}
    %get3A_289 = arith.constant 0 : i32
    %get3A_290 = arith.index_cast %get3A_289 : i32 to index
    %get3A_291 = arith.constant 240 : index
    %get3A_292 = tpu.vector_load %arg7[%get3A_290, %get3A_291] {strides = array<i32>} : memref<4x336xf32, #tpu.memory_space<vmem>>, vector<16xf32>,
    %get3A_293 = arith.constant 1 : i32
    %get3A_294 = arith.index_cast %get3A_293 : i32 to index
    %get3A_295 = arith.constant 240 : index
    %get3A_296 = tpu.vector_load %arg7[%get3A_294, %get3A_295] {strides = array<i32>} : memref<4x336xf32, #tpu.memory_space<vmem>>, vector<16xf32>,
    %get3A_297 = arith.constant 2 : i32
    %get3A_298 = arith.index_cast %get3A_297 : i32 to index
    %get3A_299 = arith.constant 240 : index
    %get3A_300 = tpu.vector_load %arg7[%get3A_298, %get3A_299] {strides = array<i32>} : memref<4x336xf32, #tpu.memory_space<vmem>>, vector<16xf32>,
    %get3A_301 = arith.constant 3 : i32
    %get3A_302 = arith.index_cast %get3A_301 : i32 to index
    %get3A_303 = arith.constant 240 : index
    %get3A_304 = tpu.vector_load %arg7[%get3A_302, %get3A_303] {strides = array<i32>} : memref<4x336xf32, #tpu.memory_space<vmem>>, vector<16xf32>,
    %parallel_loop3A_305 = arith.constant 0 : i32
    %parallel_loop3A_306 = arith.constant 256 : i32
    %parallel_loop3A_307 = arith.constant 1 : i32
    scf.for %parallel_loop3A_561 = %parallel_loop3A_305 to %parallel_loop3A_306 step %parallel_loop3A_307  : i32 {
      %parallel_loop3A_562 = arith.constant 4 : i32
      %parallel_loop3A_563 = arith.muli %parallel_loop3A_562, %parallel_loop3A_561 : i32
      %parallel_loop3A_564 = arith.constant 0 : i32
      %parallel_loop3A_565 = arith.addi %parallel_loop3A_563, %parallel_loop3A_564 : i32
      %parallel_loop3A_566 = arith.index_cast %parallel_loop3A_565 : i32 to index
      %parallel_loop3A_567 = memref.load %arg11[%parallel_loop3A_566] : memref<1024xi32, #tpu.memory_space<smem>>
      %parallel_loop3A_568 = arith.index_cast %parallel_loop3A_567 : i32 to index
      %parallel_loop3A_569 = arith.constant 240 : index
      %parallel_loop3A_570 = tpu.vector_load %arg6[%parallel_loop3A_568, %parallel_loop3A_569] {strides = array<i32>} : memref<100x336xf32, #tpu.memory_space<vmem>>, vector<16xf32>,
      %parallel_loop3A_571 = arith.mulf %parallel_loop3A_570, %get3A_292 : vector<16xf32>
      %parallel_loop3A_572 = arith.constant 4 : i32
      %parallel_loop3A_573 = arith.muli %parallel_loop3A_572, %parallel_loop3A_561 : i32
      %parallel_loop3A_574 = arith.constant 1 : i32
      %parallel_loop3A_575 = arith.addi %parallel_loop3A_573, %parallel_loop3A_574 : i32
      %parallel_loop3A_576 = arith.index_cast %parallel_loop3A_575 : i32 to index
      %parallel_loop3A_577 = memref.load %arg11[%parallel_loop3A_576] : memref<1024xi32, #tpu.memory_space<smem>>
      %parallel_loop3A_578 = arith.index_cast %parallel_loop3A_577 : i32 to index
      %parallel_loop3A_579 = arith.constant 240 : index
      %parallel_loop3A_580 = tpu.vector_load %arg6[%parallel_loop3A_578, %parallel_loop3A_579] {strides = array<i32>} : memref<100x336xf32, #tpu.memory_space<vmem>>, vector<16xf32>,
      %parallel_loop3A_581 = arith.mulf %parallel_loop3A_580, %get3A_296 : vector<16xf32>
      %parallel_loop3A_582 = arith.addf %parallel_loop3A_571, %parallel_loop3A_581 : vector<16xf32>
      %parallel_loop3A_583 = arith.constant 4 : i32
      %parallel_loop3A_584 = arith.muli %parallel_loop3A_583, %parallel_loop3A_561 : i32
      %parallel_loop3A_585 = arith.constant 2 : i32
      %parallel_loop3A_586 = arith.addi %parallel_loop3A_584, %parallel_loop3A_585 : i32
      %parallel_loop3A_587 = arith.index_cast %parallel_loop3A_586 : i32 to index
      %parallel_loop3A_588 = memref.load %arg11[%parallel_loop3A_587] : memref<1024xi32, #tpu.memory_space<smem>>
      %parallel_loop3A_589 = arith.index_cast %parallel_loop3A_588 : i32 to index
      %parallel_loop3A_590 = arith.constant 240 : index
      %parallel_loop3A_591 = tpu.vector_load %arg6[%parallel_loop3A_589, %parallel_loop3A_590] {strides = array<i32>} : memref<100x336xf32, #tpu.memory_space<vmem>>, vector<16xf32>,
      %parallel_loop3A_592 = arith.mulf %parallel_loop3A_591, %get3A_300 : vector<16xf32>
      %parallel_loop3A_593 = arith.addf %parallel_loop3A_582, %parallel_loop3A_592 : vector<16xf32>
      %parallel_loop3A_594 = arith.constant 4 : i32
      %parallel_loop3A_595 = arith.muli %parallel_loop3A_594, %parallel_loop3A_561 : i32
      %parallel_loop3A_596 = arith.constant 3 : i32
      %parallel_loop3A_597 = arith.addi %parallel_loop3A_595, %parallel_loop3A_596 : i32
      %parallel_loop3A_598 = arith.index_cast %parallel_loop3A_597 : i32 to index
      %parallel_loop3A_599 = memref.load %arg11[%parallel_loop3A_598] : memref<1024xi32, #tpu.memory_space<smem>>
      %parallel_loop3A_600 = arith.index_cast %parallel_loop3A_599 : i32 to index
      %parallel_loop3A_601 = arith.constant 240 : index
      %parallel_loop3A_602 = tpu.vector_load %arg6[%parallel_loop3A_600, %parallel_loop3A_601] {strides = array<i32>} : memref<100x336xf32, #tpu.memory_space<vmem>>, vector<16xf32>,
      %parallel_loop3A_603 = arith.mulf %parallel_loop3A_602, %get3A_304 : vector<16xf32>
      %parallel_loop3A_604 = arith.addf %parallel_loop3A_593, %parallel_loop3A_603 : vector<16xf32>
      %parallel_loop3A_605 = arith.index_cast %parallel_loop3A_561 : i32 to index
      %parallel_loop3A_606 = arith.constant 240 : index
      %parallel_loop3A_607 = tpu.vector_load %arg9[%parallel_loop3A_605, %parallel_loop3A_606] {strides = array<i32>} : memref<256x336xf32, #tpu.memory_space<vmem>>, vector<16xf32>,
      tpu.vector_store %arg9[%parallel_loop3A_605, %parallel_loop3A_606], %parallel_loop3A_604 {strides = array<i32>} : memref<256x336xf32, #tpu.memory_space<vmem>>, vector<16xf32>,
    } {sc.loop_unroll_factor = 4 : i64, sc.parallel_access}
    %get3A_308 = arith.constant 0 : i32
    %get3A_309 = arith.index_cast %get3A_308 : i32 to index
    %get3A_310 = arith.constant 256 : index
    %get3A_311 = tpu.vector_load %arg7[%get3A_309, %get3A_310] {strides = array<i32>} : memref<4x336xf32, #tpu.memory_space<vmem>>, vector<16xf32>,
    %get3A_312 = arith.constant 1 : i32
    %get3A_313 = arith.index_cast %get3A_312 : i32 to index
    %get3A_314 = arith.constant 256 : index
    %get3A_315 = tpu.vector_load %arg7[%get3A_313, %get3A_314] {strides = array<i32>} : memref<4x336xf32, #tpu.memory_space<vmem>>, vector<16xf32>,
    %get3A_316 = arith.constant 2 : i32
    %get3A_317 = arith.index_cast %get3A_316 : i32 to index
    %get3A_318 = arith.constant 256 : index
    %get3A_319 = tpu.vector_load %arg7[%get3A_317, %get3A_318] {strides = array<i32>} : memref<4x336xf32, #tpu.memory_space<vmem>>, vector<16xf32>,
    %get3A_320 = arith.constant 3 : i32
    %get3A_321 = arith.index_cast %get3A_320 : i32 to index
    %get3A_322 = arith.constant 256 : index
    %get3A_323 = tpu.vector_load %arg7[%get3A_321, %get3A_322] {strides = array<i32>} : memref<4x336xf32, #tpu.memory_space<vmem>>, vector<16xf32>,
    %parallel_loop3A_324 = arith.constant 0 : i32
    %parallel_loop3A_325 = arith.constant 256 : i32
    %parallel_loop3A_326 = arith.constant 1 : i32
    scf.for %parallel_loop3A_561 = %parallel_loop3A_324 to %parallel_loop3A_325 step %parallel_loop3A_326  : i32 {
      %parallel_loop3A_562 = arith.constant 4 : i32
      %parallel_loop3A_563 = arith.muli %parallel_loop3A_562, %parallel_loop3A_561 : i32
      %parallel_loop3A_564 = arith.constant 0 : i32
      %parallel_loop3A_565 = arith.addi %parallel_loop3A_563, %parallel_loop3A_564 : i32
      %parallel_loop3A_566 = arith.index_cast %parallel_loop3A_565 : i32 to index
      %parallel_loop3A_567 = memref.load %arg11[%parallel_loop3A_566] : memref<1024xi32, #tpu.memory_space<smem>>
      %parallel_loop3A_568 = arith.index_cast %parallel_loop3A_567 : i32 to index
      %parallel_loop3A_569 = arith.constant 256 : index
      %parallel_loop3A_570 = tpu.vector_load %arg6[%parallel_loop3A_568, %parallel_loop3A_569] {strides = array<i32>} : memref<100x336xf32, #tpu.memory_space<vmem>>, vector<16xf32>,
      %parallel_loop3A_571 = arith.mulf %parallel_loop3A_570, %get3A_311 : vector<16xf32>
      %parallel_loop3A_572 = arith.constant 4 : i32
      %parallel_loop3A_573 = arith.muli %parallel_loop3A_572, %parallel_loop3A_561 : i32
      %parallel_loop3A_574 = arith.constant 1 : i32
      %parallel_loop3A_575 = arith.addi %parallel_loop3A_573, %parallel_loop3A_574 : i32
      %parallel_loop3A_576 = arith.index_cast %parallel_loop3A_575 : i32 to index
      %parallel_loop3A_577 = memref.load %arg11[%parallel_loop3A_576] : memref<1024xi32, #tpu.memory_space<smem>>
      %parallel_loop3A_578 = arith.index_cast %parallel_loop3A_577 : i32 to index
      %parallel_loop3A_579 = arith.constant 256 : index
      %parallel_loop3A_580 = tpu.vector_load %arg6[%parallel_loop3A_578, %parallel_loop3A_579] {strides = array<i32>} : memref<100x336xf32, #tpu.memory_space<vmem>>, vector<16xf32>,
      %parallel_loop3A_581 = arith.mulf %parallel_loop3A_580, %get3A_315 : vector<16xf32>
      %parallel_loop3A_582 = arith.addf %parallel_loop3A_571, %parallel_loop3A_581 : vector<16xf32>
      %parallel_loop3A_583 = arith.constant 4 : i32
      %parallel_loop3A_584 = arith.muli %parallel_loop3A_583, %parallel_loop3A_561 : i32
      %parallel_loop3A_585 = arith.constant 2 : i32
      %parallel_loop3A_586 = arith.addi %parallel_loop3A_584, %parallel_loop3A_585 : i32
      %parallel_loop3A_587 = arith.index_cast %parallel_loop3A_586 : i32 to index
      %parallel_loop3A_588 = memref.load %arg11[%parallel_loop3A_587] : memref<1024xi32, #tpu.memory_space<smem>>
      %parallel_loop3A_589 = arith.index_cast %parallel_loop3A_588 : i32 to index
      %parallel_loop3A_590 = arith.constant 256 : index
      %parallel_loop3A_591 = tpu.vector_load %arg6[%parallel_loop3A_589, %parallel_loop3A_590] {strides = array<i32>} : memref<100x336xf32, #tpu.memory_space<vmem>>, vector<16xf32>,
      %parallel_loop3A_592 = arith.mulf %parallel_loop3A_591, %get3A_319 : vector<16xf32>
      %parallel_loop3A_593 = arith.addf %parallel_loop3A_582, %parallel_loop3A_592 : vector<16xf32>
      %parallel_loop3A_594 = arith.constant 4 : i32
      %parallel_loop3A_595 = arith.muli %parallel_loop3A_594, %parallel_loop3A_561 : i32
      %parallel_loop3A_596 = arith.constant 3 : i32
      %parallel_loop3A_597 = arith.addi %parallel_loop3A_595, %parallel_loop3A_596 : i32
      %parallel_loop3A_598 = arith.index_cast %parallel_loop3A_597 : i32 to index
      %parallel_loop3A_599 = memref.load %arg11[%parallel_loop3A_598] : memref<1024xi32, #tpu.memory_space<smem>>
      %parallel_loop3A_600 = arith.index_cast %parallel_loop3A_599 : i32 to index
      %parallel_loop3A_601 = arith.constant 256 : index
      %parallel_loop3A_602 = tpu.vector_load %arg6[%parallel_loop3A_600, %parallel_loop3A_601] {strides = array<i32>} : memref<100x336xf32, #tpu.memory_space<vmem>>, vector<16xf32>,
      %parallel_loop3A_603 = arith.mulf %parallel_loop3A_602, %get3A_323 : vector<16xf32>
      %parallel_loop3A_604 = arith.addf %parallel_loop3A_593, %parallel_loop3A_603 : vector<16xf32>
      %parallel_loop3A_605 = arith.index_cast %parallel_loop3A_561 : i32 to index
      %parallel_loop3A_606 = arith.constant 256 : index
      %parallel_loop3A_607 = tpu.vector_load %arg9[%parallel_loop3A_605, %parallel_loop3A_606] {strides = array<i32>} : memref<256x336xf32, #tpu.memory_space<vmem>>, vector<16xf32>,
      tpu.vector_store %arg9[%parallel_loop3A_605, %parallel_loop3A_606], %parallel_loop3A_604 {strides = array<i32>} : memref<256x336xf32, #tpu.memory_space<vmem>>, vector<16xf32>,
    } {sc.loop_unroll_factor = 4 : i64, sc.parallel_access}
    %get3A_327 = arith.constant 0 : i32
    %get3A_328 = arith.index_cast %get3A_327 : i32 to index
    %get3A_329 = arith.constant 272 : index
    %get3A_330 = tpu.vector_load %arg7[%get3A_328, %get3A_329] {strides = array<i32>} : memref<4x336xf32, #tpu.memory_space<vmem>>, vector<16xf32>,
    %get3A_331 = arith.constant 1 : i32
    %get3A_332 = arith.index_cast %get3A_331 : i32 to index
    %get3A_333 = arith.constant 272 : index
    %get3A_334 = tpu.vector_load %arg7[%get3A_332, %get3A_333] {strides = array<i32>} : memref<4x336xf32, #tpu.memory_space<vmem>>, vector<16xf32>,
    %get3A_335 = arith.constant 2 : i32
    %get3A_336 = arith.index_cast %get3A_335 : i32 to index
    %get3A_337 = arith.constant 272 : index
    %get3A_338 = tpu.vector_load %arg7[%get3A_336, %get3A_337] {strides = array<i32>} : memref<4x336xf32, #tpu.memory_space<vmem>>, vector<16xf32>,
    %get3A_339 = arith.constant 3 : i32
    %get3A_340 = arith.index_cast %get3A_339 : i32 to index
    %get3A_341 = arith.constant 272 : index
    %get3A_342 = tpu.vector_load %arg7[%get3A_340, %get3A_341] {strides = array<i32>} : memref<4x336xf32, #tpu.memory_space<vmem>>, vector<16xf32>,
    %parallel_loop3A_343 = arith.constant 0 : i32
    %parallel_loop3A_344 = arith.constant 256 : i32
    %parallel_loop3A_345 = arith.constant 1 : i32
    scf.for %parallel_loop3A_561 = %parallel_loop3A_343 to %parallel_loop3A_344 step %parallel_loop3A_345  : i32 {
      %parallel_loop3A_562 = arith.constant 4 : i32
      %parallel_loop3A_563 = arith.muli %parallel_loop3A_562, %parallel_loop3A_561 : i32
      %parallel_loop3A_564 = arith.constant 0 : i32
      %parallel_loop3A_565 = arith.addi %parallel_loop3A_563, %parallel_loop3A_564 : i32
      %parallel_loop3A_566 = arith.index_cast %parallel_loop3A_565 : i32 to index
      %parallel_loop3A_567 = memref.load %arg11[%parallel_loop3A_566] : memref<1024xi32, #tpu.memory_space<smem>>
      %parallel_loop3A_568 = arith.index_cast %parallel_loop3A_567 : i32 to index
      %parallel_loop3A_569 = arith.constant 272 : index
      %parallel_loop3A_570 = tpu.vector_load %arg6[%parallel_loop3A_568, %parallel_loop3A_569] {strides = array<i32>} : memref<100x336xf32, #tpu.memory_space<vmem>>, vector<16xf32>,
      %parallel_loop3A_571 = arith.mulf %parallel_loop3A_570, %get3A_330 : vector<16xf32>
      %parallel_loop3A_572 = arith.constant 4 : i32
      %parallel_loop3A_573 = arith.muli %parallel_loop3A_572, %parallel_loop3A_561 : i32
      %parallel_loop3A_574 = arith.constant 1 : i32
      %parallel_loop3A_575 = arith.addi %parallel_loop3A_573, %parallel_loop3A_574 : i32
      %parallel_loop3A_576 = arith.index_cast %parallel_loop3A_575 : i32 to index
      %parallel_loop3A_577 = memref.load %arg11[%parallel_loop3A_576] : memref<1024xi32, #tpu.memory_space<smem>>
      %parallel_loop3A_578 = arith.index_cast %parallel_loop3A_577 : i32 to index
      %parallel_loop3A_579 = arith.constant 272 : index
      %parallel_loop3A_580 = tpu.vector_load %arg6[%parallel_loop3A_578, %parallel_loop3A_579] {strides = array<i32>} : memref<100x336xf32, #tpu.memory_space<vmem>>, vector<16xf32>,
      %parallel_loop3A_581 = arith.mulf %parallel_loop3A_580, %get3A_334 : vector<16xf32>
      %parallel_loop3A_582 = arith.addf %parallel_loop3A_571, %parallel_loop3A_581 : vector<16xf32>
      %parallel_loop3A_583 = arith.constant 4 : i32
      %parallel_loop3A_584 = arith.muli %parallel_loop3A_583, %parallel_loop3A_561 : i32
      %parallel_loop3A_585 = arith.constant 2 : i32
      %parallel_loop3A_586 = arith.addi %parallel_loop3A_584, %parallel_loop3A_585 : i32
      %parallel_loop3A_587 = arith.index_cast %parallel_loop3A_586 : i32 to index
      %parallel_loop3A_588 = memref.load %arg11[%parallel_loop3A_587] : memref<1024xi32, #tpu.memory_space<smem>>
      %parallel_loop3A_589 = arith.index_cast %parallel_loop3A_588 : i32 to index
      %parallel_loop3A_590 = arith.constant 272 : index
      %parallel_loop3A_591 = tpu.vector_load %arg6[%parallel_loop3A_589, %parallel_loop3A_590] {strides = array<i32>} : memref<100x336xf32, #tpu.memory_space<vmem>>, vector<16xf32>,
      %parallel_loop3A_592 = arith.mulf %parallel_loop3A_591, %get3A_338 : vector<16xf32>
      %parallel_loop3A_593 = arith.addf %parallel_loop3A_582, %parallel_loop3A_592 : vector<16xf32>
      %parallel_loop3A_594 = arith.constant 4 : i32
      %parallel_loop3A_595 = arith.muli %parallel_loop3A_594, %parallel_loop3A_561 : i32
      %parallel_loop3A_596 = arith.constant 3 : i32
      %parallel_loop3A_597 = arith.addi %parallel_loop3A_595, %parallel_loop3A_596 : i32
      %parallel_loop3A_598 = arith.index_cast %parallel_loop3A_597 : i32 to index
      %parallel_loop3A_599 = memref.load %arg11[%parallel_loop3A_598] : memref<1024xi32, #tpu.memory_space<smem>>
      %parallel_loop3A_600 = arith.index_cast %parallel_loop3A_599 : i32 to index
      %parallel_loop3A_601 = arith.constant 272 : index
      %parallel_loop3A_602 = tpu.vector_load %arg6[%parallel_loop3A_600, %parallel_loop3A_601] {strides = array<i32>} : memref<100x336xf32, #tpu.memory_space<vmem>>, vector<16xf32>,
      %parallel_loop3A_603 = arith.mulf %parallel_loop3A_602, %get3A_342 : vector<16xf32>
      %parallel_loop3A_604 = arith.addf %parallel_loop3A_593, %parallel_loop3A_603 : vector<16xf32>
      %parallel_loop3A_605 = arith.index_cast %parallel_loop3A_561 : i32 to index
      %parallel_loop3A_606 = arith.constant 272 : index
      %parallel_loop3A_607 = tpu.vector_load %arg9[%parallel_loop3A_605, %parallel_loop3A_606] {strides = array<i32>} : memref<256x336xf32, #tpu.memory_space<vmem>>, vector<16xf32>,
      tpu.vector_store %arg9[%parallel_loop3A_605, %parallel_loop3A_606], %parallel_loop3A_604 {strides = array<i32>} : memref<256x336xf32, #tpu.memory_space<vmem>>, vector<16xf32>,
    } {sc.loop_unroll_factor = 4 : i64, sc.parallel_access}
    %get3A_346 = arith.constant 0 : i32
    %get3A_347 = arith.index_cast %get3A_346 : i32 to index
    %get3A_348 = arith.constant 288 : index
    %get3A_349 = tpu.vector_load %arg7[%get3A_347, %get3A_348] {strides = array<i32>} : memref<4x336xf32, #tpu.memory_space<vmem>>, vector<16xf32>,
    %get3A_350 = arith.constant 1 : i32
    %get3A_351 = arith.index_cast %get3A_350 : i32 to index
    %get3A_352 = arith.constant 288 : index
    %get3A_353 = tpu.vector_load %arg7[%get3A_351, %get3A_352] {strides = array<i32>} : memref<4x336xf32, #tpu.memory_space<vmem>>, vector<16xf32>,
    %get3A_354 = arith.constant 2 : i32
    %get3A_355 = arith.index_cast %get3A_354 : i32 to index
    %get3A_356 = arith.constant 288 : index
    %get3A_357 = tpu.vector_load %arg7[%get3A_355, %get3A_356] {strides = array<i32>} : memref<4x336xf32, #tpu.memory_space<vmem>>, vector<16xf32>,
    %get3A_358 = arith.constant 3 : i32
    %get3A_359 = arith.index_cast %get3A_358 : i32 to index
    %get3A_360 = arith.constant 288 : index
    %get3A_361 = tpu.vector_load %arg7[%get3A_359, %get3A_360] {strides = array<i32>} : memref<4x336xf32, #tpu.memory_space<vmem>>, vector<16xf32>,
    %parallel_loop3A_362 = arith.constant 0 : i32
    %parallel_loop3A_363 = arith.constant 256 : i32
    %parallel_loop3A_364 = arith.constant 1 : i32
    scf.for %parallel_loop3A_561 = %parallel_loop3A_362 to %parallel_loop3A_363 step %parallel_loop3A_364  : i32 {
      %parallel_loop3A_562 = arith.constant 4 : i32
      %parallel_loop3A_563 = arith.muli %parallel_loop3A_562, %parallel_loop3A_561 : i32
      %parallel_loop3A_564 = arith.constant 0 : i32
      %parallel_loop3A_565 = arith.addi %parallel_loop3A_563, %parallel_loop3A_564 : i32
      %parallel_loop3A_566 = arith.index_cast %parallel_loop3A_565 : i32 to index
      %parallel_loop3A_567 = memref.load %arg11[%parallel_loop3A_566] : memref<1024xi32, #tpu.memory_space<smem>>
      %parallel_loop3A_568 = arith.index_cast %parallel_loop3A_567 : i32 to index
      %parallel_loop3A_569 = arith.constant 288 : index
      %parallel_loop3A_570 = tpu.vector_load %arg6[%parallel_loop3A_568, %parallel_loop3A_569] {strides = array<i32>} : memref<100x336xf32, #tpu.memory_space<vmem>>, vector<16xf32>,
      %parallel_loop3A_571 = arith.mulf %parallel_loop3A_570, %get3A_349 : vector<16xf32>
      %parallel_loop3A_572 = arith.constant 4 : i32
      %parallel_loop3A_573 = arith.muli %parallel_loop3A_572, %parallel_loop3A_561 : i32
      %parallel_loop3A_574 = arith.constant 1 : i32
      %parallel_loop3A_575 = arith.addi %parallel_loop3A_573, %parallel_loop3A_574 : i32
      %parallel_loop3A_576 = arith.index_cast %parallel_loop3A_575 : i32 to index
      %parallel_loop3A_577 = memref.load %arg11[%parallel_loop3A_576] : memref<1024xi32, #tpu.memory_space<smem>>
      %parallel_loop3A_578 = arith.index_cast %parallel_loop3A_577 : i32 to index
      %parallel_loop3A_579 = arith.constant 288 : index
      %parallel_loop3A_580 = tpu.vector_load %arg6[%parallel_loop3A_578, %parallel_loop3A_579] {strides = array<i32>} : memref<100x336xf32, #tpu.memory_space<vmem>>, vector<16xf32>,
      %parallel_loop3A_581 = arith.mulf %parallel_loop3A_580, %get3A_353 : vector<16xf32>
      %parallel_loop3A_582 = arith.addf %parallel_loop3A_571, %parallel_loop3A_581 : vector<16xf32>
      %parallel_loop3A_583 = arith.constant 4 : i32
      %parallel_loop3A_584 = arith.muli %parallel_loop3A_583, %parallel_loop3A_561 : i32
      %parallel_loop3A_585 = arith.constant 2 : i32
      %parallel_loop3A_586 = arith.addi %parallel_loop3A_584, %parallel_loop3A_585 : i32
      %parallel_loop3A_587 = arith.index_cast %parallel_loop3A_586 : i32 to index
      %parallel_loop3A_588 = memref.load %arg11[%parallel_loop3A_587] : memref<1024xi32, #tpu.memory_space<smem>>
      %parallel_loop3A_589 = arith.index_cast %parallel_loop3A_588 : i32 to index
      %parallel_loop3A_590 = arith.constant 288 : index
      %parallel_loop3A_591 = tpu.vector_load %arg6[%parallel_loop3A_589, %parallel_loop3A_590] {strides = array<i32>} : memref<100x336xf32, #tpu.memory_space<vmem>>, vector<16xf32>,
      %parallel_loop3A_592 = arith.mulf %parallel_loop3A_591, %get3A_357 : vector<16xf32>
      %parallel_loop3A_593 = arith.addf %parallel_loop3A_582, %parallel_loop3A_592 : vector<16xf32>
      %parallel_loop3A_594 = arith.constant 4 : i32
      %parallel_loop3A_595 = arith.muli %parallel_loop3A_594, %parallel_loop3A_561 : i32
      %parallel_loop3A_596 = arith.constant 3 : i32
      %parallel_loop3A_597 = arith.addi %parallel_loop3A_595, %parallel_loop3A_596 : i32
      %parallel_loop3A_598 = arith.index_cast %parallel_loop3A_597 : i32 to index
      %parallel_loop3A_599 = memref.load %arg11[%parallel_loop3A_598] : memref<1024xi32, #tpu.memory_space<smem>>
      %parallel_loop3A_600 = arith.index_cast %parallel_loop3A_599 : i32 to index
      %parallel_loop3A_601 = arith.constant 288 : index
      %parallel_loop3A_602 = tpu.vector_load %arg6[%parallel_loop3A_600, %parallel_loop3A_601] {strides = array<i32>} : memref<100x336xf32, #tpu.memory_space<vmem>>, vector<16xf32>,
      %parallel_loop3A_603 = arith.mulf %parallel_loop3A_602, %get3A_361 : vector<16xf32>
      %parallel_loop3A_604 = arith.addf %parallel_loop3A_593, %parallel_loop3A_603 : vector<16xf32>
      %parallel_loop3A_605 = arith.index_cast %parallel_loop3A_561 : i32 to index
      %parallel_loop3A_606 = arith.constant 288 : index
      %parallel_loop3A_607 = tpu.vector_load %arg9[%parallel_loop3A_605, %parallel_loop3A_606] {strides = array<i32>} : memref<256x336xf32, #tpu.memory_space<vmem>>, vector<16xf32>,
      tpu.vector_store %arg9[%parallel_loop3A_605, %parallel_loop3A_606], %parallel_loop3A_604 {strides = array<i32>} : memref<256x336xf32, #tpu.memory_space<vmem>>, vector<16xf32>,
    } {sc.loop_unroll_factor = 4 : i64, sc.parallel_access}
    %get3A_365 = arith.constant 0 : i32
    %get3A_366 = arith.index_cast %get3A_365 : i32 to index
    %get3A_367 = arith.constant 304 : index
    %get3A_368 = tpu.vector_load %arg7[%get3A_366, %get3A_367] {strides = array<i32>} : memref<4x336xf32, #tpu.memory_space<vmem>>, vector<16xf32>,
    %get3A_369 = arith.constant 1 : i32
    %get3A_370 = arith.index_cast %get3A_369 : i32 to index
    %get3A_371 = arith.constant 304 : index
    %get3A_372 = tpu.vector_load %arg7[%get3A_370, %get3A_371] {strides = array<i32>} : memref<4x336xf32, #tpu.memory_space<vmem>>, vector<16xf32>,
    %get3A_373 = arith.constant 2 : i32
    %get3A_374 = arith.index_cast %get3A_373 : i32 to index
    %get3A_375 = arith.constant 304 : index
    %get3A_376 = tpu.vector_load %arg7[%get3A_374, %get3A_375] {strides = array<i32>} : memref<4x336xf32, #tpu.memory_space<vmem>>, vector<16xf32>,
    %get3A_377 = arith.constant 3 : i32
    %get3A_378 = arith.index_cast %get3A_377 : i32 to index
    %get3A_379 = arith.constant 304 : index
    %get3A_380 = tpu.vector_load %arg7[%get3A_378, %get3A_379] {strides = array<i32>} : memref<4x336xf32, #tpu.memory_space<vmem>>, vector<16xf32>,
    %parallel_loop3A_381 = arith.constant 0 : i32
    %parallel_loop3A_382 = arith.constant 256 : i32
    %parallel_loop3A_383 = arith.constant 1 : i32
    scf.for %parallel_loop3A_561 = %parallel_loop3A_381 to %parallel_loop3A_382 step %parallel_loop3A_383  : i32 {
      %parallel_loop3A_562 = arith.constant 4 : i32
      %parallel_loop3A_563 = arith.muli %parallel_loop3A_562, %parallel_loop3A_561 : i32
      %parallel_loop3A_564 = arith.constant 0 : i32
      %parallel_loop3A_565 = arith.addi %parallel_loop3A_563, %parallel_loop3A_564 : i32
      %parallel_loop3A_566 = arith.index_cast %parallel_loop3A_565 : i32 to index
      %parallel_loop3A_567 = memref.load %arg11[%parallel_loop3A_566] : memref<1024xi32, #tpu.memory_space<smem>>
      %parallel_loop3A_568 = arith.index_cast %parallel_loop3A_567 : i32 to index
      %parallel_loop3A_569 = arith.constant 304 : index
      %parallel_loop3A_570 = tpu.vector_load %arg6[%parallel_loop3A_568, %parallel_loop3A_569] {strides = array<i32>} : memref<100x336xf32, #tpu.memory_space<vmem>>, vector<16xf32>,
      %parallel_loop3A_571 = arith.mulf %parallel_loop3A_570, %get3A_368 : vector<16xf32>
      %parallel_loop3A_572 = arith.constant 4 : i32
      %parallel_loop3A_573 = arith.muli %parallel_loop3A_572, %parallel_loop3A_561 : i32
      %parallel_loop3A_574 = arith.constant 1 : i32
      %parallel_loop3A_575 = arith.addi %parallel_loop3A_573, %parallel_loop3A_574 : i32
      %parallel_loop3A_576 = arith.index_cast %parallel_loop3A_575 : i32 to index
      %parallel_loop3A_577 = memref.load %arg11[%parallel_loop3A_576] : memref<1024xi32, #tpu.memory_space<smem>>
      %parallel_loop3A_578 = arith.index_cast %parallel_loop3A_577 : i32 to index
      %parallel_loop3A_579 = arith.constant 304 : index
      %parallel_loop3A_580 = tpu.vector_load %arg6[%parallel_loop3A_578, %parallel_loop3A_579] {strides = array<i32>} : memref<100x336xf32, #tpu.memory_space<vmem>>, vector<16xf32>,
      %parallel_loop3A_581 = arith.mulf %parallel_loop3A_580, %get3A_372 : vector<16xf32>
      %parallel_loop3A_582 = arith.addf %parallel_loop3A_571, %parallel_loop3A_581 : vector<16xf32>
      %parallel_loop3A_583 = arith.constant 4 : i32
      %parallel_loop3A_584 = arith.muli %parallel_loop3A_583, %parallel_loop3A_561 : i32
      %parallel_loop3A_585 = arith.constant 2 : i32
      %parallel_loop3A_586 = arith.addi %parallel_loop3A_584, %parallel_loop3A_585 : i32
      %parallel_loop3A_587 = arith.index_cast %parallel_loop3A_586 : i32 to index
      %parallel_loop3A_588 = memref.load %arg11[%parallel_loop3A_587] : memref<1024xi32, #tpu.memory_space<smem>>
      %parallel_loop3A_589 = arith.index_cast %parallel_loop3A_588 : i32 to index
      %parallel_loop3A_590 = arith.constant 304 : index
      %parallel_loop3A_591 = tpu.vector_load %arg6[%parallel_loop3A_589, %parallel_loop3A_590] {strides = array<i32>} : memref<100x336xf32, #tpu.memory_space<vmem>>, vector<16xf32>,
      %parallel_loop3A_592 = arith.mulf %parallel_loop3A_591, %get3A_376 : vector<16xf32>
      %parallel_loop3A_593 = arith.addf %parallel_loop3A_582, %parallel_loop3A_592 : vector<16xf32>
      %parallel_loop3A_594 = arith.constant 4 : i32
      %parallel_loop3A_595 = arith.muli %parallel_loop3A_594, %parallel_loop3A_561 : i32
      %parallel_loop3A_596 = arith.constant 3 : i32
      %parallel_loop3A_597 = arith.addi %parallel_loop3A_595, %parallel_loop3A_596 : i32
      %parallel_loop3A_598 = arith.index_cast %parallel_loop3A_597 : i32 to index
      %parallel_loop3A_599 = memref.load %arg11[%parallel_loop3A_598] : memref<1024xi32, #tpu.memory_space<smem>>
      %parallel_loop3A_600 = arith.index_cast %parallel_loop3A_599 : i32 to index
      %parallel_loop3A_601 = arith.constant 304 : index
      %parallel_loop3A_602 = tpu.vector_load %arg6[%parallel_loop3A_600, %parallel_loop3A_601] {strides = array<i32>} : memref<100x336xf32, #tpu.memory_space<vmem>>, vector<16xf32>,
      %parallel_loop3A_603 = arith.mulf %parallel_loop3A_602, %get3A_380 : vector<16xf32>
      %parallel_loop3A_604 = arith.addf %parallel_loop3A_593, %parallel_loop3A_603 : vector<16xf32>
      %parallel_loop3A_605 = arith.index_cast %parallel_loop3A_561 : i32 to index
      %parallel_loop3A_606 = arith.constant 304 : index
      %parallel_loop3A_607 = tpu.vector_load %arg9[%parallel_loop3A_605, %parallel_loop3A_606] {strides = array<i32>} : memref<256x336xf32, #tpu.memory_space<vmem>>, vector<16xf32>,
      tpu.vector_store %arg9[%parallel_loop3A_605, %parallel_loop3A_606], %parallel_loop3A_604 {strides = array<i32>} : memref<256x336xf32, #tpu.memory_space<vmem>>, vector<16xf32>,
    } {sc.loop_unroll_factor = 4 : i64, sc.parallel_access}
    %get3A_384 = arith.constant 0 : i32
    %get3A_385 = arith.index_cast %get3A_384 : i32 to index
    %get3A_386 = arith.constant 320 : index
    %get3A_387 = tpu.vector_load %arg7[%get3A_385, %get3A_386] {strides = array<i32>} : memref<4x336xf32, #tpu.memory_space<vmem>>, vector<16xf32>,
    %get3A_388 = arith.constant 1 : i32
    %get3A_389 = arith.index_cast %get3A_388 : i32 to index
    %get3A_390 = arith.constant 320 : index
    %get3A_391 = tpu.vector_load %arg7[%get3A_389, %get3A_390] {strides = array<i32>} : memref<4x336xf32, #tpu.memory_space<vmem>>, vector<16xf32>,
    %get3A_392 = arith.constant 2 : i32
    %get3A_393 = arith.index_cast %get3A_392 : i32 to index
    %get3A_394 = arith.constant 320 : index
    %get3A_395 = tpu.vector_load %arg7[%get3A_393, %get3A_394] {strides = array<i32>} : memref<4x336xf32, #tpu.memory_space<vmem>>, vector<16xf32>,
    %get3A_396 = arith.constant 3 : i32
    %get3A_397 = arith.index_cast %get3A_396 : i32 to index
    %get3A_398 = arith.constant 320 : index
    %get3A_399 = tpu.vector_load %arg7[%get3A_397, %get3A_398] {strides = array<i32>} : memref<4x336xf32, #tpu.memory_space<vmem>>, vector<16xf32>,
    %parallel_loop3A_400 = arith.constant 0 : i32
    %parallel_loop3A_401 = arith.constant 256 : i32
    %parallel_loop3A_402 = arith.constant 1 : i32
    scf.for %parallel_loop3A_561 = %parallel_loop3A_400 to %parallel_loop3A_401 step %parallel_loop3A_402  : i32 {
      %parallel_loop3A_562 = arith.constant 4 : i32
      %parallel_loop3A_563 = arith.muli %parallel_loop3A_562, %parallel_loop3A_561 : i32
      %parallel_loop3A_564 = arith.constant 0 : i32
      %parallel_loop3A_565 = arith.addi %parallel_loop3A_563, %parallel_loop3A_564 : i32
      %parallel_loop3A_566 = arith.index_cast %parallel_loop3A_565 : i32 to index
      %parallel_loop3A_567 = memref.load %arg11[%parallel_loop3A_566] : memref<1024xi32, #tpu.memory_space<smem>>
      %parallel_loop3A_568 = arith.index_cast %parallel_loop3A_567 : i32 to index
      %parallel_loop3A_569 = arith.constant 320 : index
      %parallel_loop3A_570 = tpu.vector_load %arg6[%parallel_loop3A_568, %parallel_loop3A_569] {strides = array<i32>} : memref<100x336xf32, #tpu.memory_space<vmem>>, vector<16xf32>,
      %parallel_loop3A_571 = arith.mulf %parallel_loop3A_570, %get3A_387 : vector<16xf32>
      %parallel_loop3A_572 = arith.constant 4 : i32
      %parallel_loop3A_573 = arith.muli %parallel_loop3A_572, %parallel_loop3A_561 : i32
      %parallel_loop3A_574 = arith.constant 1 : i32
      %parallel_loop3A_575 = arith.addi %parallel_loop3A_573, %parallel_loop3A_574 : i32
      %parallel_loop3A_576 = arith.index_cast %parallel_loop3A_575 : i32 to index
      %parallel_loop3A_577 = memref.load %arg11[%parallel_loop3A_576] : memref<1024xi32, #tpu.memory_space<smem>>
      %parallel_loop3A_578 = arith.index_cast %parallel_loop3A_577 : i32 to index
      %parallel_loop3A_579 = arith.constant 320 : index
      %parallel_loop3A_580 = tpu.vector_load %arg6[%parallel_loop3A_578, %parallel_loop3A_579] {strides = array<i32>} : memref<100x336xf32, #tpu.memory_space<vmem>>, vector<16xf32>,
      %parallel_loop3A_581 = arith.mulf %parallel_loop3A_580, %get3A_391 : vector<16xf32>
      %parallel_loop3A_582 = arith.addf %parallel_loop3A_571, %parallel_loop3A_581 : vector<16xf32>
      %parallel_loop3A_583 = arith.constant 4 : i32
      %parallel_loop3A_584 = arith.muli %parallel_loop3A_583, %parallel_loop3A_561 : i32
      %parallel_loop3A_585 = arith.constant 2 : i32
      %parallel_loop3A_586 = arith.addi %parallel_loop3A_584, %parallel_loop3A_585 : i32
      %parallel_loop3A_587 = arith.index_cast %parallel_loop3A_586 : i32 to index
      %parallel_loop3A_588 = memref.load %arg11[%parallel_loop3A_587] : memref<1024xi32, #tpu.memory_space<smem>>
      %parallel_loop3A_589 = arith.index_cast %parallel_loop3A_588 : i32 to index
      %parallel_loop3A_590 = arith.constant 320 : index
      %parallel_loop3A_591 = tpu.vector_load %arg6[%parallel_loop3A_589, %parallel_loop3A_590] {strides = array<i32>} : memref<100x336xf32, #tpu.memory_space<vmem>>, vector<16xf32>,
      %parallel_loop3A_592 = arith.mulf %parallel_loop3A_591, %get3A_395 : vector<16xf32>
      %parallel_loop3A_593 = arith.addf %parallel_loop3A_582, %parallel_loop3A_592 : vector<16xf32>
      %parallel_loop3A_594 = arith.constant 4 : i32
      %parallel_loop3A_595 = arith.muli %parallel_loop3A_594, %parallel_loop3A_561 : i32
      %parallel_loop3A_596 = arith.constant 3 : i32
      %parallel_loop3A_597 = arith.addi %parallel_loop3A_595, %parallel_loop3A_596 : i32
      %parallel_loop3A_598 = arith.index_cast %parallel_loop3A_597 : i32 to index
      %parallel_loop3A_599 = memref.load %arg11[%parallel_loop3A_598] : memref<1024xi32, #tpu.memory_space<smem>>
      %parallel_loop3A_600 = arith.index_cast %parallel_loop3A_599 : i32 to index
      %parallel_loop3A_601 = arith.constant 320 : index
      %parallel_loop3A_602 = tpu.vector_load %arg6[%parallel_loop3A_600, %parallel_loop3A_601] {strides = array<i32>} : memref<100x336xf32, #tpu.memory_space<vmem>>, vector<16xf32>,
      %parallel_loop3A_603 = arith.mulf %parallel_loop3A_602, %get3A_399 : vector<16xf32>
      %parallel_loop3A_604 = arith.addf %parallel_loop3A_593, %parallel_loop3A_603 : vector<16xf32>
      %parallel_loop3A_605 = arith.index_cast %parallel_loop3A_561 : i32 to index
      %parallel_loop3A_606 = arith.constant 320 : index
      %parallel_loop3A_607 = tpu.vector_load %arg9[%parallel_loop3A_605, %parallel_loop3A_606] {strides = array<i32>} : memref<256x336xf32, #tpu.memory_space<vmem>>, vector<16xf32>,
      tpu.vector_store %arg9[%parallel_loop3A_605, %parallel_loop3A_606], %parallel_loop3A_604 {strides = array<i32>} : memref<256x336xf32, #tpu.memory_space<vmem>>, vector<16xf32>,
    } {sc.loop_unroll_factor = 4 : i64, sc.parallel_access}
    %broadcast_in_dim3A = arith.constant 0.000000e+00 : f32
    %broadcast_in_dim3A_403 = vector.broadcast %broadcast_in_dim3A : f32 to vector<16xf32>
    %parallel_loop3A_404 = arith.constant 0 : i32
    %parallel_loop3A_405 = arith.constant 254 : i32
    %parallel_loop3A_406 = arith.constant 1 : i32
    %parallel_loop3A_407 = scf.for %parallel_loop3A_561 = %parallel_loop3A_404 to %parallel_loop3A_405 step %parallel_loop3A_406 iter_args(%parallel_loop3A_562 = %broadcast_in_dim3A_403) -> (vector<16xf32>)  : i32 {
      %parallel_loop3A_563 = arith.index_cast %parallel_loop3A_561 : i32 to index
      %parallel_loop3A_564 = arith.constant 0 : index
      %parallel_loop3A_565 = tpu.vector_load %arg9[%parallel_loop3A_563, %parallel_loop3A_564] {strides = array<i32>} : memref<256x336xf32, #tpu.memory_space<vmem>>, vector<16xf32>,
      %parallel_loop3A_566 = arith.constant 1 : i32
      %parallel_loop3A_567 = arith.addi %parallel_loop3A_561, %parallel_loop3A_566 : i32
      %parallel_loop3A_568 = arith.index_cast %parallel_loop3A_567 : i32 to index
      %parallel_loop3A_569 = arith.constant 1 : index
      %parallel_loop3A_570 = tpu.vector_load %arg9[%parallel_loop3A_568, %parallel_loop3A_569] {strides = array<i32>} : memref<256x336xf32, #tpu.memory_space<vmem>>, vector<16xf32>,
      %parallel_loop3A_571 = arith.mulf %parallel_loop3A_565, %parallel_loop3A_570 : vector<16xf32>
      %parallel_loop3A_572 = arith.constant 2 : i32
      %parallel_loop3A_573 = arith.addi %parallel_loop3A_561, %parallel_loop3A_572 : i32
      %parallel_loop3A_574 = arith.index_cast %parallel_loop3A_573 : i32 to index
      %parallel_loop3A_575 = arith.constant 2 : index
      %parallel_loop3A_576 = tpu.vector_load %arg9[%parallel_loop3A_574, %parallel_loop3A_575] {strides = array<i32>} : memref<256x336xf32, #tpu.memory_space<vmem>>, vector<16xf32>,
      %parallel_loop3A_577 = arith.mulf %parallel_loop3A_571, %parallel_loop3A_576 : vector<16xf32>
      %parallel_loop3A_578 = arith.addf %parallel_loop3A_562, %parallel_loop3A_577 : vector<16xf32>
      scf.yield %parallel_loop3A_578 : vector<16xf32>
    } {sc.loop_unroll_factor = 4 : i64, sc.parallel_access}
    %swap3A = arith.constant 0 : index
    %swap3A_408 = tpu.vector_load %arg10[%swap3A] {strides = array<i32>} : memref<320xf32, #tpu.memory_space<vmem>>, vector<16xf32>,
    tpu.vector_store %arg10[%swap3A], %parallel_loop3A_407 {strides = array<i32>} : memref<320xf32, #tpu.memory_space<vmem>>, vector<16xf32>,
    %broadcast_in_dim3A_409 = arith.constant 0.000000e+00 : f32
    %broadcast_in_dim3A_410 = vector.broadcast %broadcast_in_dim3A_409 : f32 to vector<16xf32>
    %parallel_loop3A_411 = arith.constant 0 : i32
    %parallel_loop3A_412 = arith.constant 254 : i32
    %parallel_loop3A_413 = arith.constant 1 : i32
    %parallel_loop3A_414 = scf.for %parallel_loop3A_561 = %parallel_loop3A_411 to %parallel_loop3A_412 step %parallel_loop3A_413 iter_args(%parallel_loop3A_562 = %broadcast_in_dim3A_410) -> (vector<16xf32>)  : i32 {
      %parallel_loop3A_563 = arith.index_cast %parallel_loop3A_561 : i32 to index
      %parallel_loop3A_564 = arith.constant 16 : index
      %parallel_loop3A_565 = tpu.vector_load %arg9[%parallel_loop3A_563, %parallel_loop3A_564] {strides = array<i32>} : memref<256x336xf32, #tpu.memory_space<vmem>>, vector<16xf32>,
      %parallel_loop3A_566 = arith.constant 1 : i32
      %parallel_loop3A_567 = arith.addi %parallel_loop3A_561, %parallel_loop3A_566 : i32
      %parallel_loop3A_568 = arith.index_cast %parallel_loop3A_567 : i32 to index
      %parallel_loop3A_569 = arith.constant 17 : index
      %parallel_loop3A_570 = tpu.vector_load %arg9[%parallel_loop3A_568, %parallel_loop3A_569] {strides = array<i32>} : memref<256x336xf32, #tpu.memory_space<vmem>>, vector<16xf32>,
      %parallel_loop3A_571 = arith.mulf %parallel_loop3A_565, %parallel_loop3A_570 : vector<16xf32>
      %parallel_loop3A_572 = arith.constant 2 : i32
      %parallel_loop3A_573 = arith.addi %parallel_loop3A_561, %parallel_loop3A_572 : i32
      %parallel_loop3A_574 = arith.index_cast %parallel_loop3A_573 : i32 to index
      %parallel_loop3A_575 = arith.constant 18 : index
      %parallel_loop3A_576 = tpu.vector_load %arg9[%parallel_loop3A_574, %parallel_loop3A_575] {strides = array<i32>} : memref<256x336xf32, #tpu.memory_space<vmem>>, vector<16xf32>,
      %parallel_loop3A_577 = arith.mulf %parallel_loop3A_571, %parallel_loop3A_576 : vector<16xf32>
      %parallel_loop3A_578 = arith.addf %parallel_loop3A_562, %parallel_loop3A_577 : vector<16xf32>
      scf.yield %parallel_loop3A_578 : vector<16xf32>
    } {sc.loop_unroll_factor = 4 : i64, sc.parallel_access}
    %swap3A_415 = arith.constant 16 : index
    %swap3A_416 = tpu.vector_load %arg10[%swap3A_415] {strides = array<i32>} : memref<320xf32, #tpu.memory_space<vmem>>, vector<16xf32>,
    tpu.vector_store %arg10[%swap3A_415], %parallel_loop3A_414 {strides = array<i32>} : memref<320xf32, #tpu.memory_space<vmem>>, vector<16xf32>,
    %broadcast_in_dim3A_417 = arith.constant 0.000000e+00 : f32
    %broadcast_in_dim3A_418 = vector.broadcast %broadcast_in_dim3A_417 : f32 to vector<16xf32>
    %parallel_loop3A_419 = arith.constant 0 : i32
    %parallel_loop3A_420 = arith.constant 254 : i32
    %parallel_loop3A_421 = arith.constant 1 : i32
    %parallel_loop3A_422 = scf.for %parallel_loop3A_561 = %parallel_loop3A_419 to %parallel_loop3A_420 step %parallel_loop3A_421 iter_args(%parallel_loop3A_562 = %broadcast_in_dim3A_418) -> (vector<16xf32>)  : i32 {
      %parallel_loop3A_563 = arith.index_cast %parallel_loop3A_561 : i32 to index
      %parallel_loop3A_564 = arith.constant 32 : index
      %parallel_loop3A_565 = tpu.vector_load %arg9[%parallel_loop3A_563, %parallel_loop3A_564] {strides = array<i32>} : memref<256x336xf32, #tpu.memory_space<vmem>>, vector<16xf32>,
      %parallel_loop3A_566 = arith.constant 1 : i32
      %parallel_loop3A_567 = arith.addi %parallel_loop3A_561, %parallel_loop3A_566 : i32
      %parallel_loop3A_568 = arith.index_cast %parallel_loop3A_567 : i32 to index
      %parallel_loop3A_569 = arith.constant 33 : index
      %parallel_loop3A_570 = tpu.vector_load %arg9[%parallel_loop3A_568, %parallel_loop3A_569] {strides = array<i32>} : memref<256x336xf32, #tpu.memory_space<vmem>>, vector<16xf32>,
      %parallel_loop3A_571 = arith.mulf %parallel_loop3A_565, %parallel_loop3A_570 : vector<16xf32>
      %parallel_loop3A_572 = arith.constant 2 : i32
      %parallel_loop3A_573 = arith.addi %parallel_loop3A_561, %parallel_loop3A_572 : i32
      %parallel_loop3A_574 = arith.index_cast %parallel_loop3A_573 : i32 to index
      %parallel_loop3A_575 = arith.constant 34 : index
      %parallel_loop3A_576 = tpu.vector_load %arg9[%parallel_loop3A_574, %parallel_loop3A_575] {strides = array<i32>} : memref<256x336xf32, #tpu.memory_space<vmem>>, vector<16xf32>,
      %parallel_loop3A_577 = arith.mulf %parallel_loop3A_571, %parallel_loop3A_576 : vector<16xf32>
      %parallel_loop3A_578 = arith.addf %parallel_loop3A_562, %parallel_loop3A_577 : vector<16xf32>
      scf.yield %parallel_loop3A_578 : vector<16xf32>
    } {sc.loop_unroll_factor = 4 : i64, sc.parallel_access}
    %swap3A_423 = arith.constant 32 : index
    %swap3A_424 = tpu.vector_load %arg10[%swap3A_423] {strides = array<i32>} : memref<320xf32, #tpu.memory_space<vmem>>, vector<16xf32>,
    tpu.vector_store %arg10[%swap3A_423], %parallel_loop3A_422 {strides = array<i32>} : memref<320xf32, #tpu.memory_space<vmem>>, vector<16xf32>,
    %broadcast_in_dim3A_425 = arith.constant 0.000000e+00 : f32
    %broadcast_in_dim3A_426 = vector.broadcast %broadcast_in_dim3A_425 : f32 to vector<16xf32>
    %parallel_loop3A_427 = arith.constant 0 : i32
    %parallel_loop3A_428 = arith.constant 254 : i32
    %parallel_loop3A_429 = arith.constant 1 : i32
    %parallel_loop3A_430 = scf.for %parallel_loop3A_561 = %parallel_loop3A_427 to %parallel_loop3A_428 step %parallel_loop3A_429 iter_args(%parallel_loop3A_562 = %broadcast_in_dim3A_426) -> (vector<16xf32>)  : i32 {
      %parallel_loop3A_563 = arith.index_cast %parallel_loop3A_561 : i32 to index
      %parallel_loop3A_564 = arith.constant 48 : index
      %parallel_loop3A_565 = tpu.vector_load %arg9[%parallel_loop3A_563, %parallel_loop3A_564] {strides = array<i32>} : memref<256x336xf32, #tpu.memory_space<vmem>>, vector<16xf32>,
      %parallel_loop3A_566 = arith.constant 1 : i32
      %parallel_loop3A_567 = arith.addi %parallel_loop3A_561, %parallel_loop3A_566 : i32
      %parallel_loop3A_568 = arith.index_cast %parallel_loop3A_567 : i32 to index
      %parallel_loop3A_569 = arith.constant 49 : index
      %parallel_loop3A_570 = tpu.vector_load %arg9[%parallel_loop3A_568, %parallel_loop3A_569] {strides = array<i32>} : memref<256x336xf32, #tpu.memory_space<vmem>>, vector<16xf32>,
      %parallel_loop3A_571 = arith.mulf %parallel_loop3A_565, %parallel_loop3A_570 : vector<16xf32>
      %parallel_loop3A_572 = arith.constant 2 : i32
      %parallel_loop3A_573 = arith.addi %parallel_loop3A_561, %parallel_loop3A_572 : i32
      %parallel_loop3A_574 = arith.index_cast %parallel_loop3A_573 : i32 to index
      %parallel_loop3A_575 = arith.constant 50 : index
      %parallel_loop3A_576 = tpu.vector_load %arg9[%parallel_loop3A_574, %parallel_loop3A_575] {strides = array<i32>} : memref<256x336xf32, #tpu.memory_space<vmem>>, vector<16xf32>,
      %parallel_loop3A_577 = arith.mulf %parallel_loop3A_571, %parallel_loop3A_576 : vector<16xf32>
      %parallel_loop3A_578 = arith.addf %parallel_loop3A_562, %parallel_loop3A_577 : vector<16xf32>
      scf.yield %parallel_loop3A_578 : vector<16xf32>
    } {sc.loop_unroll_factor = 4 : i64, sc.parallel_access}
    %swap3A_431 = arith.constant 48 : index
    %swap3A_432 = tpu.vector_load %arg10[%swap3A_431] {strides = array<i32>} : memref<320xf32, #tpu.memory_space<vmem>>, vector<16xf32>,
    tpu.vector_store %arg10[%swap3A_431], %parallel_loop3A_430 {strides = array<i32>} : memref<320xf32, #tpu.memory_space<vmem>>, vector<16xf32>,
    %broadcast_in_dim3A_433 = arith.constant 0.000000e+00 : f32
    %broadcast_in_dim3A_434 = vector.broadcast %broadcast_in_dim3A_433 : f32 to vector<16xf32>
    %parallel_loop3A_435 = arith.constant 0 : i32
    %parallel_loop3A_436 = arith.constant 254 : i32
    %parallel_loop3A_437 = arith.constant 1 : i32
    %parallel_loop3A_438 = scf.for %parallel_loop3A_561 = %parallel_loop3A_435 to %parallel_loop3A_436 step %parallel_loop3A_437 iter_args(%parallel_loop3A_562 = %broadcast_in_dim3A_434) -> (vector<16xf32>)  : i32 {
      %parallel_loop3A_563 = arith.index_cast %parallel_loop3A_561 : i32 to index
      %parallel_loop3A_564 = arith.constant 64 : index
      %parallel_loop3A_565 = tpu.vector_load %arg9[%parallel_loop3A_563, %parallel_loop3A_564] {strides = array<i32>} : memref<256x336xf32, #tpu.memory_space<vmem>>, vector<16xf32>,
      %parallel_loop3A_566 = arith.constant 1 : i32
      %parallel_loop3A_567 = arith.addi %parallel_loop3A_561, %parallel_loop3A_566 : i32
      %parallel_loop3A_568 = arith.index_cast %parallel_loop3A_567 : i32 to index
      %parallel_loop3A_569 = arith.constant 65 : index
      %parallel_loop3A_570 = tpu.vector_load %arg9[%parallel_loop3A_568, %parallel_loop3A_569] {strides = array<i32>} : memref<256x336xf32, #tpu.memory_space<vmem>>, vector<16xf32>,
      %parallel_loop3A_571 = arith.mulf %parallel_loop3A_565, %parallel_loop3A_570 : vector<16xf32>
      %parallel_loop3A_572 = arith.constant 2 : i32
      %parallel_loop3A_573 = arith.addi %parallel_loop3A_561, %parallel_loop3A_572 : i32
      %parallel_loop3A_574 = arith.index_cast %parallel_loop3A_573 : i32 to index
      %parallel_loop3A_575 = arith.constant 66 : index
      %parallel_loop3A_576 = tpu.vector_load %arg9[%parallel_loop3A_574, %parallel_loop3A_575] {strides = array<i32>} : memref<256x336xf32, #tpu.memory_space<vmem>>, vector<16xf32>,
      %parallel_loop3A_577 = arith.mulf %parallel_loop3A_571, %parallel_loop3A_576 : vector<16xf32>
      %parallel_loop3A_578 = arith.addf %parallel_loop3A_562, %parallel_loop3A_577 : vector<16xf32>
      scf.yield %parallel_loop3A_578 : vector<16xf32>
    } {sc.loop_unroll_factor = 4 : i64, sc.parallel_access}
    %swap3A_439 = arith.constant 64 : index
    %swap3A_440 = tpu.vector_load %arg10[%swap3A_439] {strides = array<i32>} : memref<320xf32, #tpu.memory_space<vmem>>, vector<16xf32>,
    tpu.vector_store %arg10[%swap3A_439], %parallel_loop3A_438 {strides = array<i32>} : memref<320xf32, #tpu.memory_space<vmem>>, vector<16xf32>,
    %broadcast_in_dim3A_441 = arith.constant 0.000000e+00 : f32
    %broadcast_in_dim3A_442 = vector.broadcast %broadcast_in_dim3A_441 : f32 to vector<16xf32>
    %parallel_loop3A_443 = arith.constant 0 : i32
    %parallel_loop3A_444 = arith.constant 254 : i32
    %parallel_loop3A_445 = arith.constant 1 : i32
    %parallel_loop3A_446 = scf.for %parallel_loop3A_561 = %parallel_loop3A_443 to %parallel_loop3A_444 step %parallel_loop3A_445 iter_args(%parallel_loop3A_562 = %broadcast_in_dim3A_442) -> (vector<16xf32>)  : i32 {
      %parallel_loop3A_563 = arith.index_cast %parallel_loop3A_561 : i32 to index
      %parallel_loop3A_564 = arith.constant 80 : index
      %parallel_loop3A_565 = tpu.vector_load %arg9[%parallel_loop3A_563, %parallel_loop3A_564] {strides = array<i32>} : memref<256x336xf32, #tpu.memory_space<vmem>>, vector<16xf32>,
      %parallel_loop3A_566 = arith.constant 1 : i32
      %parallel_loop3A_567 = arith.addi %parallel_loop3A_561, %parallel_loop3A_566 : i32
      %parallel_loop3A_568 = arith.index_cast %parallel_loop3A_567 : i32 to index
      %parallel_loop3A_569 = arith.constant 81 : index
      %parallel_loop3A_570 = tpu.vector_load %arg9[%parallel_loop3A_568, %parallel_loop3A_569] {strides = array<i32>} : memref<256x336xf32, #tpu.memory_space<vmem>>, vector<16xf32>,
      %parallel_loop3A_571 = arith.mulf %parallel_loop3A_565, %parallel_loop3A_570 : vector<16xf32>
      %parallel_loop3A_572 = arith.constant 2 : i32
      %parallel_loop3A_573 = arith.addi %parallel_loop3A_561, %parallel_loop3A_572 : i32
      %parallel_loop3A_574 = arith.index_cast %parallel_loop3A_573 : i32 to index
      %parallel_loop3A_575 = arith.constant 82 : index
      %parallel_loop3A_576 = tpu.vector_load %arg9[%parallel_loop3A_574, %parallel_loop3A_575] {strides = array<i32>} : memref<256x336xf32, #tpu.memory_space<vmem>>, vector<16xf32>,
      %parallel_loop3A_577 = arith.mulf %parallel_loop3A_571, %parallel_loop3A_576 : vector<16xf32>
      %parallel_loop3A_578 = arith.addf %parallel_loop3A_562, %parallel_loop3A_577 : vector<16xf32>
      scf.yield %parallel_loop3A_578 : vector<16xf32>
    } {sc.loop_unroll_factor = 4 : i64, sc.parallel_access}
    %swap3A_447 = arith.constant 80 : index
    %swap3A_448 = tpu.vector_load %arg10[%swap3A_447] {strides = array<i32>} : memref<320xf32, #tpu.memory_space<vmem>>, vector<16xf32>,
    tpu.vector_store %arg10[%swap3A_447], %parallel_loop3A_446 {strides = array<i32>} : memref<320xf32, #tpu.memory_space<vmem>>, vector<16xf32>,
    %broadcast_in_dim3A_449 = arith.constant 0.000000e+00 : f32
    %broadcast_in_dim3A_450 = vector.broadcast %broadcast_in_dim3A_449 : f32 to vector<16xf32>
    %parallel_loop3A_451 = arith.constant 0 : i32
    %parallel_loop3A_452 = arith.constant 254 : i32
    %parallel_loop3A_453 = arith.constant 1 : i32
    %parallel_loop3A_454 = scf.for %parallel_loop3A_561 = %parallel_loop3A_451 to %parallel_loop3A_452 step %parallel_loop3A_453 iter_args(%parallel_loop3A_562 = %broadcast_in_dim3A_450) -> (vector<16xf32>)  : i32 {
      %parallel_loop3A_563 = arith.index_cast %parallel_loop3A_561 : i32 to index
      %parallel_loop3A_564 = arith.constant 96 : index
      %parallel_loop3A_565 = tpu.vector_load %arg9[%parallel_loop3A_563, %parallel_loop3A_564] {strides = array<i32>} : memref<256x336xf32, #tpu.memory_space<vmem>>, vector<16xf32>,
      %parallel_loop3A_566 = arith.constant 1 : i32
      %parallel_loop3A_567 = arith.addi %parallel_loop3A_561, %parallel_loop3A_566 : i32
      %parallel_loop3A_568 = arith.index_cast %parallel_loop3A_567 : i32 to index
      %parallel_loop3A_569 = arith.constant 97 : index
      %parallel_loop3A_570 = tpu.vector_load %arg9[%parallel_loop3A_568, %parallel_loop3A_569] {strides = array<i32>} : memref<256x336xf32, #tpu.memory_space<vmem>>, vector<16xf32>,
      %parallel_loop3A_571 = arith.mulf %parallel_loop3A_565, %parallel_loop3A_570 : vector<16xf32>
      %parallel_loop3A_572 = arith.constant 2 : i32
      %parallel_loop3A_573 = arith.addi %parallel_loop3A_561, %parallel_loop3A_572 : i32
      %parallel_loop3A_574 = arith.index_cast %parallel_loop3A_573 : i32 to index
      %parallel_loop3A_575 = arith.constant 98 : index
      %parallel_loop3A_576 = tpu.vector_load %arg9[%parallel_loop3A_574, %parallel_loop3A_575] {strides = array<i32>} : memref<256x336xf32, #tpu.memory_space<vmem>>, vector<16xf32>,
      %parallel_loop3A_577 = arith.mulf %parallel_loop3A_571, %parallel_loop3A_576 : vector<16xf32>
      %parallel_loop3A_578 = arith.addf %parallel_loop3A_562, %parallel_loop3A_577 : vector<16xf32>
      scf.yield %parallel_loop3A_578 : vector<16xf32>
    } {sc.loop_unroll_factor = 4 : i64, sc.parallel_access}
    %swap3A_455 = arith.constant 96 : index
    %swap3A_456 = tpu.vector_load %arg10[%swap3A_455] {strides = array<i32>} : memref<320xf32, #tpu.memory_space<vmem>>, vector<16xf32>,
    tpu.vector_store %arg10[%swap3A_455], %parallel_loop3A_454 {strides = array<i32>} : memref<320xf32, #tpu.memory_space<vmem>>, vector<16xf32>,
    %broadcast_in_dim3A_457 = arith.constant 0.000000e+00 : f32
    %broadcast_in_dim3A_458 = vector.broadcast %broadcast_in_dim3A_457 : f32 to vector<16xf32>
    %parallel_loop3A_459 = arith.constant 0 : i32
    %parallel_loop3A_460 = arith.constant 254 : i32
    %parallel_loop3A_461 = arith.constant 1 : i32
    %parallel_loop3A_462 = scf.for %parallel_loop3A_561 = %parallel_loop3A_459 to %parallel_loop3A_460 step %parallel_loop3A_461 iter_args(%parallel_loop3A_562 = %broadcast_in_dim3A_458) -> (vector<16xf32>)  : i32 {
      %parallel_loop3A_563 = arith.index_cast %parallel_loop3A_561 : i32 to index
      %parallel_loop3A_564 = arith.constant 112 : index
      %parallel_loop3A_565 = tpu.vector_load %arg9[%parallel_loop3A_563, %parallel_loop3A_564] {strides = array<i32>} : memref<256x336xf32, #tpu.memory_space<vmem>>, vector<16xf32>,
      %parallel_loop3A_566 = arith.constant 1 : i32
      %parallel_loop3A_567 = arith.addi %parallel_loop3A_561, %parallel_loop3A_566 : i32
      %parallel_loop3A_568 = arith.index_cast %parallel_loop3A_567 : i32 to index
      %parallel_loop3A_569 = arith.constant 113 : index
      %parallel_loop3A_570 = tpu.vector_load %arg9[%parallel_loop3A_568, %parallel_loop3A_569] {strides = array<i32>} : memref<256x336xf32, #tpu.memory_space<vmem>>, vector<16xf32>,
      %parallel_loop3A_571 = arith.mulf %parallel_loop3A_565, %parallel_loop3A_570 : vector<16xf32>
      %parallel_loop3A_572 = arith.constant 2 : i32
      %parallel_loop3A_573 = arith.addi %parallel_loop3A_561, %parallel_loop3A_572 : i32
      %parallel_loop3A_574 = arith.index_cast %parallel_loop3A_573 : i32 to index
      %parallel_loop3A_575 = arith.constant 114 : index
      %parallel_loop3A_576 = tpu.vector_load %arg9[%parallel_loop3A_574, %parallel_loop3A_575] {strides = array<i32>} : memref<256x336xf32, #tpu.memory_space<vmem>>, vector<16xf32>,
      %parallel_loop3A_577 = arith.mulf %parallel_loop3A_571, %parallel_loop3A_576 : vector<16xf32>
      %parallel_loop3A_578 = arith.addf %parallel_loop3A_562, %parallel_loop3A_577 : vector<16xf32>
      scf.yield %parallel_loop3A_578 : vector<16xf32>
    } {sc.loop_unroll_factor = 4 : i64, sc.parallel_access}
    %swap3A_463 = arith.constant 112 : index
    %swap3A_464 = tpu.vector_load %arg10[%swap3A_463] {strides = array<i32>} : memref<320xf32, #tpu.memory_space<vmem>>, vector<16xf32>,
    tpu.vector_store %arg10[%swap3A_463], %parallel_loop3A_462 {strides = array<i32>} : memref<320xf32, #tpu.memory_space<vmem>>, vector<16xf32>,
    %broadcast_in_dim3A_465 = arith.constant 0.000000e+00 : f32
    %broadcast_in_dim3A_466 = vector.broadcast %broadcast_in_dim3A_465 : f32 to vector<16xf32>
    %parallel_loop3A_467 = arith.constant 0 : i32
    %parallel_loop3A_468 = arith.constant 254 : i32
    %parallel_loop3A_469 = arith.constant 1 : i32
    %parallel_loop3A_470 = scf.for %parallel_loop3A_561 = %parallel_loop3A_467 to %parallel_loop3A_468 step %parallel_loop3A_469 iter_args(%parallel_loop3A_562 = %broadcast_in_dim3A_466) -> (vector<16xf32>)  : i32 {
      %parallel_loop3A_563 = arith.index_cast %parallel_loop3A_561 : i32 to index
      %parallel_loop3A_564 = arith.constant 128 : index
      %parallel_loop3A_565 = tpu.vector_load %arg9[%parallel_loop3A_563, %parallel_loop3A_564] {strides = array<i32>} : memref<256x336xf32, #tpu.memory_space<vmem>>, vector<16xf32>,
      %parallel_loop3A_566 = arith.constant 1 : i32
      %parallel_loop3A_567 = arith.addi %parallel_loop3A_561, %parallel_loop3A_566 : i32
      %parallel_loop3A_568 = arith.index_cast %parallel_loop3A_567 : i32 to index
      %parallel_loop3A_569 = arith.constant 129 : index
      %parallel_loop3A_570 = tpu.vector_load %arg9[%parallel_loop3A_568, %parallel_loop3A_569] {strides = array<i32>} : memref<256x336xf32, #tpu.memory_space<vmem>>, vector<16xf32>,
      %parallel_loop3A_571 = arith.mulf %parallel_loop3A_565, %parallel_loop3A_570 : vector<16xf32>
      %parallel_loop3A_572 = arith.constant 2 : i32
      %parallel_loop3A_573 = arith.addi %parallel_loop3A_561, %parallel_loop3A_572 : i32
      %parallel_loop3A_574 = arith.index_cast %parallel_loop3A_573 : i32 to index
      %parallel_loop3A_575 = arith.constant 130 : index
      %parallel_loop3A_576 = tpu.vector_load %arg9[%parallel_loop3A_574, %parallel_loop3A_575] {strides = array<i32>} : memref<256x336xf32, #tpu.memory_space<vmem>>, vector<16xf32>,
      %parallel_loop3A_577 = arith.mulf %parallel_loop3A_571, %parallel_loop3A_576 : vector<16xf32>
      %parallel_loop3A_578 = arith.addf %parallel_loop3A_562, %parallel_loop3A_577 : vector<16xf32>
      scf.yield %parallel_loop3A_578 : vector<16xf32>
    } {sc.loop_unroll_factor = 4 : i64, sc.parallel_access}
    %swap3A_471 = arith.constant 128 : index
    %swap3A_472 = tpu.vector_load %arg10[%swap3A_471] {strides = array<i32>} : memref<320xf32, #tpu.memory_space<vmem>>, vector<16xf32>,
    tpu.vector_store %arg10[%swap3A_471], %parallel_loop3A_470 {strides = array<i32>} : memref<320xf32, #tpu.memory_space<vmem>>, vector<16xf32>,
    %broadcast_in_dim3A_473 = arith.constant 0.000000e+00 : f32
    %broadcast_in_dim3A_474 = vector.broadcast %broadcast_in_dim3A_473 : f32 to vector<16xf32>
    %parallel_loop3A_475 = arith.constant 0 : i32
    %parallel_loop3A_476 = arith.constant 254 : i32
    %parallel_loop3A_477 = arith.constant 1 : i32
    %parallel_loop3A_478 = scf.for %parallel_loop3A_561 = %parallel_loop3A_475 to %parallel_loop3A_476 step %parallel_loop3A_477 iter_args(%parallel_loop3A_562 = %broadcast_in_dim3A_474) -> (vector<16xf32>)  : i32 {
      %parallel_loop3A_563 = arith.index_cast %parallel_loop3A_561 : i32 to index
      %parallel_loop3A_564 = arith.constant 144 : index
      %parallel_loop3A_565 = tpu.vector_load %arg9[%parallel_loop3A_563, %parallel_loop3A_564] {strides = array<i32>} : memref<256x336xf32, #tpu.memory_space<vmem>>, vector<16xf32>,
      %parallel_loop3A_566 = arith.constant 1 : i32
      %parallel_loop3A_567 = arith.addi %parallel_loop3A_561, %parallel_loop3A_566 : i32
      %parallel_loop3A_568 = arith.index_cast %parallel_loop3A_567 : i32 to index
      %parallel_loop3A_569 = arith.constant 145 : index
      %parallel_loop3A_570 = tpu.vector_load %arg9[%parallel_loop3A_568, %parallel_loop3A_569] {strides = array<i32>} : memref<256x336xf32, #tpu.memory_space<vmem>>, vector<16xf32>,
      %parallel_loop3A_571 = arith.mulf %parallel_loop3A_565, %parallel_loop3A_570 : vector<16xf32>
      %parallel_loop3A_572 = arith.constant 2 : i32
      %parallel_loop3A_573 = arith.addi %parallel_loop3A_561, %parallel_loop3A_572 : i32
      %parallel_loop3A_574 = arith.index_cast %parallel_loop3A_573 : i32 to index
      %parallel_loop3A_575 = arith.constant 146 : index
      %parallel_loop3A_576 = tpu.vector_load %arg9[%parallel_loop3A_574, %parallel_loop3A_575] {strides = array<i32>} : memref<256x336xf32, #tpu.memory_space<vmem>>, vector<16xf32>,
      %parallel_loop3A_577 = arith.mulf %parallel_loop3A_571, %parallel_loop3A_576 : vector<16xf32>
      %parallel_loop3A_578 = arith.addf %parallel_loop3A_562, %parallel_loop3A_577 : vector<16xf32>
      scf.yield %parallel_loop3A_578 : vector<16xf32>
    } {sc.loop_unroll_factor = 4 : i64, sc.parallel_access}
    %swap3A_479 = arith.constant 144 : index
    %swap3A_480 = tpu.vector_load %arg10[%swap3A_479] {strides = array<i32>} : memref<320xf32, #tpu.memory_space<vmem>>, vector<16xf32>,
    tpu.vector_store %arg10[%swap3A_479], %parallel_loop3A_478 {strides = array<i32>} : memref<320xf32, #tpu.memory_space<vmem>>, vector<16xf32>,
    %broadcast_in_dim3A_481 = arith.constant 0.000000e+00 : f32
    %broadcast_in_dim3A_482 = vector.broadcast %broadcast_in_dim3A_481 : f32 to vector<16xf32>
    %parallel_loop3A_483 = arith.constant 0 : i32
    %parallel_loop3A_484 = arith.constant 254 : i32
    %parallel_loop3A_485 = arith.constant 1 : i32
    %parallel_loop3A_486 = scf.for %parallel_loop3A_561 = %parallel_loop3A_483 to %parallel_loop3A_484 step %parallel_loop3A_485 iter_args(%parallel_loop3A_562 = %broadcast_in_dim3A_482) -> (vector<16xf32>)  : i32 {
      %parallel_loop3A_563 = arith.index_cast %parallel_loop3A_561 : i32 to index
      %parallel_loop3A_564 = arith.constant 160 : index
      %parallel_loop3A_565 = tpu.vector_load %arg9[%parallel_loop3A_563, %parallel_loop3A_564] {strides = array<i32>} : memref<256x336xf32, #tpu.memory_space<vmem>>, vector<16xf32>,
      %parallel_loop3A_566 = arith.constant 1 : i32
      %parallel_loop3A_567 = arith.addi %parallel_loop3A_561, %parallel_loop3A_566 : i32
      %parallel_loop3A_568 = arith.index_cast %parallel_loop3A_567 : i32 to index
      %parallel_loop3A_569 = arith.constant 161 : index
      %parallel_loop3A_570 = tpu.vector_load %arg9[%parallel_loop3A_568, %parallel_loop3A_569] {strides = array<i32>} : memref<256x336xf32, #tpu.memory_space<vmem>>, vector<16xf32>,
      %parallel_loop3A_571 = arith.mulf %parallel_loop3A_565, %parallel_loop3A_570 : vector<16xf32>
      %parallel_loop3A_572 = arith.constant 2 : i32
      %parallel_loop3A_573 = arith.addi %parallel_loop3A_561, %parallel_loop3A_572 : i32
      %parallel_loop3A_574 = arith.index_cast %parallel_loop3A_573 : i32 to index
      %parallel_loop3A_575 = arith.constant 162 : index
      %parallel_loop3A_576 = tpu.vector_load %arg9[%parallel_loop3A_574, %parallel_loop3A_575] {strides = array<i32>} : memref<256x336xf32, #tpu.memory_space<vmem>>, vector<16xf32>,
      %parallel_loop3A_577 = arith.mulf %parallel_loop3A_571, %parallel_loop3A_576 : vector<16xf32>
      %parallel_loop3A_578 = arith.addf %parallel_loop3A_562, %parallel_loop3A_577 : vector<16xf32>
      scf.yield %parallel_loop3A_578 : vector<16xf32>
    } {sc.loop_unroll_factor = 4 : i64, sc.parallel_access}
    %swap3A_487 = arith.constant 160 : index
    %swap3A_488 = tpu.vector_load %arg10[%swap3A_487] {strides = array<i32>} : memref<320xf32, #tpu.memory_space<vmem>>, vector<16xf32>,
    tpu.vector_store %arg10[%swap3A_487], %parallel_loop3A_486 {strides = array<i32>} : memref<320xf32, #tpu.memory_space<vmem>>, vector<16xf32>,
    %broadcast_in_dim3A_489 = arith.constant 0.000000e+00 : f32
    %broadcast_in_dim3A_490 = vector.broadcast %broadcast_in_dim3A_489 : f32 to vector<16xf32>
    %parallel_loop3A_491 = arith.constant 0 : i32
    %parallel_loop3A_492 = arith.constant 254 : i32
    %parallel_loop3A_493 = arith.constant 1 : i32
    %parallel_loop3A_494 = scf.for %parallel_loop3A_561 = %parallel_loop3A_491 to %parallel_loop3A_492 step %parallel_loop3A_493 iter_args(%parallel_loop3A_562 = %broadcast_in_dim3A_490) -> (vector<16xf32>)  : i32 {
      %parallel_loop3A_563 = arith.index_cast %parallel_loop3A_561 : i32 to index
      %parallel_loop3A_564 = arith.constant 176 : index
      %parallel_loop3A_565 = tpu.vector_load %arg9[%parallel_loop3A_563, %parallel_loop3A_564] {strides = array<i32>} : memref<256x336xf32, #tpu.memory_space<vmem>>, vector<16xf32>,
      %parallel_loop3A_566 = arith.constant 1 : i32
      %parallel_loop3A_567 = arith.addi %parallel_loop3A_561, %parallel_loop3A_566 : i32
      %parallel_loop3A_568 = arith.index_cast %parallel_loop3A_567 : i32 to index
      %parallel_loop3A_569 = arith.constant 177 : index
      %parallel_loop3A_570 = tpu.vector_load %arg9[%parallel_loop3A_568, %parallel_loop3A_569] {strides = array<i32>} : memref<256x336xf32, #tpu.memory_space<vmem>>, vector<16xf32>,
      %parallel_loop3A_571 = arith.mulf %parallel_loop3A_565, %parallel_loop3A_570 : vector<16xf32>
      %parallel_loop3A_572 = arith.constant 2 : i32
      %parallel_loop3A_573 = arith.addi %parallel_loop3A_561, %parallel_loop3A_572 : i32
      %parallel_loop3A_574 = arith.index_cast %parallel_loop3A_573 : i32 to index
      %parallel_loop3A_575 = arith.constant 178 : index
      %parallel_loop3A_576 = tpu.vector_load %arg9[%parallel_loop3A_574, %parallel_loop3A_575] {strides = array<i32>} : memref<256x336xf32, #tpu.memory_space<vmem>>, vector<16xf32>,
      %parallel_loop3A_577 = arith.mulf %parallel_loop3A_571, %parallel_loop3A_576 : vector<16xf32>
      %parallel_loop3A_578 = arith.addf %parallel_loop3A_562, %parallel_loop3A_577 : vector<16xf32>
      scf.yield %parallel_loop3A_578 : vector<16xf32>
    } {sc.loop_unroll_factor = 4 : i64, sc.parallel_access}
    %swap3A_495 = arith.constant 176 : index
    %swap3A_496 = tpu.vector_load %arg10[%swap3A_495] {strides = array<i32>} : memref<320xf32, #tpu.memory_space<vmem>>, vector<16xf32>,
    tpu.vector_store %arg10[%swap3A_495], %parallel_loop3A_494 {strides = array<i32>} : memref<320xf32, #tpu.memory_space<vmem>>, vector<16xf32>,
    %broadcast_in_dim3A_497 = arith.constant 0.000000e+00 : f32
    %broadcast_in_dim3A_498 = vector.broadcast %broadcast_in_dim3A_497 : f32 to vector<16xf32>
    %parallel_loop3A_499 = arith.constant 0 : i32
    %parallel_loop3A_500 = arith.constant 254 : i32
    %parallel_loop3A_501 = arith.constant 1 : i32
    %parallel_loop3A_502 = scf.for %parallel_loop3A_561 = %parallel_loop3A_499 to %parallel_loop3A_500 step %parallel_loop3A_501 iter_args(%parallel_loop3A_562 = %broadcast_in_dim3A_498) -> (vector<16xf32>)  : i32 {
      %parallel_loop3A_563 = arith.index_cast %parallel_loop3A_561 : i32 to index
      %parallel_loop3A_564 = arith.constant 192 : index
      %parallel_loop3A_565 = tpu.vector_load %arg9[%parallel_loop3A_563, %parallel_loop3A_564] {strides = array<i32>} : memref<256x336xf32, #tpu.memory_space<vmem>>, vector<16xf32>,
      %parallel_loop3A_566 = arith.constant 1 : i32
      %parallel_loop3A_567 = arith.addi %parallel_loop3A_561, %parallel_loop3A_566 : i32
      %parallel_loop3A_568 = arith.index_cast %parallel_loop3A_567 : i32 to index
      %parallel_loop3A_569 = arith.constant 193 : index
      %parallel_loop3A_570 = tpu.vector_load %arg9[%parallel_loop3A_568, %parallel_loop3A_569] {strides = array<i32>} : memref<256x336xf32, #tpu.memory_space<vmem>>, vector<16xf32>,
      %parallel_loop3A_571 = arith.mulf %parallel_loop3A_565, %parallel_loop3A_570 : vector<16xf32>
      %parallel_loop3A_572 = arith.constant 2 : i32
      %parallel_loop3A_573 = arith.addi %parallel_loop3A_561, %parallel_loop3A_572 : i32
      %parallel_loop3A_574 = arith.index_cast %parallel_loop3A_573 : i32 to index
      %parallel_loop3A_575 = arith.constant 194 : index
      %parallel_loop3A_576 = tpu.vector_load %arg9[%parallel_loop3A_574, %parallel_loop3A_575] {strides = array<i32>} : memref<256x336xf32, #tpu.memory_space<vmem>>, vector<16xf32>,
      %parallel_loop3A_577 = arith.mulf %parallel_loop3A_571, %parallel_loop3A_576 : vector<16xf32>
      %parallel_loop3A_578 = arith.addf %parallel_loop3A_562, %parallel_loop3A_577 : vector<16xf32>
      scf.yield %parallel_loop3A_578 : vector<16xf32>
    } {sc.loop_unroll_factor = 4 : i64, sc.parallel_access}
    %swap3A_503 = arith.constant 192 : index
    %swap3A_504 = tpu.vector_load %arg10[%swap3A_503] {strides = array<i32>} : memref<320xf32, #tpu.memory_space<vmem>>, vector<16xf32>,
    tpu.vector_store %arg10[%swap3A_503], %parallel_loop3A_502 {strides = array<i32>} : memref<320xf32, #tpu.memory_space<vmem>>, vector<16xf32>,
    %broadcast_in_dim3A_505 = arith.constant 0.000000e+00 : f32
    %broadcast_in_dim3A_506 = vector.broadcast %broadcast_in_dim3A_505 : f32 to vector<16xf32>
    %parallel_loop3A_507 = arith.constant 0 : i32
    %parallel_loop3A_508 = arith.constant 254 : i32
    %parallel_loop3A_509 = arith.constant 1 : i32
    %parallel_loop3A_510 = scf.for %parallel_loop3A_561 = %parallel_loop3A_507 to %parallel_loop3A_508 step %parallel_loop3A_509 iter_args(%parallel_loop3A_562 = %broadcast_in_dim3A_506) -> (vector<16xf32>)  : i32 {
      %parallel_loop3A_563 = arith.index_cast %parallel_loop3A_561 : i32 to index
      %parallel_loop3A_564 = arith.constant 208 : index
      %parallel_loop3A_565 = tpu.vector_load %arg9[%parallel_loop3A_563, %parallel_loop3A_564] {strides = array<i32>} : memref<256x336xf32, #tpu.memory_space<vmem>>, vector<16xf32>,
      %parallel_loop3A_566 = arith.constant 1 : i32
      %parallel_loop3A_567 = arith.addi %parallel_loop3A_561, %parallel_loop3A_566 : i32
      %parallel_loop3A_568 = arith.index_cast %parallel_loop3A_567 : i32 to index
      %parallel_loop3A_569 = arith.constant 209 : index
      %parallel_loop3A_570 = tpu.vector_load %arg9[%parallel_loop3A_568, %parallel_loop3A_569] {strides = array<i32>} : memref<256x336xf32, #tpu.memory_space<vmem>>, vector<16xf32>,
      %parallel_loop3A_571 = arith.mulf %parallel_loop3A_565, %parallel_loop3A_570 : vector<16xf32>
      %parallel_loop3A_572 = arith.constant 2 : i32
      %parallel_loop3A_573 = arith.addi %parallel_loop3A_561, %parallel_loop3A_572 : i32
      %parallel_loop3A_574 = arith.index_cast %parallel_loop3A_573 : i32 to index
      %parallel_loop3A_575 = arith.constant 210 : index
      %parallel_loop3A_576 = tpu.vector_load %arg9[%parallel_loop3A_574, %parallel_loop3A_575] {strides = array<i32>} : memref<256x336xf32, #tpu.memory_space<vmem>>, vector<16xf32>,
      %parallel_loop3A_577 = arith.mulf %parallel_loop3A_571, %parallel_loop3A_576 : vector<16xf32>
      %parallel_loop3A_578 = arith.addf %parallel_loop3A_562, %parallel_loop3A_577 : vector<16xf32>
      scf.yield %parallel_loop3A_578 : vector<16xf32>
    } {sc.loop_unroll_factor = 4 : i64, sc.parallel_access}
    %swap3A_511 = arith.constant 208 : index
    %swap3A_512 = tpu.vector_load %arg10[%swap3A_511] {strides = array<i32>} : memref<320xf32, #tpu.memory_space<vmem>>, vector<16xf32>,
    tpu.vector_store %arg10[%swap3A_511], %parallel_loop3A_510 {strides = array<i32>} : memref<320xf32, #tpu.memory_space<vmem>>, vector<16xf32>,
    %broadcast_in_dim3A_513 = arith.constant 0.000000e+00 : f32
    %broadcast_in_dim3A_514 = vector.broadcast %broadcast_in_dim3A_513 : f32 to vector<16xf32>
    %parallel_loop3A_515 = arith.constant 0 : i32
    %parallel_loop3A_516 = arith.constant 254 : i32
    %parallel_loop3A_517 = arith.constant 1 : i32
    %parallel_loop3A_518 = scf.for %parallel_loop3A_561 = %parallel_loop3A_515 to %parallel_loop3A_516 step %parallel_loop3A_517 iter_args(%parallel_loop3A_562 = %broadcast_in_dim3A_514) -> (vector<16xf32>)  : i32 {
      %parallel_loop3A_563 = arith.index_cast %parallel_loop3A_561 : i32 to index
      %parallel_loop3A_564 = arith.constant 224 : index
      %parallel_loop3A_565 = tpu.vector_load %arg9[%parallel_loop3A_563, %parallel_loop3A_564] {strides = array<i32>} : memref<256x336xf32, #tpu.memory_space<vmem>>, vector<16xf32>,
      %parallel_loop3A_566 = arith.constant 1 : i32
      %parallel_loop3A_567 = arith.addi %parallel_loop3A_561, %parallel_loop3A_566 : i32
      %parallel_loop3A_568 = arith.index_cast %parallel_loop3A_567 : i32 to index
      %parallel_loop3A_569 = arith.constant 225 : index
      %parallel_loop3A_570 = tpu.vector_load %arg9[%parallel_loop3A_568, %parallel_loop3A_569] {strides = array<i32>} : memref<256x336xf32, #tpu.memory_space<vmem>>, vector<16xf32>,
      %parallel_loop3A_571 = arith.mulf %parallel_loop3A_565, %parallel_loop3A_570 : vector<16xf32>
      %parallel_loop3A_572 = arith.constant 2 : i32
      %parallel_loop3A_573 = arith.addi %parallel_loop3A_561, %parallel_loop3A_572 : i32
      %parallel_loop3A_574 = arith.index_cast %parallel_loop3A_573 : i32 to index
      %parallel_loop3A_575 = arith.constant 226 : index
      %parallel_loop3A_576 = tpu.vector_load %arg9[%parallel_loop3A_574, %parallel_loop3A_575] {strides = array<i32>} : memref<256x336xf32, #tpu.memory_space<vmem>>, vector<16xf32>,
      %parallel_loop3A_577 = arith.mulf %parallel_loop3A_571, %parallel_loop3A_576 : vector<16xf32>
      %parallel_loop3A_578 = arith.addf %parallel_loop3A_562, %parallel_loop3A_577 : vector<16xf32>
      scf.yield %parallel_loop3A_578 : vector<16xf32>
    } {sc.loop_unroll_factor = 4 : i64, sc.parallel_access}
    %swap3A_519 = arith.constant 224 : index
    %swap3A_520 = tpu.vector_load %arg10[%swap3A_519] {strides = array<i32>} : memref<320xf32, #tpu.memory_space<vmem>>, vector<16xf32>,
    tpu.vector_store %arg10[%swap3A_519], %parallel_loop3A_518 {strides = array<i32>} : memref<320xf32, #tpu.memory_space<vmem>>, vector<16xf32>,
    %broadcast_in_dim3A_521 = arith.constant 0.000000e+00 : f32
    %broadcast_in_dim3A_522 = vector.broadcast %broadcast_in_dim3A_521 : f32 to vector<16xf32>
    %parallel_loop3A_523 = arith.constant 0 : i32
    %parallel_loop3A_524 = arith.constant 254 : i32
    %parallel_loop3A_525 = arith.constant 1 : i32
    %parallel_loop3A_526 = scf.for %parallel_loop3A_561 = %parallel_loop3A_523 to %parallel_loop3A_524 step %parallel_loop3A_525 iter_args(%parallel_loop3A_562 = %broadcast_in_dim3A_522) -> (vector<16xf32>)  : i32 {
      %parallel_loop3A_563 = arith.index_cast %parallel_loop3A_561 : i32 to index
      %parallel_loop3A_564 = arith.constant 240 : index
      %parallel_loop3A_565 = tpu.vector_load %arg9[%parallel_loop3A_563, %parallel_loop3A_564] {strides = array<i32>} : memref<256x336xf32, #tpu.memory_space<vmem>>, vector<16xf32>,
      %parallel_loop3A_566 = arith.constant 1 : i32
      %parallel_loop3A_567 = arith.addi %parallel_loop3A_561, %parallel_loop3A_566 : i32
      %parallel_loop3A_568 = arith.index_cast %parallel_loop3A_567 : i32 to index
      %parallel_loop3A_569 = arith.constant 241 : index
      %parallel_loop3A_570 = tpu.vector_load %arg9[%parallel_loop3A_568, %parallel_loop3A_569] {strides = array<i32>} : memref<256x336xf32, #tpu.memory_space<vmem>>, vector<16xf32>,
      %parallel_loop3A_571 = arith.mulf %parallel_loop3A_565, %parallel_loop3A_570 : vector<16xf32>
      %parallel_loop3A_572 = arith.constant 2 : i32
      %parallel_loop3A_573 = arith.addi %parallel_loop3A_561, %parallel_loop3A_572 : i32
      %parallel_loop3A_574 = arith.index_cast %parallel_loop3A_573 : i32 to index
      %parallel_loop3A_575 = arith.constant 242 : index
      %parallel_loop3A_576 = tpu.vector_load %arg9[%parallel_loop3A_574, %parallel_loop3A_575] {strides = array<i32>} : memref<256x336xf32, #tpu.memory_space<vmem>>, vector<16xf32>,
      %parallel_loop3A_577 = arith.mulf %parallel_loop3A_571, %parallel_loop3A_576 : vector<16xf32>
      %parallel_loop3A_578 = arith.addf %parallel_loop3A_562, %parallel_loop3A_577 : vector<16xf32>
      scf.yield %parallel_loop3A_578 : vector<16xf32>
    } {sc.loop_unroll_factor = 4 : i64, sc.parallel_access}
    %swap3A_527 = arith.constant 240 : index
    %swap3A_528 = tpu.vector_load %arg10[%swap3A_527] {strides = array<i32>} : memref<320xf32, #tpu.memory_space<vmem>>, vector<16xf32>,
    tpu.vector_store %arg10[%swap3A_527], %parallel_loop3A_526 {strides = array<i32>} : memref<320xf32, #tpu.memory_space<vmem>>, vector<16xf32>,
    %broadcast_in_dim3A_529 = arith.constant 0.000000e+00 : f32
    %broadcast_in_dim3A_530 = vector.broadcast %broadcast_in_dim3A_529 : f32 to vector<16xf32>
    %parallel_loop3A_531 = arith.constant 0 : i32
    %parallel_loop3A_532 = arith.constant 254 : i32
    %parallel_loop3A_533 = arith.constant 1 : i32
    %parallel_loop3A_534 = scf.for %parallel_loop3A_561 = %parallel_loop3A_531 to %parallel_loop3A_532 step %parallel_loop3A_533 iter_args(%parallel_loop3A_562 = %broadcast_in_dim3A_530) -> (vector<16xf32>)  : i32 {
      %parallel_loop3A_563 = arith.index_cast %parallel_loop3A_561 : i32 to index
      %parallel_loop3A_564 = arith.constant 256 : index
      %parallel_loop3A_565 = tpu.vector_load %arg9[%parallel_loop3A_563, %parallel_loop3A_564] {strides = array<i32>} : memref<256x336xf32, #tpu.memory_space<vmem>>, vector<16xf32>,
      %parallel_loop3A_566 = arith.constant 1 : i32
      %parallel_loop3A_567 = arith.addi %parallel_loop3A_561, %parallel_loop3A_566 : i32
      %parallel_loop3A_568 = arith.index_cast %parallel_loop3A_567 : i32 to index
      %parallel_loop3A_569 = arith.constant 257 : index
      %parallel_loop3A_570 = tpu.vector_load %arg9[%parallel_loop3A_568, %parallel_loop3A_569] {strides = array<i32>} : memref<256x336xf32, #tpu.memory_space<vmem>>, vector<16xf32>,
      %parallel_loop3A_571 = arith.mulf %parallel_loop3A_565, %parallel_loop3A_570 : vector<16xf32>
      %parallel_loop3A_572 = arith.constant 2 : i32
      %parallel_loop3A_573 = arith.addi %parallel_loop3A_561, %parallel_loop3A_572 : i32
      %parallel_loop3A_574 = arith.index_cast %parallel_loop3A_573 : i32 to index
      %parallel_loop3A_575 = arith.constant 258 : index
      %parallel_loop3A_576 = tpu.vector_load %arg9[%parallel_loop3A_574, %parallel_loop3A_575] {strides = array<i32>} : memref<256x336xf32, #tpu.memory_space<vmem>>, vector<16xf32>,
      %parallel_loop3A_577 = arith.mulf %parallel_loop3A_571, %parallel_loop3A_576 : vector<16xf32>
      %parallel_loop3A_578 = arith.addf %parallel_loop3A_562, %parallel_loop3A_577 : vector<16xf32>
      scf.yield %parallel_loop3A_578 : vector<16xf32>
    } {sc.loop_unroll_factor = 4 : i64, sc.parallel_access}
    %swap3A_535 = arith.constant 256 : index
    %swap3A_536 = tpu.vector_load %arg10[%swap3A_535] {strides = array<i32>} : memref<320xf32, #tpu.memory_space<vmem>>, vector<16xf32>,
    tpu.vector_store %arg10[%swap3A_535], %parallel_loop3A_534 {strides = array<i32>} : memref<320xf32, #tpu.memory_space<vmem>>, vector<16xf32>,
    %broadcast_in_dim3A_537 = arith.constant 0.000000e+00 : f32
    %broadcast_in_dim3A_538 = vector.broadcast %broadcast_in_dim3A_537 : f32 to vector<16xf32>
    %parallel_loop3A_539 = arith.constant 0 : i32
    %parallel_loop3A_540 = arith.constant 254 : i32
    %parallel_loop3A_541 = arith.constant 1 : i32
    %parallel_loop3A_542 = scf.for %parallel_loop3A_561 = %parallel_loop3A_539 to %parallel_loop3A_540 step %parallel_loop3A_541 iter_args(%parallel_loop3A_562 = %broadcast_in_dim3A_538) -> (vector<16xf32>)  : i32 {
      %parallel_loop3A_563 = arith.index_cast %parallel_loop3A_561 : i32 to index
      %parallel_loop3A_564 = arith.constant 272 : index
      %parallel_loop3A_565 = tpu.vector_load %arg9[%parallel_loop3A_563, %parallel_loop3A_564] {strides = array<i32>} : memref<256x336xf32, #tpu.memory_space<vmem>>, vector<16xf32>,
      %parallel_loop3A_566 = arith.constant 1 : i32
      %parallel_loop3A_567 = arith.addi %parallel_loop3A_561, %parallel_loop3A_566 : i32
      %parallel_loop3A_568 = arith.index_cast %parallel_loop3A_567 : i32 to index
      %parallel_loop3A_569 = arith.constant 273 : index
      %parallel_loop3A_570 = tpu.vector_load %arg9[%parallel_loop3A_568, %parallel_loop3A_569] {strides = array<i32>} : memref<256x336xf32, #tpu.memory_space<vmem>>, vector<16xf32>,
      %parallel_loop3A_571 = arith.mulf %parallel_loop3A_565, %parallel_loop3A_570 : vector<16xf32>
      %parallel_loop3A_572 = arith.constant 2 : i32
      %parallel_loop3A_573 = arith.addi %parallel_loop3A_561, %parallel_loop3A_572 : i32
      %parallel_loop3A_574 = arith.index_cast %parallel_loop3A_573 : i32 to index
      %parallel_loop3A_575 = arith.constant 274 : index
      %parallel_loop3A_576 = tpu.vector_load %arg9[%parallel_loop3A_574, %parallel_loop3A_575] {strides = array<i32>} : memref<256x336xf32, #tpu.memory_space<vmem>>, vector<16xf32>,
      %parallel_loop3A_577 = arith.mulf %parallel_loop3A_571, %parallel_loop3A_576 : vector<16xf32>
      %parallel_loop3A_578 = arith.addf %parallel_loop3A_562, %parallel_loop3A_577 : vector<16xf32>
      scf.yield %parallel_loop3A_578 : vector<16xf32>
    } {sc.loop_unroll_factor = 4 : i64, sc.parallel_access}
    %swap3A_543 = arith.constant 272 : index
    %swap3A_544 = tpu.vector_load %arg10[%swap3A_543] {strides = array<i32>} : memref<320xf32, #tpu.memory_space<vmem>>, vector<16xf32>,
    tpu.vector_store %arg10[%swap3A_543], %parallel_loop3A_542 {strides = array<i32>} : memref<320xf32, #tpu.memory_space<vmem>>, vector<16xf32>,
    %broadcast_in_dim3A_545 = arith.constant 0.000000e+00 : f32
    %broadcast_in_dim3A_546 = vector.broadcast %broadcast_in_dim3A_545 : f32 to vector<16xf32>
    %parallel_loop3A_547 = arith.constant 0 : i32
    %parallel_loop3A_548 = arith.constant 254 : i32
    %parallel_loop3A_549 = arith.constant 1 : i32
    %parallel_loop3A_550 = scf.for %parallel_loop3A_561 = %parallel_loop3A_547 to %parallel_loop3A_548 step %parallel_loop3A_549 iter_args(%parallel_loop3A_562 = %broadcast_in_dim3A_546) -> (vector<16xf32>)  : i32 {
      %parallel_loop3A_563 = arith.index_cast %parallel_loop3A_561 : i32 to index
      %parallel_loop3A_564 = arith.constant 288 : index
      %parallel_loop3A_565 = tpu.vector_load %arg9[%parallel_loop3A_563, %parallel_loop3A_564] {strides = array<i32>} : memref<256x336xf32, #tpu.memory_space<vmem>>, vector<16xf32>,
      %parallel_loop3A_566 = arith.constant 1 : i32
      %parallel_loop3A_567 = arith.addi %parallel_loop3A_561, %parallel_loop3A_566 : i32
      %parallel_loop3A_568 = arith.index_cast %parallel_loop3A_567 : i32 to index
      %parallel_loop3A_569 = arith.constant 289 : index
      %parallel_loop3A_570 = tpu.vector_load %arg9[%parallel_loop3A_568, %parallel_loop3A_569] {strides = array<i32>} : memref<256x336xf32, #tpu.memory_space<vmem>>, vector<16xf32>,
      %parallel_loop3A_571 = arith.mulf %parallel_loop3A_565, %parallel_loop3A_570 : vector<16xf32>
      %parallel_loop3A_572 = arith.constant 2 : i32
      %parallel_loop3A_573 = arith.addi %parallel_loop3A_561, %parallel_loop3A_572 : i32
      %parallel_loop3A_574 = arith.index_cast %parallel_loop3A_573 : i32 to index
      %parallel_loop3A_575 = arith.constant 290 : index
      %parallel_loop3A_576 = tpu.vector_load %arg9[%parallel_loop3A_574, %parallel_loop3A_575] {strides = array<i32>} : memref<256x336xf32, #tpu.memory_space<vmem>>, vector<16xf32>,
      %parallel_loop3A_577 = arith.mulf %parallel_loop3A_571, %parallel_loop3A_576 : vector<16xf32>
      %parallel_loop3A_578 = arith.addf %parallel_loop3A_562, %parallel_loop3A_577 : vector<16xf32>
      scf.yield %parallel_loop3A_578 : vector<16xf32>
    } {sc.loop_unroll_factor = 4 : i64, sc.parallel_access}
    %swap3A_551 = arith.constant 288 : index
    %swap3A_552 = tpu.vector_load %arg10[%swap3A_551] {strides = array<i32>} : memref<320xf32, #tpu.memory_space<vmem>>, vector<16xf32>,
    tpu.vector_store %arg10[%swap3A_551], %parallel_loop3A_550 {strides = array<i32>} : memref<320xf32, #tpu.memory_space<vmem>>, vector<16xf32>,
    %broadcast_in_dim3A_553 = arith.constant 0.000000e+00 : f32
    %broadcast_in_dim3A_554 = vector.broadcast %broadcast_in_dim3A_553 : f32 to vector<16xf32>
    %parallel_loop3A_555 = arith.constant 0 : i32
    %parallel_loop3A_556 = arith.constant 254 : i32
    %parallel_loop3A_557 = arith.constant 1 : i32
    %parallel_loop3A_558 = scf.for %parallel_loop3A_561 = %parallel_loop3A_555 to %parallel_loop3A_556 step %parallel_loop3A_557 iter_args(%parallel_loop3A_562 = %broadcast_in_dim3A_554) -> (vector<16xf32>)  : i32 {
      %parallel_loop3A_563 = arith.index_cast %parallel_loop3A_561 : i32 to index
      %parallel_loop3A_564 = arith.constant 304 : index
      %parallel_loop3A_565 = tpu.vector_load %arg9[%parallel_loop3A_563, %parallel_loop3A_564] {strides = array<i32>} : memref<256x336xf32, #tpu.memory_space<vmem>>, vector<16xf32>,
      %parallel_loop3A_566 = arith.constant 1 : i32
      %parallel_loop3A_567 = arith.addi %parallel_loop3A_561, %parallel_loop3A_566 : i32
      %parallel_loop3A_568 = arith.index_cast %parallel_loop3A_567 : i32 to index
      %parallel_loop3A_569 = arith.constant 305 : index
      %parallel_loop3A_570 = tpu.vector_load %arg9[%parallel_loop3A_568, %parallel_loop3A_569] {strides = array<i32>} : memref<256x336xf32, #tpu.memory_space<vmem>>, vector<16xf32>,
      %parallel_loop3A_571 = arith.mulf %parallel_loop3A_565, %parallel_loop3A_570 : vector<16xf32>
      %parallel_loop3A_572 = arith.constant 2 : i32
      %parallel_loop3A_573 = arith.addi %parallel_loop3A_561, %parallel_loop3A_572 : i32
      %parallel_loop3A_574 = arith.index_cast %parallel_loop3A_573 : i32 to index
      %parallel_loop3A_575 = arith.constant 306 : index
      %parallel_loop3A_576 = tpu.vector_load %arg9[%parallel_loop3A_574, %parallel_loop3A_575] {strides = array<i32>} : memref<256x336xf32, #tpu.memory_space<vmem>>, vector<16xf32>,
      %parallel_loop3A_577 = arith.mulf %parallel_loop3A_571, %parallel_loop3A_576 : vector<16xf32>
      %parallel_loop3A_578 = arith.addf %parallel_loop3A_562, %parallel_loop3A_577 : vector<16xf32>
      scf.yield %parallel_loop3A_578 : vector<16xf32>
    } {sc.loop_unroll_factor = 4 : i64, sc.parallel_access}
    %swap3A_559 = arith.constant 304 : index
    %swap3A_560 = tpu.vector_load %arg10[%swap3A_559] {strides = array<i32>} : memref<320xf32, #tpu.memory_space<vmem>>, vector<16xf32>,
    tpu.vector_store %arg10[%swap3A_559], %parallel_loop3A_558 {strides = array<i32>} : memref<320xf32, #tpu.memory_space<vmem>>, vector<16xf32>,
    "tpu.region"() ({
      %run_scoped3A = tpu.sem_alloc : memref<!tpu.dma_semaphore, #tpu.memory_space<semaphore_mem>>
      %dma_start3A = tpu.memref_slice %arg5[%mul3A_2] : memref<10240xf32, #tpu.memory_space<hbm>> -> memref<320xf32, #tpu.memory_space<hbm>>
      %dma_start3A_561 = tpu.memref_slice %arg5[%mul3A_2] : memref<10240xf32, #tpu.memory_space<hbm>> -> memref<320xf32, #tpu.memory_space<hbm>>
      tpu.enqueue_dma source(%arg10 : memref<320xf32, #tpu.memory_space<vmem>>) target(%dma_start3A_561 : memref<320xf32, #tpu.memory_space<hbm>>) target_semaphore(%run_scoped3A : memref<!tpu.dma_semaphore, #tpu.memory_space<semaphore_mem>>)
      %dma_wait3A = tpu.memref_slice %arg5[%mul3A_2] : memref<10240xf32, #tpu.memory_space<hbm>> -> memref<320xf32, #tpu.memory_space<hbm>>
      %dma_wait3A_562 = tpu.memref_slice %arg5[%mul3A_2] : memref<10240xf32, #tpu.memory_space<hbm>> -> memref<320xf32, #tpu.memory_space<hbm>>
      tpu.wait_dma2 semaphore(%run_scoped3A : memref<!tpu.dma_semaphore, #tpu.memory_space<semaphore_mem>>) src(%arg10 : memref<320xf32, #tpu.memory_space<vmem>>) dst(%dma_wait3A_562 : memref<320xf32, #tpu.memory_space<hbm>>)
      tpu.yield
    }) : () -> ()
    return
  }
}

module attributes {stable_mosaic.version = 14 : i64} {
  func.func @_expr_kernel(%arg0: i32, %arg1: memref<29x1xf32, #tpu.memory_space<vmem>>, %arg2: memref<29x2048xf32, #tpu.memory_space<vmem>>, %arg3: memref<29x2048xf32, #tpu.memory_space<vmem>>, %arg4: memref<6x91xf32, #tpu.memory_space<vmem>>, %arg5: memref<6x2048x91xf32, #tpu.memory_space<vmem>>, %arg6: memref<6x2048xf32, #tpu.memory_space<vmem>>, %arg7: memref<1x2048xf32, #tpu.memory_space<vmem>>) attributes {dimension_semantics = [#tpu.dimension_semantics<arbitrary>], iteration_bounds = array<i64: 5>, scalar_prefetch = 0 : i64, scratch_operands = 0 : i64, tpu.core_type = #tpu.core_type<tc>, window_params = [{pipeline_mode = #tpu.pipeline_mode<synchronous>, transform_indices = @transform_0, window_bounds = array<i64: 29, 1>}, {transform_indices = @transform_1, window_bounds = array<i64: 29, 2048>}, {transform_indices = @transform_2, window_bounds = array<i64: 29, 2048>}, {pipeline_mode = #tpu.pipeline_mode<synchronous>, transform_indices = @transform_3, window_bounds = array<i64: 6, 91>}, {transform_indices = @transform_4, window_bounds = array<i64: 6, 2048, 91>}, {transform_indices = @transform_5, window_bounds = array<i64: 6, 2048>}, {transform_indices = @transform_6, window_bounds = array<i64: 1, 2048>}]} {
    %get3A = arith.constant 0 : index
    %get3A_0 = arith.constant 0 : index
    %get3A_1 = vector.load %arg1[%get3A, %get3A_0] : memref<29x1xf32, #tpu.memory_space<vmem>>, vector<29x1xf32>
    %get3A_2 = arith.constant 0 : index
    %get3A_3 = arith.constant 0 : index
    %get3A_4 = vector.load %arg2[%get3A_2, %get3A_3] : memref<29x2048xf32, #tpu.memory_space<vmem>>, vector<29x2048xf32>
    %mul3A = vector.broadcast %get3A_1 : vector<29x1xf32> to vector<29x2048xf32>
    %mul3A_5 = arith.mulf %mul3A, %get3A_4 : vector<29x2048xf32>
    %get3A_6 = arith.constant 0 : index
    %get3A_7 = arith.constant 0 : index
    %get3A_8 = vector.load %arg3[%get3A_6, %get3A_7] : memref<29x2048xf32, #tpu.memory_space<vmem>>, vector<29x2048xf32>
    %add3A = arith.addf %mul3A_5, %get3A_8 : vector<29x2048xf32>
    %cos3A = math.cos %add3A : vector<29x2048xf32>
    %sin3A = math.sin %mul3A_5 : vector<29x2048xf32>
    %mul3A_9 = arith.mulf %cos3A, %sin3A : vector<29x2048xf32>
    %get3A_10 = arith.constant 0 : index
    %get3A_11 = arith.constant 0 : index
    %get3A_12 = arith.constant 0 : index
    %get3A_13 = vector.load %arg5[%get3A_10, %get3A_11, %get3A_12] : memref<6x2048x91xf32, #tpu.memory_space<vmem>>, vector<6x2048x91xf32>
    %convert_element_type3A = arith.truncf %get3A_13 : vector<6x2048x91xf32> to vector<6x2048x91xbf16>
    %get3A_14 = arith.constant 0 : index
    %get3A_15 = arith.constant 0 : index
    %get3A_16 = vector.load %arg4[%get3A_14, %get3A_15] : memref<6x91xf32, #tpu.memory_space<vmem>>, vector<6x91xf32>
    %convert_element_type3A_17 = arith.truncf %get3A_16 : vector<6x91xf32> to vector<6x91xbf16>
    %slice3A = vector.extract_strided_slice %convert_element_type3A {offsets = [0, 0, 0], sizes = [1, 2048, 91], strides = [1, 1, 1]} : vector<6x2048x91xbf16> to vector<1x2048x91xbf16>
    %squeeze3A = vector.shape_cast %slice3A : vector<1x2048x91xbf16> to vector<2048x91xbf16>
    %slice3A_18 = vector.extract_strided_slice %convert_element_type3A_17 {offsets = [0, 0], sizes = [1, 91], strides = [1, 1]} : vector<6x91xbf16> to vector<1x91xbf16>
    %squeeze3A_19 = vector.shape_cast %slice3A_18 : vector<1x91xbf16> to vector<91xbf16>
    %broadcast_in_dim3A = vector.shape_cast %squeeze3A_19 : vector<91xbf16> to vector<91x1xbf16>
    %dot_general3A = arith.constant dense<0.000000e+00> : vector<2048x1xf32>
    %dot_general3A_20 = tpu.matmul %squeeze3A, %broadcast_in_dim3A, %dot_general3A {dimension_numbers = #tpu.dot_dimension_numbers<[1], [0], [0], [1], [0, 0, 1, 1], [], []>, transpose_lhs_hint = false} : vector<2048x91xbf16>, vector<91x1xbf16>, vector<2048x1xf32> -> vector<2048x1xf32>
    %squeeze3A_21 = vector.shape_cast %dot_general3A_20 : vector<2048x1xf32> to vector<2048xf32>
    %slice3A_22 = vector.extract_strided_slice %convert_element_type3A {offsets = [1, 0, 0], sizes = [1, 2048, 91], strides = [1, 1, 1]} : vector<6x2048x91xbf16> to vector<1x2048x91xbf16>
    %squeeze3A_23 = vector.shape_cast %slice3A_22 : vector<1x2048x91xbf16> to vector<2048x91xbf16>
    %slice3A_24 = vector.extract_strided_slice %convert_element_type3A_17 {offsets = [1, 0], sizes = [1, 91], strides = [1, 1]} : vector<6x91xbf16> to vector<1x91xbf16>
    %squeeze3A_25 = vector.shape_cast %slice3A_24 : vector<1x91xbf16> to vector<91xbf16>
    %broadcast_in_dim3A_26 = vector.shape_cast %squeeze3A_25 : vector<91xbf16> to vector<91x1xbf16>
    %dot_general3A_27 = arith.constant dense<0.000000e+00> : vector<2048x1xf32>
    %dot_general3A_28 = tpu.matmul %squeeze3A_23, %broadcast_in_dim3A_26, %dot_general3A_27 {dimension_numbers = #tpu.dot_dimension_numbers<[1], [0], [0], [1], [0, 0, 1, 1], [], []>, transpose_lhs_hint = false} : vector<2048x91xbf16>, vector<91x1xbf16>, vector<2048x1xf32> -> vector<2048x1xf32>
    %squeeze3A_29 = vector.shape_cast %dot_general3A_28 : vector<2048x1xf32> to vector<2048xf32>
    %slice3A_30 = vector.extract_strided_slice %convert_element_type3A {offsets = [2, 0, 0], sizes = [1, 2048, 91], strides = [1, 1, 1]} : vector<6x2048x91xbf16> to vector<1x2048x91xbf16>
    %squeeze3A_31 = vector.shape_cast %slice3A_30 : vector<1x2048x91xbf16> to vector<2048x91xbf16>
    %slice3A_32 = vector.extract_strided_slice %convert_element_type3A_17 {offsets = [2, 0], sizes = [1, 91], strides = [1, 1]} : vector<6x91xbf16> to vector<1x91xbf16>
    %squeeze3A_33 = vector.shape_cast %slice3A_32 : vector<1x91xbf16> to vector<91xbf16>
    %broadcast_in_dim3A_34 = vector.shape_cast %squeeze3A_33 : vector<91xbf16> to vector<91x1xbf16>
    %dot_general3A_35 = arith.constant dense<0.000000e+00> : vector<2048x1xf32>
    %dot_general3A_36 = tpu.matmul %squeeze3A_31, %broadcast_in_dim3A_34, %dot_general3A_35 {dimension_numbers = #tpu.dot_dimension_numbers<[1], [0], [0], [1], [0, 0, 1, 1], [], []>, transpose_lhs_hint = false} : vector<2048x91xbf16>, vector<91x1xbf16>, vector<2048x1xf32> -> vector<2048x1xf32>
    %squeeze3A_37 = vector.shape_cast %dot_general3A_36 : vector<2048x1xf32> to vector<2048xf32>
    %slice3A_38 = vector.extract_strided_slice %convert_element_type3A {offsets = [3, 0, 0], sizes = [1, 2048, 91], strides = [1, 1, 1]} : vector<6x2048x91xbf16> to vector<1x2048x91xbf16>
    %squeeze3A_39 = vector.shape_cast %slice3A_38 : vector<1x2048x91xbf16> to vector<2048x91xbf16>
    %slice3A_40 = vector.extract_strided_slice %convert_element_type3A_17 {offsets = [3, 0], sizes = [1, 91], strides = [1, 1]} : vector<6x91xbf16> to vector<1x91xbf16>
    %squeeze3A_41 = vector.shape_cast %slice3A_40 : vector<1x91xbf16> to vector<91xbf16>
    %broadcast_in_dim3A_42 = vector.shape_cast %squeeze3A_41 : vector<91xbf16> to vector<91x1xbf16>
    %dot_general3A_43 = arith.constant dense<0.000000e+00> : vector<2048x1xf32>
    %dot_general3A_44 = tpu.matmul %squeeze3A_39, %broadcast_in_dim3A_42, %dot_general3A_43 {dimension_numbers = #tpu.dot_dimension_numbers<[1], [0], [0], [1], [0, 0, 1, 1], [], []>, transpose_lhs_hint = false} : vector<2048x91xbf16>, vector<91x1xbf16>, vector<2048x1xf32> -> vector<2048x1xf32>
    %squeeze3A_45 = vector.shape_cast %dot_general3A_44 : vector<2048x1xf32> to vector<2048xf32>
    %slice3A_46 = vector.extract_strided_slice %convert_element_type3A {offsets = [4, 0, 0], sizes = [1, 2048, 91], strides = [1, 1, 1]} : vector<6x2048x91xbf16> to vector<1x2048x91xbf16>
    %squeeze3A_47 = vector.shape_cast %slice3A_46 : vector<1x2048x91xbf16> to vector<2048x91xbf16>
    %slice3A_48 = vector.extract_strided_slice %convert_element_type3A_17 {offsets = [4, 0], sizes = [1, 91], strides = [1, 1]} : vector<6x91xbf16> to vector<1x91xbf16>
    %squeeze3A_49 = vector.shape_cast %slice3A_48 : vector<1x91xbf16> to vector<91xbf16>
    %broadcast_in_dim3A_50 = vector.shape_cast %squeeze3A_49 : vector<91xbf16> to vector<91x1xbf16>
    %dot_general3A_51 = arith.constant dense<0.000000e+00> : vector<2048x1xf32>
    %dot_general3A_52 = tpu.matmul %squeeze3A_47, %broadcast_in_dim3A_50, %dot_general3A_51 {dimension_numbers = #tpu.dot_dimension_numbers<[1], [0], [0], [1], [0, 0, 1, 1], [], []>, transpose_lhs_hint = false} : vector<2048x91xbf16>, vector<91x1xbf16>, vector<2048x1xf32> -> vector<2048x1xf32>
    %squeeze3A_53 = vector.shape_cast %dot_general3A_52 : vector<2048x1xf32> to vector<2048xf32>
    %slice3A_54 = vector.extract_strided_slice %convert_element_type3A {offsets = [5, 0, 0], sizes = [1, 2048, 91], strides = [1, 1, 1]} : vector<6x2048x91xbf16> to vector<1x2048x91xbf16>
    %squeeze3A_55 = vector.shape_cast %slice3A_54 : vector<1x2048x91xbf16> to vector<2048x91xbf16>
    %slice3A_56 = vector.extract_strided_slice %convert_element_type3A_17 {offsets = [5, 0], sizes = [1, 91], strides = [1, 1]} : vector<6x91xbf16> to vector<1x91xbf16>
    %squeeze3A_57 = vector.shape_cast %slice3A_56 : vector<1x91xbf16> to vector<91xbf16>
    %broadcast_in_dim3A_58 = vector.shape_cast %squeeze3A_57 : vector<91xbf16> to vector<91x1xbf16>
    %dot_general3A_59 = arith.constant dense<0.000000e+00> : vector<2048x1xf32>
    %dot_general3A_60 = tpu.matmul %squeeze3A_55, %broadcast_in_dim3A_58, %dot_general3A_59 {dimension_numbers = #tpu.dot_dimension_numbers<[1], [0], [0], [1], [0, 0, 1, 1], [], []>, transpose_lhs_hint = false} : vector<2048x91xbf16>, vector<91x1xbf16>, vector<2048x1xf32> -> vector<2048x1xf32>
    %squeeze3A_61 = vector.shape_cast %dot_general3A_60 : vector<2048x1xf32> to vector<2048xf32>
    %stack3A = vector.shape_cast %squeeze3A_21 : vector<2048xf32> to vector<1x2048xf32>
    %stack3A_62 = vector.shape_cast %squeeze3A_29 : vector<2048xf32> to vector<1x2048xf32>
    %stack3A_63 = vector.shape_cast %squeeze3A_37 : vector<2048xf32> to vector<1x2048xf32>
    %stack3A_64 = vector.shape_cast %squeeze3A_45 : vector<2048xf32> to vector<1x2048xf32>
    %stack3A_65 = vector.shape_cast %squeeze3A_53 : vector<2048xf32> to vector<1x2048xf32>
    %stack3A_66 = vector.shape_cast %squeeze3A_61 : vector<2048xf32> to vector<1x2048xf32>
    %stack3A_67 = tpu.concatenate %stack3A, %stack3A_62, %stack3A_63, %stack3A_64, %stack3A_65, %stack3A_66 in 0 : vector<1x2048xf32>, vector<1x2048xf32>, vector<1x2048xf32>, vector<1x2048xf32>, vector<1x2048xf32>, vector<1x2048xf32> -> vector<6x2048xf32>
    %get3A_68 = arith.constant 0 : index
    %get3A_69 = arith.constant 0 : index
    %get3A_70 = vector.load %arg6[%get3A_68, %get3A_69] : memref<6x2048xf32, #tpu.memory_space<vmem>>, vector<6x2048xf32>
    %add3A_71 = arith.addf %stack3A_67, %get3A_70 : vector<6x2048xf32>
    %cos3A_72 = math.cos %add3A_71 : vector<6x2048xf32>
    %sin3A_73 = math.sin %stack3A_67 : vector<6x2048xf32>
    %mul3A_74 = arith.mulf %cos3A_72, %sin3A_73 : vector<6x2048xf32>
    %slice3A_75 = vector.extract_strided_slice %mul3A_74 {offsets = [0, 0], sizes = [1, 2048], strides = [1, 1]} : vector<6x2048xf32> to vector<1x2048xf32>
    %squeeze3A_76 = vector.shape_cast %slice3A_75 : vector<1x2048xf32> to vector<2048xf32>
    %slice3A_77 = vector.extract_strided_slice %mul3A_74 {offsets = [1, 0], sizes = [1, 2048], strides = [1, 1]} : vector<6x2048xf32> to vector<1x2048xf32>
    %squeeze3A_78 = vector.shape_cast %slice3A_77 : vector<1x2048xf32> to vector<2048xf32>
    %mul3A_79 = arith.mulf %squeeze3A_76, %squeeze3A_78 : vector<2048xf32>
    %slice3A_80 = vector.extract_strided_slice %mul3A_74 {offsets = [2, 0], sizes = [1, 2048], strides = [1, 1]} : vector<6x2048xf32> to vector<1x2048xf32>
    %squeeze3A_81 = vector.shape_cast %slice3A_80 : vector<1x2048xf32> to vector<2048xf32>
    %mul3A_82 = arith.mulf %mul3A_79, %squeeze3A_81 : vector<2048xf32>
    %slice3A_83 = vector.extract_strided_slice %mul3A_74 {offsets = [3, 0], sizes = [1, 2048], strides = [1, 1]} : vector<6x2048xf32> to vector<1x2048xf32>
    %squeeze3A_84 = vector.shape_cast %slice3A_83 : vector<1x2048xf32> to vector<2048xf32>
    %mul3A_85 = arith.mulf %mul3A_82, %squeeze3A_84 : vector<2048xf32>
    %slice3A_86 = vector.extract_strided_slice %mul3A_74 {offsets = [4, 0], sizes = [1, 2048], strides = [1, 1]} : vector<6x2048xf32> to vector<1x2048xf32>
    %squeeze3A_87 = vector.shape_cast %slice3A_86 : vector<1x2048xf32> to vector<2048xf32>
    %mul3A_88 = arith.mulf %mul3A_85, %squeeze3A_87 : vector<2048xf32>
    %slice3A_89 = vector.extract_strided_slice %mul3A_74 {offsets = [5, 0], sizes = [1, 2048], strides = [1, 1]} : vector<6x2048xf32> to vector<1x2048xf32>
    %squeeze3A_90 = vector.shape_cast %slice3A_89 : vector<1x2048xf32> to vector<2048xf32>
    %mul3A_91 = arith.mulf %mul3A_88, %squeeze3A_90 : vector<2048xf32>
    %slice3A_92 = vector.extract_strided_slice %mul3A_9 {offsets = [0, 0], sizes = [1, 2048], strides = [1, 1]} : vector<29x2048xf32> to vector<1x2048xf32>
    %squeeze3A_93 = vector.shape_cast %slice3A_92 : vector<1x2048xf32> to vector<2048xf32>
    %slice3A_94 = vector.extract_strided_slice %mul3A_9 {offsets = [1, 0], sizes = [1, 2048], strides = [1, 1]} : vector<29x2048xf32> to vector<1x2048xf32>
    %squeeze3A_95 = vector.shape_cast %slice3A_94 : vector<1x2048xf32> to vector<2048xf32>
    %slice3A_96 = vector.extract_strided_slice %mul3A_9 {offsets = [2, 0], sizes = [1, 2048], strides = [1, 1]} : vector<29x2048xf32> to vector<1x2048xf32>
    %squeeze3A_97 = vector.shape_cast %slice3A_96 : vector<1x2048xf32> to vector<2048xf32>
    %slice3A_98 = vector.extract_strided_slice %mul3A_9 {offsets = [3, 0], sizes = [1, 2048], strides = [1, 1]} : vector<29x2048xf32> to vector<1x2048xf32>
    %squeeze3A_99 = vector.shape_cast %slice3A_98 : vector<1x2048xf32> to vector<2048xf32>
    %slice3A_100 = vector.extract_strided_slice %mul3A_9 {offsets = [4, 0], sizes = [1, 2048], strides = [1, 1]} : vector<29x2048xf32> to vector<1x2048xf32>
    %squeeze3A_101 = vector.shape_cast %slice3A_100 : vector<1x2048xf32> to vector<2048xf32>
    %slice3A_102 = vector.extract_strided_slice %mul3A_9 {offsets = [5, 0], sizes = [1, 2048], strides = [1, 1]} : vector<29x2048xf32> to vector<1x2048xf32>
    %squeeze3A_103 = vector.shape_cast %slice3A_102 : vector<1x2048xf32> to vector<2048xf32>
    %slice3A_104 = vector.extract_strided_slice %mul3A_9 {offsets = [6, 0], sizes = [1, 2048], strides = [1, 1]} : vector<29x2048xf32> to vector<1x2048xf32>
    %squeeze3A_105 = vector.shape_cast %slice3A_104 : vector<1x2048xf32> to vector<2048xf32>
    %slice3A_106 = vector.extract_strided_slice %mul3A_9 {offsets = [7, 0], sizes = [1, 2048], strides = [1, 1]} : vector<29x2048xf32> to vector<1x2048xf32>
    %squeeze3A_107 = vector.shape_cast %slice3A_106 : vector<1x2048xf32> to vector<2048xf32>
    %slice3A_108 = vector.extract_strided_slice %mul3A_9 {offsets = [8, 0], sizes = [1, 2048], strides = [1, 1]} : vector<29x2048xf32> to vector<1x2048xf32>
    %squeeze3A_109 = vector.shape_cast %slice3A_108 : vector<1x2048xf32> to vector<2048xf32>
    %slice3A_110 = vector.extract_strided_slice %mul3A_9 {offsets = [9, 0], sizes = [1, 2048], strides = [1, 1]} : vector<29x2048xf32> to vector<1x2048xf32>
    %squeeze3A_111 = vector.shape_cast %slice3A_110 : vector<1x2048xf32> to vector<2048xf32>
    %slice3A_112 = vector.extract_strided_slice %mul3A_9 {offsets = [10, 0], sizes = [1, 2048], strides = [1, 1]} : vector<29x2048xf32> to vector<1x2048xf32>
    %squeeze3A_113 = vector.shape_cast %slice3A_112 : vector<1x2048xf32> to vector<2048xf32>
    %slice3A_114 = vector.extract_strided_slice %mul3A_9 {offsets = [11, 0], sizes = [1, 2048], strides = [1, 1]} : vector<29x2048xf32> to vector<1x2048xf32>
    %squeeze3A_115 = vector.shape_cast %slice3A_114 : vector<1x2048xf32> to vector<2048xf32>
    %slice3A_116 = vector.extract_strided_slice %mul3A_9 {offsets = [12, 0], sizes = [1, 2048], strides = [1, 1]} : vector<29x2048xf32> to vector<1x2048xf32>
    %squeeze3A_117 = vector.shape_cast %slice3A_116 : vector<1x2048xf32> to vector<2048xf32>
    %slice3A_118 = vector.extract_strided_slice %mul3A_9 {offsets = [13, 0], sizes = [1, 2048], strides = [1, 1]} : vector<29x2048xf32> to vector<1x2048xf32>
    %squeeze3A_119 = vector.shape_cast %slice3A_118 : vector<1x2048xf32> to vector<2048xf32>
    %slice3A_120 = vector.extract_strided_slice %mul3A_9 {offsets = [14, 0], sizes = [1, 2048], strides = [1, 1]} : vector<29x2048xf32> to vector<1x2048xf32>
    %squeeze3A_121 = vector.shape_cast %slice3A_120 : vector<1x2048xf32> to vector<2048xf32>
    %slice3A_122 = vector.extract_strided_slice %mul3A_9 {offsets = [15, 0], sizes = [1, 2048], strides = [1, 1]} : vector<29x2048xf32> to vector<1x2048xf32>
    %squeeze3A_123 = vector.shape_cast %slice3A_122 : vector<1x2048xf32> to vector<2048xf32>
    %slice3A_124 = vector.extract_strided_slice %mul3A_9 {offsets = [16, 0], sizes = [1, 2048], strides = [1, 1]} : vector<29x2048xf32> to vector<1x2048xf32>
    %squeeze3A_125 = vector.shape_cast %slice3A_124 : vector<1x2048xf32> to vector<2048xf32>
    %slice3A_126 = vector.extract_strided_slice %mul3A_9 {offsets = [17, 0], sizes = [1, 2048], strides = [1, 1]} : vector<29x2048xf32> to vector<1x2048xf32>
    %squeeze3A_127 = vector.shape_cast %slice3A_126 : vector<1x2048xf32> to vector<2048xf32>
    %slice3A_128 = vector.extract_strided_slice %mul3A_9 {offsets = [18, 0], sizes = [1, 2048], strides = [1, 1]} : vector<29x2048xf32> to vector<1x2048xf32>
    %squeeze3A_129 = vector.shape_cast %slice3A_128 : vector<1x2048xf32> to vector<2048xf32>
    %slice3A_130 = vector.extract_strided_slice %mul3A_9 {offsets = [19, 0], sizes = [1, 2048], strides = [1, 1]} : vector<29x2048xf32> to vector<1x2048xf32>
    %squeeze3A_131 = vector.shape_cast %slice3A_130 : vector<1x2048xf32> to vector<2048xf32>
    %slice3A_132 = vector.extract_strided_slice %mul3A_9 {offsets = [20, 0], sizes = [1, 2048], strides = [1, 1]} : vector<29x2048xf32> to vector<1x2048xf32>
    %squeeze3A_133 = vector.shape_cast %slice3A_132 : vector<1x2048xf32> to vector<2048xf32>
    %slice3A_134 = vector.extract_strided_slice %mul3A_9 {offsets = [21, 0], sizes = [1, 2048], strides = [1, 1]} : vector<29x2048xf32> to vector<1x2048xf32>
    %squeeze3A_135 = vector.shape_cast %slice3A_134 : vector<1x2048xf32> to vector<2048xf32>
    %slice3A_136 = vector.extract_strided_slice %mul3A_9 {offsets = [22, 0], sizes = [1, 2048], strides = [1, 1]} : vector<29x2048xf32> to vector<1x2048xf32>
    %squeeze3A_137 = vector.shape_cast %slice3A_136 : vector<1x2048xf32> to vector<2048xf32>
    %slice3A_138 = vector.extract_strided_slice %mul3A_9 {offsets = [23, 0], sizes = [1, 2048], strides = [1, 1]} : vector<29x2048xf32> to vector<1x2048xf32>
    %squeeze3A_139 = vector.shape_cast %slice3A_138 : vector<1x2048xf32> to vector<2048xf32>
    %slice3A_140 = vector.extract_strided_slice %mul3A_9 {offsets = [24, 0], sizes = [1, 2048], strides = [1, 1]} : vector<29x2048xf32> to vector<1x2048xf32>
    %squeeze3A_141 = vector.shape_cast %slice3A_140 : vector<1x2048xf32> to vector<2048xf32>
    %slice3A_142 = vector.extract_strided_slice %mul3A_9 {offsets = [25, 0], sizes = [1, 2048], strides = [1, 1]} : vector<29x2048xf32> to vector<1x2048xf32>
    %squeeze3A_143 = vector.shape_cast %slice3A_142 : vector<1x2048xf32> to vector<2048xf32>
    %slice3A_144 = vector.extract_strided_slice %mul3A_9 {offsets = [26, 0], sizes = [1, 2048], strides = [1, 1]} : vector<29x2048xf32> to vector<1x2048xf32>
    %squeeze3A_145 = vector.shape_cast %slice3A_144 : vector<1x2048xf32> to vector<2048xf32>
    %slice3A_146 = vector.extract_strided_slice %mul3A_9 {offsets = [27, 0], sizes = [1, 2048], strides = [1, 1]} : vector<29x2048xf32> to vector<1x2048xf32>
    %squeeze3A_147 = vector.shape_cast %slice3A_146 : vector<1x2048xf32> to vector<2048xf32>
    %slice3A_148 = vector.extract_strided_slice %mul3A_9 {offsets = [28, 0], sizes = [1, 2048], strides = [1, 1]} : vector<29x2048xf32> to vector<1x2048xf32>
    %squeeze3A_149 = vector.shape_cast %slice3A_148 : vector<1x2048xf32> to vector<2048xf32>
    %mul3A_150 = arith.mulf %squeeze3A_93, %squeeze3A_109 : vector<2048xf32>
    %mul3A_151 = arith.mulf %mul3A_150, %squeeze3A_119 : vector<2048xf32>
    %mul3A_152 = arith.mulf %squeeze3A_95, %squeeze3A_111 : vector<2048xf32>
    %mul3A_153 = arith.mulf %mul3A_152, %squeeze3A_121 : vector<2048xf32>
    %add3A_154 = arith.addf %mul3A_151, %mul3A_153 : vector<2048xf32>
    %mul3A_155 = arith.mulf %squeeze3A_97, %squeeze3A_113 : vector<2048xf32>
    %mul3A_156 = arith.mulf %mul3A_155, %squeeze3A_123 : vector<2048xf32>
    %add3A_157 = arith.addf %add3A_154, %mul3A_156 : vector<2048xf32>
    %mul3A_158 = arith.mulf %squeeze3A_99, %squeeze3A_101 : vector<2048xf32>
    %add3A_159 = arith.addf %add3A_157, %mul3A_158 : vector<2048xf32>
    %mul3A_160 = arith.mulf %squeeze3A_103, %squeeze3A_107 : vector<2048xf32>
    %mul3A_161 = arith.mulf %mul3A_160, %squeeze3A_137 : vector<2048xf32>
    %mul3A_162 = arith.mulf %mul3A_161, %squeeze3A_105 : vector<2048xf32>
    %mul3A_163 = arith.mulf %mul3A_162, %squeeze3A_139 : vector<2048xf32>
    %mul3A_164 = arith.mulf %mul3A_163, %squeeze3A_131 : vector<2048xf32>
    %mul3A_165 = arith.mulf %mul3A_164, %squeeze3A_129 : vector<2048xf32>
    %mul3A_166 = arith.mulf %mul3A_165, %squeeze3A_133 : vector<2048xf32>
    %mul3A_167 = arith.mulf %mul3A_166, %squeeze3A_135 : vector<2048xf32>
    %mul3A_168 = arith.mulf %mul3A_167, %squeeze3A_145 : vector<2048xf32>
    %mul3A_169 = arith.mulf %mul3A_168, %squeeze3A_149 : vector<2048xf32>
    %mul3A_170 = arith.mulf %mul3A_169, %squeeze3A_147 : vector<2048xf32>
    %add3A_171 = arith.addf %add3A_159, %mul3A_170 : vector<2048xf32>
    %add3A_172 = arith.addf %add3A_171, %squeeze3A_115 : vector<2048xf32>
    %add3A_173 = arith.addf %add3A_172, %squeeze3A_117 : vector<2048xf32>
    %mul3A_174 = arith.mulf %squeeze3A_125, %squeeze3A_141 : vector<2048xf32>
    %add3A_175 = arith.addf %add3A_173, %mul3A_174 : vector<2048xf32>
    %add3A_176 = arith.addf %add3A_175, %squeeze3A_127 : vector<2048xf32>
    %add3A_177 = arith.addf %add3A_176, %squeeze3A_143 : vector<2048xf32>
    %add3A_178 = arith.addf %add3A_177, %mul3A_91 : vector<2048xf32>
    %swap3A = arith.constant 0 : index
    %swap3A_179 = arith.constant 0 : index
    %swap3A_180 = vector.load %arg7[%swap3A, %swap3A_179] : memref<1x2048xf32, #tpu.memory_space<vmem>>, vector<1x2048xf32>
    %swap3A_181 = vector.shape_cast %swap3A_180 : vector<1x2048xf32> to vector<2048xf32>
    %swap3A_182 = vector.shape_cast %add3A_178 : vector<2048xf32> to vector<1x2048xf32>
    tpu.vector_store %arg7[%swap3A, %swap3A_179], %swap3A_182 {strides = array<i32>} : memref<1x2048xf32, #tpu.memory_space<vmem>>, vector<1x2048xf32>,
    return
  }
  func.func @transform_0(%arg0: i32) -> (i32, i32) {
    %c0_i32 = arith.constant 0 : i32
    %c0_i32_0 = arith.constant 0 : i32
    %c0_i32_1 = arith.constant 0 : i32
    return %c0_i32, %c0_i32_0 : i32, i32
  }
  func.func @transform_1(%arg0: i32) -> (i32, i32) {
    %c0_i32 = arith.constant 0 : i32
    %c0_i32_0 = arith.constant 0 : i32
    return %c0_i32, %arg0 : i32, i32
  }
  func.func @transform_2(%arg0: i32) -> (i32, i32) {
    %c0_i32 = arith.constant 0 : i32
    %c0_i32_0 = arith.constant 0 : i32
    return %c0_i32, %arg0 : i32, i32
  }
  func.func @transform_3(%arg0: i32) -> (i32, i32) {
    %c0_i32 = arith.constant 0 : i32
    %c0_i32_0 = arith.constant 0 : i32
    %c0_i32_1 = arith.constant 0 : i32
    return %c0_i32, %c0_i32_0 : i32, i32
  }
  func.func @transform_4(%arg0: i32) -> (i32, i32, i32) {
    %c0_i32 = arith.constant 0 : i32
    %c0_i32_0 = arith.constant 0 : i32
    %c0_i32_1 = arith.constant 0 : i32
    return %c0_i32, %arg0, %c0_i32_0 : i32, i32, i32
  }
  func.func @transform_5(%arg0: i32) -> (i32, i32) {
    %c0_i32 = arith.constant 0 : i32
    %c0_i32_0 = arith.constant 0 : i32
    return %c0_i32, %arg0 : i32, i32
  }
  func.func @transform_6(%arg0: i32) -> (i32, i32) {
    %c0_i32 = arith.constant 0 : i32
    %c0_i32_0 = arith.constant 0 : i32
    return %c0_i32, %arg0 : i32, i32
  }
}

module attributes {stable_mosaic.version = 14 : i64} {
  func.func @_combine_kernel(%arg0: memref<1x10240xf32, #tpu.memory_space<vmem>>, %arg1: memref<1x10000xf32, #tpu.memory_space<vmem>>, %arg2: memref<1x10000xf32, #tpu.memory_space<vmem>>) attributes {dimension_semantics = [], scalar_prefetch = 0 : i64, scratch_operands = 0 : i64, tpu.core_type = #tpu.core_type<tc>} {
    %get3A = arith.constant 0 : index
    %get3A_0 = arith.constant 0 : index
    %get3A_1 = vector.load %arg0[%get3A, %get3A_0] : memref<1x10240xf32, #tpu.memory_space<vmem>>, vector<1x10000xf32>
    %get3A_2 = vector.shape_cast %get3A_1 : vector<1x10000xf32> to vector<10000xf32>
    %get3A_3 = arith.constant 0 : index
    %get3A_4 = arith.constant 0 : index
    %get3A_5 = vector.load %arg1[%get3A_3, %get3A_4] : memref<1x10000xf32, #tpu.memory_space<vmem>>, vector<1x10000xf32>
    %get3A_6 = vector.shape_cast %get3A_5 : vector<1x10000xf32> to vector<10000xf32>
    %mul3A = arith.mulf %get3A_2, %get3A_6 : vector<10000xf32>
    %gt3A = arith.constant 0.000000e+00 : f32
    %gt3A_7 = vector.broadcast %gt3A : f32 to vector<10000xf32>
    %gt3A_8 = arith.cmpf ogt, %mul3A, %gt3A_7 : vector<10000xf32>
    %jit3A = arith.constant 1.000000e+00 : f32
    %jit3A_9 = arith.constant -1.000000e+00 : f32
    %broadcast_in_dim3A = vector.broadcast %jit3A : f32 to vector<10000xf32>
    %broadcast_in_dim3A_10 = vector.broadcast %jit3A_9 : f32 to vector<10000xf32>
    %select_n3A = arith.select %gt3A_8, %broadcast_in_dim3A, %broadcast_in_dim3A_10 : vector<10000xi1>, vector<10000xf32>
    %swap3A = arith.constant 0 : index
    %swap3A_11 = arith.constant 0 : index
    %swap3A_12 = vector.load %arg2[%swap3A, %swap3A_11] : memref<1x10000xf32, #tpu.memory_space<vmem>>, vector<1x10000xf32>
    %swap3A_13 = vector.shape_cast %swap3A_12 : vector<1x10000xf32> to vector<10000xf32>
    %swap3A_14 = vector.shape_cast %select_n3A : vector<10000xf32> to vector<1x10000xf32>
    tpu.vector_store %arg2[%swap3A, %swap3A_11], %swap3A_14 {strides = array<i32>} : memref<1x10000xf32, #tpu.memory_space<vmem>>, vector<1x10000xf32>,
    return
  }
}

</mosaic_0001>

<sc_bundles>
// kernel: _run.5.cloned.1.call-start
scs
__scs_entry_jumppad:
0x0: {  	(pc) =	sbr.rel $0x88, $3  }
0x1: {  	(tag) =	ssettag $0x0;
	lr =	simm.s32 $0x1  }
0x2: {  	[smem:$0x3F99] =	sst lr;
	_ =	strace $0xD0000000  }
0x3: {  	_ = 	snop  }
0x4: {  	_ = 	snop  }
0x5: {  	_ = 	snop  }
0x6: {  	_ = 	snop  }
0x7: {  	_ = 	snop  }
__scs_overlays_trampoline_lowered:
0x8: {  	[smem:$0x3FA8] =	sst s0  }
0x9: {  	[smem:$0x3FA9] =	sst s1  }
0xa: {  	[smem:$0x3FAA] =	sst s2  }
0xb: {  	[smem:$0x3FAB] =	sst s3  }
0xc: {  	[smem:$0x3FAC] =	sst s4  }
0xd: {  	[smem:$0x3FAD] =	sst s5  }
0xe: {  	[smem:$0x3FAE] =	sst s6  }
0xf: {  	[smem:$0x3FAF] =	sst s7  }
0x10: {  	[smem:$0x3FB0] =	sst s8  }
0x11: {  	[smem:$0x3FB1] =	sst s9;
	s0 =	simm.s32 @!p0 $0x0  }
0x12: {  	s1 =	sld [smem:$0x3F97];
	s0 =	simm.s32 @p0 $0x1  }
0x13: {  	[smem:$0x3FB2] =	sst s0;
	s0 =	simm.s32 @!p1 $0x0  }
0x14: {  	s2 =	sld [smem:$0x3F96];
	s0 =	simm.s32 @p1 $0x1  }
0x15: {  	[smem:$0x3FB3] =	sst s0;
	s0 =	simm.s32 @!p2 $0x0  }
0x16: {  	s3 =	sld [smem:$0x3FDB];
	s0 =	simm.s32 @p2 $0x1  }
0x17: {  	s4 =	simm.s32 $0x1BF5;
	[smem:$0x3FB5] =	sst s0  }
0x18: {  	s0 =	sld [smem:$0x3F98];
	_ =	swait.ge [sflag:s4], $0x0  }
0x19: {  	s7 =	sld [smem:$0x3F99]  }
0x1a: {  	s8 =	sadd.s32 $0xFFFFE003, lr  }
0x1b: {  	s9 =	sadd.s32 $0xFFFFFEF7, lr;
	s5 =	simm.s32 $0xFFFFFFFF;
	p2 =	slt.u32 s8, $0xFFFFF086  }
0x1c: {  	p1 =	slt.u32 s9, $0xF7A;
	s5 =	simm.s32 @!p2 $0x0  }
0x1d: {  	s5 =	simm.s32 @p1 $0x1;
	p0 =	seq.s32 s7, s2  }
0x1e: {  	s7 =	smul.u32 @!p0 $0xF7A, s2;
	p2 =	seq.s32 @!p0 s5, $0x0  }
0x1f: {  	s9 =	smul.u32 $0xF7A, s1;
	s8 =	simm.s32 @!p0 $0x1BF5;
	p2 =	por !p2, p0  }
0x20: {  	[sflag:s8] =	ssyncset.s32 @!p0 $0xFFFFF086;
	s6 =	sadd.s32 @!p0 s3, s7;
	s7 =	simm.s32 @!p0 $0x108  }
0x21: {  	s3 =	sadd.s32 s3, s9;
	s6 =	sadd.s32 @!p0 $0x88, s6;
	s7 =	simm.s32 @p2 $0x1082  }
0x22: {  	[simem:s7], [sflag:s8] =	dma.local @!p0 [hbm:s6], $0xF7A  }
0x23: {  	s9 =	sor.u32 $0xD0000000, s2;
	s6 =	simm.s32 $0x108;
	_ =	swait.ge @!p0 [sflag:s8], $0x0  }
0x24: {  	s3 =	sadd.s32 $0x88, s3;
	s6 =	simm.s32 @!p1 $0x1082;
	[sflag:s4] =	ssyncset.s32 $0xFFFFF086  }
0x25: {  	[simem:s6], [sflag:s4] =	dma.local [hbm:s3], $0xF7A  }
0x26: {  	[smem:$0x3F99] =	sst s1;
	(tag) =	ssettag s2;
	_ =	strace s9  }
0x27: {  	s1 =	sld [smem:$0x3FA9]  }
0x28: {  	s2 =	sld [smem:$0x3FAA]  }
0x29: {  	s4 =	sld [smem:$0x3FAC]  }
0x2a: {  	p0 =	seq.s32 s5, $0x0;
	s5 =	sld [smem:$0x3FAD]  }
0x2b: {  	s6 =	sld [smem:$0x3FAE]  }
0x2c: {  	s7 =	sld [smem:$0x3FAF]  }
0x2d: {  	s3 =	simm.s32 $0x108;
	s8 =	sld [smem:$0x3FB0]  }
0x2e: {  	s3 =	simm.s32 @!p0 $0x1082;
	s9 =	sld [smem:$0x3FB1]  }
0x2f: {  	lr =	sadd.s32 s0, s3;
	s0 =	sld [smem:$0x3FA8]  }
0x30: {  	s3 =	sld [smem:$0x3FAB]  }
0x31: {  	[smem:$0x3FB4] =	sst s10  }
0x32: {  	s10 =	sld [smem:$0x3FB2];
	_ =	sdelay $0x3  }
0x33: {  	p0 =	seq.s32 s10, $0x1;
	s10 =	sld [smem:$0x3FB4];
	_ =	sdelay $0x3  }
0x34: {  	[smem:$0x3FB4] =	sst s10  }
0x35: {  	s10 =	sld [smem:$0x3FB3];
	_ =	sdelay $0x3  }
0x36: {  	p1 =	seq.s32 s10, $0x1;
	s10 =	sld [smem:$0x3FB4];
	_ =	sdelay $0x3  }
0x37: {  	[smem:$0x3FB4] =	sst s10  }
0x38: {  	s10 =	sld [smem:$0x3FB5]  }
0x39: {  	_ = 	snop;
	(pc) =	sbr.ind lr, $3  }
0x3a: {  	_ = 	snop  }
0x3b: {  	_ = 	snop  }
0x3c: {  	p2 =	seq.s32 s10, $0x1;
	s10 =	sld [smem:$0x3FB4]  }
0x3d: {  	_ =	shalt  }
0x3e: {  	_ =	shalt  }
0x3f: {  	_ =	shalt  }
0x40: {  	_ =	shalt  }
0x41: {  	_ =	shalt  }
0x42: {  	_ =	shalt  }
0x43: {  	_ =	shalt  }
0x44: {  	_ =	shalt  }
0x45: {  	_ =	shalt  }
0x46: {  	_ =	shalt  }
0x47: {  	_ =	shalt  }
0x48: {  	_ =	shalt  }
0x49: {  	_ =	shalt  }
0x4a: {  	_ =	shalt  }
0x4b: {  	_ =	shalt  }
0x4c: {  	_ =	shalt  }
0x4d: {  	_ =	shalt  }
0x4e: {  	_ =	shalt  }
0x4f: {  	_ =	shalt  }
0x50: {  	_ =	shalt  }
0x51: {  	_ =	shalt  }
0x52: {  	_ =	shalt  }
0x53: {  	_ =	shalt  }
0x54: {  	_ =	shalt  }
0x55: {  	_ =	shalt  }
0x56: {  	_ =	shalt  }
0x57: {  	_ =	shalt  }
0x58: {  	_ =	shalt  }
0x59: {  	_ =	shalt  }
0x5a: {  	_ =	shalt  }
0x5b: {  	_ =	shalt  }
0x5c: {  	_ =	shalt  }
0x5d: {  	_ =	shalt  }
0x5e: {  	_ =	shalt  }
0x5f: {  	_ =	shalt  }
0x60: {  	_ =	shalt  }
0x61: {  	_ =	shalt  }
0x62: {  	_ =	shalt  }
0x63: {  	_ =	shalt  }
0x64: {  	_ =	shalt  }
0x65: {  	_ =	shalt  }
0x66: {  	_ =	shalt  }
0x67: {  	_ =	shalt  }
0x68: {  	_ =	shalt  }
0x69: {  	_ =	shalt  }
0x6a: {  	_ =	shalt  }
0x6b: {  	_ =	shalt  }
0x6c: {  	_ =	shalt  }
0x6d: {  	_ =	shalt  }
0x6e: {  	_ =	shalt  }
0x6f: {  	_ =	shalt  }
0x70: {  	_ =	shalt  }
0x71: {  	_ =	shalt  }
0x72: {  	_ =	shalt  }
0x73: {  	_ =	shalt  }
0x74: {  	_ =	shalt  }
0x75: {  	_ =	shalt  }
0x76: {  	_ =	shalt  }
0x77: {  	_ =	shalt  }
0x78: {  	_ =	shalt  }
0x79: {  	_ =	shalt  }
0x7a: {  	_ =	shalt  }
0x7b: {  	_ =	shalt  }
0x7c: {  	_ =	shalt  }
0x7d: {  	_ =	shalt  }
0x7e: {  	_ =	shalt  }
0x7f: {  	_ =	shalt  }
0x80: {  	_ =	shalt  }
0x81: {  	_ =	shalt  }
0x82: {  	_ =	shalt  }
0x83: {  	_ =	shalt  }
0x84: {  	_ =	shalt  }
0x85: {  	_ =	shalt  }
0x86: {  	_ =	shalt  }
0x87: {  	_ =	shalt  }
.Lfunc_end0:
.L_simem_size_0:
called_computation_lowered:
.L_overlay_start_0:
0x88: {  	s2 =	sld [smem:$0x3FD9]  }
0x89: {  	s3 =	sld [smem:$0x3FFE];
	_ =	sdelay $0x1  }
0x8a: {  	s1 =	srdreg.scid  }
0x8b: {  	s0 =	sand.u32 $0x1, s1  }
0x8c: {  	s17 =	sshll.u32 s0, $0xA;
	s2 =	sadd.s32 s3, s2  }
0x8d: {  	s2 =	sadd.s32 s2, s17  }
0x8e: {  	[smem:$0x3FC0] =	sst s2  }
0x8f: {  	_ = 	snop  }
0x90: {  	s2 =	sld [smem:$0x3FD0];
	(tm) =	ssettm $0x1  }
0x91: {  	s18 =	sld [smem:$0x3FFB];
	_ =	sdelay $0x3  }
0x92: {  	_ =	strace s18  }
0x93: {  	s3 =	sld [smem:$0x3FFC];
	_ =	sdelay $0x3  }
0x94: {  	_ =	strace s3  }
0x95: {  	s3 =	sld [smem:$0x3FFD];
	_ =	sdelay $0x3  }
0x96: {  	_ =	strace s3  }
0x97: {  	_ =	strace $0x8FFFFFFF  }
0x98: {  	s19 =	sld [smem:$0x3FDB];
	_ =	sdelay $0x1  }
0x99: {  	s4 =	simm.s32 $_scs_section_size  }
0x9a: {  	s5 =	simm.s32 $_size__tile_overlayer_lowered;
	s6 =	simm.s32 $_tile_overlayer_lowered  }
0x9b: {  	s22 =	simm.s32 $0x1BFF;
	s21 =	sshll.u32 s6, $0x1;
	s3 =	sadd.s32 s4, s19  }
0x9c: {  	s7 =	simm.s32 $0x0;
	s20 =	sshll.u32 s5, $0x1;
	s5 =	sadd.s32 s21, s3  }
0x9d: {  	[timem:s7], [sflag:s22] =	dma.local [hbm:s5], s20  }
0x9e: {  	_ =	swait.ge [sflag:s22], s20  }
0x9f: {  	s4 =	ssub.s32 $0x0, s20;
	[sflag:s22] =	ssyncset.done $0x0  }
0xa0: {  	[sflag:s22] =	ssyncadd.s32 s4;
	_ =	sdelay $0x1  }
0xa1: {  	s23 =	simm.s32 $0x1B8B  }
0xa2: {  	_ =	swait.ge [sflag:s23], $0x1  }
0xa3: {  	[sflag:s23] =	ssyncset.done $0x0  }
0xa4: {  	s25 =	simm.s32 $0x1B8E;
	s24 =	sld [smem:$0x3FFE];
	[sflag:s23] =	ssyncadd.s32 $0xFFFFFFFF  }
0xa5: {  	s26 =	simm.s32 $execute0_lowered;
	[smem:$0x3FD2] =	sst s25  }
0xa6: {  	s5 =	sshll.u32 s26, $0x1;
	_ =	strace $0x80000046;
	[dreg:$0x1] =	wrdreg $0xFFFFFFFF  }
0xa7: {  	s28 =	simm.s32 $_size_execute0_lowered;
	s3 =	sadd.s32 s3, s5;
	[dreg:$0x0] =	wrdreg $0x0  }
0xa8: {  	s5 =	sshll.u32 s28, $0x1;
	[dreg:$0x2] =	wrdreg s3  }
0xa9: {  	[dreg:$0x3] =	wrdreg s5  }
0xaa: {  	[dreg:$0x4] =	wrdreg $0xC0  }
0xab: {  	_ =	task [dreg:s7], $0x5FFFF  }
0xac: {  	[dreg:$0x1] =	wrdreg $0xFFFFFFFF  }
0xad: {  	[dreg:$0x0] =	wrdreg $0x60  }
0xae: {  	[dreg:$0x2] =	wrdreg s24  }
0xaf: {  	[dreg:$0x3] =	wrdreg s2  }
0xb0: {  	[dreg:$0x4] =	wrdreg $0x9  }
0xb1: {  	_ =	task.clear_ibuf [dreg:s7], $0x5FFFF;
	_ =	strace $0x90000046  }
0xb2: {  	s29 =	simm.s32 $0x9;
	_ =	strace $0x80000048  }
0xb3: {  	_ =	swait.ge [sflag:s29], $0x1  }
0xb4: {  	[sflag:s29] =	ssyncadd.s32 $0xFFFFFFFF  }
0xb5: {  	_ =	strace $0x90000048  }
0xb6: {  	_ =	sfence  }
0xb7: {  	s30 =	sld [smem:$0x0];
	_ =	sdelay $0x2  }
0xb8: {  	s31 =	sshll.u32 s1, $0xD;
	s1 =	sshrl.u32 s1, $0x2  }
0xb9: {  	s3 =	sand.u32 $0x4000, s31;
	s1 =	sadd.s32 s1, s30  }
0xba: {  	s0 =	sor.u32 s3, s0;
	s1 =	sshll.u32 s1, $0x11  }
0xbb: {  	s0 =	sor.u32 s1, s0  }
0xbc: {  	s0 =	sadd.s32 $0x8F2B, s0  }
0xbd: {  	[sflag:s0] =	ssyncadd.remote.s32 $0x1  }
0xbe: {  	_ =	sfence.sel $0xFFFF  }
0xbf: {  	[dreg:$0x0] =	wrdreg $0xFFFFFFFF;
	(pc) =	sbr.abs _section_cstart, $3  }
0xc0: {  	[dreg:$0x1] =	wrdreg $0xFFFFFFFF  }
0xc1: {  	_ =	task.clear_ibuf [dreg:s7], $0x2FFFF;
	_ =	strace $0x9FFFFFFF  }
0xc2: {  	(tm) =	ssettm $0x7FFFFFFF  }
0xc3: {  	_ =	shalt  }
tec
execute0_lowered:
.L_overlay_start_1:
0x0: {  	(tag) =	ssettag $0x1  }
0x1: {  	s3 =	rddreg [dreg:$0x0]  }
0x2: {  	s1 =	srdreg.scid;
	s0 =	stileid.u32  }
0x3: {  	s6 =	rddreg [dreg:$0x1];
	s2 =	simm.s32 $0x0;
	s9 =	simm.s32 $0x2810  }
0x4: {  	s10 =	simm.s32 $0x1;
	s4 =	sand.u32 $0x1, s1;
	s5 =	sshll.u32 s0, $0x1  }
0x5: {  	s11 =	simm.s32 $0x8340;
	s12 =	simm.s32 $0x8880;
	s5 =	sor.u32 s4, s5  }
0x6: {  	s13 =	simm.s32 $0x1DC80;
	s4 =	ssub.s32 $0x2, s4;
	s7 =	smul.u32 $0x28, s5  }
0x7: {  	vm14 =	vmmov $0x1;
	vm1 =	vcmask $0x308;
	s14 =	simm.s32 $0x0;
	[smem:$0x7FF] =	sst s2;
	s8 =	sshrl.u32 s4, $0x1  }
0x8: {  	vm2 =	vcmask $0x70C;
	vm12 =	vcmask $0x1318;
	vm7 =	vcmask $0x1F24;
	_ =	strace $0x80000047;
	s8 =	ssub.s32 s4, s8;
	s5 =	sadd.s32 s7, s3  }
0x9: {  	vm8 =	vcmask $0x2328;
	vm9 =	vcmask $0x272C;
	vm5 =	vcmask $0x2B30;
	s3 =	sadd.s32 $0x21E00, s3;
	s6 =	sadd.s32 s6, s7;
	s7 =	smax.u32 s8, $0x1  }
0xa: {  	vm13 =	vcmask $0x3338;
	vm10 =	vcmask $0x373C;
	vm11 =	vmmov $0x7fff;
	s8 =	simm.s32 $0x150;
	s4 =	sadd.s32 $0x1200, s5;
	s5 =	sadd.s32 $0x20800, s5  }
.LBB2_1:
0xb: {  	[tilespmem:s2], [sflag:$0x1] =	stream.strided.gather [hbm4b:s4+s8], $0x8340, s9, s8, $0x38;
	[tilespmem:$0x1DDC0] =	vst v63  }
0xc: {  	_ =	swait.ge [sflag:s10], $0x8340  }
0xd: {  	[sflag:s10] =	ssyncset.done $0x0  }
0xe: {  	[sflag:s10] =	ssyncadd.s32 $0xFFFF7CC0  }
0xf: {  	[tilespmem:s11], [sflag:$0x1] =	stream.strided.gather [hbm4b:s5+s8], $0x540, s9, s8, $0x38;
	[tilespmem:$0x1DDC0] =	vst v63  }
0x10: {  	_ =	swait.ge [sflag:s10], $0x540  }
0x11: {  	[sflag:s10] =	ssyncset.done $0x0  }
0x12: {  	[sflag:s10] =	ssyncadd.s32 $0xFFFFFAC0  }
0x13: {  	[tilespmem:s12], [sflag:$0x1] =	stream.linear.gather [hbm4b:s3+s2], $0x400, $0x38;
	[tilespmem:$0x1DDC0] =	vst v63  }
0x14: {  	_ =	swait.ge [sflag:s10], $0x400  }
0x15: {  	[sflag:s10] =	ssyncset.done $0x0  }
0x16: {  	s17 =	simm.s32 $0x0;
	[sflag:s10] =	ssyncadd.s32 $0xFFFFFC00  }
0x17: {  	v0 =	vld [tilespmem:s17+$0x8880];
	_ =	sdelay $0x4  }
0x18: {  	v0 =	vmul.f32 $1.000000000e+02, v0;
	_ =	sdelay $0x1  }
0x19: {  	v0 =	vtrunc.f32 v0  }
0x1a: {  	v0 =	vcvt.f32.s32 v0  }
0x1b: {  	vm6 =	vmmov vm2;
	vm2 =	vmmov vm1;
	vm15 =	vmmov vm12  }
0x1c: {  	vm4 =	vcmask $0xB10;
	vm12 =	vmmov vm11;
	vm1 =	vgt.s32 v0, $0x0  }
0x1d: {  	vm11 =	vmmov vm5;
	vm5 =	vcmask $0xF14;
	v0 =	vnsel vm1, $0x0, v0  }
0x1e: {  	vm3 =	vmmov vm9;
	vm0 =	vmmov vm8;
	v0 =	vmin.u32 v0, $0x63  }
0x1f: {  	v1 =	vnsel vm14, $0xFFFFFFFF, v0;
	v2 =	vsel vm2, $0xFFFFFFFF, v0;
	v3 =	vsel vm4, $0xFFFFFFFF, v0  }
0x20: {  	v4 =	vsel vm9, $0xFFFFFFFF, v0;
	vm9 =	vmmov vm7;
	v6 =	vsel vm13, $0xFFFFFFFF, v0  }
0x21: {  	vm4 =	vmmov vm13;
	vm13 =	vcmask $0x2F34;
	v1 =	vxor.u32 $0x80000000, v1  }
0x22: {  	s15 =	simm.s32 $0x10;
	v8 =	vsel vm6, $0xFFFFFFFF, v0;
	v2 =	vxor.u32 $0x80000000, v2;
	v3 =	vxor.u32 $0x80000000, v3;
	(xrf0) =	vmax.scan.msk.u32 $0xffff, v1  }
0x23: {  	v4 =	vxor.u32 $0x80000000, v4;
	v8 =	vxor.u32 $0x80000000, v8;
	v1 =	vsel vm5, $0xFFFFFFFF, v0;
	(xrf0) =	vmax.scan.msk.u32 $0xffff, v2;
	v2 =	vld [tilespmem:s15+$0x8880]  }
0x24: {  	v6 =	vxor.u32 $0x80000000, v6;
	v1 =	vxor.u32 $0x80000000, v1;
	(xrf0) =	vmax.scan.msk.u32 $0xffff, v3;
	v3 =	vsel vm8, $0xFFFFFFFF, v0  }
0x25: {  	(xrf0) =	vmax.scan.msk.u32 $0xffff, v1;
	v1 =	vxor.u32 $0x80000000, v3;
	v3 =	vsel vm7, $0xFFFFFFFF, v0;
	vm7 =	vcmask $0x171C  }
0x26: {  	vm5 =	vmmov vm12;
	vm8 =	vcmask $0x1B20;
	v5 =	vsel vm7, $0xFFFFFFFF, v0;
	(xrf0) =	vmax.scan.msk.u32 $0xffff, v1  }
0x27: {  	v1 =	vsel vm8, $0xFFFFFFFF, v0;
	v3 =	vxor.u32 $0x80000000, v3;
	v5 =	vxor.u32 $0x80000000, v5;
	(xrf0) =	vmax.scan.msk.u32 $0xffff, v4  }
0x28: {  	v1 =	vxor.u32 $0x80000000, v1;
	v7, _, _ =	vpop (xrf0);
	(xrf0) =	vmax.scan.msk.u32 $0xffff, v5;
	v2 =	vmul.f32 $1.000000000e+02, v2;
	v5 =	vsel vm13, $0xFFFFFFFF, v0  }
0x29: {  	v4 =	vsel vm11, $0xFFFFFFFF, v0;
	v9, _, _ =	vpop (xrf0);
	(xrf0) =	vmax.scan.msk.u32 $0xffff, v1;
	v1 =	vsel vm15, $0xFFFFFFFF, v0;
	(v2sf) =	vpush v7, $0xF  }
0x2a: {  	v10, _, _ =	vpop (xrf0);
	(xrf0) =	vmax.scan.msk.u32 $0xffff, v3;
	v2 =	vtrunc.f32 v2;
	v3 =	vxor.u32 $0x80000000, v5;
	v1 =	vxor.u32 $0x80000000, v1  }
0x2b: {  	(v2sf) =	vpush v9, $0xF;
	v5, _, _ =	vpop (xrf0);
	(xrf0) =	vmax.scan.msk.u32 $0xffff, v8;
	v2 =	vcvt.f32.s32 v2;
	v8 =	vsel vm10, $0xFFFFFFFF, v0  }
0x2c: {  	v4 =	vxor.u32 $0x80000000, v4;
	(v2sf) =	vpush v10, $0xF;
	v0 =	vsel vm12, $0xFFFFFFFF, v0;
	v7, _, _ =	vpop (xrf0);
	(xrf0) =	vmax.scan.msk.u32 $0xffff, v1  }
0x2d: {  	vm12 =	vmmov vm15;
	(v2sf) =	vpush v5, $0xF;
	v1, _, _ =	vpop (xrf0);
	(xrf0) =	vmax.scan.msk.u32 $0xffff, v6;
	vm1 =	vgt.s32 v2, $0x0  }
0x2e: {  	v0 =	vxor.u32 $0x80000000, v0;
	v6 =	vxor.u32 $0x80000000, v8;
	v8, _, _ =	vpop (xrf0);
	(xrf0) =	vmax.scan.msk.u32 $0xffff, v4;
	v2 =	vnsel vm1, $0x0, v2  }
0x2f: {  	vm1 =	vcmask $0xB10;
	v4, _, _ =	vpop (xrf0);
	(xrf0) =	vmax.scan.msk.u32 $0xffff, v3;
	v3 =	vmin.u32 v2, $0x63;
	(v2sf) =	vpush v8, $0xF  }
0x30: {  	v5 =	vnsel vm14, $0xFFFFFFFF, v3;
	(v2sf) =	vpush v4, $0xF;
	v10 =	vsel vm9, $0xFFFFFFFF, v3  }
0x31: {  	v11 =	vsel vm8, $0xFFFFFFFF, v3;
	vm8 =	vmmov vm0;
	v12 =	vsel vm0, $0xFFFFFFFF, v3  }
0x32: {  	s16 =	simm.s32 $0x20;
	v2, _, _ =	vpop (xrf0);
	(xrf0) =	vmax.scan.msk.u32 $0xffff, v6;
	v6 =	vsel vm2, $0xFFFFFFFF, v3;
	v4 =	vxor.u32 $0x80000000, v5;
	(v2sf) =	vpush v7, $0xF  }
0x33: {  	v7 =	vld [tilespmem:s16+$0x8880];
	v8, _, _ =	vpop (xrf0);
	(xrf0) =	vmax.scan.msk.u32 $0xffff, v0;
	v0 =	vxor.u32 $0x80000000, v6;
	v6 =	vsel vm1, $0xFFFFFFFF, v3;
	vm1 =	vcmask $0xF14  }
0x34: {  	vm0 =	vmmov vm3;
	v5, _, _ =	vpop (xrf0);
	v9 =	vsel vm1, $0xFFFFFFFF, v3;
	(xrf0) =	vmax.scan.msk.u32 $0xffff, v4;
	v6 =	vxor.u32 $0x80000000, v6  }
0x35: {  	v12 =	vxor.u32 $0x80000000, v12;
	(v2sf) =	vpush v8, $0xF;
	v4, _, _ =	vpop (xrf0);
	v9 =	vxor.u32 $0x80000000, v9;
	(xrf0) =	vmax.scan.msk.u32 $0xffff, v0  }
0x36: {  	v11 =	vxor.u32 $0x80000000, v11;
	v0 =	vsel vm7, $0xFFFFFFFF, v3;
	(v2sf) =	vpush v5, $0xF;
	v8, _, _ =	vpop (xrf0);
	(xrf0) =	vmax.scan.msk.u32 $0xffff, v6  }
0x37: {  	v5 =	vsel vm3, $0xFFFFFFFF, v3;
	vm3 =	vmmov vm6;
	(v2sf) =	vpush v2, $0xF;
	v6, _, _ =	vpop (xrf0);
	(xrf0) =	vmax.scan.msk.u32 $0xffff, v9  }
0x38: {  	v2 =	vxor.u32 $0x80000000, v5;
	v0 =	vxor.u32 $0x80000000, v0;
	v5 =	vmul.f32 $1.000000000e+02, v7;
	v9, _, _ =	vpop (xrf0);
	(xrf0) =	vmax.scan.msk.u32 $0xffff, v12  }
0x39: {  	v7 =	vsel vm4, $0xFFFFFFFF, v3;
	(v2sf) =	vpush v9, $0xF;
	v9, _, _ =	vpop (xrf0);
	(xrf0) =	vmax.scan.msk.u32 $0xffff, v2;
	v2 =	vsel vm6, $0xFFFFFFFF, v3  }
0x3a: {  	vm6 =	vmmov vm11;
	(v2sf) =	vpush v1, $0xF;
	v1, _, _ =	vpop (xrf0);
	(xrf0) =	vmax.scan.msk.u32 $0xffff, v0;
	v0 =	vtrunc.f32 v5  }
0x3b: {  	v2 =	vxor.u32 $0x80000000, v2;
	(v2sf) =	vpush v9, $0xF;
	v0 =	vcvt.f32.s32 v0  }
0x3c: {  	v5, _, _ =	vpop (xrf0);
	v9 =	vxor.u32 $0x80000000, v10;
	(xrf0) =	vmax.scan.msk.u32 $0xffff, v11;
	v10 =	vsel vm15, $0xFFFFFFFF, v3;
	(v2sf) =	vpush v4, $0xF  }
0x3d: {  	v11, _, _ =	vpop (xrf0);
	(xrf0) =	vmax.scan.msk.u32 $0xffff, v9;
	v9 =	vxor.u32 $0x80000000, v10;
	(v2sf) =	vpush v6, $0xF;
	vm1 =	vgt.s32 v0, $0x0  }
0x3e: {  	v4, _, _ =	vpop (xrf0);
	(xrf0) =	vmax.scan.msk.u32 $0xffff, v2;
	v6 =	vxor.u32 $0x80000000, v7;
	v7 =	vsel vm11, $0xFFFFFFFF, v3;
	v0 =	vnsel vm1, $0x0, v0  }
0x3f: {  	s20 =	spop (v2sf);
	(v2sf) =	vpush v1, $0xF;
	v1, _, _ =	vpop (xrf0);
	(xrf0) =	vmax.scan.msk.u32 $0xffff, v9;
	v9 =	vsel vm13, $0xFFFFFFFF, v3;
	vm1 =	vcmask $0xB10  }
0x40: {  	s21 =	spop (v2sf);
	(v2sf) =	vpush v5, $0xF;
	v2, _, _ =	vpop (xrf0);
	(xrf0) =	vmax.scan.msk.u32 $0xffff, v6;
	v5 =	vsel vm10, $0xFFFFFFFF, v3;
	v6 =	vxor.u32 $0x80000000, v7  }
0x41: {  	s23 =	spop (v2sf);
	v9 =	vxor.u32 $0x80000000, v9;
	v3 =	vsel vm5, $0xFFFFFFFF, v3;
	(v2sf) =	vpush v11, $0xF;
	v7, _, _ =	vpop (xrf0);
	(xrf0) =	vmax.scan.msk.u32 $0xffff, v6  }
0x42: {  	s19 =	spop (v2sf);
	v0 =	vmin.u32 v0, $0x63;
	v5 =	vxor.u32 $0x80000000, v5;
	(v2sf) =	vpush v4, $0xF;
	v4, _, _ =	vpop (xrf0);
	(xrf0) =	vmax.scan.msk.u32 $0xffff, v9  }
0x43: {  	s18 =	spop (v2sf);
	v3 =	vxor.u32 $0x80000000, v3;
	(v2sf) =	vpush v7, $0xF;
	(xrf0) =	vmax.scan.msk.u32 $0xffff, v5;
	v5 =	vnsel vm14, $0xFFFFFFFF, v0  }
0x44: {  	vm13 =	vmmov vm1;
	s22 =	spop (v2sf);
	v6, _, _ =	vpop (xrf0);
	(v2sf) =	vpush v8, $0xF;
	(xrf0) =	vmax.scan.msk.u32 $0xffff, v3;
	v3 =	vxor.u32 $0x80000000, v5  }
0x45: {  	s20 =	sxor.u32 $0x80000000, s20;
	s24 =	spop (v2sf);
	v7, _, _ =	vpop (xrf0);
	v5 =	vsel vm1, $0xFFFFFFFF, v0;
	(v2sf) =	vpush v4, $0xF;
	v4 =	vsel vm2, $0xFFFFFFFF, v0  }
0x46: {  	[smem:s17] =	sst s20;
	s26 =	sxor.u32 $0x80000000, s21;
	s25 =	spop (v2sf);
	vm1 =	vcmask $0xF14;
	v9, _, _ =	vpop (xrf0);
	(v2sf) =	vpush v1, $0xF;
	v1 =	vxor.u32 $0x80000000, v4  }
0x47: {  	vm15 =	vmmov vm5;
	vm11 =	vmmov vm10;
	s30 =	spop (v2sf);
	(xrf0) =	vmax.scan.msk.u32 $0xffff, v3;
	vm7 =	vmmov vm1;
	v3, _, _ =	vpop (xrf0);
	[smem:$0x1] =	sst s26  }
0x48: {  	s28 =	sxor.u32 $0x80000000, s25;
	v63 =	vxor.u32 $0x80000000, v5;
	(v2sf) =	vpush v7, $0xF;
	v7 =	vsel vm1, $0xFFFFFFFF, v0  }
0x49: {  	v5 =	vsel vm4, $0xFFFFFFFF, v0;
	v4 =	vsel vm9, $0xFFFFFFFF, v0;
	s26 =	spop (v2sf);
	(xrf0) =	vmax.scan.msk.u32 $0xffff, v1;
	vm1 =	vcmask $0x171C;
	v1, _, _ =	vpop (xrf0);
	[smem:$0x2] =	sst s28  }
0x4a: {  	s31 =	simm.s32 $0xC0;
	s20 =	sxor.u32 $0x80000000, s24;
	vm5 =	vmmov vm1;
	v10 =	vsel vm1, $0xFFFFFFFF, v0;
	vm1 =	vcmask $0x1B20;
	s21 =	spop (v2sf)  }
0x4b: {  	s25 =	sxor.u32 $0x80000000, s23;
	v11 =	vxor.u32 $0x80000000, v7;
	s29 =	sxor.u32 $0x80000000, s26;
	vm10 =	vmmov vm1;
	v8 =	vsel vm1, $0xFFFFFFFF, v0;
	(xrf0) =	vmax.scan.msk.u32 $0xffff, v63;
	v7, _, _ =	vpop (xrf0);
	s26 =	spop (v2sf)  }
.LBB2_2:
0x4c: {  	v12 =	vsel vm8, $0xFFFFFFFF, v0;
	s28 =	spop (v2sf);
	s24 =	smov.u32 s31  }
0x4d: {  	v13 =	vsel vm0, $0xFFFFFFFF, v0;
	(xrf0) =	vmax.scan.msk.u32 $0xffff, v11;
	(v2sf) =	vpush v9, $0xF;
	v9, _, _ =	vpop (xrf0);
	s23 =	smov.u32 s16;
	s16 =	sshra.s32 s31, $0x2;
	vm1 =	vcmask $0x2F34;
	s24 =	sadd.s32 $0x40, s31  }
0x4e: {  	s19 =	sxor.u32 $0x80000000, s19;
	s22 =	sxor.u32 $0x80000000, s22;
	v16 =	vxor.u32 $0x80000000, v12;
	v13 =	vxor.u32 $0x80000000, v13;
	v11 =	vld [tilespmem:s16+$0x8880];
	(v2sf) =	vpush v6, $0xF;
	v6, _, _ =	vpop (xrf0);
	[smem:s17+$0x3] =	sst s25  }
0x4f: {  	v14 =	vsel vm6, $0xFFFFFFFF, v0;
	v15 =	vsel vm1, $0xFFFFFFFF, v0;
	(xrf0) =	vmax.scan.msk.u32 $0xffff, v16;
	(v2sf) =	vpush v9, $0xF;
	[smem:s17+$0x4] =	sst s19;
	s19 =	sxor.u32 $0x80000000, s30;
	s25 =	spop (v2sf)  }
0x50: {  	s18 =	sxor.u32 $0x80000000, s18;
	v9 =	vxor.u32 $0x80000000, v10;
	v10 =	vxor.u32 $0x80000000, v15;
	v12, _, _ =	vpop (xrf0);
	(xrf0) =	vmax.scan.msk.u32 $0xffff, v13;
	(v2sf) =	vpush v2, $0xF;
	[smem:s17+$0x5] =	sst s19;
	s1 =	spop (v2sf)  }
0x51: {  	p0 =	sne.s32 s31, $0xFC0;
	v8 =	vxor.u32 $0x80000000, v8;
	v2 =	vsel vm3, $0xFFFFFFFF, v0;
	v13, _, _ =	vpop (xrf0);
	s19 =	spop (v2sf);
	(v2sf) =	vpush v6, $0xF;
	[smem:s17+$0x6] =	sst s18  }
0x52: {  	v4 =	vxor.u32 $0x80000000, v4;
	v5 =	vxor.u32 $0x80000000, v5;
	v6 =	vsel vm12, $0xFFFFFFFF, v0;
	v15, _, _ =	vpop (xrf0);
	(xrf0) =	vmax.scan.msk.u32 $0xffff, v9;
	s31 =	sxor.u32 $0x80000000, s19;
	s30 =	spop (v2sf);
	[smem:s17+$0x7] =	sst s22  }
0x53: {  	s26 =	sxor.u32 $0x80000000, s26;
	v9 =	vmul.f32 $1.000000000e+02, v11;
	v11 =	vsel vm11, $0xFFFFFFFF, v0;
	v16, _, _ =	vpop (xrf0);
	(xrf0) =	vmax.scan.msk.u32 $0xffff, v8;
	s22 =	spop (v2sf);
	(v2sf) =	vpush v3, $0xF;
	[smem:s17+$0x8] =	sst s29  }
0x54: {  	s21 =	sxor.u32 $0x80000000, s21;
	v17 =	vxor.u32 $0x80000000, v2;
	v3 =	vxor.u32 $0x80000000, v6;
	(xrf0) =	vmax.scan.msk.u32 $0xffff, v4;
	s19 =	spop (v2sf);
	(v2sf) =	vpush v7, $0xF;
	[smem:s17+$0x9] =	sst s20  }
0x55: {  	v7 =	vxor.u32 $0x80000000, v11;
	v4 =	vtrunc.f32 v9;
	(v2sf) =	vpush v12, $0xF;
	(xrf0) =	vmax.scan.msk.u32 $0xffff, v17;
	v8, _, _ =	vpop (xrf0);
	s18 =	spop (v2sf);
	[smem:s17+$0xA] =	sst s26;
	s26 =	sxor.u32 $0x80000000, s25  }
0x56: {  	v6 =	vsel vm15, $0xFFFFFFFF, v0;
	s25 =	sxor.u32 $0x80000000, s22;
	v11 =	vcvt.f32.s32 v4;
	(v2sf) =	vpush v13, $0xF;
	(xrf0) =	vmax.scan.msk.u32 $0xffff, v3;
	v2, _, _ =	vpop (xrf0);
	[smem:s15] =	sst s31;
	s20 =	spop (v2sf)  }
0x57: {  	s1 =	sxor.u32 $0x80000000, s1;
	v9 =	vxor.u32 $0x80000000, v6;
	v3 =	vxor.u32 $0x80000000, v14;
	(v2sf) =	vpush v15, $0xF;
	(xrf0) =	vmax.scan.msk.u32 $0xffff, v5;
	s22 =	spop (v2sf);
	s20 =	sxor.u32 $0x80000000, s20  }
0x58: {  	vm1 =	vgt.s32 v11, $0x0;
	(v2sf) =	vpush v16, $0xF;
	v0, _, _ =	vpop (xrf0);
	(xrf0) =	vmax.scan.msk.u32 $0xffff, v3;
	s29 =	spop (v2sf);
	[smem:s17+$0xB] =	sst s20  }
0x59: {  	v3 =	vnsel vm1, $0x0, v11;
	(v2sf) =	vpush v0, $0xF;
	v4, _, _ =	vpop (xrf0);
	(xrf0) =	vmax.scan.msk.u32 $0xffff, v10;
	s20 =	sxor.u32 $0x80000000, s29;
	[smem:s17+$0xC] =	sst s1  }
0x5a: {  	s31 =	smov.u32 s24;
	v0 =	vmin.u32 v3, $0x63;
	v6, _, _ =	vpop (xrf0);
	(xrf0) =	vmax.scan.msk.u32 $0xffff, v7;
	s1 =	spop (v2sf);
	(v2sf) =	vpush v1, $0xF;
	[smem:s17+$0xD] =	sst s26  }
.Ltmp0:
0x5b: {  	v1 =	vnsel vm14, $0xFFFFFFFF, v0;
	v11 =	vsel vm2, $0xFFFFFFFF, v0;
	v5, _, _ =	vpop (xrf0);
	(v2sf) =	vpush v4, $0xF;
	(xrf0) =	vmax.scan.msk.u32 $0xffff, v9;
	[smem:s17+$0xE] =	sst s21;
	s21 =	sxor.u32 $0x80000000, s28;
	(pc) =	sbr.rel @p0 .LBB2_2-.Ltmp0, $4  }
0x5c: {  	s26 =	sxor.u32 $0x80000000, s30;
	v13 =	vxor.u32 $0x80000000, v1;
	v7 =	vxor.u32 $0x80000000, v11;
	v9, _, _ =	vpop (xrf0);
	(v2sf) =	vpush v8, $0xF;
	s30 =	spop (v2sf);
	[smem:s17+$0xF] =	sst s21  }
0x5d: {  	v10 =	vsel vm7, $0xFFFFFFFF, v0;
	v4 =	vsel vm9, $0xFFFFFFFF, v0;
	s1 =	sxor.u32 $0x80000000, s1;
	v8 =	vsel vm13, $0xFFFFFFFF, v0;
	(xrf0) =	vmax.scan.msk.u32 $0xffff, v13;
	v3, _, _ =	vpop (xrf0);
	[smem:s15+$0x1] =	sst s26;
	s26 =	spop (v2sf)  }
0x5e: {  	v11 =	vxor.u32 $0x80000000, v10;
	s17 =	smov.u32 s15;
	v12 =	vxor.u32 $0x80000000, v8;
	(xrf0) =	vmax.scan.msk.u32 $0xffff, v7;
	(v2sf) =	vpush v5, $0xF;
	v1, _, _ =	vpop (xrf0);
	[smem:s15+$0x2] =	sst s1;
	s21 =	spop (v2sf)  }
0x5f: {  	v10 =	vsel vm5, $0xFFFFFFFF, v0;
	v8 =	vsel vm10, $0xFFFFFFFF, v0;
	v5 =	vsel vm4, $0xFFFFFFFF, v0;
	s29 =	sxor.u32 $0x80000000, s26;
	s15 =	smov.u32 s23;
	(xrf0) =	vmax.scan.msk.u32 $0xffff, v12;
	v7, _, _ =	vpop (xrf0);
	s26 =	spop (v2sf)  }
0x60: {  	(v2sf) =	vpush v9, $0xF;
	v9 =	vsel vm0, $0xFFFFFFFF, v0  }
0x61: {  	v12 =	vsel vm8, $0xFFFFFFFF, v0;
	(xrf0) =	vmax.scan.msk.u32 $0xffff, v11;
	v11, _, _ =	vpop (xrf0);
	(v2sf) =	vpush v6, $0xF  }
0x62: {  	v12 =	vxor.u32 $0x80000000, v12;
	(v2sf) =	vpush v11, $0xF  }
0x63: {  	s23 =	spop (v2sf);
	v6 =	vxor.u32 $0x80000000, v9;
	(xrf0) =	vmax.scan.msk.u32 $0xffff, v12;
	v9, _, _ =	vpop (xrf0);
	(v2sf) =	vpush v2, $0xF  }
0x64: {  	v10 =	vxor.u32 $0x80000000, v10;
	[smem:s17+$0x3] =	sst s25;
	s1 =	sxor.u32 $0x80000000, s19;
	s25 =	spop (v2sf);
	(xrf0) =	vmax.scan.msk.u32 $0xffff, v6;
	(v2sf) =	vpush v9, $0xF  }
0x65: {  	s19 =	sxor.u32 $0x80000000, s30;
	[smem:s17+$0x4] =	sst s1;
	s28 =	spop (v2sf);
	v2, _, _ =	vpop (xrf0);
	(xrf0) =	vmax.scan.msk.u32 $0xffff, v10;
	(v2sf) =	vpush v3, $0xF  }
0x66: {  	s24 =	sxor.u32 $0x80000000, s18;
	[smem:s17+$0x5] =	sst s19;
	s31 =	spop (v2sf);
	v6, _, _ =	vpop (xrf0);
	(v2sf) =	vpush v7, $0xF;
	v7 =	vxor.u32 $0x80000000, v8  }
0x67: {  	v4 =	vxor.u32 $0x80000000, v4;
	[smem:s17+$0x6] =	sst s24;
	s24 =	spop (v2sf);
	v3, _, _ =	vpop (xrf0);
	(v2sf) =	vpush v2, $0xF;
	v2 =	vsel vm3, $0xFFFFFFFF, v0  }
0x68: {  	vm7 =	vmmov vm9;
	s22 =	sxor.u32 $0x80000000, s22;
	v8, _, _ =	vpop (xrf0);
	v2 =	vxor.u32 $0x80000000, v2  }
0x69: {  	vm9 =	vmmov vm0;
	v5 =	vxor.u32 $0x80000000, v5;
	[smem:s17+$0x7] =	sst s22;
	s19 =	spop (v2sf);
	(xrf0) =	vmax.scan.msk.u32 $0xffff, v7;
	(v2sf) =	vpush v6, $0xF;
	v7, _, _ =	vpop (xrf0)  }
0x6a: {  	vm0 =	vcmask $0x2F34;
	[smem:s17+$0x8] =	sst s29;
	s22 =	spop (v2sf);
	v6 =	vsel vm12, $0xFFFFFFFF, v0;
	(xrf0) =	vmax.scan.msk.u32 $0xffff, v4;
	(v2sf) =	vpush v3, $0xF;
	v4, _, _ =	vpop (xrf0)  }
0x6b: {  	s29 =	sxor.u32 $0x80000000, s31;
	[smem:s17+$0x9] =	sst s20;
	s18 =	spop (v2sf);
	v3 =	vxor.u32 $0x80000000, v6;
	v6 =	vsel vm6, $0xFFFFFFFF, v0;
	(xrf0) =	vmax.scan.msk.u32 $0xffff, v2;
	(v2sf) =	vpush v8, $0xF;
	v2, _, _ =	vpop (xrf0)  }
0x6c: {  	s26 =	sxor.u32 $0x80000000, s26;
	[smem:s15] =	sst s29;
	s30 =	spop (v2sf);
	(xrf0) =	vmax.scan.msk.u32 $0xffff, v3;
	v3 =	vxor.u32 $0x80000000, v6;
	(v2sf) =	vpush v2, $0xF;
	v2 =	vsel vm0, $0xFFFFFFFF, v0  }
0x6d: {  	[smem:s17+$0xA] =	sst s26;
	s20 =	spop (v2sf);
	s1 =	sxor.u32 $0x80000000, s30;
	(xrf0) =	vmax.scan.msk.u32 $0xffff, v5;
	(v2sf) =	vpush v1, $0xF;
	v1 =	vxor.u32 $0x80000000, v2;
	v2 =	vsel vm11, $0xFFFFFFFF, v0  }
0x6e: {  	s31 =	sxor.u32 $0x80000000, s28;
	s28 =	spop (v2sf);
	[smem:s17+$0xB] =	sst s1;
	(xrf0) =	vmax.scan.msk.u32 $0xffff, v3;
	v0 =	vsel vm15, $0xFFFFFFFF, v0;
	v2 =	vxor.u32 $0x80000000, v2  }
0x6f: {  	s25 =	sxor.u32 $0x80000000, s25;
	[smem:s17+$0xC] =	sst s31;
	s29 =	spop (v2sf);
	v3, _, _ =	vpop (xrf0);
	(xrf0) =	vmax.scan.msk.u32 $0xffff, v1;
	v0 =	vxor.u32 $0x80000000, v0  }
0x70: {  	s21 =	sxor.u32 $0x80000000, s21;
	[smem:s17+$0xD] =	sst s25;
	s30 =	spop (v2sf);
	v1, _, _ =	vpop (xrf0);
	(xrf0) =	vmax.scan.msk.u32 $0xffff, v2  }
0x71: {  	s31 =	sxor.u32 $0x80000000, s23;
	[smem:s17+$0xE] =	sst s21;
	(v2sf) =	vpush v3, $0xF;
	s23 =	spop (v2sf);
	v2, _, _ =	vpop (xrf0)  }
0x72: {  	s24 =	sxor.u32 $0x80000000, s24;
	[smem:s17+$0xF] =	sst s31;
	(v2sf) =	vpush v7, $0xF;
	(xrf0) =	vmax.scan.msk.u32 $0xffff, v0;
	s17 =	spop (v2sf);
	v0, _, _ =	vpop (xrf0)  }
0x73: {  	[smem:s15+$0x1] =	sst s24;
	s24 =	sxor.u32 $0x80000000, s29;
	(v2sf) =	vpush v2, $0xF;
	s25 =	spop (v2sf);
	v3, _, _ =	vpop (xrf0)  }
0x74: {  	s19 =	sxor.u32 $0x80000000, s19;
	[smem:s15+$0x2] =	sst s24;
	s21 =	spop (v2sf);
	v2, _, _ =	vpop (xrf0)  }
0x75: {  	s29 =	sxor.u32 $0x80000000, s22;
	[smem:s15+$0x3] =	sst s19;
	(v2sf) =	vpush v0, $0xF;
	s22 =	spop (v2sf);
	v5, _, _ =	vpop (xrf0)  }
0x76: {  	s1 =	sxor.u32 $0x80000000, s30;
	[smem:s15+$0x4] =	sst s29;
	(v2sf) =	vpush v1, $0xF;
	s19 =	spop (v2sf);
	v0, _, _ =	vpop (xrf0)  }
0x77: {  	s30 =	sxor.u32 $0x80000000, s18;
	[smem:s15+$0x5] =	sst s1;
	s31 =	spop (v2sf);
	(v2sf) =	vpush v0, $0xF  }
0x78: {  	s20 =	sxor.u32 $0x80000000, s20;
	[smem:s15+$0x6] =	sst s30;
	v0, _, _ =	vpop (xrf0);
	s26 =	spop (v2sf);
	(v2sf) =	vpush v4, $0xF  }
0x79: {  	s23 =	sxor.u32 $0x80000000, s23;
	[smem:s15+$0x7] =	sst s20;
	s20 =	spop (v2sf);
	(v2sf) =	vpush v0, $0xF  }
0x7a: {  	s28 =	sxor.u32 $0x80000000, s28;
	[smem:s15+$0x8] =	sst s23;
	s23 =	spop (v2sf);
	(v2sf) =	vpush v3, $0xF  }
0x7b: {  	s24 =	sxor.u32 $0x80000000, s25;
	[smem:s15+$0x9] =	sst s28;
	(v2sf) =	vpush v5, $0xF;
	s25 =	spop (v2sf)  }
0x7c: {  	s18 =	sxor.u32 $0x80000000, s31;
	[smem:s15+$0xA] =	sst s24;
	s29 =	spop (v2sf);
	(v2sf) =	vpush v2, $0xF  }
0x7d: {  	[smem:s16] =	sst s18;
	s1 =	sxor.u32 $0x80000000, s26  }
0x7e: {  	[smem:s16+$0x1] =	sst s1;
	s30 =	sxor.u32 $0x80000000, s29  }
0x7f: {  	s19 =	sxor.u32 $0x80000000, s19;
	[smem:s15+$0xB] =	sst s30  }
0x80: {  	s31 =	sxor.u32 $0x80000000, s22;
	[smem:s15+$0xC] =	sst s19;
	s19 =	spop (v2sf)  }
0x81: {  	s17 =	sxor.u32 $0x80000000, s17;
	[smem:s15+$0xD] =	sst s31;
	s18 =	spop (v2sf)  }
0x82: {  	s22 =	sxor.u32 $0x80000000, s21;
	[smem:s15+$0xE] =	sst s17;
	s24 =	spop (v2sf)  }
0x83: {  	[smem:s15+$0xF] =	sst s22;
	s26 =	sxor.u32 $0x80000000, s24  }
0x84: {  	s28 =	sxor.u32 $0x80000000, s20;
	s29 =	spop (v2sf);
	[smem:s16+$0x2] =	sst s26  }
0x85: {  	s31 =	sxor.u32 $0x80000000, s23;
	s30 =	spop (v2sf);
	[smem:s16+$0x3] =	sst s28  }
0x86: {  	s21 =	sxor.u32 $0x80000000, s29;
	[smem:s16+$0x4] =	sst s31;
	s20 =	spop (v2sf)  }
0x87: {  	s23 =	sxor.u32 $0x80000000, s25;
	[smem:s16+$0x5] =	sst s21;
	s22 =	spop (v2sf)  }
0x88: {  	s19 =	sxor.u32 $0x80000000, s19;
	[smem:s16+$0x6] =	sst s23;
	s24 =	spop (v2sf)  }
0x89: {  	s1 =	sxor.u32 $0x80000000, s30;
	[smem:s16+$0x7] =	sst s19;
	s25 =	spop (v2sf)  }
0x8a: {  	s18 =	sxor.u32 $0x80000000, s18;
	[smem:s16+$0x8] =	sst s1;
	s26 =	spop (v2sf)  }
0x8b: {  	s28 =	sxor.u32 $0x80000000, s22;
	[smem:s16+$0x9] =	sst s18;
	s29 =	spop (v2sf)  }
0x8c: {  	[smem:s16+$0xA] =	sst s28;
	s30 =	sxor.u32 $0x80000000, s29  }
0x8d: {  	s31 =	sxor.u32 $0x80000000, s26;
	[smem:s16+$0xB] =	sst s30  }
0x8e: {  	s15 =	sxor.u32 $0x80000000, s25;
	[smem:s16+$0xC] =	sst s31  }
0x8f: {  	v1 =	vld [tilespmem:$0x85E0];
	s18 =	sxor.u32 $0x80000000, s20;
	[smem:s16+$0xD] =	sst s15  }
0x90: {  	v0 =	vld [tilespmem:$0x8730];
	s19 =	sxor.u32 $0x80000000, s24;
	[smem:s16+$0xE] =	sst s18  }
0x91: {  	v3 =	vld [tilespmem:$0x8490];
	s20 =	simm.s32 $0x4;
	[smem:s16+$0xF] =	sst s19  }
0x92: {  	v2 =	vld [tilespmem:$0x8340];
	s21 =	sor.u32 $0x5, s20;
	s15 =	simm.s32 $0xC;
	s16 =	sld [smem:$0x4]  }
0x93: {  	s22 =	sor.u32 $0x5, s15;
	s17 =	sld [smem:s21+$0x0]  }
0x94: {  	s23 =	sor.u32 $0x6, s20;
	s1 =	sor.u32 $0x7, s20;
	s18 =	sld [smem:s22+$0x0]  }
0x95: {  	s31 =	sor.u32 $0x6, s15;
	s19 =	sld [smem:s23+$0x0];
	s16 =	smul.u32 $0x540, s16  }
0x96: {  	s15 =	sor.u32 $0x7, s15;
	s24 =	sld [smem:$0x1];
	s17 =	smul.u32 $0x540, s17  }
0x97: {  	s1 =	sld [smem:s1+$0x0];
	s18 =	smul.u32 $0x540, s18;
	s16 =	sshra.s32 s16, $0x2  }
0x98: {  	s19 =	smul.u32 $0x540, s19;
	v4 =	vld [tilespmem:s16+$0x0];
	s25 =	sshra.s32 s17, $0x2;
	s26 =	sld [smem:$0x8]  }
0x99: {  	s20 =	smul.u32 $0x540, s24;
	s18 =	sshra.s32 s18, $0x2;
	v5 =	vld [tilespmem:s25+$0x0];
	s16 =	sld [smem:$0x9]  }
0x9a: {  	s29 =	sshra.s32 s19, $0x2;
	s1 =	smul.u32 $0x540, s1;
	s28 =	sld [smem:$0xC];
	v8 =	vld [tilespmem:s18+$0x0]  }
0x9b: {  	s20 =	sshra.s32 s20, $0x2;
	s30 =	sld [smem:$0x0];
	v7 =	vld [tilespmem:s29+$0x0];
	s17 =	smul.u32 $0x540, s26  }
0x9c: {  	s1 =	sshra.s32 s1, $0x2;
	v9 =	vld [tilespmem:s20+$0x0];
	s23 =	sld [smem:s31+$0x0];
	s16 =	smul.u32 $0x540, s16  }
0x9d: {  	s20 =	sld [smem:$0x2];
	v10 =	vld [tilespmem:s1+$0x0];
	s24 =	sshra.s32 s17, $0x2;
	s25 =	smul.u32 $0x540, s28  }
0x9e: {  	v4 =	vmul.f32 v4, v2;
	v11 =	vld [tilespmem:s24+$0x0];
	s16 =	sshra.s32 s16, $0x2;
	s26 =	sld [smem:$0xA];
	s19 =	smul.u32 $0x540, s30;
	v5 =	vmul.f32 v5, v3  }
0x9f: {  	v13 =	vld [tilespmem:s16+$0x0];
	s15 =	sld [smem:s15+$0x0];
	s1 =	sshra.s32 s25, $0x2;
	s18 =	smul.u32 $0x540, s23  }
0xa0: {  	s16 =	sld [smem:$0x3];
	s19 =	sshra.s32 s19, $0x2;
	v14 =	vld [tilespmem:s1+$0x0];
	s28 =	smul.u32 $0x540, s20;
	v5 =	vadd.f32 v5, v4;
	v12 =	vmul.f32 v7, v1  }
0xa1: {  	vm1 =	vmmov vm2;
	v6 =	vld [tilespmem:s19+$0x0];
	s17 =	smul.u32 $0x540, s26;
	s18 =	sshra.s32 s18, $0x2  }
0xa2: {  	vm2 =	vmmov vm3;
	s19 =	sld [smem:$0xB];
	s1 =	sshra.s32 s28, $0x2;
	v7 =	vld [tilespmem:s18+$0x0];
	s29 =	smul.u32 $0x540, s15;
	v15 =	vadd.f32 v12, v5;
	v10 =	vmul.f32 v10, v0  }
0xa3: {  	vm10 =	vmmov vm11;
	v4 =	vmul.f32 v8, v3;
	s15 =	simm.s32 $0x8F20;
	v5 =	vmul.f32 v9, v3;
	v8 =	vld [tilespmem:s1+$0x0];
	s30 =	smul.u32 $0x540, s16;
	s31 =	sshra.s32 s17, $0x2  }
0xa4: {  	s16 =	simm.s32 $0x8;
	s17 =	simm.s32 $0x0;
	v12 =	vmul.f32 v11, v2;
	v9 =	vld [tilespmem:s31+$0x0];
	s18 =	sshra.s32 s29, $0x2;
	v11 =	vadd.f32 v10, v15;
	v13 =	vmul.f32 v13, v3  }
0xa5: {  	vm5 =	vmmov vm6;
	vm11 =	vmmov vm15;
	s20 =	smul.u32 $0x540, s19;
	s19 =	sshra.s32 s30, $0x2;
	v14 =	vmul.f32 v14, v2;
	v10 =	vld [tilespmem:s18+$0x0];
	s18 =	simm.s32 $0x1C  }
.LBB2_4:
0xa6: {  	s1 =	sadd.s32 $0xFFFFFFF8, s18;
	s17 =	sadd.s32 $0x4, s17;
	v6 =	vmul.f32 v6, v2;
	v15 =	vld [tilespmem:s19+$0x0];
	[tilespmem:s15+$0xFFFFFEB0] =	vst v11;
	v11 =	vadd.f32 v13, v12;
	s16 =	sadd.s32 $0x10, s16  }
0xa7: {  	s21 =	sld [smem:s16+$0xFFFFFFFC];
	s19 =	sor.u32 $0x5, s1;
	p0 =	slt.u32 s17, $0xFC;
	v4 =	vadd.f32 v4, v14;
	v7 =	vmul.f32 v7, v1  }
0xa8: {  	s23 =	sor.u32 $0x6, s18;
	s22 =	sld [smem:s19+$0x0];
	s19 =	sor.u32 $0x5, s18;
	v5 =	vadd.f32 v5, v6;
	v6 =	vmul.f32 v8, v1  }
0xa9: {  	s24 =	sor.u32 $0x6, s1;
	s25 =	sld [smem:s19+$0x0];
	s19 =	sor.u32 $0x7, s18;
	v8 =	vmul.f32 v9, v1;
	v4 =	vadd.f32 v7, v4  }
0xaa: {  	s20 =	sshra.s32 s20, $0x2;
	s21 =	smul.u32 $0x540, s21;
	s24 =	sld [smem:s24+$0x0];
	v5 =	vadd.f32 v6, v5;
	v6 =	vmul.f32 v10, v0  }
0xab: {  	s1 =	sor.u32 $0x7, s1;
	s26 =	sld [smem:s16+$0xFFFFFFF9];
	s22 =	smul.u32 $0x540, s22;
	v7 =	vmul.f32 v15, v0;
	v8 =	vadd.f32 v8, v11;
	v9 =	vld [tilespmem:s20+$0x0]  }
0xac: {  	s20 =	sshra.s32 s21, $0x2;
	s1 =	sld [smem:s1+$0x0];
	s21 =	smul.u32 $0x540, s25;
	v4 =	vadd.f32 v6, v4  }
0xad: {  	v6 =	vld [tilespmem:s20+$0x0];
	s20 =	sshra.s32 s22, $0x2;
	s22 =	smul.u32 $0x540, s24;
	s24 =	sld [smem:s16+$0x0];
	v5 =	vadd.f32 v7, v5  }
0xae: {  	s25 =	smul.u32 $0x540, s26;
	v7 =	vld [tilespmem:s20+$0x0];
	s20 =	sld [smem:s16+$0x1];
	s21 =	sshra.s32 s21, $0x2;
	[tilespmem:s15+$0x150] =	vst v4  }
0xaf: {  	s22 =	sshra.s32 s22, $0x2;
	s1 =	smul.u32 $0x540, s1;
	s26 =	sld [smem:s16+$0x4];
	v4 =	vld [tilespmem:s21+$0x0];
	[tilespmem:s15+$0xFFFFFD60] =	vst v5  }
0xb0: {  	s21 =	sld [smem:s16+$0xFFFFFFF8];
	s25 =	sshra.s32 s25, $0x2;
	v5 =	vld [tilespmem:s22+$0x0];
	s22 =	smul.u32 $0x540, s24;
	v9 =	vmul.f32 v9, v0  }
0xb1: {  	v10 =	vld [tilespmem:s25+$0x0];
	s1 =	sshra.s32 s1, $0x2;
	s20 =	smul.u32 $0x540, s20;
	s23 =	sld [smem:s23+$0x0]  }
0xb2: {  	s24 =	sld [smem:s16+$0xFFFFFFFA];
	v11 =	vld [tilespmem:s1+$0x0];
	s1 =	sshra.s32 s22, $0x2;
	s22 =	smul.u32 $0x540, s26;
	v8 =	vadd.f32 v9, v8  }
0xb3: {  	v6 =	vmul.f32 v6, v2;
	s21 =	smul.u32 $0x540, s21;
	v7 =	vmul.f32 v7, v3;
	v9 =	vld [tilespmem:s1+$0x0];
	s1 =	sshra.s32 s20, $0x2;
	s20 =	sld [smem:s16+$0x2]  }
0xb4: {  	v13 =	vld [tilespmem:s1+$0x0];
	s1 =	sshra.s32 s22, $0x2;
	s22 =	smul.u32 $0x540, s23  }
0xb5: {  	v4 =	vmul.f32 v4, v3;
	s19 =	sld [smem:s19+$0x0];
	[tilespmem:s15+$0x0] =	vst v8;
	s23 =	smul.u32 $0x540, s24  }
0xb6: {  	s21 =	sshra.s32 s21, $0x2;
	s24 =	sld [smem:s16+$0xFFFFFFFB];
	v7 =	vadd.f32 v7, v6;
	v8 =	vmul.f32 v5, v1;
	v14 =	vld [tilespmem:s1+$0x0];
	s1 =	smul.u32 $0x540, s20  }
.Ltmp1:
0xb7: {  	v6 =	vld [tilespmem:s21+$0x0];
	v5 =	vmul.f32 v10, v3;
	s20 =	sld [smem:s16+$0x3];
	s21 =	sshra.s32 s22, $0x2;
	(pc) =	sbr.rel @p0 .LBB2_4-.Ltmp1, $4  }
0xb8: {  	s22 =	sshra.s32 s23, $0x2;
	v10 =	vadd.f32 v8, v7;
	v11 =	vmul.f32 v11, v0;
	v7 =	vld [tilespmem:s21+$0x0];
	s19 =	smul.u32 $0x540, s19  }
0xb9: {  	v8 =	vld [tilespmem:s22+$0x0];
	s21 =	smul.u32 $0x540, s24;
	v12 =	vmul.f32 v9, v2;
	s1 =	sshra.s32 s1, $0x2  }
0xba: {  	v11 =	vadd.f32 v11, v10;
	v13 =	vmul.f32 v13, v3;
	v9 =	vld [tilespmem:s1+$0x0];
	s20 =	smul.u32 $0x540, s20;
	s1 =	sshra.s32 s19, $0x2  }
0xbb: {  	s18 =	sadd.s32 $0x10, s18;
	s15 =	sadd.s32 $0x540, s15;
	s19 =	sshra.s32 s21, $0x2;
	v14 =	vmul.f32 v14, v2;
	v10 =	vld [tilespmem:s1+$0x0]  }
0xbc: {  	v3 =	vld [tilespmem:s19+$0x0];
	s1 =	sshra.s32 s20, $0x2  }
0xbd: {  	v2 =	vmul.f32 v6, v2;
	v6 =	vld [tilespmem:s1+$0x0]  }
0xbe: {  	v4 =	vadd.f32 v4, v14;
	v7 =	vmul.f32 v7, v1  }
0xbf: {  	v12 =	vadd.f32 v13, v12;
	v2 =	vadd.f32 v5, v2;
	v5 =	vmul.f32 v8, v1  }
0xc0: {  	v1 =	vmul.f32 v9, v1;
	v4 =	vadd.f32 v7, v4;
	v7 =	vmul.f32 v10, v0  }
0xc1: {  	v2 =	vadd.f32 v5, v2;
	v3 =	vmul.f32 v3, v0  }
0xc2: {  	v1 =	vadd.f32 v1, v12;
	v4 =	vadd.f32 v7, v4;
	v0 =	vmul.f32 v6, v0  }
0xc3: {  	[tilespmem:s15+$0xFFFFFEB0] =	vst v11;
	v2 =	vadd.f32 v3, v2  }
0xc4: {  	[tilespmem:s15+$0x150] =	vst v4;
	v0 =	vadd.f32 v0, v1  }
0xc5: {  	[tilespmem:s15+$0xFFFFFD60] =	vst v2  }
0xc6: {  	[tilespmem:s15+$0x0] =	vst v0  }
0xc7: {  	v2 =	vld [tilespmem:$0x8350]  }
0xc8: {  	v3 =	vld [tilespmem:$0x84A0]  }
0xc9: {  	s24 =	simm.s32 $0x4;
	v1 =	vld [tilespmem:$0x85F0]  }
0xca: {  	s17 =	sor.u32 $0x5, s24;
	s15 =	simm.s32 $0xC;
	v0 =	vld [tilespmem:$0x8740];
	s16 =	sld [smem:$0x4]  }
0xcb: {  	s18 =	sor.u32 $0x5, s15;
	s17 =	sld [smem:s17+$0x0]  }
0xcc: {  	s25 =	sor.u32 $0x6, s24;
	s1 =	sor.u32 $0x7, s24;
	s18 =	sld [smem:s18+$0x0]  }
0xcd: {  	s22 =	sor.u32 $0x6, s15;
	s19 =	sld [smem:s25+$0x0];
	s16 =	smul.u32 $0x540, s16  }
0xce: {  	s15 =	sor.u32 $0x7, s15;
	s26 =	sld [smem:$0x1];
	s17 =	smul.u32 $0x540, s17  }
0xcf: {  	s1 =	sld [smem:s1+$0x0];
	s18 =	smul.u32 $0x540, s18;
	s16 =	sshra.s32 s16, $0x2  }
0xd0: {  	s19 =	smul.u32 $0x540, s19;
	v4 =	vld [tilespmem:s16+$0x10];
	s28 =	sshra.s32 s17, $0x2;
	s29 =	sld [smem:$0x8]  }
0xd1: {  	s20 =	smul.u32 $0x540, s26;
	s18 =	sshra.s32 s18, $0x2;
	v5 =	vld [tilespmem:s28+$0x10];
	s16 =	sld [smem:$0x9]  }
0xd2: {  	s30 =	sshra.s32 s19, $0x2;
	s1 =	smul.u32 $0x540, s1;
	s21 =	sld [smem:$0xC];
	v8 =	vld [tilespmem:s18+$0x10]  }
0xd3: {  	s20 =	sshra.s32 s20, $0x2;
	s31 =	sld [smem:$0x0];
	v7 =	vld [tilespmem:s30+$0x10];
	s17 =	smul.u32 $0x540, s29  }
0xd4: {  	s1 =	sshra.s32 s1, $0x2;
	v9 =	vld [tilespmem:s20+$0x10];
	s23 =	sld [smem:s22+$0x0];
	s16 =	smul.u32 $0x540, s16  }
0xd5: {  	s20 =	sld [smem:$0x2];
	v10 =	vld [tilespmem:s1+$0x10];
	s24 =	sshra.s32 s17, $0x2;
	s25 =	smul.u32 $0x540, s21  }
0xd6: {  	v4 =	vmul.f32 v4, v2;
	v11 =	vld [tilespmem:s24+$0x10];
	s16 =	sshra.s32 s16, $0x2;
	s26 =	sld [smem:$0xA];
	s19 =	smul.u32 $0x540, s31;
	v5 =	vmul.f32 v5, v3  }
0xd7: {  	v13 =	vld [tilespmem:s16+$0x10];
	s15 =	sld [smem:s15+$0x0];
	s1 =	sshra.s32 s25, $0x2;
	s18 =	smul.u32 $0x540, s23  }
0xd8: {  	s16 =	sld [smem:$0x3];
	s19 =	sshra.s32 s19, $0x2;
	v14 =	vld [tilespmem:s1+$0x10];
	s28 =	smul.u32 $0x540, s20;
	v5 =	vadd.f32 v5, v4;
	v12 =	vmul.f32 v7, v1  }
0xd9: {  	v6 =	vld [tilespmem:s19+$0x10];
	s17 =	smul.u32 $0x540, s26;
	s18 =	sshra.s32 s18, $0x2  }
0xda: {  	s19 =	sld [smem:$0xB];
	s1 =	sshra.s32 s28, $0x2;
	v7 =	vld [tilespmem:s18+$0x10];
	s29 =	smul.u32 $0x540, s15;
	v15 =	vadd.f32 v12, v5;
	v10 =	vmul.f32 v10, v0  }
0xdb: {  	v4 =	vmul.f32 v8, v3;
	s15 =	simm.s32 $0x8F30;
	v5 =	vmul.f32 v9, v3;
	v8 =	vld [tilespmem:s1+$0x10];
	s30 =	smul.u32 $0x540, s16;
	s31 =	sshra.s32 s17, $0x2  }
0xdc: {  	s16 =	simm.s32 $0x8;
	s17 =	simm.s32 $0x0;
	v12 =	vmul.f32 v11, v2;
	v9 =	vld [tilespmem:s31+$0x10];
	s18 =	sshra.s32 s29, $0x2;
	v11 =	vadd.f32 v10, v15;
	v13 =	vmul.f32 v13, v3  }
0xdd: {  	vm13 =	vmmov vm4;
	s20 =	smul.u32 $0x540, s19;
	s19 =	sshra.s32 s30, $0x2;
	v14 =	vmul.f32 v14, v2;
	v10 =	vld [tilespmem:s18+$0x10];
	s18 =	simm.s32 $0x1C  }
.LBB2_6:
0xde: {  	s1 =	sadd.s32 $0xFFFFFFF8, s18;
	s17 =	sadd.s32 $0x4, s17;
	v6 =	vmul.f32 v6, v2;
	v15 =	vld [tilespmem:s19+$0x10];
	[tilespmem:s15+$0xFFFFFEB0] =	vst v11;
	v11 =	vadd.f32 v13, v12;
	s16 =	sadd.s32 $0x10, s16  }
0xdf: {  	s21 =	sld [smem:s16+$0xFFFFFFFC];
	s19 =	sor.u32 $0x5, s1;
	p0 =	slt.u32 s17, $0xFC;
	v4 =	vadd.f32 v4, v14;
	v7 =	vmul.f32 v7, v1  }
0xe0: {  	s23 =	sor.u32 $0x6, s18;
	s22 =	sld [smem:s19+$0x0];
	s19 =	sor.u32 $0x5, s18;
	v5 =	vadd.f32 v5, v6;
	v6 =	vmul.f32 v8, v1  }
0xe1: {  	s24 =	sor.u32 $0x6, s1;
	s25 =	sld [smem:s19+$0x0];
	s19 =	sor.u32 $0x7, s18;
	v8 =	vmul.f32 v9, v1;
	v4 =	vadd.f32 v7, v4  }
0xe2: {  	s20 =	sshra.s32 s20, $0x2;
	s21 =	smul.u32 $0x540, s21;
	s24 =	sld [smem:s24+$0x0];
	v5 =	vadd.f32 v6, v5;
	v6 =	vmul.f32 v10, v0  }
0xe3: {  	s1 =	sor.u32 $0x7, s1;
	s26 =	sld [smem:s16+$0xFFFFFFF9];
	s22 =	smul.u32 $0x540, s22;
	v7 =	vmul.f32 v15, v0;
	v8 =	vadd.f32 v8, v11;
	v9 =	vld [tilespmem:s20+$0x10]  }
0xe4: {  	s20 =	sshra.s32 s21, $0x2;
	s1 =	sld [smem:s1+$0x0];
	s21 =	smul.u32 $0x540, s25;
	v4 =	vadd.f32 v6, v4  }
0xe5: {  	v6 =	vld [tilespmem:s20+$0x10];
	s20 =	sshra.s32 s22, $0x2;
	s22 =	smul.u32 $0x540, s24;
	s24 =	sld [smem:s16+$0x0];
	v5 =	vadd.f32 v7, v5  }
0xe6: {  	s25 =	smul.u32 $0x540, s26;
	v7 =	vld [tilespmem:s20+$0x10];
	s20 =	sld [smem:s16+$0x1];
	s21 =	sshra.s32 s21, $0x2;
	[tilespmem:s15+$0x150] =	vst v4  }
0xe7: {  	s22 =	sshra.s32 s22, $0x2;
	s1 =	smul.u32 $0x540, s1;
	s26 =	sld [smem:s16+$0x4];
	v4 =	vld [tilespmem:s21+$0x10];
	[tilespmem:s15+$0xFFFFFD60] =	vst v5  }
0xe8: {  	s21 =	sld [smem:s16+$0xFFFFFFF8];
	s25 =	sshra.s32 s25, $0x2;
	v5 =	vld [tilespmem:s22+$0x10];
	s22 =	smul.u32 $0x540, s24;
	v9 =	vmul.f32 v9, v0  }
0xe9: {  	v10 =	vld [tilespmem:s25+$0x10];
	s1 =	sshra.s32 s1, $0x2;
	s20 =	smul.u32 $0x540, s20;
	s23 =	sld [smem:s23+$0x0]  }
0xea: {  	s24 =	sld [smem:s16+$0xFFFFFFFA];
	v11 =	vld [tilespmem:s1+$0x10];
	s1 =	sshra.s32 s22, $0x2;
	s22 =	smul.u32 $0x540, s26;
	v8 =	vadd.f32 v9, v8  }
0xeb: {  	v6 =	vmul.f32 v6, v2;
	s21 =	smul.u32 $0x540, s21;
	v7 =	vmul.f32 v7, v3;
	v9 =	vld [tilespmem:s1+$0x10];
	s1 =	sshra.s32 s20, $0x2;
	s20 =	sld [smem:s16+$0x2]  }
0xec: {  	v13 =	vld [tilespmem:s1+$0x10];
	s1 =	sshra.s32 s22, $0x2;
	s22 =	smul.u32 $0x540, s23  }
0xed: {  	v4 =	vmul.f32 v4, v3;
	s19 =	sld [smem:s19+$0x0];
	[tilespmem:s15+$0x0] =	vst v8;
	s23 =	smul.u32 $0x540, s24  }
0xee: {  	s21 =	sshra.s32 s21, $0x2;
	s24 =	sld [smem:s16+$0xFFFFFFFB];
	v7 =	vadd.f32 v7, v6;
	v8 =	vmul.f32 v5, v1;
	v14 =	vld [tilespmem:s1+$0x10];
	s1 =	smul.u32 $0x540, s20  }
.Ltmp2:
0xef: {  	v6 =	vld [tilespmem:s21+$0x10];
	v5 =	vmul.f32 v10, v3;
	s20 =	sld [smem:s16+$0x3];
	s21 =	sshra.s32 s22, $0x2;
	(pc) =	sbr.rel @p0 .LBB2_6-.Ltmp2, $4  }
0xf0: {  	s22 =	sshra.s32 s23, $0x2;
	v10 =	vadd.f32 v8, v7;
	v11 =	vmul.f32 v11, v0;
	v7 =	vld [tilespmem:s21+$0x10];
	s19 =	smul.u32 $0x540, s19  }
0xf1: {  	v8 =	vld [tilespmem:s22+$0x10];
	s21 =	smul.u32 $0x540, s24;
	v12 =	vmul.f32 v9, v2;
	s1 =	sshra.s32 s1, $0x2  }
0xf2: {  	v11 =	vadd.f32 v11, v10;
	v13 =	vmul.f32 v13, v3;
	v9 =	vld [tilespmem:s1+$0x10];
	s20 =	smul.u32 $0x540, s20;
	s1 =	sshra.s32 s19, $0x2  }
0xf3: {  	s18 =	sadd.s32 $0x10, s18;
	s15 =	sadd.s32 $0x540, s15;
	s19 =	sshra.s32 s21, $0x2;
	v14 =	vmul.f32 v14, v2;
	v10 =	vld [tilespmem:s1+$0x10]  }
0xf4: {  	v3 =	vld [tilespmem:s19+$0x10];
	s1 =	sshra.s32 s20, $0x2  }
0xf5: {  	v2 =	vmul.f32 v6, v2;
	v6 =	vld [tilespmem:s1+$0x10]  }
0xf6: {  	v4 =	vadd.f32 v4, v14;
	v7 =	vmul.f32 v7, v1  }
0xf7: {  	v12 =	vadd.f32 v13, v12;
	v2 =	vadd.f32 v5, v2;
	v5 =	vmul.f32 v8, v1  }
0xf8: {  	v1 =	vmul.f32 v9, v1;
	v4 =	vadd.f32 v7, v4;
	v7 =	vmul.f32 v10, v0  }
0xf9: {  	v2 =	vadd.f32 v5, v2;
	v3 =	vmul.f32 v3, v0  }
0xfa: {  	v1 =	vadd.f32 v1, v12;
	v4 =	vadd.f32 v7, v4;
	v0 =	vmul.f32 v6, v0  }
0xfb: {  	[tilespmem:s15+$0xFFFFFEB0] =	vst v11;
	v2 =	vadd.f32 v3, v2  }
0xfc: {  	[tilespmem:s15+$0x150] =	vst v4;
	v0 =	vadd.f32 v0, v1  }
0xfd: {  	[tilespmem:s15+$0xFFFFFD60] =	vst v2  }
0xfe: {  	[tilespmem:s15+$0x0] =	vst v0  }
0xff: {  	v2 =	vld [tilespmem:$0x8360]  }
0x100: {  	v3 =	vld [tilespmem:$0x84B0]  }
0x101: {  	s24 =	simm.s32 $0x4;
	v1 =	vld [tilespmem:$0x8600]  }
0x102: {  	s17 =	sor.u32 $0x5, s24;
	s15 =	simm.s32 $0xC;
	v0 =	vld [tilespmem:$0x8750];
	s16 =	sld [smem:$0x4]  }
0x103: {  	s18 =	sor.u32 $0x5, s15;
	s17 =	sld [smem:s17+$0x0]  }
0x104: {  	s25 =	sor.u32 $0x6, s24;
	s1 =	sor.u32 $0x7, s24;
	s18 =	sld [smem:s18+$0x0]  }
0x105: {  	s22 =	sor.u32 $0x6, s15;
	s19 =	sld [smem:s25+$0x0];
	s16 =	smul.u32 $0x540, s16  }
0x106: {  	s15 =	sor.u32 $0x7, s15;
	s26 =	sld [smem:$0x1];
	s17 =	smul.u32 $0x540, s17  }
0x107: {  	s1 =	sld [smem:s1+$0x0];
	s18 =	smul.u32 $0x540, s18;
	s16 =	sshra.s32 s16, $0x2  }
0x108: {  	s19 =	smul.u32 $0x540, s19;
	v4 =	vld [tilespmem:s16+$0x20];
	s28 =	sshra.s32 s17, $0x2;
	s29 =	sld [smem:$0x8]  }
0x109: {  	s20 =	smul.u32 $0x540, s26;
	s18 =	sshra.s32 s18, $0x2;
	v5 =	vld [tilespmem:s28+$0x20];
	s16 =	sld [smem:$0x9]  }
0x10a: {  	s30 =	sshra.s32 s19, $0x2;
	s1 =	smul.u32 $0x540, s1;
	s21 =	sld [smem:$0xC];
	v8 =	vld [tilespmem:s18+$0x20]  }
0x10b: {  	s20 =	sshra.s32 s20, $0x2;
	s31 =	sld [smem:$0x0];
	v7 =	vld [tilespmem:s30+$0x20];
	s17 =	smul.u32 $0x540, s29  }
0x10c: {  	s1 =	sshra.s32 s1, $0x2;
	v9 =	vld [tilespmem:s20+$0x20];
	s23 =	sld [smem:s22+$0x0];
	s16 =	smul.u32 $0x540, s16  }
0x10d: {  	s20 =	sld [smem:$0x2];
	v10 =	vld [tilespmem:s1+$0x20];
	s24 =	sshra.s32 s17, $0x2;
	s25 =	smul.u32 $0x540, s21  }
0x10e: {  	v4 =	vmul.f32 v4, v2;
	v11 =	vld [tilespmem:s24+$0x20];
	s16 =	sshra.s32 s16, $0x2;
	s26 =	sld [smem:$0xA];
	s19 =	smul.u32 $0x540, s31;
	v5 =	vmul.f32 v5, v3  }
0x10f: {  	v13 =	vld [tilespmem:s16+$0x20];
	s15 =	sld [smem:s15+$0x0];
	s1 =	sshra.s32 s25, $0x2;
	s18 =	smul.u32 $0x540, s23  }
0x110: {  	s16 =	sld [smem:$0x3];
	s19 =	sshra.s32 s19, $0x2;
	v14 =	vld [tilespmem:s1+$0x20];
	s28 =	smul.u32 $0x540, s20;
	v5 =	vadd.f32 v5, v4;
	v12 =	vmul.f32 v7, v1  }
0x111: {  	v6 =	vld [tilespmem:s19+$0x20];
	s17 =	smul.u32 $0x540, s26;
	s18 =	sshra.s32 s18, $0x2  }
0x112: {  	s19 =	sld [smem:$0xB];
	s1 =	sshra.s32 s28, $0x2;
	v7 =	vld [tilespmem:s18+$0x20];
	s29 =	smul.u32 $0x540, s15;
	v15 =	vadd.f32 v12, v5;
	v10 =	vmul.f32 v10, v0  }
0x113: {  	v4 =	vmul.f32 v8, v3;
	s15 =	simm.s32 $0x8F40;
	v5 =	vmul.f32 v9, v3;
	v8 =	vld [tilespmem:s1+$0x20];
	s30 =	smul.u32 $0x540, s16;
	s31 =	sshra.s32 s17, $0x2  }
0x114: {  	s16 =	simm.s32 $0x8;
	s17 =	simm.s32 $0x0;
	v12 =	vmul.f32 v11, v2;
	v9 =	vld [tilespmem:s31+$0x20];
	s18 =	sshra.s32 s29, $0x2;
	v11 =	vadd.f32 v10, v15;
	v13 =	vmul.f32 v13, v3  }
0x115: {  	s20 =	smul.u32 $0x540, s19;
	s19 =	sshra.s32 s30, $0x2;
	v14 =	vmul.f32 v14, v2;
	v10 =	vld [tilespmem:s18+$0x20];
	s18 =	simm.s32 $0x1C  }
.LBB2_8:
0x116: {  	s1 =	sadd.s32 $0xFFFFFFF8, s18;
	s17 =	sadd.s32 $0x4, s17;
	v6 =	vmul.f32 v6, v2;
	v15 =	vld [tilespmem:s19+$0x20];
	[tilespmem:s15+$0xFFFFFEB0] =	vst v11;
	v11 =	vadd.f32 v13, v12;
	s16 =	sadd.s32 $0x10, s16  }
0x117: {  	s21 =	sld [smem:s16+$0xFFFFFFFC];
	s19 =	sor.u32 $0x5, s1;
	p0 =	slt.u32 s17, $0xFC;
	v4 =	vadd.f32 v4, v14;
	v7 =	vmul.f32 v7, v1  }
0x118: {  	s23 =	sor.u32 $0x6, s18;
	s22 =	sld [smem:s19+$0x0];
	s19 =	sor.u32 $0x5, s18;
	v5 =	vadd.f32 v5, v6;
	v6 =	vmul.f32 v8, v1  }
0x119: {  	s24 =	sor.u32 $0x6, s1;
	s25 =	sld [smem:s19+$0x0];
	s19 =	sor.u32 $0x7, s18;
	v8 =	vmul.f32 v9, v1;
	v4 =	vadd.f32 v7, v4  }
0x11a: {  	s20 =	sshra.s32 s20, $0x2;
	s21 =	smul.u32 $0x540, s21;
	s24 =	sld [smem:s24+$0x0];
	v5 =	vadd.f32 v6, v5;
	v6 =	vmul.f32 v10, v0  }
0x11b: {  	s1 =	sor.u32 $0x7, s1;
	s26 =	sld [smem:s16+$0xFFFFFFF9];
	s22 =	smul.u32 $0x540, s22;
	v7 =	vmul.f32 v15, v0;
	v8 =	vadd.f32 v8, v11;
	v9 =	vld [tilespmem:s20+$0x20]  }
0x11c: {  	s20 =	sshra.s32 s21, $0x2;
	s1 =	sld [smem:s1+$0x0];
	s21 =	smul.u32 $0x540, s25;
	v4 =	vadd.f32 v6, v4  }
0x11d: {  	v6 =	vld [tilespmem:s20+$0x20];
	s20 =	sshra.s32 s22, $0x2;
	s22 =	smul.u32 $0x540, s24;
	s24 =	sld [smem:s16+$0x0];
	v5 =	vadd.f32 v7, v5  }
0x11e: {  	s25 =	smul.u32 $0x540, s26;
	v7 =	vld [tilespmem:s20+$0x20];
	s20 =	sld [smem:s16+$0x1];
	s21 =	sshra.s32 s21, $0x2;
	[tilespmem:s15+$0x150] =	vst v4  }
0x11f: {  	s22 =	sshra.s32 s22, $0x2;
	s1 =	smul.u32 $0x540, s1;
	s26 =	sld [smem:s16+$0x4];
	v4 =	vld [tilespmem:s21+$0x20];
	[tilespmem:s15+$0xFFFFFD60] =	vst v5  }
0x120: {  	s21 =	sld [smem:s16+$0xFFFFFFF8];
	s25 =	sshra.s32 s25, $0x2;
	v5 =	vld [tilespmem:s22+$0x20];
	s22 =	smul.u32 $0x540, s24;
	v9 =	vmul.f32 v9, v0  }
0x121: {  	v10 =	vld [tilespmem:s25+$0x20];
	s1 =	sshra.s32 s1, $0x2;
	s20 =	smul.u32 $0x540, s20;
	s23 =	sld [smem:s23+$0x0]  }
0x122: {  	s24 =	sld [smem:s16+$0xFFFFFFFA];
	v11 =	vld [tilespmem:s1+$0x20];
	s1 =	sshra.s32 s22, $0x2;
	s22 =	smul.u32 $0x540, s26;
	v8 =	vadd.f32 v9, v8  }
0x123: {  	v6 =	vmul.f32 v6, v2;
	s21 =	smul.u32 $0x540, s21;
	v7 =	vmul.f32 v7, v3;
	v9 =	vld [tilespmem:s1+$0x20];
	s1 =	sshra.s32 s20, $0x2;
	s20 =	sld [smem:s16+$0x2]  }
0x124: {  	v13 =	vld [tilespmem:s1+$0x20];
	s1 =	sshra.s32 s22, $0x2;
	s22 =	smul.u32 $0x540, s23  }
0x125: {  	v4 =	vmul.f32 v4, v3;
	s19 =	sld [smem:s19+$0x0];
	[tilespmem:s15+$0x0] =	vst v8;
	s23 =	smul.u32 $0x540, s24  }
0x126: {  	s21 =	sshra.s32 s21, $0x2;
	s24 =	sld [smem:s16+$0xFFFFFFFB];
	v7 =	vadd.f32 v7, v6;
	v8 =	vmul.f32 v5, v1;
	v14 =	vld [tilespmem:s1+$0x20];
	s1 =	smul.u32 $0x540, s20  }
.Ltmp3:
0x127: {  	v6 =	vld [tilespmem:s21+$0x20];
	v5 =	vmul.f32 v10, v3;
	s20 =	sld [smem:s16+$0x3];
	s21 =	sshra.s32 s22, $0x2;
	(pc) =	sbr.rel @p0 .LBB2_8-.Ltmp3, $4  }
0x128: {  	s22 =	sshra.s32 s23, $0x2;
	v10 =	vadd.f32 v8, v7;
	v11 =	vmul.f32 v11, v0;
	v7 =	vld [tilespmem:s21+$0x20];
	s19 =	smul.u32 $0x540, s19  }
0x129: {  	v8 =	vld [tilespmem:s22+$0x20];
	s21 =	smul.u32 $0x540, s24;
	v12 =	vmul.f32 v9, v2;
	s1 =	sshra.s32 s1, $0x2  }
0x12a: {  	v11 =	vadd.f32 v11, v10;
	v13 =	vmul.f32 v13, v3;
	v9 =	vld [tilespmem:s1+$0x20];
	s20 =	smul.u32 $0x540, s20;
	s1 =	sshra.s32 s19, $0x2  }
0x12b: {  	s18 =	sadd.s32 $0x10, s18;
	s15 =	sadd.s32 $0x540, s15;
	s19 =	sshra.s32 s21, $0x2;
	v14 =	vmul.f32 v14, v2;
	v10 =	vld [tilespmem:s1+$0x20]  }
0x12c: {  	v3 =	vld [tilespmem:s19+$0x20];
	s1 =	sshra.s32 s20, $0x2  }
0x12d: {  	v2 =	vmul.f32 v6, v2;
	v6 =	vld [tilespmem:s1+$0x20]  }
0x12e: {  	v4 =	vadd.f32 v4, v14;
	v7 =	vmul.f32 v7, v1  }
0x12f: {  	v12 =	vadd.f32 v13, v12;
	v2 =	vadd.f32 v5, v2;
	v5 =	vmul.f32 v8, v1  }
0x130: {  	v1 =	vmul.f32 v9, v1;
	v4 =	vadd.f32 v7, v4;
	v7 =	vmul.f32 v10, v0  }
0x131: {  	v2 =	vadd.f32 v5, v2;
	v3 =	vmul.f32 v3, v0  }
0x132: {  	v1 =	vadd.f32 v1, v12;
	v4 =	vadd.f32 v7, v4;
	v0 =	vmul.f32 v6, v0  }
0x133: {  	[tilespmem:s15+$0xFFFFFEB0] =	vst v11;
	v2 =	vadd.f32 v3, v2  }
0x134: {  	[tilespmem:s15+$0x150] =	vst v4;
	v0 =	vadd.f32 v0, v1  }
0x135: {  	[tilespmem:s15+$0xFFFFFD60] =	vst v2  }
0x136: {  	[tilespmem:s15+$0x0] =	vst v0  }
0x137: {  	v2 =	vld [tilespmem:$0x8370]  }
0x138: {  	v3 =	vld [tilespmem:$0x84C0]  }
0x139: {  	s24 =	simm.s32 $0x4;
	v1 =	vld [tilespmem:$0x8610]  }
0x13a: {  	s17 =	sor.u32 $0x5, s24;
	s15 =	simm.s32 $0xC;
	v0 =	vld [tilespmem:$0x8760];
	s16 =	sld [smem:$0x4]  }
0x13b: {  	s18 =	sor.u32 $0x5, s15;
	s17 =	sld [smem:s17+$0x0]  }
0x13c: {  	s25 =	sor.u32 $0x6, s24;
	s1 =	sor.u32 $0x7, s24;
	s18 =	sld [smem:s18+$0x0]  }
0x13d: {  	s22 =	sor.u32 $0x6, s15;
	s19 =	sld [smem:s25+$0x0];
	s16 =	smul.u32 $0x540, s16  }
0x13e: {  	s15 =	sor.u32 $0x7, s15;
	s26 =	sld [smem:$0x1];
	s17 =	smul.u32 $0x540, s17  }
0x13f: {  	s1 =	sld [smem:s1+$0x0];
	s18 =	smul.u32 $0x540, s18;
	s16 =	sshra.s32 s16, $0x2  }
0x140: {  	s19 =	smul.u32 $0x540, s19;
	v4 =	vld [tilespmem:s16+$0x30];
	s28 =	sshra.s32 s17, $0x2;
	s29 =	sld [smem:$0x8]  }
0x141: {  	s20 =	smul.u32 $0x540, s26;
	s18 =	sshra.s32 s18, $0x2;
	v5 =	vld [tilespmem:s28+$0x30];
	s16 =	sld [smem:$0x9]  }
0x142: {  	s30 =	sshra.s32 s19, $0x2;
	s1 =	smul.u32 $0x540, s1;
	s21 =	sld [smem:$0xC];
	v8 =	vld [tilespmem:s18+$0x30]  }
0x143: {  	s20 =	sshra.s32 s20, $0x2;
	s31 =	sld [smem:$0x0];
	v7 =	vld [tilespmem:s30+$0x30];
	s17 =	smul.u32 $0x540, s29  }
0x144: {  	s1 =	sshra.s32 s1, $0x2;
	v9 =	vld [tilespmem:s20+$0x30];
	s23 =	sld [smem:s22+$0x0];
	s16 =	smul.u32 $0x540, s16  }
0x145: {  	s20 =	sld [smem:$0x2];
	v10 =	vld [tilespmem:s1+$0x30];
	s24 =	sshra.s32 s17, $0x2;
	s25 =	smul.u32 $0x540, s21  }
0x146: {  	v4 =	vmul.f32 v4, v2;
	v11 =	vld [tilespmem:s24+$0x30];
	s16 =	sshra.s32 s16, $0x2;
	s26 =	sld [smem:$0xA];
	s19 =	smul.u32 $0x540, s31;
	v5 =	vmul.f32 v5, v3  }
0x147: {  	v13 =	vld [tilespmem:s16+$0x30];
	s15 =	sld [smem:s15+$0x0];
	s1 =	sshra.s32 s25, $0x2;
	s18 =	smul.u32 $0x540, s23  }
0x148: {  	s16 =	sld [smem:$0x3];
	s19 =	sshra.s32 s19, $0x2;
	v14 =	vld [tilespmem:s1+$0x30];
	s28 =	smul.u32 $0x540, s20;
	v5 =	vadd.f32 v5, v4;
	v12 =	vmul.f32 v7, v1  }
0x149: {  	v6 =	vld [tilespmem:s19+$0x30];
	s17 =	smul.u32 $0x540, s26;
	s18 =	sshra.s32 s18, $0x2  }
0x14a: {  	s19 =	sld [smem:$0xB];
	s1 =	sshra.s32 s28, $0x2;
	v7 =	vld [tilespmem:s18+$0x30];
	s29 =	smul.u32 $0x540, s15;
	v15 =	vadd.f32 v12, v5;
	v10 =	vmul.f32 v10, v0  }
0x14b: {  	v4 =	vmul.f32 v8, v3;
	s15 =	simm.s32 $0x8F50;
	v5 =	vmul.f32 v9, v3;
	v8 =	vld [tilespmem:s1+$0x30];
	s30 =	smul.u32 $0x540, s16;
	s31 =	sshra.s32 s17, $0x2  }
0x14c: {  	s16 =	simm.s32 $0x8;
	s17 =	simm.s32 $0x0;
	v12 =	vmul.f32 v11, v2;
	v9 =	vld [tilespmem:s31+$0x30];
	s18 =	sshra.s32 s29, $0x2;
	v11 =	vadd.f32 v10, v15;
	v13 =	vmul.f32 v13, v3  }
0x14d: {  	s20 =	smul.u32 $0x540, s19;
	s19 =	sshra.s32 s30, $0x2;
	v14 =	vmul.f32 v14, v2;
	v10 =	vld [tilespmem:s18+$0x30];
	s18 =	simm.s32 $0x1C  }
.LBB2_10:
0x14e: {  	s1 =	sadd.s32 $0xFFFFFFF8, s18;
	s17 =	sadd.s32 $0x4, s17;
	v6 =	vmul.f32 v6, v2;
	v15 =	vld [tilespmem:s19+$0x30];
	[tilespmem:s15+$0xFFFFFEB0] =	vst v11;
	v11 =	vadd.f32 v13, v12;
	s16 =	sadd.s32 $0x10, s16  }
0x14f: {  	s21 =	sld [smem:s16+$0xFFFFFFFC];
	s19 =	sor.u32 $0x5, s1;
	p0 =	slt.u32 s17, $0xFC;
	v4 =	vadd.f32 v4, v14;
	v7 =	vmul.f32 v7, v1  }
0x150: {  	s23 =	sor.u32 $0x6, s18;
	s22 =	sld [smem:s19+$0x0];
	s19 =	sor.u32 $0x5, s18;
	v5 =	vadd.f32 v5, v6;
	v6 =	vmul.f32 v8, v1  }
0x151: {  	s24 =	sor.u32 $0x6, s1;
	s25 =	sld [smem:s19+$0x0];
	s19 =	sor.u32 $0x7, s18;
	v8 =	vmul.f32 v9, v1;
	v4 =	vadd.f32 v7, v4  }
0x152: {  	s20 =	sshra.s32 s20, $0x2;
	s21 =	smul.u32 $0x540, s21;
	s24 =	sld [smem:s24+$0x0];
	v5 =	vadd.f32 v6, v5;
	v6 =	vmul.f32 v10, v0  }
0x153: {  	s1 =	sor.u32 $0x7, s1;
	s26 =	sld [smem:s16+$0xFFFFFFF9];
	s22 =	smul.u32 $0x540, s22;
	v7 =	vmul.f32 v15, v0;
	v8 =	vadd.f32 v8, v11;
	v9 =	vld [tilespmem:s20+$0x30]  }
0x154: {  	s20 =	sshra.s32 s21, $0x2;
	s1 =	sld [smem:s1+$0x0];
	s21 =	smul.u32 $0x540, s25;
	v4 =	vadd.f32 v6, v4  }
0x155: {  	v6 =	vld [tilespmem:s20+$0x30];
	s20 =	sshra.s32 s22, $0x2;
	s22 =	smul.u32 $0x540, s24;
	s24 =	sld [smem:s16+$0x0];
	v5 =	vadd.f32 v7, v5  }
0x156: {  	s25 =	smul.u32 $0x540, s26;
	v7 =	vld [tilespmem:s20+$0x30];
	s20 =	sld [smem:s16+$0x1];
	s21 =	sshra.s32 s21, $0x2;
	[tilespmem:s15+$0x150] =	vst v4  }
0x157: {  	s22 =	sshra.s32 s22, $0x2;
	s1 =	smul.u32 $0x540, s1;
	s26 =	sld [smem:s16+$0x4];
	v4 =	vld [tilespmem:s21+$0x30];
	[tilespmem:s15+$0xFFFFFD60] =	vst v5  }
0x158: {  	s21 =	sld [smem:s16+$0xFFFFFFF8];
	s25 =	sshra.s32 s25, $0x2;
	v5 =	vld [tilespmem:s22+$0x30];
	s22 =	smul.u32 $0x540, s24;
	v9 =	vmul.f32 v9, v0  }
0x159: {  	v10 =	vld [tilespmem:s25+$0x30];
	s1 =	sshra.s32 s1, $0x2;
	s20 =	smul.u32 $0x540, s20;
	s23 =	sld [smem:s23+$0x0]  }
0x15a: {  	s24 =	sld [smem:s16+$0xFFFFFFFA];
	v11 =	vld [tilespmem:s1+$0x30];
	s1 =	sshra.s32 s22, $0x2;
	s22 =	smul.u32 $0x540, s26;
	v8 =	vadd.f32 v9, v8  }
0x15b: {  	v6 =	vmul.f32 v6, v2;
	s21 =	smul.u32 $0x540, s21;
	v7 =	vmul.f32 v7, v3;
	v9 =	vld [tilespmem:s1+$0x30];
	s1 =	sshra.s32 s20, $0x2;
	s20 =	sld [smem:s16+$0x2]  }
0x15c: {  	v13 =	vld [tilespmem:s1+$0x30];
	s1 =	sshra.s32 s22, $0x2;
	s22 =	smul.u32 $0x540, s23  }
0x15d: {  	v4 =	vmul.f32 v4, v3;
	s19 =	sld [smem:s19+$0x0];
	[tilespmem:s15+$0x0] =	vst v8;
	s23 =	smul.u32 $0x540, s24  }
0x15e: {  	s21 =	sshra.s32 s21, $0x2;
	s24 =	sld [smem:s16+$0xFFFFFFFB];
	v7 =	vadd.f32 v7, v6;
	v8 =	vmul.f32 v5, v1;
	v14 =	vld [tilespmem:s1+$0x30];
	s1 =	smul.u32 $0x540, s20  }
.Ltmp4:
0x15f: {  	v6 =	vld [tilespmem:s21+$0x30];
	v5 =	vmul.f32 v10, v3;
	s20 =	sld [smem:s16+$0x3];
	s21 =	sshra.s32 s22, $0x2;
	(pc) =	sbr.rel @p0 .LBB2_10-.Ltmp4, $4  }
0x160: {  	s22 =	sshra.s32 s23, $0x2;
	v10 =	vadd.f32 v8, v7;
	v11 =	vmul.f32 v11, v0;
	v7 =	vld [tilespmem:s21+$0x30];
	s19 =	smul.u32 $0x540, s19  }
0x161: {  	v8 =	vld [tilespmem:s22+$0x30];
	s21 =	smul.u32 $0x540, s24;
	v12 =	vmul.f32 v9, v2;
	s1 =	sshra.s32 s1, $0x2  }
0x162: {  	v11 =	vadd.f32 v11, v10;
	v13 =	vmul.f32 v13, v3;
	v9 =	vld [tilespmem:s1+$0x30];
	s20 =	smul.u32 $0x540, s20;
	s1 =	sshra.s32 s19, $0x2  }
0x163: {  	s18 =	sadd.s32 $0x10, s18;
	s15 =	sadd.s32 $0x540, s15;
	s19 =	sshra.s32 s21, $0x2;
	v14 =	vmul.f32 v14, v2;
	v10 =	vld [tilespmem:s1+$0x30]  }
0x164: {  	v3 =	vld [tilespmem:s19+$0x30];
	s1 =	sshra.s32 s20, $0x2  }
0x165: {  	v2 =	vmul.f32 v6, v2;
	v6 =	vld [tilespmem:s1+$0x30]  }
0x166: {  	v4 =	vadd.f32 v4, v14;
	v7 =	vmul.f32 v7, v1  }
0x167: {  	v12 =	vadd.f32 v13, v12;
	v2 =	vadd.f32 v5, v2;
	v5 =	vmul.f32 v8, v1  }
0x168: {  	v1 =	vmul.f32 v9, v1;
	v4 =	vadd.f32 v7, v4;
	v7 =	vmul.f32 v10, v0  }
0x169: {  	v2 =	vadd.f32 v5, v2;
	v3 =	vmul.f32 v3, v0  }
0x16a: {  	v1 =	vadd.f32 v1, v12;
	v4 =	vadd.f32 v7, v4;
	v0 =	vmul.f32 v6, v0  }
0x16b: {  	[tilespmem:s15+$0xFFFFFEB0] =	vst v11;
	v2 =	vadd.f32 v3, v2  }
0x16c: {  	[tilespmem:s15+$0x150] =	vst v4;
	v0 =	vadd.f32 v0, v1  }
0x16d: {  	[tilespmem:s15+$0xFFFFFD60] =	vst v2  }
0x16e: {  	[tilespmem:s15+$0x0] =	vst v0  }
0x16f: {  	v2 =	vld [tilespmem:$0x8380]  }
0x170: {  	v3 =	vld [tilespmem:$0x84D0]  }
0x171: {  	s24 =	simm.s32 $0x4;
	v1 =	vld [tilespmem:$0x8620]  }
0x172: {  	s17 =	sor.u32 $0x5, s24;
	s15 =	simm.s32 $0xC;
	v0 =	vld [tilespmem:$0x8770];
	s16 =	sld [smem:$0x4]  }
0x173: {  	s18 =	sor.u32 $0x5, s15;
	s17 =	sld [smem:s17+$0x0]  }
0x174: {  	s25 =	sor.u32 $0x6, s24;
	s1 =	sor.u32 $0x7, s24;
	s18 =	sld [smem:s18+$0x0]  }
0x175: {  	s22 =	sor.u32 $0x6, s15;
	s19 =	sld [smem:s25+$0x0];
	s16 =	smul.u32 $0x540, s16  }
0x176: {  	s15 =	sor.u32 $0x7, s15;
	s26 =	sld [smem:$0x1];
	s17 =	smul.u32 $0x540, s17  }
0x177: {  	s1 =	sld [smem:s1+$0x0];
	s18 =	smul.u32 $0x540, s18;
	s16 =	sshra.s32 s16, $0x2  }
0x178: {  	s19 =	smul.u32 $0x540, s19;
	v4 =	vld [tilespmem:s16+$0x40];
	s28 =	sshra.s32 s17, $0x2;
	s29 =	sld [smem:$0x8]  }
0x179: {  	s20 =	smul.u32 $0x540, s26;
	s18 =	sshra.s32 s18, $0x2;
	v5 =	vld [tilespmem:s28+$0x40];
	s16 =	sld [smem:$0x9]  }
0x17a: {  	s30 =	sshra.s32 s19, $0x2;
	s1 =	smul.u32 $0x540, s1;
	s21 =	sld [smem:$0xC];
	v8 =	vld [tilespmem:s18+$0x40]  }
0x17b: {  	s20 =	sshra.s32 s20, $0x2;
	s31 =	sld [smem:$0x0];
	v7 =	vld [tilespmem:s30+$0x40];
	s17 =	smul.u32 $0x540, s29  }
0x17c: {  	s1 =	sshra.s32 s1, $0x2;
	v9 =	vld [tilespmem:s20+$0x40];
	s23 =	sld [smem:s22+$0x0];
	s16 =	smul.u32 $0x540, s16  }
0x17d: {  	s20 =	sld [smem:$0x2];
	v10 =	vld [tilespmem:s1+$0x40];
	s24 =	sshra.s32 s17, $0x2;
	s25 =	smul.u32 $0x540, s21  }
0x17e: {  	v4 =	vmul.f32 v4, v2;
	v11 =	vld [tilespmem:s24+$0x40];
	s16 =	sshra.s32 s16, $0x2;
	s26 =	sld [smem:$0xA];
	s19 =	smul.u32 $0x540, s31;
	v5 =	vmul.f32 v5, v3  }
0x17f: {  	v13 =	vld [tilespmem:s16+$0x40];
	s15 =	sld [smem:s15+$0x0];
	s1 =	sshra.s32 s25, $0x2;
	s18 =	smul.u32 $0x540, s23  }
0x180: {  	s16 =	sld [smem:$0x3];
	s19 =	sshra.s32 s19, $0x2;
	v14 =	vld [tilespmem:s1+$0x40];
	s28 =	smul.u32 $0x540, s20;
	v5 =	vadd.f32 v5, v4;
	v12 =	vmul.f32 v7, v1  }
0x181: {  	v6 =	vld [tilespmem:s19+$0x40];
	s17 =	smul.u32 $0x540, s26;
	s18 =	sshra.s32 s18, $0x2  }
0x182: {  	s19 =	sld [smem:$0xB];
	s1 =	sshra.s32 s28, $0x2;
	v7 =	vld [tilespmem:s18+$0x40];
	s29 =	smul.u32 $0x540, s15;
	v15 =	vadd.f32 v12, v5;
	v10 =	vmul.f32 v10, v0  }
0x183: {  	v4 =	vmul.f32 v8, v3;
	s15 =	simm.s32 $0x8F60;
	v5 =	vmul.f32 v9, v3;
	v8 =	vld [tilespmem:s1+$0x40];
	s30 =	smul.u32 $0x540, s16;
	s31 =	sshra.s32 s17, $0x2  }
0x184: {  	s16 =	simm.s32 $0x8;
	s17 =	simm.s32 $0x0;
	v12 =	vmul.f32 v11, v2;
	v9 =	vld [tilespmem:s31+$0x40];
	s18 =	sshra.s32 s29, $0x2;
	v11 =	vadd.f32 v10, v15;
	v13 =	vmul.f32 v13, v3  }
0x185: {  	s20 =	smul.u32 $0x540, s19;
	s19 =	sshra.s32 s30, $0x2;
	v14 =	vmul.f32 v14, v2;
	v10 =	vld [tilespmem:s18+$0x40];
	s18 =	simm.s32 $0x1C  }
.LBB2_12:
0x186: {  	s1 =	sadd.s32 $0xFFFFFFF8, s18;
	s17 =	sadd.s32 $0x4, s17;
	v6 =	vmul.f32 v6, v2;
	v15 =	vld [tilespmem:s19+$0x40];
	[tilespmem:s15+$0xFFFFFEB0] =	vst v11;
	v11 =	vadd.f32 v13, v12;
	s16 =	sadd.s32 $0x10, s16  }
0x187: {  	s21 =	sld [smem:s16+$0xFFFFFFFC];
	s19 =	sor.u32 $0x5, s1;
	p0 =	slt.u32 s17, $0xFC;
	v4 =	vadd.f32 v4, v14;
	v7 =	vmul.f32 v7, v1  }
0x188: {  	s23 =	sor.u32 $0x6, s18;
	s22 =	sld [smem:s19+$0x0];
	s19 =	sor.u32 $0x5, s18;
	v5 =	vadd.f32 v5, v6;
	v6 =	vmul.f32 v8, v1  }
0x189: {  	s24 =	sor.u32 $0x6, s1;
	s25 =	sld [smem:s19+$0x0];
	s19 =	sor.u32 $0x7, s18;
	v8 =	vmul.f32 v9, v1;
	v4 =	vadd.f32 v7, v4  }
0x18a: {  	s20 =	sshra.s32 s20, $0x2;
	s21 =	smul.u32 $0x540, s21;
	s24 =	sld [smem:s24+$0x0];
	v5 =	vadd.f32 v6, v5;
	v6 =	vmul.f32 v10, v0  }
0x18b: {  	s1 =	sor.u32 $0x7, s1;
	s26 =	sld [smem:s16+$0xFFFFFFF9];
	s22 =	smul.u32 $0x540, s22;
	v7 =	vmul.f32 v15, v0;
	v8 =	vadd.f32 v8, v11;
	v9 =	vld [tilespmem:s20+$0x40]  }
0x18c: {  	s20 =	sshra.s32 s21, $0x2;
	s1 =	sld [smem:s1+$0x0];
	s21 =	smul.u32 $0x540, s25;
	v4 =	vadd.f32 v6, v4  }
0x18d: {  	v6 =	vld [tilespmem:s20+$0x40];
	s20 =	sshra.s32 s22, $0x2;
	s22 =	smul.u32 $0x540, s24;
	s24 =	sld [smem:s16+$0x0];
	v5 =	vadd.f32 v7, v5  }
0x18e: {  	s25 =	smul.u32 $0x540, s26;
	v7 =	vld [tilespmem:s20+$0x40];
	s20 =	sld [smem:s16+$0x1];
	s21 =	sshra.s32 s21, $0x2;
	[tilespmem:s15+$0x150] =	vst v4  }
0x18f: {  	s22 =	sshra.s32 s22, $0x2;
	s1 =	smul.u32 $0x540, s1;
	s26 =	sld [smem:s16+$0x4];
	v4 =	vld [tilespmem:s21+$0x40];
	[tilespmem:s15+$0xFFFFFD60] =	vst v5  }
0x190: {  	s21 =	sld [smem:s16+$0xFFFFFFF8];
	s25 =	sshra.s32 s25, $0x2;
	v5 =	vld [tilespmem:s22+$0x40];
	s22 =	smul.u32 $0x540, s24;
	v9 =	vmul.f32 v9, v0  }
0x191: {  	v10 =	vld [tilespmem:s25+$0x40];
	s1 =	sshra.s32 s1, $0x2;
	s20 =	smul.u32 $0x540, s20;
	s23 =	sld [smem:s23+$0x0]  }
0x192: {  	s24 =	sld [smem:s16+$0xFFFFFFFA];
	v11 =	vld [tilespmem:s1+$0x40];
	s1 =	sshra.s32 s22, $0x2;
	s22 =	smul.u32 $0x540, s26;
	v8 =	vadd.f32 v9, v8  }
0x193: {  	v6 =	vmul.f32 v6, v2;
	s21 =	smul.u32 $0x540, s21;
	v7 =	vmul.f32 v7, v3;
	v9 =	vld [tilespmem:s1+$0x40];
	s1 =	sshra.s32 s20, $0x2;
	s20 =	sld [smem:s16+$0x2]  }
0x194: {  	v13 =	vld [tilespmem:s1+$0x40];
	s1 =	sshra.s32 s22, $0x2;
	s22 =	smul.u32 $0x540, s23  }
0x195: {  	v4 =	vmul.f32 v4, v3;
	s19 =	sld [smem:s19+$0x0];
	[tilespmem:s15+$0x0] =	vst v8;
	s23 =	smul.u32 $0x540, s24  }
0x196: {  	s21 =	sshra.s32 s21, $0x2;
	s24 =	sld [smem:s16+$0xFFFFFFFB];
	v7 =	vadd.f32 v7, v6;
	v8 =	vmul.f32 v5, v1;
	v14 =	vld [tilespmem:s1+$0x40];
	s1 =	smul.u32 $0x540, s20  }
.Ltmp5:
0x197: {  	v6 =	vld [tilespmem:s21+$0x40];
	v5 =	vmul.f32 v10, v3;
	s20 =	sld [smem:s16+$0x3];
	s21 =	sshra.s32 s22, $0x2;
	(pc) =	sbr.rel @p0 .LBB2_12-.Ltmp5, $4  }
0x198: {  	s22 =	sshra.s32 s23, $0x2;
	v10 =	vadd.f32 v8, v7;
	v11 =	vmul.f32 v11, v0;
	v7 =	vld [tilespmem:s21+$0x40];
	s19 =	smul.u32 $0x540, s19  }
0x199: {  	v8 =	vld [tilespmem:s22+$0x40];
	s21 =	smul.u32 $0x540, s24;
	v12 =	vmul.f32 v9, v2;
	s1 =	sshra.s32 s1, $0x2  }
0x19a: {  	v11 =	vadd.f32 v11, v10;
	v13 =	vmul.f32 v13, v3;
	v9 =	vld [tilespmem:s1+$0x40];
	s20 =	smul.u32 $0x540, s20;
	s1 =	sshra.s32 s19, $0x2  }
0x19b: {  	s18 =	sadd.s32 $0x10, s18;
	s15 =	sadd.s32 $0x540, s15;
	s19 =	sshra.s32 s21, $0x2;
	v14 =	vmul.f32 v14, v2;
	v10 =	vld [tilespmem:s1+$0x40]  }
0x19c: {  	v3 =	vld [tilespmem:s19+$0x40];
	s1 =	sshra.s32 s20, $0x2  }
0x19d: {  	v2 =	vmul.f32 v6, v2;
	v6 =	vld [tilespmem:s1+$0x40]  }
0x19e: {  	v4 =	vadd.f32 v4, v14;
	v7 =	vmul.f32 v7, v1  }
0x19f: {  	v12 =	vadd.f32 v13, v12;
	v2 =	vadd.f32 v5, v2;
	v5 =	vmul.f32 v8, v1  }
0x1a0: {  	v1 =	vmul.f32 v9, v1;
	v4 =	vadd.f32 v7, v4;
	v7 =	vmul.f32 v10, v0  }
0x1a1: {  	v2 =	vadd.f32 v5, v2;
	v3 =	vmul.f32 v3, v0  }
0x1a2: {  	v1 =	vadd.f32 v1, v12;
	v4 =	vadd.f32 v7, v4;
	v0 =	vmul.f32 v6, v0  }
0x1a3: {  	[tilespmem:s15+$0xFFFFFEB0] =	vst v11;
	v2 =	vadd.f32 v3, v2  }
0x1a4: {  	[tilespmem:s15+$0x150] =	vst v4;
	v0 =	vadd.f32 v0, v1  }
0x1a5: {  	[tilespmem:s15+$0xFFFFFD60] =	vst v2  }
0x1a6: {  	[tilespmem:s15+$0x0] =	vst v0  }
0x1a7: {  	v2 =	vld [tilespmem:$0x8390]  }
0x1a8: {  	v3 =	vld [tilespmem:$0x84E0]  }
0x1a9: {  	s24 =	simm.s32 $0x4;
	v1 =	vld [tilespmem:$0x8630]  }
0x1aa: {  	s17 =	sor.u32 $0x5, s24;
	s15 =	simm.s32 $0xC;
	v0 =	vld [tilespmem:$0x8780];
	s16 =	sld [smem:$0x4]  }
0x1ab: {  	s18 =	sor.u32 $0x5, s15;
	s17 =	sld [smem:s17+$0x0]  }
0x1ac: {  	s25 =	sor.u32 $0x6, s24;
	s1 =	sor.u32 $0x7, s24;
	s18 =	sld [smem:s18+$0x0]  }
0x1ad: {  	s22 =	sor.u32 $0x6, s15;
	s19 =	sld [smem:s25+$0x0];
	s16 =	smul.u32 $0x540, s16  }
0x1ae: {  	s15 =	sor.u32 $0x7, s15;
	s26 =	sld [smem:$0x1];
	s17 =	smul.u32 $0x540, s17  }
0x1af: {  	s1 =	sld [smem:s1+$0x0];
	s18 =	smul.u32 $0x540, s18;
	s16 =	sshra.s32 s16, $0x2  }
0x1b0: {  	s19 =	smul.u32 $0x540, s19;
	v4 =	vld [tilespmem:s16+$0x50];
	s28 =	sshra.s32 s17, $0x2;
	s29 =	sld [smem:$0x8]  }
0x1b1: {  	s20 =	smul.u32 $0x540, s26;
	s18 =	sshra.s32 s18, $0x2;
	v5 =	vld [tilespmem:s28+$0x50];
	s16 =	sld [smem:$0x9]  }
0x1b2: {  	s30 =	sshra.s32 s19, $0x2;
	s1 =	smul.u32 $0x540, s1;
	s21 =	sld [smem:$0xC];
	v8 =	vld [tilespmem:s18+$0x50]  }
0x1b3: {  	s20 =	sshra.s32 s20, $0x2;
	s31 =	sld [smem:$0x0];
	v7 =	vld [tilespmem:s30+$0x50];
	s17 =	smul.u32 $0x540, s29  }
0x1b4: {  	s1 =	sshra.s32 s1, $0x2;
	v9 =	vld [tilespmem:s20+$0x50];
	s23 =	sld [smem:s22+$0x0];
	s16 =	smul.u32 $0x540, s16  }
0x1b5: {  	s20 =	sld [smem:$0x2];
	v10 =	vld [tilespmem:s1+$0x50];
	s24 =	sshra.s32 s17, $0x2;
	s25 =	smul.u32 $0x540, s21  }
0x1b6: {  	v4 =	vmul.f32 v4, v2;
	v11 =	vld [tilespmem:s24+$0x50];
	s16 =	sshra.s32 s16, $0x2;
	s26 =	sld [smem:$0xA];
	s19 =	smul.u32 $0x540, s31;
	v5 =	vmul.f32 v5, v3  }
0x1b7: {  	v13 =	vld [tilespmem:s16+$0x50];
	s15 =	sld [smem:s15+$0x0];
	s1 =	sshra.s32 s25, $0x2;
	s18 =	smul.u32 $0x540, s23  }
0x1b8: {  	s16 =	sld [smem:$0x3];
	s19 =	sshra.s32 s19, $0x2;
	v14 =	vld [tilespmem:s1+$0x50];
	s28 =	smul.u32 $0x540, s20;
	v5 =	vadd.f32 v5, v4;
	v12 =	vmul.f32 v7, v1  }
0x1b9: {  	v6 =	vld [tilespmem:s19+$0x50];
	s17 =	smul.u32 $0x540, s26;
	s18 =	sshra.s32 s18, $0x2  }
0x1ba: {  	s19 =	sld [smem:$0xB];
	s1 =	sshra.s32 s28, $0x2;
	v7 =	vld [tilespmem:s18+$0x50];
	s29 =	smul.u32 $0x540, s15;
	v15 =	vadd.f32 v12, v5;
	v10 =	vmul.f32 v10, v0  }
0x1bb: {  	v4 =	vmul.f32 v8, v3;
	s15 =	simm.s32 $0x8F70;
	v5 =	vmul.f32 v9, v3;
	v8 =	vld [tilespmem:s1+$0x50];
	s30 =	smul.u32 $0x540, s16;
	s31 =	sshra.s32 s17, $0x2  }
0x1bc: {  	s16 =	simm.s32 $0x8;
	s17 =	simm.s32 $0x0;
	v12 =	vmul.f32 v11, v2;
	v9 =	vld [tilespmem:s31+$0x50];
	s18 =	sshra.s32 s29, $0x2;
	v11 =	vadd.f32 v10, v15;
	v13 =	vmul.f32 v13, v3  }
0x1bd: {  	s20 =	smul.u32 $0x540, s19;
	s19 =	sshra.s32 s30, $0x2;
	v14 =	vmul.f32 v14, v2;
	v10 =	vld [tilespmem:s18+$0x50];
	s18 =	simm.s32 $0x1C  }
.LBB2_14:
0x1be: {  	s1 =	sadd.s32 $0xFFFFFFF8, s18;
	s17 =	sadd.s32 $0x4, s17;
	v6 =	vmul.f32 v6, v2;
	v15 =	vld [tilespmem:s19+$0x50];
	[tilespmem:s15+$0xFFFFFEB0] =	vst v11;
	v11 =	vadd.f32 v13, v12;
	s16 =	sadd.s32 $0x10, s16  }
0x1bf: {  	s21 =	sld [smem:s16+$0xFFFFFFFC];
	s19 =	sor.u32 $0x5, s1;
	p0 =	slt.u32 s17, $0xFC;
	v4 =	vadd.f32 v4, v14;
	v7 =	vmul.f32 v7, v1  }
0x1c0: {  	s23 =	sor.u32 $0x6, s18;
	s22 =	sld [smem:s19+$0x0];
	s19 =	sor.u32 $0x5, s18;
	v5 =	vadd.f32 v5, v6;
	v6 =	vmul.f32 v8, v1  }
0x1c1: {  	s24 =	sor.u32 $0x6, s1;
	s25 =	sld [smem:s19+$0x0];
	s19 =	sor.u32 $0x7, s18;
	v8 =	vmul.f32 v9, v1;
	v4 =	vadd.f32 v7, v4  }
0x1c2: {  	s20 =	sshra.s32 s20, $0x2;
	s21 =	smul.u32 $0x540, s21;
	s24 =	sld [smem:s24+$0x0];
	v5 =	vadd.f32 v6, v5;
	v6 =	vmul.f32 v10, v0  }
0x1c3: {  	s1 =	sor.u32 $0x7, s1;
	s26 =	sld [smem:s16+$0xFFFFFFF9];
	s22 =	smul.u32 $0x540, s22;
	v7 =	vmul.f32 v15, v0;
	v8 =	vadd.f32 v8, v11;
	v9 =	vld [tilespmem:s20+$0x50]  }
0x1c4: {  	s20 =	sshra.s32 s21, $0x2;
	s1 =	sld [smem:s1+$0x0];
	s21 =	smul.u32 $0x540, s25;
	v4 =	vadd.f32 v6, v4  }
0x1c5: {  	v6 =	vld [tilespmem:s20+$0x50];
	s20 =	sshra.s32 s22, $0x2;
	s22 =	smul.u32 $0x540, s24;
	s24 =	sld [smem:s16+$0x0];
	v5 =	vadd.f32 v7, v5  }
0x1c6: {  	s25 =	smul.u32 $0x540, s26;
	v7 =	vld [tilespmem:s20+$0x50];
	s20 =	sld [smem:s16+$0x1];
	s21 =	sshra.s32 s21, $0x2;
	[tilespmem:s15+$0x150] =	vst v4  }
0x1c7: {  	s22 =	sshra.s32 s22, $0x2;
	s1 =	smul.u32 $0x540, s1;
	s26 =	sld [smem:s16+$0x4];
	v4 =	vld [tilespmem:s21+$0x50];
	[tilespmem:s15+$0xFFFFFD60] =	vst v5  }
0x1c8: {  	s21 =	sld [smem:s16+$0xFFFFFFF8];
	s25 =	sshra.s32 s25, $0x2;
	v5 =	vld [tilespmem:s22+$0x50];
	s22 =	smul.u32 $0x540, s24;
	v9 =	vmul.f32 v9, v0  }
0x1c9: {  	v10 =	vld [tilespmem:s25+$0x50];
	s1 =	sshra.s32 s1, $0x2;
	s20 =	smul.u32 $0x540, s20;
	s23 =	sld [smem:s23+$0x0]  }
0x1ca: {  	s24 =	sld [smem:s16+$0xFFFFFFFA];
	v11 =	vld [tilespmem:s1+$0x50];
	s1 =	sshra.s32 s22, $0x2;
	s22 =	smul.u32 $0x540, s26;
	v8 =	vadd.f32 v9, v8  }
0x1cb: {  	v6 =	vmul.f32 v6, v2;
	s21 =	smul.u32 $0x540, s21;
	v7 =	vmul.f32 v7, v3;
	v9 =	vld [tilespmem:s1+$0x50];
	s1 =	sshra.s32 s20, $0x2;
	s20 =	sld [smem:s16+$0x2]  }
0x1cc: {  	v13 =	vld [tilespmem:s1+$0x50];
	s1 =	sshra.s32 s22, $0x2;
	s22 =	smul.u32 $0x540, s23  }
0x1cd: {  	v4 =	vmul.f32 v4, v3;
	s19 =	sld [smem:s19+$0x0];
	[tilespmem:s15+$0x0] =	vst v8;
	s23 =	smul.u32 $0x540, s24  }
0x1ce: {  	s21 =	sshra.s32 s21, $0x2;
	s24 =	sld [smem:s16+$0xFFFFFFFB];
	v7 =	vadd.f32 v7, v6;
	v8 =	vmul.f32 v5, v1;
	v14 =	vld [tilespmem:s1+$0x50];
	s1 =	smul.u32 $0x540, s20  }
.Ltmp6:
0x1cf: {  	v6 =	vld [tilespmem:s21+$0x50];
	v5 =	vmul.f32 v10, v3;
	s20 =	sld [smem:s16+$0x3];
	s21 =	sshra.s32 s22, $0x2;
	(pc) =	sbr.rel @p0 .LBB2_14-.Ltmp6, $4  }
0x1d0: {  	s22 =	sshra.s32 s23, $0x2;
	v10 =	vadd.f32 v8, v7;
	v11 =	vmul.f32 v11, v0;
	v7 =	vld [tilespmem:s21+$0x50];
	s19 =	smul.u32 $0x540, s19  }
0x1d1: {  	v8 =	vld [tilespmem:s22+$0x50];
	s21 =	smul.u32 $0x540, s24;
	v12 =	vmul.f32 v9, v2;
	s1 =	sshra.s32 s1, $0x2  }
0x1d2: {  	v11 =	vadd.f32 v11, v10;
	v13 =	vmul.f32 v13, v3;
	v9 =	vld [tilespmem:s1+$0x50];
	s20 =	smul.u32 $0x540, s20;
	s1 =	sshra.s32 s19, $0x2  }
0x1d3: {  	s18 =	sadd.s32 $0x10, s18;
	s15 =	sadd.s32 $0x540, s15;
	s19 =	sshra.s32 s21, $0x2;
	v14 =	vmul.f32 v14, v2;
	v10 =	vld [tilespmem:s1+$0x50]  }
0x1d4: {  	v3 =	vld [tilespmem:s19+$0x50];
	s1 =	sshra.s32 s20, $0x2  }
0x1d5: {  	v2 =	vmul.f32 v6, v2;
	v6 =	vld [tilespmem:s1+$0x50]  }
0x1d6: {  	v4 =	vadd.f32 v4, v14;
	v7 =	vmul.f32 v7, v1  }
0x1d7: {  	v12 =	vadd.f32 v13, v12;
	v2 =	vadd.f32 v5, v2;
	v5 =	vmul.f32 v8, v1  }
0x1d8: {  	v1 =	vmul.f32 v9, v1;
	v4 =	vadd.f32 v7, v4;
	v7 =	vmul.f32 v10, v0  }
0x1d9: {  	v2 =	vadd.f32 v5, v2;
	v3 =	vmul.f32 v3, v0  }
0x1da: {  	v1 =	vadd.f32 v1, v12;
	v4 =	vadd.f32 v7, v4;
	v0 =	vmul.f32 v6, v0  }
0x1db: {  	[tilespmem:s15+$0xFFFFFEB0] =	vst v11;
	v2 =	vadd.f32 v3, v2  }
0x1dc: {  	[tilespmem:s15+$0x150] =	vst v4;
	v0 =	vadd.f32 v0, v1  }
0x1dd: {  	[tilespmem:s15+$0xFFFFFD60] =	vst v2  }
0x1de: {  	[tilespmem:s15+$0x0] =	vst v0  }
0x1df: {  	v2 =	vld [tilespmem:$0x83A0]  }
0x1e0: {  	v3 =	vld [tilespmem:$0x84F0]  }
0x1e1: {  	s24 =	simm.s32 $0x4;
	v1 =	vld [tilespmem:$0x8640]  }
0x1e2: {  	s17 =	sor.u32 $0x5, s24;
	s15 =	simm.s32 $0xC;
	v0 =	vld [tilespmem:$0x8790];
	s16 =	sld [smem:$0x4]  }
0x1e3: {  	s18 =	sor.u32 $0x5, s15;
	s17 =	sld [smem:s17+$0x0]  }
0x1e4: {  	s25 =	sor.u32 $0x6, s24;
	s1 =	sor.u32 $0x7, s24;
	s18 =	sld [smem:s18+$0x0]  }
0x1e5: {  	s22 =	sor.u32 $0x6, s15;
	s19 =	sld [smem:s25+$0x0];
	s16 =	smul.u32 $0x540, s16  }
0x1e6: {  	s15 =	sor.u32 $0x7, s15;
	s26 =	sld [smem:$0x1];
	s17 =	smul.u32 $0x540, s17  }
0x1e7: {  	s1 =	sld [smem:s1+$0x0];
	s18 =	smul.u32 $0x540, s18;
	s16 =	sshra.s32 s16, $0x2  }
0x1e8: {  	s19 =	smul.u32 $0x540, s19;
	v4 =	vld [tilespmem:s16+$0x60];
	s28 =	sshra.s32 s17, $0x2;
	s29 =	sld [smem:$0x8]  }
0x1e9: {  	s20 =	smul.u32 $0x540, s26;
	s18 =	sshra.s32 s18, $0x2;
	v5 =	vld [tilespmem:s28+$0x60];
	s16 =	sld [smem:$0x9]  }
0x1ea: {  	s30 =	sshra.s32 s19, $0x2;
	s1 =	smul.u32 $0x540, s1;
	s21 =	sld [smem:$0xC];
	v8 =	vld [tilespmem:s18+$0x60]  }
0x1eb: {  	s20 =	sshra.s32 s20, $0x2;
	s31 =	sld [smem:$0x0];
	v7 =	vld [tilespmem:s30+$0x60];
	s17 =	smul.u32 $0x540, s29  }
0x1ec: {  	s1 =	sshra.s32 s1, $0x2;
	v9 =	vld [tilespmem:s20+$0x60];
	s23 =	sld [smem:s22+$0x0];
	s16 =	smul.u32 $0x540, s16  }
0x1ed: {  	s20 =	sld [smem:$0x2];
	v10 =	vld [tilespmem:s1+$0x60];
	s24 =	sshra.s32 s17, $0x2;
	s25 =	smul.u32 $0x540, s21  }
0x1ee: {  	v4 =	vmul.f32 v4, v2;
	v11 =	vld [tilespmem:s24+$0x60];
	s16 =	sshra.s32 s16, $0x2;
	s26 =	sld [smem:$0xA];
	s19 =	smul.u32 $0x540, s31;
	v5 =	vmul.f32 v5, v3  }
0x1ef: {  	v13 =	vld [tilespmem:s16+$0x60];
	s15 =	sld [smem:s15+$0x0];
	s1 =	sshra.s32 s25, $0x2;
	s18 =	smul.u32 $0x540, s23  }
0x1f0: {  	s16 =	sld [smem:$0x3];
	s19 =	sshra.s32 s19, $0x2;
	v14 =	vld [tilespmem:s1+$0x60];
	s28 =	smul.u32 $0x540, s20;
	v5 =	vadd.f32 v5, v4;
	v12 =	vmul.f32 v7, v1  }
0x1f1: {  	v6 =	vld [tilespmem:s19+$0x60];
	s17 =	smul.u32 $0x540, s26;
	s18 =	sshra.s32 s18, $0x2  }
0x1f2: {  	s19 =	sld [smem:$0xB];
	s1 =	sshra.s32 s28, $0x2;
	v7 =	vld [tilespmem:s18+$0x60];
	s29 =	smul.u32 $0x540, s15;
	v15 =	vadd.f32 v12, v5;
	v10 =	vmul.f32 v10, v0  }
0x1f3: {  	v4 =	vmul.f32 v8, v3;
	s15 =	simm.s32 $0x8F80;
	v5 =	vmul.f32 v9, v3;
	v8 =	vld [tilespmem:s1+$0x60];
	s30 =	smul.u32 $0x540, s16;
	s31 =	sshra.s32 s17, $0x2  }
0x1f4: {  	s16 =	simm.s32 $0x8;
	s17 =	simm.s32 $0x0;
	v12 =	vmul.f32 v11, v2;
	v9 =	vld [tilespmem:s31+$0x60];
	s18 =	sshra.s32 s29, $0x2;
	v11 =	vadd.f32 v10, v15;
	v13 =	vmul.f32 v13, v3  }
0x1f5: {  	s20 =	smul.u32 $0x540, s19;
	s19 =	sshra.s32 s30, $0x2;
	v14 =	vmul.f32 v14, v2;
	v10 =	vld [tilespmem:s18+$0x60];
	s18 =	simm.s32 $0x1C  }
.LBB2_16:
0x1f6: {  	s1 =	sadd.s32 $0xFFFFFFF8, s18;
	s17 =	sadd.s32 $0x4, s17;
	v6 =	vmul.f32 v6, v2;
	v15 =	vld [tilespmem:s19+$0x60];
	[tilespmem:s15+$0xFFFFFEB0] =	vst v11;
	v11 =	vadd.f32 v13, v12;
	s16 =	sadd.s32 $0x10, s16  }
0x1f7: {  	s21 =	sld [smem:s16+$0xFFFFFFFC];
	s19 =	sor.u32 $0x5, s1;
	p0 =	slt.u32 s17, $0xFC;
	v4 =	vadd.f32 v4, v14;
	v7 =	vmul.f32 v7, v1  }
0x1f8: {  	s23 =	sor.u32 $0x6, s18;
	s22 =	sld [smem:s19+$0x0];
	s19 =	sor.u32 $0x5, s18;
	v5 =	vadd.f32 v5, v6;
	v6 =	vmul.f32 v8, v1  }
0x1f9: {  	s24 =	sor.u32 $0x6, s1;
	s25 =	sld [smem:s19+$0x0];
	s19 =	sor.u32 $0x7, s18;
	v8 =	vmul.f32 v9, v1;
	v4 =	vadd.f32 v7, v4  }
0x1fa: {  	s20 =	sshra.s32 s20, $0x2;
	s21 =	smul.u32 $0x540, s21;
	s24 =	sld [smem:s24+$0x0];
	v5 =	vadd.f32 v6, v5;
	v6 =	vmul.f32 v10, v0  }
0x1fb: {  	s1 =	sor.u32 $0x7, s1;
	s26 =	sld [smem:s16+$0xFFFFFFF9];
	s22 =	smul.u32 $0x540, s22;
	v7 =	vmul.f32 v15, v0;
	v8 =	vadd.f32 v8, v11;
	v9 =	vld [tilespmem:s20+$0x60]  }
0x1fc: {  	s20 =	sshra.s32 s21, $0x2;
	s1 =	sld [smem:s1+$0x0];
	s21 =	smul.u32 $0x540, s25;
	v4 =	vadd.f32 v6, v4  }
0x1fd: {  	v6 =	vld [tilespmem:s20+$0x60];
	s20 =	sshra.s32 s22, $0x2;
	s22 =	smul.u32 $0x540, s24;
	s24 =	sld [smem:s16+$0x0];
	v5 =	vadd.f32 v7, v5  }
0x1fe: {  	s25 =	smul.u32 $0x540, s26;
	v7 =	vld [tilespmem:s20+$0x60];
	s20 =	sld [smem:s16+$0x1];
	s21 =	sshra.s32 s21, $0x2;
	[tilespmem:s15+$0x150] =	vst v4  }
0x1ff: {  	s22 =	sshra.s32 s22, $0x2;
	s1 =	smul.u32 $0x540, s1;
	s26 =	sld [smem:s16+$0x4];
	v4 =	vld [tilespmem:s21+$0x60];
	[tilespmem:s15+$0xFFFFFD60] =	vst v5  }
0x200: {  	s21 =	sld [smem:s16+$0xFFFFFFF8];
	s25 =	sshra.s32 s25, $0x2;
	v5 =	vld [tilespmem:s22+$0x60];
	s22 =	smul.u32 $0x540, s24;
	v9 =	vmul.f32 v9, v0  }
0x201: {  	v10 =	vld [tilespmem:s25+$0x60];
	s1 =	sshra.s32 s1, $0x2;
	s20 =	smul.u32 $0x540, s20;
	s23 =	sld [smem:s23+$0x0]  }
0x202: {  	s24 =	sld [smem:s16+$0xFFFFFFFA];
	v11 =	vld [tilespmem:s1+$0x60];
	s1 =	sshra.s32 s22, $0x2;
	s22 =	smul.u32 $0x540, s26;
	v8 =	vadd.f32 v9, v8  }
0x203: {  	v6 =	vmul.f32 v6, v2;
	s21 =	smul.u32 $0x540, s21;
	v7 =	vmul.f32 v7, v3;
	v9 =	vld [tilespmem:s1+$0x60];
	s1 =	sshra.s32 s20, $0x2;
	s20 =	sld [smem:s16+$0x2]  }
0x204: {  	v13 =	vld [tilespmem:s1+$0x60];
	s1 =	sshra.s32 s22, $0x2;
	s22 =	smul.u32 $0x540, s23  }
0x205: {  	v4 =	vmul.f32 v4, v3;
	s19 =	sld [smem:s19+$0x0];
	[tilespmem:s15+$0x0] =	vst v8;
	s23 =	smul.u32 $0x540, s24  }
0x206: {  	s21 =	sshra.s32 s21, $0x2;
	s24 =	sld [smem:s16+$0xFFFFFFFB];
	v7 =	vadd.f32 v7, v6;
	v8 =	vmul.f32 v5, v1;
	v14 =	vld [tilespmem:s1+$0x60];
	s1 =	smul.u32 $0x540, s20  }
.Ltmp7:
0x207: {  	v6 =	vld [tilespmem:s21+$0x60];
	v5 =	vmul.f32 v10, v3;
	s20 =	sld [smem:s16+$0x3];
	s21 =	sshra.s32 s22, $0x2;
	(pc) =	sbr.rel @p0 .LBB2_16-.Ltmp7, $4  }
0x208: {  	s22 =	sshra.s32 s23, $0x2;
	v10 =	vadd.f32 v8, v7;
	v11 =	vmul.f32 v11, v0;
	v7 =	vld [tilespmem:s21+$0x60];
	s19 =	smul.u32 $0x540, s19  }
0x209: {  	v8 =	vld [tilespmem:s22+$0x60];
	s21 =	smul.u32 $0x540, s24;
	v12 =	vmul.f32 v9, v2;
	s1 =	sshra.s32 s1, $0x2  }
0x20a: {  	v11 =	vadd.f32 v11, v10;
	v13 =	vmul.f32 v13, v3;
	v9 =	vld [tilespmem:s1+$0x60];
	s20 =	smul.u32 $0x540, s20;
	s1 =	sshra.s32 s19, $0x2  }
0x20b: {  	s18 =	sadd.s32 $0x10, s18;
	s15 =	sadd.s32 $0x540, s15;
	s19 =	sshra.s32 s21, $0x2;
	v14 =	vmul.f32 v14, v2;
	v10 =	vld [tilespmem:s1+$0x60]  }
0x20c: {  	v3 =	vld [tilespmem:s19+$0x60];
	s1 =	sshra.s32 s20, $0x2  }
0x20d: {  	v2 =	vmul.f32 v6, v2;
	v6 =	vld [tilespmem:s1+$0x60]  }
0x20e: {  	v4 =	vadd.f32 v4, v14;
	v7 =	vmul.f32 v7, v1  }
0x20f: {  	v12 =	vadd.f32 v13, v12;
	v2 =	vadd.f32 v5, v2;
	v5 =	vmul.f32 v8, v1  }
0x210: {  	v1 =	vmul.f32 v9, v1;
	v4 =	vadd.f32 v7, v4;
	v7 =	vmul.f32 v10, v0  }
0x211: {  	v2 =	vadd.f32 v5, v2;
	v3 =	vmul.f32 v3, v0  }
0x212: {  	v1 =	vadd.f32 v1, v12;
	v4 =	vadd.f32 v7, v4;
	v0 =	vmul.f32 v6, v0  }
0x213: {  	[tilespmem:s15+$0xFFFFFEB0] =	vst v11;
	v2 =	vadd.f32 v3, v2  }
0x214: {  	[tilespmem:s15+$0x150] =	vst v4;
	v0 =	vadd.f32 v0, v1  }
0x215: {  	[tilespmem:s15+$0xFFFFFD60] =	vst v2  }
0x216: {  	[tilespmem:s15+$0x0] =	vst v0  }
0x217: {  	v2 =	vld [tilespmem:$0x83B0]  }
0x218: {  	v3 =	vld [tilespmem:$0x8500]  }
0x219: {  	s24 =	simm.s32 $0x4;
	v1 =	vld [tilespmem:$0x8650]  }
0x21a: {  	s17 =	sor.u32 $0x5, s24;
	s15 =	simm.s32 $0xC;
	v0 =	vld [tilespmem:$0x87A0];
	s16 =	sld [smem:$0x4]  }
0x21b: {  	s18 =	sor.u32 $0x5, s15;
	s17 =	sld [smem:s17+$0x0]  }
0x21c: {  	s25 =	sor.u32 $0x6, s24;
	s1 =	sor.u32 $0x7, s24;
	s18 =	sld [smem:s18+$0x0]  }
0x21d: {  	s22 =	sor.u32 $0x6, s15;
	s19 =	sld [smem:s25+$0x0];
	s16 =	smul.u32 $0x540, s16  }
0x21e: {  	s15 =	sor.u32 $0x7, s15;
	s26 =	sld [smem:$0x1];
	s17 =	smul.u32 $0x540, s17  }
0x21f: {  	s1 =	sld [smem:s1+$0x0];
	s18 =	smul.u32 $0x540, s18;
	s16 =	sshra.s32 s16, $0x2  }
0x220: {  	s19 =	smul.u32 $0x540, s19;
	v4 =	vld [tilespmem:s16+$0x70];
	s28 =	sshra.s32 s17, $0x2;
	s29 =	sld [smem:$0x8]  }
0x221: {  	s20 =	smul.u32 $0x540, s26;
	s18 =	sshra.s32 s18, $0x2;
	v5 =	vld [tilespmem:s28+$0x70];
	s16 =	sld [smem:$0x9]  }
0x222: {  	s30 =	sshra.s32 s19, $0x2;
	s1 =	smul.u32 $0x540, s1;
	s21 =	sld [smem:$0xC];
	v8 =	vld [tilespmem:s18+$0x70]  }
0x223: {  	s20 =	sshra.s32 s20, $0x2;
	s31 =	sld [smem:$0x0];
	v7 =	vld [tilespmem:s30+$0x70];
	s17 =	smul.u32 $0x540, s29  }
0x224: {  	s1 =	sshra.s32 s1, $0x2;
	v9 =	vld [tilespmem:s20+$0x70];
	s23 =	sld [smem:s22+$0x0];
	s16 =	smul.u32 $0x540, s16  }
0x225: {  	s20 =	sld [smem:$0x2];
	v10 =	vld [tilespmem:s1+$0x70];
	s24 =	sshra.s32 s17, $0x2;
	s25 =	smul.u32 $0x540, s21  }
0x226: {  	v4 =	vmul.f32 v4, v2;
	v11 =	vld [tilespmem:s24+$0x70];
	s16 =	sshra.s32 s16, $0x2;
	s26 =	sld [smem:$0xA];
	s19 =	smul.u32 $0x540, s31;
	v5 =	vmul.f32 v5, v3  }
0x227: {  	v13 =	vld [tilespmem:s16+$0x70];
	s15 =	sld [smem:s15+$0x0];
	s1 =	sshra.s32 s25, $0x2;
	s18 =	smul.u32 $0x540, s23  }
0x228: {  	s16 =	sld [smem:$0x3];
	s19 =	sshra.s32 s19, $0x2;
	v14 =	vld [tilespmem:s1+$0x70];
	s28 =	smul.u32 $0x540, s20;
	v5 =	vadd.f32 v5, v4;
	v12 =	vmul.f32 v7, v1  }
0x229: {  	v6 =	vld [tilespmem:s19+$0x70];
	s17 =	smul.u32 $0x540, s26;
	s18 =	sshra.s32 s18, $0x2  }
0x22a: {  	s19 =	sld [smem:$0xB];
	s1 =	sshra.s32 s28, $0x2;
	v7 =	vld [tilespmem:s18+$0x70];
	s29 =	smul.u32 $0x540, s15;
	v15 =	vadd.f32 v12, v5;
	v10 =	vmul.f32 v10, v0  }
0x22b: {  	v4 =	vmul.f32 v8, v3;
	s15 =	simm.s32 $0x8F90;
	v5 =	vmul.f32 v9, v3;
	v8 =	vld [tilespmem:s1+$0x70];
	s30 =	smul.u32 $0x540, s16;
	s31 =	sshra.s32 s17, $0x2  }
0x22c: {  	s16 =	simm.s32 $0x8;
	s17 =	simm.s32 $0x0;
	v12 =	vmul.f32 v11, v2;
	v9 =	vld [tilespmem:s31+$0x70];
	s18 =	sshra.s32 s29, $0x2;
	v11 =	vadd.f32 v10, v15;
	v13 =	vmul.f32 v13, v3  }
0x22d: {  	s20 =	smul.u32 $0x540, s19;
	s19 =	sshra.s32 s30, $0x2;
	v14 =	vmul.f32 v14, v2;
	v10 =	vld [tilespmem:s18+$0x70];
	s18 =	simm.s32 $0x1C  }
.LBB2_18:
0x22e: {  	s1 =	sadd.s32 $0xFFFFFFF8, s18;
	s17 =	sadd.s32 $0x4, s17;
	v6 =	vmul.f32 v6, v2;
	v15 =	vld [tilespmem:s19+$0x70];
	[tilespmem:s15+$0xFFFFFEB0] =	vst v11;
	v11 =	vadd.f32 v13, v12;
	s16 =	sadd.s32 $0x10, s16  }
0x22f: {  	s21 =	sld [smem:s16+$0xFFFFFFFC];
	s19 =	sor.u32 $0x5, s1;
	p0 =	slt.u32 s17, $0xFC;
	v4 =	vadd.f32 v4, v14;
	v7 =	vmul.f32 v7, v1  }
0x230: {  	s23 =	sor.u32 $0x6, s18;
	s22 =	sld [smem:s19+$0x0];
	s19 =	sor.u32 $0x5, s18;
	v5 =	vadd.f32 v5, v6;
	v6 =	vmul.f32 v8, v1  }
0x231: {  	s24 =	sor.u32 $0x6, s1;
	s25 =	sld [smem:s19+$0x0];
	s19 =	sor.u32 $0x7, s18;
	v8 =	vmul.f32 v9, v1;
	v4 =	vadd.f32 v7, v4  }
0x232: {  	s20 =	sshra.s32 s20, $0x2;
	s21 =	smul.u32 $0x540, s21;
	s24 =	sld [smem:s24+$0x0];
	v5 =	vadd.f32 v6, v5;
	v6 =	vmul.f32 v10, v0  }
0x233: {  	s1 =	sor.u32 $0x7, s1;
	s26 =	sld [smem:s16+$0xFFFFFFF9];
	s22 =	smul.u32 $0x540, s22;
	v7 =	vmul.f32 v15, v0;
	v8 =	vadd.f32 v8, v11;
	v9 =	vld [tilespmem:s20+$0x70]  }
0x234: {  	s20 =	sshra.s32 s21, $0x2;
	s1 =	sld [smem:s1+$0x0];
	s21 =	smul.u32 $0x540, s25;
	v4 =	vadd.f32 v6, v4  }
0x235: {  	v6 =	vld [tilespmem:s20+$0x70];
	s20 =	sshra.s32 s22, $0x2;
	s22 =	smul.u32 $0x540, s24;
	s24 =	sld [smem:s16+$0x0];
	v5 =	vadd.f32 v7, v5  }
0x236: {  	s25 =	smul.u32 $0x540, s26;
	v7 =	vld [tilespmem:s20+$0x70];
	s20 =	sld [smem:s16+$0x1];
	s21 =	sshra.s32 s21, $0x2;
	[tilespmem:s15+$0x150] =	vst v4  }
0x237: {  	s22 =	sshra.s32 s22, $0x2;
	s1 =	smul.u32 $0x540, s1;
	s26 =	sld [smem:s16+$0x4];
	v4 =	vld [tilespmem:s21+$0x70];
	[tilespmem:s15+$0xFFFFFD60] =	vst v5  }
0x238: {  	s21 =	sld [smem:s16+$0xFFFFFFF8];
	s25 =	sshra.s32 s25, $0x2;
	v5 =	vld [tilespmem:s22+$0x70];
	s22 =	smul.u32 $0x540, s24;
	v9 =	vmul.f32 v9, v0  }
0x239: {  	v10 =	vld [tilespmem:s25+$0x70];
	s1 =	sshra.s32 s1, $0x2;
	s20 =	smul.u32 $0x540, s20;
	s23 =	sld [smem:s23+$0x0]  }
0x23a: {  	s24 =	sld [smem:s16+$0xFFFFFFFA];
	v11 =	vld [tilespmem:s1+$0x70];
	s1 =	sshra.s32 s22, $0x2;
	s22 =	smul.u32 $0x540, s26;
	v8 =	vadd.f32 v9, v8  }
0x23b: {  	v6 =	vmul.f32 v6, v2;
	s21 =	smul.u32 $0x540, s21;
	v7 =	vmul.f32 v7, v3;
	v9 =	vld [tilespmem:s1+$0x70];
	s1 =	sshra.s32 s20, $0x2;
	s20 =	sld [smem:s16+$0x2]  }
0x23c: {  	v13 =	vld [tilespmem:s1+$0x70];
	s1 =	sshra.s32 s22, $0x2;
	s22 =	smul.u32 $0x540, s23  }
0x23d: {  	v4 =	vmul.f32 v4, v3;
	s19 =	sld [smem:s19+$0x0];
	[tilespmem:s15+$0x0] =	vst v8;
	s23 =	smul.u32 $0x540, s24  }
0x23e: {  	s21 =	sshra.s32 s21, $0x2;
	s24 =	sld [smem:s16+$0xFFFFFFFB];
	v7 =	vadd.f32 v7, v6;
	v8 =	vmul.f32 v5, v1;
	v14 =	vld [tilespmem:s1+$0x70];
	s1 =	smul.u32 $0x540, s20  }
.Ltmp8:
0x23f: {  	v6 =	vld [tilespmem:s21+$0x70];
	v5 =	vmul.f32 v10, v3;
	s20 =	sld [smem:s16+$0x3];
	s21 =	sshra.s32 s22, $0x2;
	(pc) =	sbr.rel @p0 .LBB2_18-.Ltmp8, $4  }
0x240: {  	s22 =	sshra.s32 s23, $0x2;
	v10 =	vadd.f32 v8, v7;
	v11 =	vmul.f32 v11, v0;
	v7 =	vld [tilespmem:s21+$0x70];
	s19 =	smul.u32 $0x540, s19  }
0x241: {  	v8 =	vld [tilespmem:s22+$0x70];
	s21 =	smul.u32 $0x540, s24;
	v12 =	vmul.f32 v9, v2;
	s1 =	sshra.s32 s1, $0x2  }
0x242: {  	v11 =	vadd.f32 v11, v10;
	v13 =	vmul.f32 v13, v3;
	v9 =	vld [tilespmem:s1+$0x70];
	s20 =	smul.u32 $0x540, s20;
	s1 =	sshra.s32 s19, $0x2  }
0x243: {  	s18 =	sadd.s32 $0x10, s18;
	s15 =	sadd.s32 $0x540, s15;
	s19 =	sshra.s32 s21, $0x2;
	v14 =	vmul.f32 v14, v2;
	v10 =	vld [tilespmem:s1+$0x70]  }
0x244: {  	v3 =	vld [tilespmem:s19+$0x70];
	s1 =	sshra.s32 s20, $0x2  }
0x245: {  	v2 =	vmul.f32 v6, v2;
	v6 =	vld [tilespmem:s1+$0x70]  }
0x246: {  	v4 =	vadd.f32 v4, v14;
	v7 =	vmul.f32 v7, v1  }
0x247: {  	v12 =	vadd.f32 v13, v12;
	v2 =	vadd.f32 v5, v2;
	v5 =	vmul.f32 v8, v1  }
0x248: {  	v1 =	vmul.f32 v9, v1;
	v4 =	vadd.f32 v7, v4;
	v7 =	vmul.f32 v10, v0  }
0x249: {  	v2 =	vadd.f32 v5, v2;
	v3 =	vmul.f32 v3, v0  }
0x24a: {  	v1 =	vadd.f32 v1, v12;
	v4 =	vadd.f32 v7, v4;
	v0 =	vmul.f32 v6, v0  }
0x24b: {  	[tilespmem:s15+$0xFFFFFEB0] =	vst v11;
	v2 =	vadd.f32 v3, v2  }
0x24c: {  	[tilespmem:s15+$0x150] =	vst v4;
	v0 =	vadd.f32 v0, v1  }
0x24d: {  	[tilespmem:s15+$0xFFFFFD60] =	vst v2  }
0x24e: {  	[tilespmem:s15+$0x0] =	vst v0  }
0x24f: {  	v2 =	vld [tilespmem:$0x83C0]  }
0x250: {  	v3 =	vld [tilespmem:$0x8510]  }
0x251: {  	s24 =	simm.s32 $0x4;
	v1 =	vld [tilespmem:$0x8660]  }
0x252: {  	s17 =	sor.u32 $0x5, s24;
	s15 =	simm.s32 $0xC;
	v0 =	vld [tilespmem:$0x87B0];
	s16 =	sld [smem:$0x4]  }
0x253: {  	s18 =	sor.u32 $0x5, s15;
	s17 =	sld [smem:s17+$0x0]  }
0x254: {  	s25 =	sor.u32 $0x6, s24;
	s1 =	sor.u32 $0x7, s24;
	s18 =	sld [smem:s18+$0x0]  }
0x255: {  	s22 =	sor.u32 $0x6, s15;
	s19 =	sld [smem:s25+$0x0];
	s16 =	smul.u32 $0x540, s16  }
0x256: {  	s15 =	sor.u32 $0x7, s15;
	s26 =	sld [smem:$0x1];
	s17 =	smul.u32 $0x540, s17  }
0x257: {  	s1 =	sld [smem:s1+$0x0];
	s18 =	smul.u32 $0x540, s18;
	s16 =	sshra.s32 s16, $0x2  }
0x258: {  	s19 =	smul.u32 $0x540, s19;
	v4 =	vld [tilespmem:s16+$0x80];
	s28 =	sshra.s32 s17, $0x2;
	s29 =	sld [smem:$0x8]  }
0x259: {  	s20 =	smul.u32 $0x540, s26;
	s18 =	sshra.s32 s18, $0x2;
	v5 =	vld [tilespmem:s28+$0x80];
	s16 =	sld [smem:$0x9]  }
0x25a: {  	s30 =	sshra.s32 s19, $0x2;
	s1 =	smul.u32 $0x540, s1;
	s21 =	sld [smem:$0xC];
	v8 =	vld [tilespmem:s18+$0x80]  }
0x25b: {  	s20 =	sshra.s32 s20, $0x2;
	s31 =	sld [smem:$0x0];
	v7 =	vld [tilespmem:s30+$0x80];
	s17 =	smul.u32 $0x540, s29  }
0x25c: {  	s1 =	sshra.s32 s1, $0x2;
	v9 =	vld [tilespmem:s20+$0x80];
	s23 =	sld [smem:s22+$0x0];
	s16 =	smul.u32 $0x540, s16  }
0x25d: {  	s20 =	sld [smem:$0x2];
	v10 =	vld [tilespmem:s1+$0x80];
	s24 =	sshra.s32 s17, $0x2;
	s25 =	smul.u32 $0x540, s21  }
0x25e: {  	v4 =	vmul.f32 v4, v2;
	v11 =	vld [tilespmem:s24+$0x80];
	s16 =	sshra.s32 s16, $0x2;
	s26 =	sld [smem:$0xA];
	s19 =	smul.u32 $0x540, s31;
	v5 =	vmul.f32 v5, v3  }
0x25f: {  	v13 =	vld [tilespmem:s16+$0x80];
	s15 =	sld [smem:s15+$0x0];
	s1 =	sshra.s32 s25, $0x2;
	s18 =	smul.u32 $0x540, s23  }
0x260: {  	s16 =	sld [smem:$0x3];
	s19 =	sshra.s32 s19, $0x2;
	v14 =	vld [tilespmem:s1+$0x80];
	s28 =	smul.u32 $0x540, s20;
	v5 =	vadd.f32 v5, v4;
	v12 =	vmul.f32 v7, v1  }
0x261: {  	v6 =	vld [tilespmem:s19+$0x80];
	s17 =	smul.u32 $0x540, s26;
	s18 =	sshra.s32 s18, $0x2  }
0x262: {  	s19 =	sld [smem:$0xB];
	s1 =	sshra.s32 s28, $0x2;
	v7 =	vld [tilespmem:s18+$0x80];
	s29 =	smul.u32 $0x540, s15;
	v15 =	vadd.f32 v12, v5;
	v10 =	vmul.f32 v10, v0  }
0x263: {  	v4 =	vmul.f32 v8, v3;
	s15 =	simm.s32 $0x8FA0;
	v5 =	vmul.f32 v9, v3;
	v8 =	vld [tilespmem:s1+$0x80];
	s30 =	smul.u32 $0x540, s16;
	s31 =	sshra.s32 s17, $0x2  }
0x264: {  	s16 =	simm.s32 $0x8;
	s17 =	simm.s32 $0x0;
	v12 =	vmul.f32 v11, v2;
	v9 =	vld [tilespmem:s31+$0x80];
	s18 =	sshra.s32 s29, $0x2;
	v11 =	vadd.f32 v10, v15;
	v13 =	vmul.f32 v13, v3  }
0x265: {  	s20 =	smul.u32 $0x540, s19;
	s19 =	sshra.s32 s30, $0x2;
	v14 =	vmul.f32 v14, v2;
	v10 =	vld [tilespmem:s18+$0x80];
	s18 =	simm.s32 $0x1C  }
.LBB2_20:
0x266: {  	s1 =	sadd.s32 $0xFFFFFFF8, s18;
	s17 =	sadd.s32 $0x4, s17;
	v6 =	vmul.f32 v6, v2;
	v15 =	vld [tilespmem:s19+$0x80];
	[tilespmem:s15+$0xFFFFFEB0] =	vst v11;
	v11 =	vadd.f32 v13, v12;
	s16 =	sadd.s32 $0x10, s16  }
0x267: {  	s21 =	sld [smem:s16+$0xFFFFFFFC];
	s19 =	sor.u32 $0x5, s1;
	p0 =	slt.u32 s17, $0xFC;
	v4 =	vadd.f32 v4, v14;
	v7 =	vmul.f32 v7, v1  }
0x268: {  	s23 =	sor.u32 $0x6, s18;
	s22 =	sld [smem:s19+$0x0];
	s19 =	sor.u32 $0x5, s18;
	v5 =	vadd.f32 v5, v6;
	v6 =	vmul.f32 v8, v1  }
0x269: {  	s24 =	sor.u32 $0x6, s1;
	s25 =	sld [smem:s19+$0x0];
	s19 =	sor.u32 $0x7, s18;
	v8 =	vmul.f32 v9, v1;
	v4 =	vadd.f32 v7, v4  }
0x26a: {  	s20 =	sshra.s32 s20, $0x2;
	s21 =	smul.u32 $0x540, s21;
	s24 =	sld [smem:s24+$0x0];
	v5 =	vadd.f32 v6, v5;
	v6 =	vmul.f32 v10, v0  }
0x26b: {  	s1 =	sor.u32 $0x7, s1;
	s26 =	sld [smem:s16+$0xFFFFFFF9];
	s22 =	smul.u32 $0x540, s22;
	v7 =	vmul.f32 v15, v0;
	v8 =	vadd.f32 v8, v11;
	v9 =	vld [tilespmem:s20+$0x80]  }
0x26c: {  	s20 =	sshra.s32 s21, $0x2;
	s1 =	sld [smem:s1+$0x0];
	s21 =	smul.u32 $0x540, s25;
	v4 =	vadd.f32 v6, v4  }
0x26d: {  	v6 =	vld [tilespmem:s20+$0x80];
	s20 =	sshra.s32 s22, $0x2;
	s22 =	smul.u32 $0x540, s24;
	s24 =	sld [smem:s16+$0x0];
	v5 =	vadd.f32 v7, v5  }
0x26e: {  	s25 =	smul.u32 $0x540, s26;
	v7 =	vld [tilespmem:s20+$0x80];
	s20 =	sld [smem:s16+$0x1];
	s21 =	sshra.s32 s21, $0x2;
	[tilespmem:s15+$0x150] =	vst v4  }
0x26f: {  	s22 =	sshra.s32 s22, $0x2;
	s1 =	smul.u32 $0x540, s1;
	s26 =	sld [smem:s16+$0x4];
	v4 =	vld [tilespmem:s21+$0x80];
	[tilespmem:s15+$0xFFFFFD60] =	vst v5  }
0x270: {  	s21 =	sld [smem:s16+$0xFFFFFFF8];
	s25 =	sshra.s32 s25, $0x2;
	v5 =	vld [tilespmem:s22+$0x80];
	s22 =	smul.u32 $0x540, s24;
	v9 =	vmul.f32 v9, v0  }
0x271: {  	v10 =	vld [tilespmem:s25+$0x80];
	s1 =	sshra.s32 s1, $0x2;
	s20 =	smul.u32 $0x540, s20;
	s23 =	sld [smem:s23+$0x0]  }
0x272: {  	s24 =	sld [smem:s16+$0xFFFFFFFA];
	v11 =	vld [tilespmem:s1+$0x80];
	s1 =	sshra.s32 s22, $0x2;
	s22 =	smul.u32 $0x540, s26;
	v8 =	vadd.f32 v9, v8  }
0x273: {  	v6 =	vmul.f32 v6, v2;
	s21 =	smul.u32 $0x540, s21;
	v7 =	vmul.f32 v7, v3;
	v9 =	vld [tilespmem:s1+$0x80];
	s1 =	sshra.s32 s20, $0x2;
	s20 =	sld [smem:s16+$0x2]  }
0x274: {  	v13 =	vld [tilespmem:s1+$0x80];
	s1 =	sshra.s32 s22, $0x2;
	s22 =	smul.u32 $0x540, s23  }
0x275: {  	v4 =	vmul.f32 v4, v3;
	s19 =	sld [smem:s19+$0x0];
	[tilespmem:s15+$0x0] =	vst v8;
	s23 =	smul.u32 $0x540, s24  }
0x276: {  	s21 =	sshra.s32 s21, $0x2;
	s24 =	sld [smem:s16+$0xFFFFFFFB];
	v7 =	vadd.f32 v7, v6;
	v8 =	vmul.f32 v5, v1;
	v14 =	vld [tilespmem:s1+$0x80];
	s1 =	smul.u32 $0x540, s20  }
.Ltmp9:
0x277: {  	v6 =	vld [tilespmem:s21+$0x80];
	v5 =	vmul.f32 v10, v3;
	s20 =	sld [smem:s16+$0x3];
	s21 =	sshra.s32 s22, $0x2;
	(pc) =	sbr.rel @p0 .LBB2_20-.Ltmp9, $4  }
0x278: {  	s22 =	sshra.s32 s23, $0x2;
	v10 =	vadd.f32 v8, v7;
	v11 =	vmul.f32 v11, v0;
	v7 =	vld [tilespmem:s21+$0x80];
	s19 =	smul.u32 $0x540, s19  }
0x279: {  	v8 =	vld [tilespmem:s22+$0x80];
	s21 =	smul.u32 $0x540, s24;
	v12 =	vmul.f32 v9, v2;
	s1 =	sshra.s32 s1, $0x2  }
0x27a: {  	v11 =	vadd.f32 v11, v10;
	v13 =	vmul.f32 v13, v3;
	v9 =	vld [tilespmem:s1+$0x80];
	s20 =	smul.u32 $0x540, s20;
	s1 =	sshra.s32 s19, $0x2  }
0x27b: {  	s18 =	sadd.s32 $0x10, s18;
	s15 =	sadd.s32 $0x540, s15;
	s19 =	sshra.s32 s21, $0x2;
	v14 =	vmul.f32 v14, v2;
	v10 =	vld [tilespmem:s1+$0x80]  }
0x27c: {  	v3 =	vld [tilespmem:s19+$0x80];
	s1 =	sshra.s32 s20, $0x2  }
0x27d: {  	v2 =	vmul.f32 v6, v2;
	v6 =	vld [tilespmem:s1+$0x80]  }
0x27e: {  	v4 =	vadd.f32 v4, v14;
	v7 =	vmul.f32 v7, v1  }
0x27f: {  	v12 =	vadd.f32 v13, v12;
	v2 =	vadd.f32 v5, v2;
	v5 =	vmul.f32 v8, v1  }
0x280: {  	v1 =	vmul.f32 v9, v1;
	v4 =	vadd.f32 v7, v4;
	v7 =	vmul.f32 v10, v0  }
0x281: {  	v2 =	vadd.f32 v5, v2;
	v3 =	vmul.f32 v3, v0  }
0x282: {  	v1 =	vadd.f32 v1, v12;
	v4 =	vadd.f32 v7, v4;
	v0 =	vmul.f32 v6, v0  }
0x283: {  	[tilespmem:s15+$0xFFFFFEB0] =	vst v11;
	v2 =	vadd.f32 v3, v2  }
0x284: {  	[tilespmem:s15+$0x150] =	vst v4;
	v0 =	vadd.f32 v0, v1  }
0x285: {  	[tilespmem:s15+$0xFFFFFD60] =	vst v2  }
0x286: {  	[tilespmem:s15+$0x0] =	vst v0  }
0x287: {  	v2 =	vld [tilespmem:$0x83D0]  }
0x288: {  	v3 =	vld [tilespmem:$0x8520]  }
0x289: {  	s24 =	simm.s32 $0x4;
	v1 =	vld [tilespmem:$0x8670]  }
0x28a: {  	s17 =	sor.u32 $0x5, s24;
	s15 =	simm.s32 $0xC;
	v0 =	vld [tilespmem:$0x87C0];
	s16 =	sld [smem:$0x4]  }
0x28b: {  	s18 =	sor.u32 $0x5, s15;
	s17 =	sld [smem:s17+$0x0]  }
0x28c: {  	s25 =	sor.u32 $0x6, s24;
	s1 =	sor.u32 $0x7, s24;
	s18 =	sld [smem:s18+$0x0]  }
0x28d: {  	s22 =	sor.u32 $0x6, s15;
	s19 =	sld [smem:s25+$0x0];
	s16 =	smul.u32 $0x540, s16  }
0x28e: {  	s15 =	sor.u32 $0x7, s15;
	s26 =	sld [smem:$0x1];
	s17 =	smul.u32 $0x540, s17  }
0x28f: {  	s1 =	sld [smem:s1+$0x0];
	s18 =	smul.u32 $0x540, s18;
	s16 =	sshra.s32 s16, $0x2  }
0x290: {  	s19 =	smul.u32 $0x540, s19;
	v4 =	vld [tilespmem:s16+$0x90];
	s28 =	sshra.s32 s17, $0x2;
	s29 =	sld [smem:$0x8]  }
0x291: {  	s20 =	smul.u32 $0x540, s26;
	s18 =	sshra.s32 s18, $0x2;
	v5 =	vld [tilespmem:s28+$0x90];
	s16 =	sld [smem:$0x9]  }
0x292: {  	s30 =	sshra.s32 s19, $0x2;
	s1 =	smul.u32 $0x540, s1;
	s21 =	sld [smem:$0xC];
	v8 =	vld [tilespmem:s18+$0x90]  }
0x293: {  	s20 =	sshra.s32 s20, $0x2;
	s31 =	sld [smem:$0x0];
	v7 =	vld [tilespmem:s30+$0x90];
	s17 =	smul.u32 $0x540, s29  }
0x294: {  	s1 =	sshra.s32 s1, $0x2;
	v9 =	vld [tilespmem:s20+$0x90];
	s23 =	sld [smem:s22+$0x0];
	s16 =	smul.u32 $0x540, s16  }
0x295: {  	s20 =	sld [smem:$0x2];
	v10 =	vld [tilespmem:s1+$0x90];
	s24 =	sshra.s32 s17, $0x2;
	s25 =	smul.u32 $0x540, s21  }
0x296: {  	v4 =	vmul.f32 v4, v2;
	v11 =	vld [tilespmem:s24+$0x90];
	s16 =	sshra.s32 s16, $0x2;
	s26 =	sld [smem:$0xA];
	s19 =	smul.u32 $0x540, s31;
	v5 =	vmul.f32 v5, v3  }
0x297: {  	v13 =	vld [tilespmem:s16+$0x90];
	s15 =	sld [smem:s15+$0x0];
	s1 =	sshra.s32 s25, $0x2;
	s18 =	smul.u32 $0x540, s23  }
0x298: {  	s16 =	sld [smem:$0x3];
	s19 =	sshra.s32 s19, $0x2;
	v14 =	vld [tilespmem:s1+$0x90];
	s28 =	smul.u32 $0x540, s20;
	v5 =	vadd.f32 v5, v4;
	v12 =	vmul.f32 v7, v1  }
0x299: {  	v6 =	vld [tilespmem:s19+$0x90];
	s17 =	smul.u32 $0x540, s26;
	s18 =	sshra.s32 s18, $0x2  }
0x29a: {  	s19 =	sld [smem:$0xB];
	s1 =	sshra.s32 s28, $0x2;
	v7 =	vld [tilespmem:s18+$0x90];
	s29 =	smul.u32 $0x540, s15;
	v15 =	vadd.f32 v12, v5;
	v10 =	vmul.f32 v10, v0  }
0x29b: {  	v4 =	vmul.f32 v8, v3;
	s15 =	simm.s32 $0x8FB0;
	v5 =	vmul.f32 v9, v3;
	v8 =	vld [tilespmem:s1+$0x90];
	s30 =	smul.u32 $0x540, s16;
	s31 =	sshra.s32 s17, $0x2  }
0x29c: {  	s16 =	simm.s32 $0x8;
	s17 =	simm.s32 $0x0;
	v12 =	vmul.f32 v11, v2;
	v9 =	vld [tilespmem:s31+$0x90];
	s18 =	sshra.s32 s29, $0x2;
	v11 =	vadd.f32 v10, v15;
	v13 =	vmul.f32 v13, v3  }
0x29d: {  	s20 =	smul.u32 $0x540, s19;
	s19 =	sshra.s32 s30, $0x2;
	v14 =	vmul.f32 v14, v2;
	v10 =	vld [tilespmem:s18+$0x90];
	s18 =	simm.s32 $0x1C  }
.LBB2_22:
0x29e: {  	s1 =	sadd.s32 $0xFFFFFFF8, s18;
	s17 =	sadd.s32 $0x4, s17;
	v6 =	vmul.f32 v6, v2;
	v15 =	vld [tilespmem:s19+$0x90];
	[tilespmem:s15+$0xFFFFFEB0] =	vst v11;
	v11 =	vadd.f32 v13, v12;
	s16 =	sadd.s32 $0x10, s16  }
0x29f: {  	s21 =	sld [smem:s16+$0xFFFFFFFC];
	s19 =	sor.u32 $0x5, s1;
	p0 =	slt.u32 s17, $0xFC;
	v4 =	vadd.f32 v4, v14;
	v7 =	vmul.f32 v7, v1  }
0x2a0: {  	s23 =	sor.u32 $0x6, s18;
	s22 =	sld [smem:s19+$0x0];
	s19 =	sor.u32 $0x5, s18;
	v5 =	vadd.f32 v5, v6;
	v6 =	vmul.f32 v8, v1  }
0x2a1: {  	s24 =	sor.u32 $0x6, s1;
	s25 =	sld [smem:s19+$0x0];
	s19 =	sor.u32 $0x7, s18;
	v8 =	vmul.f32 v9, v1;
	v4 =	vadd.f32 v7, v4  }
0x2a2: {  	s20 =	sshra.s32 s20, $0x2;
	s21 =	smul.u32 $0x540, s21;
	s24 =	sld [smem:s24+$0x0];
	v5 =	vadd.f32 v6, v5;
	v6 =	vmul.f32 v10, v0  }
0x2a3: {  	s1 =	sor.u32 $0x7, s1;
	s26 =	sld [smem:s16+$0xFFFFFFF9];
	s22 =	smul.u32 $0x540, s22;
	v7 =	vmul.f32 v15, v0;
	v8 =	vadd.f32 v8, v11;
	v9 =	vld [tilespmem:s20+$0x90]  }
0x2a4: {  	s20 =	sshra.s32 s21, $0x2;
	s1 =	sld [smem:s1+$0x0];
	s21 =	smul.u32 $0x540, s25;
	v4 =	vadd.f32 v6, v4  }
0x2a5: {  	v6 =	vld [tilespmem:s20+$0x90];
	s20 =	sshra.s32 s22, $0x2;
	s22 =	smul.u32 $0x540, s24;
	s24 =	sld [smem:s16+$0x0];
	v5 =	vadd.f32 v7, v5  }
0x2a6: {  	s25 =	smul.u32 $0x540, s26;
	v7 =	vld [tilespmem:s20+$0x90];
	s20 =	sld [smem:s16+$0x1];
	s21 =	sshra.s32 s21, $0x2;
	[tilespmem:s15+$0x150] =	vst v4  }
0x2a7: {  	s22 =	sshra.s32 s22, $0x2;
	s1 =	smul.u32 $0x540, s1;
	s26 =	sld [smem:s16+$0x4];
	v4 =	vld [tilespmem:s21+$0x90];
	[tilespmem:s15+$0xFFFFFD60] =	vst v5  }
0x2a8: {  	s21 =	sld [smem:s16+$0xFFFFFFF8];
	s25 =	sshra.s32 s25, $0x2;
	v5 =	vld [tilespmem:s22+$0x90];
	s22 =	smul.u32 $0x540, s24;
	v9 =	vmul.f32 v9, v0  }
0x2a9: {  	v10 =	vld [tilespmem:s25+$0x90];
	s1 =	sshra.s32 s1, $0x2;
	s20 =	smul.u32 $0x540, s20;
	s23 =	sld [smem:s23+$0x0]  }
0x2aa: {  	s24 =	sld [smem:s16+$0xFFFFFFFA];
	v11 =	vld [tilespmem:s1+$0x90];
	s1 =	sshra.s32 s22, $0x2;
	s22 =	smul.u32 $0x540, s26;
	v8 =	vadd.f32 v9, v8  }
0x2ab: {  	v6 =	vmul.f32 v6, v2;
	s21 =	smul.u32 $0x540, s21;
	v7 =	vmul.f32 v7, v3;
	v9 =	vld [tilespmem:s1+$0x90];
	s1 =	sshra.s32 s20, $0x2;
	s20 =	sld [smem:s16+$0x2]  }
0x2ac: {  	v13 =	vld [tilespmem:s1+$0x90];
	s1 =	sshra.s32 s22, $0x2;
	s22 =	smul.u32 $0x540, s23  }
0x2ad: {  	v4 =	vmul.f32 v4, v3;
	s19 =	sld [smem:s19+$0x0];
	[tilespmem:s15+$0x0] =	vst v8;
	s23 =	smul.u32 $0x540, s24  }
0x2ae: {  	s21 =	sshra.s32 s21, $0x2;
	s24 =	sld [smem:s16+$0xFFFFFFFB];
	v7 =	vadd.f32 v7, v6;
	v8 =	vmul.f32 v5, v1;
	v14 =	vld [tilespmem:s1+$0x90];
	s1 =	smul.u32 $0x540, s20  }
.Ltmp10:
0x2af: {  	v6 =	vld [tilespmem:s21+$0x90];
	v5 =	vmul.f32 v10, v3;
	s20 =	sld [smem:s16+$0x3];
	s21 =	sshra.s32 s22, $0x2;
	(pc) =	sbr.rel @p0 .LBB2_22-.Ltmp10, $4  }
0x2b0: {  	s22 =	sshra.s32 s23, $0x2;
	v10 =	vadd.f32 v8, v7;
	v11 =	vmul.f32 v11, v0;
	v7 =	vld [tilespmem:s21+$0x90];
	s19 =	smul.u32 $0x540, s19  }
0x2b1: {  	v8 =	vld [tilespmem:s22+$0x90];
	s21 =	smul.u32 $0x540, s24;
	v12 =	vmul.f32 v9, v2;
	s1 =	sshra.s32 s1, $0x2  }
0x2b2: {  	v11 =	vadd.f32 v11, v10;
	v13 =	vmul.f32 v13, v3;
	v9 =	vld [tilespmem:s1+$0x90];
	s20 =	smul.u32 $0x540, s20;
	s1 =	sshra.s32 s19, $0x2  }
0x2b3: {  	s18 =	sadd.s32 $0x10, s18;
	s15 =	sadd.s32 $0x540, s15;
	s19 =	sshra.s32 s21, $0x2;
	v14 =	vmul.f32 v14, v2;
	v10 =	vld [tilespmem:s1+$0x90]  }
0x2b4: {  	v3 =	vld [tilespmem:s19+$0x90];
	s1 =	sshra.s32 s20, $0x2  }
0x2b5: {  	v2 =	vmul.f32 v6, v2;
	v6 =	vld [tilespmem:s1+$0x90]  }
0x2b6: {  	v4 =	vadd.f32 v4, v14;
	v7 =	vmul.f32 v7, v1  }
0x2b7: {  	v12 =	vadd.f32 v13, v12;
	v2 =	vadd.f32 v5, v2;
	v5 =	vmul.f32 v8, v1  }
0x2b8: {  	v1 =	vmul.f32 v9, v1;
	v4 =	vadd.f32 v7, v4;
	v7 =	vmul.f32 v10, v0  }
0x2b9: {  	v2 =	vadd.f32 v5, v2;
	v3 =	vmul.f32 v3, v0  }
0x2ba: {  	v1 =	vadd.f32 v1, v12;
	v4 =	vadd.f32 v7, v4;
	v0 =	vmul.f32 v6, v0  }
0x2bb: {  	[tilespmem:s15+$0xFFFFFEB0] =	vst v11;
	v2 =	vadd.f32 v3, v2  }
0x2bc: {  	[tilespmem:s15+$0x150] =	vst v4;
	v0 =	vadd.f32 v0, v1  }
0x2bd: {  	[tilespmem:s15+$0xFFFFFD60] =	vst v2  }
0x2be: {  	[tilespmem:s15+$0x0] =	vst v0  }
0x2bf: {  	v2 =	vld [tilespmem:$0x83E0]  }
0x2c0: {  	v3 =	vld [tilespmem:$0x8530]  }
0x2c1: {  	s24 =	simm.s32 $0x4;
	v1 =	vld [tilespmem:$0x8680]  }
0x2c2: {  	s17 =	sor.u32 $0x5, s24;
	s15 =	simm.s32 $0xC;
	v0 =	vld [tilespmem:$0x87D0];
	s16 =	sld [smem:$0x4]  }
0x2c3: {  	s18 =	sor.u32 $0x5, s15;
	s17 =	sld [smem:s17+$0x0]  }
0x2c4: {  	s25 =	sor.u32 $0x6, s24;
	s1 =	sor.u32 $0x7, s24;
	s18 =	sld [smem:s18+$0x0]  }
0x2c5: {  	s22 =	sor.u32 $0x6, s15;
	s19 =	sld [smem:s25+$0x0];
	s16 =	smul.u32 $0x540, s16  }
0x2c6: {  	s15 =	sor.u32 $0x7, s15;
	s26 =	sld [smem:$0x1];
	s17 =	smul.u32 $0x540, s17  }
0x2c7: {  	s1 =	sld [smem:s1+$0x0];
	s18 =	smul.u32 $0x540, s18;
	s16 =	sshra.s32 s16, $0x2  }
0x2c8: {  	s19 =	smul.u32 $0x540, s19;
	v4 =	vld [tilespmem:s16+$0xA0];
	s28 =	sshra.s32 s17, $0x2;
	s29 =	sld [smem:$0x8]  }
0x2c9: {  	s20 =	smul.u32 $0x540, s26;
	s18 =	sshra.s32 s18, $0x2;
	v5 =	vld [tilespmem:s28+$0xA0];
	s16 =	sld [smem:$0x9]  }
0x2ca: {  	s30 =	sshra.s32 s19, $0x2;
	s1 =	smul.u32 $0x540, s1;
	s21 =	sld [smem:$0xC];
	v8 =	vld [tilespmem:s18+$0xA0]  }
0x2cb: {  	s20 =	sshra.s32 s20, $0x2;
	s31 =	sld [smem:$0x0];
	v7 =	vld [tilespmem:s30+$0xA0];
	s17 =	smul.u32 $0x540, s29  }
0x2cc: {  	s1 =	sshra.s32 s1, $0x2;
	v9 =	vld [tilespmem:s20+$0xA0];
	s23 =	sld [smem:s22+$0x0];
	s16 =	smul.u32 $0x540, s16  }
0x2cd: {  	s20 =	sld [smem:$0x2];
	v10 =	vld [tilespmem:s1+$0xA0];
	s24 =	sshra.s32 s17, $0x2;
	s25 =	smul.u32 $0x540, s21  }
0x2ce: {  	v4 =	vmul.f32 v4, v2;
	v11 =	vld [tilespmem:s24+$0xA0];
	s16 =	sshra.s32 s16, $0x2;
	s26 =	sld [smem:$0xA];
	s19 =	smul.u32 $0x540, s31;
	v5 =	vmul.f32 v5, v3  }
0x2cf: {  	v13 =	vld [tilespmem:s16+$0xA0];
	s15 =	sld [smem:s15+$0x0];
	s1 =	sshra.s32 s25, $0x2;
	s18 =	smul.u32 $0x540, s23  }
0x2d0: {  	s16 =	sld [smem:$0x3];
	s19 =	sshra.s32 s19, $0x2;
	v14 =	vld [tilespmem:s1+$0xA0];
	s28 =	smul.u32 $0x540, s20;
	v5 =	vadd.f32 v5, v4;
	v12 =	vmul.f32 v7, v1  }
0x2d1: {  	v6 =	vld [tilespmem:s19+$0xA0];
	s17 =	smul.u32 $0x540, s26;
	s18 =	sshra.s32 s18, $0x2  }
0x2d2: {  	s19 =	sld [smem:$0xB];
	s1 =	sshra.s32 s28, $0x2;
	v7 =	vld [tilespmem:s18+$0xA0];
	s29 =	smul.u32 $0x540, s15;
	v15 =	vadd.f32 v12, v5;
	v10 =	vmul.f32 v10, v0  }
0x2d3: {  	v4 =	vmul.f32 v8, v3;
	s15 =	simm.s32 $0x8FC0;
	v5 =	vmul.f32 v9, v3;
	v8 =	vld [tilespmem:s1+$0xA0];
	s30 =	smul.u32 $0x540, s16;
	s31 =	sshra.s32 s17, $0x2  }
0x2d4: {  	s16 =	simm.s32 $0x8;
	s17 =	simm.s32 $0x0;
	v12 =	vmul.f32 v11, v2;
	v9 =	vld [tilespmem:s31+$0xA0];
	s18 =	sshra.s32 s29, $0x2;
	v11 =	vadd.f32 v10, v15;
	v13 =	vmul.f32 v13, v3  }
0x2d5: {  	s20 =	smul.u32 $0x540, s19;
	s19 =	sshra.s32 s30, $0x2;
	v14 =	vmul.f32 v14, v2;
	v10 =	vld [tilespmem:s18+$0xA0];
	s18 =	simm.s32 $0x1C  }
.LBB2_24:
0x2d6: {  	s1 =	sadd.s32 $0xFFFFFFF8, s18;
	s17 =	sadd.s32 $0x4, s17;
	v6 =	vmul.f32 v6, v2;
	v15 =	vld [tilespmem:s19+$0xA0];
	[tilespmem:s15+$0xFFFFFEB0] =	vst v11;
	v11 =	vadd.f32 v13, v12;
	s16 =	sadd.s32 $0x10, s16  }
0x2d7: {  	s21 =	sld [smem:s16+$0xFFFFFFFC];
	s19 =	sor.u32 $0x5, s1;
	p0 =	slt.u32 s17, $0xFC;
	v4 =	vadd.f32 v4, v14;
	v7 =	vmul.f32 v7, v1  }
0x2d8: {  	s23 =	sor.u32 $0x6, s18;
	s22 =	sld [smem:s19+$0x0];
	s19 =	sor.u32 $0x5, s18;
	v5 =	vadd.f32 v5, v6;
	v6 =	vmul.f32 v8, v1  }
0x2d9: {  	s24 =	sor.u32 $0x6, s1;
	s25 =	sld [smem:s19+$0x0];
	s19 =	sor.u32 $0x7, s18;
	v8 =	vmul.f32 v9, v1;
	v4 =	vadd.f32 v7, v4  }
0x2da: {  	s20 =	sshra.s32 s20, $0x2;
	s21 =	smul.u32 $0x540, s21;
	s24 =	sld [smem:s24+$0x0];
	v5 =	vadd.f32 v6, v5;
	v6 =	vmul.f32 v10, v0  }
0x2db: {  	s1 =	sor.u32 $0x7, s1;
	s26 =	sld [smem:s16+$0xFFFFFFF9];
	s22 =	smul.u32 $0x540, s22;
	v7 =	vmul.f32 v15, v0;
	v8 =	vadd.f32 v8, v11;
	v9 =	vld [tilespmem:s20+$0xA0]  }
0x2dc: {  	s20 =	sshra.s32 s21, $0x2;
	s1 =	sld [smem:s1+$0x0];
	s21 =	smul.u32 $0x540, s25;
	v4 =	vadd.f32 v6, v4  }
0x2dd: {  	v6 =	vld [tilespmem:s20+$0xA0];
	s20 =	sshra.s32 s22, $0x2;
	s22 =	smul.u32 $0x540, s24;
	s24 =	sld [smem:s16+$0x0];
	v5 =	vadd.f32 v7, v5  }
0x2de: {  	s25 =	smul.u32 $0x540, s26;
	v7 =	vld [tilespmem:s20+$0xA0];
	s20 =	sld [smem:s16+$0x1];
	s21 =	sshra.s32 s21, $0x2;
	[tilespmem:s15+$0x150] =	vst v4  }
0x2df: {  	s22 =	sshra.s32 s22, $0x2;
	s1 =	smul.u32 $0x540, s1;
	s26 =	sld [smem:s16+$0x4];
	v4 =	vld [tilespmem:s21+$0xA0];
	[tilespmem:s15+$0xFFFFFD60] =	vst v5  }
0x2e0: {  	s21 =	sld [smem:s16+$0xFFFFFFF8];
	s25 =	sshra.s32 s25, $0x2;
	v5 =	vld [tilespmem:s22+$0xA0];
	s22 =	smul.u32 $0x540, s24;
	v9 =	vmul.f32 v9, v0  }
0x2e1: {  	v10 =	vld [tilespmem:s25+$0xA0];
	s1 =	sshra.s32 s1, $0x2;
	s20 =	smul.u32 $0x540, s20;
	s23 =	sld [smem:s23+$0x0]  }
0x2e2: {  	s24 =	sld [smem:s16+$0xFFFFFFFA];
	v11 =	vld [tilespmem:s1+$0xA0];
	s1 =	sshra.s32 s22, $0x2;
	s22 =	smul.u32 $0x540, s26;
	v8 =	vadd.f32 v9, v8  }
0x2e3: {  	v6 =	vmul.f32 v6, v2;
	s21 =	smul.u32 $0x540, s21;
	v7 =	vmul.f32 v7, v3;
	v9 =	vld [tilespmem:s1+$0xA0];
	s1 =	sshra.s32 s20, $0x2;
	s20 =	sld [smem:s16+$0x2]  }
0x2e4: {  	v13 =	vld [tilespmem:s1+$0xA0];
	s1 =	sshra.s32 s22, $0x2;
	s22 =	smul.u32 $0x540, s23  }
0x2e5: {  	v4 =	vmul.f32 v4, v3;
	s19 =	sld [smem:s19+$0x0];
	[tilespmem:s15+$0x0] =	vst v8;
	s23 =	smul.u32 $0x540, s24  }
0x2e6: {  	s21 =	sshra.s32 s21, $0x2;
	s24 =	sld [smem:s16+$0xFFFFFFFB];
	v7 =	vadd.f32 v7, v6;
	v8 =	vmul.f32 v5, v1;
	v14 =	vld [tilespmem:s1+$0xA0];
	s1 =	smul.u32 $0x540, s20  }
.Ltmp11:
0x2e7: {  	v6 =	vld [tilespmem:s21+$0xA0];
	v5 =	vmul.f32 v10, v3;
	s20 =	sld [smem:s16+$0x3];
	s21 =	sshra.s32 s22, $0x2;
	(pc) =	sbr.rel @p0 .LBB2_24-.Ltmp11, $4  }
0x2e8: {  	s22 =	sshra.s32 s23, $0x2;
	v10 =	vadd.f32 v8, v7;
	v11 =	vmul.f32 v11, v0;
	v7 =	vld [tilespmem:s21+$0xA0];
	s19 =	smul.u32 $0x540, s19  }
0x2e9: {  	v8 =	vld [tilespmem:s22+$0xA0];
	s21 =	smul.u32 $0x540, s24;
	v12 =	vmul.f32 v9, v2;
	s1 =	sshra.s32 s1, $0x2  }
0x2ea: {  	v11 =	vadd.f32 v11, v10;
	v13 =	vmul.f32 v13, v3;
	v9 =	vld [tilespmem:s1+$0xA0];
	s20 =	smul.u32 $0x540, s20;
	s1 =	sshra.s32 s19, $0x2  }
0x2eb: {  	s18 =	sadd.s32 $0x10, s18;
	s15 =	sadd.s32 $0x540, s15;
	s19 =	sshra.s32 s21, $0x2;
	v14 =	vmul.f32 v14, v2;
	v10 =	vld [tilespmem:s1+$0xA0]  }
0x2ec: {  	v3 =	vld [tilespmem:s19+$0xA0];
	s1 =	sshra.s32 s20, $0x2  }
0x2ed: {  	v2 =	vmul.f32 v6, v2;
	v6 =	vld [tilespmem:s1+$0xA0]  }
0x2ee: {  	v4 =	vadd.f32 v4, v14;
	v7 =	vmul.f32 v7, v1  }
0x2ef: {  	v12 =	vadd.f32 v13, v12;
	v2 =	vadd.f32 v5, v2;
	v5 =	vmul.f32 v8, v1  }
0x2f0: {  	v1 =	vmul.f32 v9, v1;
	v4 =	vadd.f32 v7, v4;
	v7 =	vmul.f32 v10, v0  }
0x2f1: {  	v2 =	vadd.f32 v5, v2;
	v3 =	vmul.f32 v3, v0  }
0x2f2: {  	v1 =	vadd.f32 v1, v12;
	v4 =	vadd.f32 v7, v4;
	v0 =	vmul.f32 v6, v0  }
0x2f3: {  	[tilespmem:s15+$0xFFFFFEB0] =	vst v11;
	v2 =	vadd.f32 v3, v2  }
0x2f4: {  	[tilespmem:s15+$0x150] =	vst v4;
	v0 =	vadd.f32 v0, v1  }
0x2f5: {  	[tilespmem:s15+$0xFFFFFD60] =	vst v2  }
0x2f6: {  	[tilespmem:s15+$0x0] =	vst v0  }
0x2f7: {  	v2 =	vld [tilespmem:$0x83F0]  }
0x2f8: {  	v3 =	vld [tilespmem:$0x8540]  }
0x2f9: {  	s24 =	simm.s32 $0x4;
	v1 =	vld [tilespmem:$0x8690]  }
0x2fa: {  	s17 =	sor.u32 $0x5, s24;
	s15 =	simm.s32 $0xC;
	v0 =	vld [tilespmem:$0x87E0];
	s16 =	sld [smem:$0x4]  }
0x2fb: {  	s18 =	sor.u32 $0x5, s15;
	s17 =	sld [smem:s17+$0x0]  }
0x2fc: {  	s25 =	sor.u32 $0x6, s24;
	s1 =	sor.u32 $0x7, s24;
	s18 =	sld [smem:s18+$0x0]  }
0x2fd: {  	s22 =	sor.u32 $0x6, s15;
	s19 =	sld [smem:s25+$0x0];
	s16 =	smul.u32 $0x540, s16  }
0x2fe: {  	s15 =	sor.u32 $0x7, s15;
	s26 =	sld [smem:$0x1];
	s17 =	smul.u32 $0x540, s17  }
0x2ff: {  	s1 =	sld [smem:s1+$0x0];
	s18 =	smul.u32 $0x540, s18;
	s16 =	sshra.s32 s16, $0x2  }
0x300: {  	s19 =	smul.u32 $0x540, s19;
	v4 =	vld [tilespmem:s16+$0xB0];
	s28 =	sshra.s32 s17, $0x2;
	s29 =	sld [smem:$0x8]  }
0x301: {  	s20 =	smul.u32 $0x540, s26;
	s18 =	sshra.s32 s18, $0x2;
	v5 =	vld [tilespmem:s28+$0xB0];
	s16 =	sld [smem:$0x9]  }
0x302: {  	s30 =	sshra.s32 s19, $0x2;
	s1 =	smul.u32 $0x540, s1;
	s21 =	sld [smem:$0xC];
	v8 =	vld [tilespmem:s18+$0xB0]  }
0x303: {  	s20 =	sshra.s32 s20, $0x2;
	s31 =	sld [smem:$0x0];
	v7 =	vld [tilespmem:s30+$0xB0];
	s17 =	smul.u32 $0x540, s29  }
0x304: {  	s1 =	sshra.s32 s1, $0x2;
	v9 =	vld [tilespmem:s20+$0xB0];
	s23 =	sld [smem:s22+$0x0];
	s16 =	smul.u32 $0x540, s16  }
0x305: {  	s20 =	sld [smem:$0x2];
	v10 =	vld [tilespmem:s1+$0xB0];
	s24 =	sshra.s32 s17, $0x2;
	s25 =	smul.u32 $0x540, s21  }
0x306: {  	v4 =	vmul.f32 v4, v2;
	v11 =	vld [tilespmem:s24+$0xB0];
	s16 =	sshra.s32 s16, $0x2;
	s26 =	sld [smem:$0xA];
	s19 =	smul.u32 $0x540, s31;
	v5 =	vmul.f32 v5, v3  }
0x307: {  	v13 =	vld [tilespmem:s16+$0xB0];
	s15 =	sld [smem:s15+$0x0];
	s1 =	sshra.s32 s25, $0x2;
	s18 =	smul.u32 $0x540, s23  }
0x308: {  	s16 =	sld [smem:$0x3];
	s19 =	sshra.s32 s19, $0x2;
	v14 =	vld [tilespmem:s1+$0xB0];
	s28 =	smul.u32 $0x540, s20;
	v5 =	vadd.f32 v5, v4;
	v12 =	vmul.f32 v7, v1  }
0x309: {  	v6 =	vld [tilespmem:s19+$0xB0];
	s17 =	smul.u32 $0x540, s26;
	s18 =	sshra.s32 s18, $0x2  }
0x30a: {  	s19 =	sld [smem:$0xB];
	s1 =	sshra.s32 s28, $0x2;
	v7 =	vld [tilespmem:s18+$0xB0];
	s29 =	smul.u32 $0x540, s15;
	v15 =	vadd.f32 v12, v5;
	v10 =	vmul.f32 v10, v0  }
0x30b: {  	v4 =	vmul.f32 v8, v3;
	s15 =	simm.s32 $0x8FD0;
	v5 =	vmul.f32 v9, v3;
	v8 =	vld [tilespmem:s1+$0xB0];
	s30 =	smul.u32 $0x540, s16;
	s31 =	sshra.s32 s17, $0x2  }
0x30c: {  	s16 =	simm.s32 $0x8;
	s17 =	simm.s32 $0x0;
	v12 =	vmul.f32 v11, v2;
	v9 =	vld [tilespmem:s31+$0xB0];
	s18 =	sshra.s32 s29, $0x2;
	v11 =	vadd.f32 v10, v15;
	v13 =	vmul.f32 v13, v3  }
0x30d: {  	s20 =	smul.u32 $0x540, s19;
	s19 =	sshra.s32 s30, $0x2;
	v14 =	vmul.f32 v14, v2;
	v10 =	vld [tilespmem:s18+$0xB0];
	s18 =	simm.s32 $0x1C  }
.LBB2_26:
0x30e: {  	s1 =	sadd.s32 $0xFFFFFFF8, s18;
	s17 =	sadd.s32 $0x4, s17;
	v6 =	vmul.f32 v6, v2;
	v15 =	vld [tilespmem:s19+$0xB0];
	[tilespmem:s15+$0xFFFFFEB0] =	vst v11;
	v11 =	vadd.f32 v13, v12;
	s16 =	sadd.s32 $0x10, s16  }
0x30f: {  	s21 =	sld [smem:s16+$0xFFFFFFFC];
	s19 =	sor.u32 $0x5, s1;
	p0 =	slt.u32 s17, $0xFC;
	v4 =	vadd.f32 v4, v14;
	v7 =	vmul.f32 v7, v1  }
0x310: {  	s23 =	sor.u32 $0x6, s18;
	s22 =	sld [smem:s19+$0x0];
	s19 =	sor.u32 $0x5, s18;
	v5 =	vadd.f32 v5, v6;
	v6 =	vmul.f32 v8, v1  }
0x311: {  	s24 =	sor.u32 $0x6, s1;
	s25 =	sld [smem:s19+$0x0];
	s19 =	sor.u32 $0x7, s18;
	v8 =	vmul.f32 v9, v1;
	v4 =	vadd.f32 v7, v4  }
0x312: {  	s20 =	sshra.s32 s20, $0x2;
	s21 =	smul.u32 $0x540, s21;
	s24 =	sld [smem:s24+$0x0];
	v5 =	vadd.f32 v6, v5;
	v6 =	vmul.f32 v10, v0  }
0x313: {  	s1 =	sor.u32 $0x7, s1;
	s26 =	sld [smem:s16+$0xFFFFFFF9];
	s22 =	smul.u32 $0x540, s22;
	v7 =	vmul.f32 v15, v0;
	v8 =	vadd.f32 v8, v11;
	v9 =	vld [tilespmem:s20+$0xB0]  }
0x314: {  	s20 =	sshra.s32 s21, $0x2;
	s1 =	sld [smem:s1+$0x0];
	s21 =	smul.u32 $0x540, s25;
	v4 =	vadd.f32 v6, v4  }
0x315: {  	v6 =	vld [tilespmem:s20+$0xB0];
	s20 =	sshra.s32 s22, $0x2;
	s22 =	smul.u32 $0x540, s24;
	s24 =	sld [smem:s16+$0x0];
	v5 =	vadd.f32 v7, v5  }
0x316: {  	s25 =	smul.u32 $0x540, s26;
	v7 =	vld [tilespmem:s20+$0xB0];
	s20 =	sld [smem:s16+$0x1];
	s21 =	sshra.s32 s21, $0x2;
	[tilespmem:s15+$0x150] =	vst v4  }
0x317: {  	s22 =	sshra.s32 s22, $0x2;
	s1 =	smul.u32 $0x540, s1;
	s26 =	sld [smem:s16+$0x4];
	v4 =	vld [tilespmem:s21+$0xB0];
	[tilespmem:s15+$0xFFFFFD60] =	vst v5  }
0x318: {  	s21 =	sld [smem:s16+$0xFFFFFFF8];
	s25 =	sshra.s32 s25, $0x2;
	v5 =	vld [tilespmem:s22+$0xB0];
	s22 =	smul.u32 $0x540, s24;
	v9 =	vmul.f32 v9, v0  }
0x319: {  	v10 =	vld [tilespmem:s25+$0xB0];
	s1 =	sshra.s32 s1, $0x2;
	s20 =	smul.u32 $0x540, s20;
	s23 =	sld [smem:s23+$0x0]  }
0x31a: {  	s24 =	sld [smem:s16+$0xFFFFFFFA];
	v11 =	vld [tilespmem:s1+$0xB0];
	s1 =	sshra.s32 s22, $0x2;
	s22 =	smul.u32 $0x540, s26;
	v8 =	vadd.f32 v9, v8  }
0x31b: {  	v6 =	vmul.f32 v6, v2;
	s21 =	smul.u32 $0x540, s21;
	v7 =	vmul.f32 v7, v3;
	v9 =	vld [tilespmem:s1+$0xB0];
	s1 =	sshra.s32 s20, $0x2;
	s20 =	sld [smem:s16+$0x2]  }
0x31c: {  	v13 =	vld [tilespmem:s1+$0xB0];
	s1 =	sshra.s32 s22, $0x2;
	s22 =	smul.u32 $0x540, s23  }
0x31d: {  	v4 =	vmul.f32 v4, v3;
	s19 =	sld [smem:s19+$0x0];
	[tilespmem:s15+$0x0] =	vst v8;
	s23 =	smul.u32 $0x540, s24  }
0x31e: {  	s21 =	sshra.s32 s21, $0x2;
	s24 =	sld [smem:s16+$0xFFFFFFFB];
	v7 =	vadd.f32 v7, v6;
	v8 =	vmul.f32 v5, v1;
	v14 =	vld [tilespmem:s1+$0xB0];
	s1 =	smul.u32 $0x540, s20  }
.Ltmp12:
0x31f: {  	v6 =	vld [tilespmem:s21+$0xB0];
	v5 =	vmul.f32 v10, v3;
	s20 =	sld [smem:s16+$0x3];
	s21 =	sshra.s32 s22, $0x2;
	(pc) =	sbr.rel @p0 .LBB2_26-.Ltmp12, $4  }
0x320: {  	s22 =	sshra.s32 s23, $0x2;
	v10 =	vadd.f32 v8, v7;
	v11 =	vmul.f32 v11, v0;
	v7 =	vld [tilespmem:s21+$0xB0];
	s19 =	smul.u32 $0x540, s19  }
0x321: {  	v8 =	vld [tilespmem:s22+$0xB0];
	s21 =	smul.u32 $0x540, s24;
	v12 =	vmul.f32 v9, v2;
	s1 =	sshra.s32 s1, $0x2  }
0x322: {  	v11 =	vadd.f32 v11, v10;
	v13 =	vmul.f32 v13, v3;
	v9 =	vld [tilespmem:s1+$0xB0];
	s20 =	smul.u32 $0x540, s20;
	s1 =	sshra.s32 s19, $0x2  }
0x323: {  	s18 =	sadd.s32 $0x10, s18;
	s15 =	sadd.s32 $0x540, s15;
	s19 =	sshra.s32 s21, $0x2;
	v14 =	vmul.f32 v14, v2;
	v10 =	vld [tilespmem:s1+$0xB0]  }
0x324: {  	v3 =	vld [tilespmem:s19+$0xB0];
	s1 =	sshra.s32 s20, $0x2  }
0x325: {  	v2 =	vmul.f32 v6, v2;
	v6 =	vld [tilespmem:s1+$0xB0]  }
0x326: {  	v4 =	vadd.f32 v4, v14;
	v7 =	vmul.f32 v7, v1  }
0x327: {  	v12 =	vadd.f32 v13, v12;
	v2 =	vadd.f32 v5, v2;
	v5 =	vmul.f32 v8, v1  }
0x328: {  	v1 =	vmul.f32 v9, v1;
	v4 =	vadd.f32 v7, v4;
	v7 =	vmul.f32 v10, v0  }
0x329: {  	v2 =	vadd.f32 v5, v2;
	v3 =	vmul.f32 v3, v0  }
0x32a: {  	v1 =	vadd.f32 v1, v12;
	v4 =	vadd.f32 v7, v4;
	v0 =	vmul.f32 v6, v0  }
0x32b: {  	[tilespmem:s15+$0xFFFFFEB0] =	vst v11;
	v2 =	vadd.f32 v3, v2  }
0x32c: {  	[tilespmem:s15+$0x150] =	vst v4;
	v0 =	vadd.f32 v0, v1  }
0x32d: {  	[tilespmem:s15+$0xFFFFFD60] =	vst v2  }
0x32e: {  	[tilespmem:s15+$0x0] =	vst v0  }
0x32f: {  	v2 =	vld [tilespmem:$0x8400]  }
0x330: {  	v3 =	vld [tilespmem:$0x8550]  }
0x331: {  	s24 =	simm.s32 $0x4;
	v1 =	vld [tilespmem:$0x86A0]  }
0x332: {  	s17 =	sor.u32 $0x5, s24;
	s15 =	simm.s32 $0xC;
	v0 =	vld [tilespmem:$0x87F0];
	s16 =	sld [smem:$0x4]  }
0x333: {  	s18 =	sor.u32 $0x5, s15;
	s17 =	sld [smem:s17+$0x0]  }
0x334: {  	s25 =	sor.u32 $0x6, s24;
	s1 =	sor.u32 $0x7, s24;
	s18 =	sld [smem:s18+$0x0]  }
0x335: {  	s22 =	sor.u32 $0x6, s15;
	s19 =	sld [smem:s25+$0x0];
	s16 =	smul.u32 $0x540, s16  }
0x336: {  	s15 =	sor.u32 $0x7, s15;
	s26 =	sld [smem:$0x1];
	s17 =	smul.u32 $0x540, s17  }
0x337: {  	s1 =	sld [smem:s1+$0x0];
	s18 =	smul.u32 $0x540, s18;
	s16 =	sshra.s32 s16, $0x2  }
0x338: {  	s19 =	smul.u32 $0x540, s19;
	v4 =	vld [tilespmem:s16+$0xC0];
	s28 =	sshra.s32 s17, $0x2;
	s29 =	sld [smem:$0x8]  }
0x339: {  	s20 =	smul.u32 $0x540, s26;
	s18 =	sshra.s32 s18, $0x2;
	v5 =	vld [tilespmem:s28+$0xC0];
	s16 =	sld [smem:$0x9]  }
0x33a: {  	s30 =	sshra.s32 s19, $0x2;
	s1 =	smul.u32 $0x540, s1;
	s21 =	sld [smem:$0xC];
	v8 =	vld [tilespmem:s18+$0xC0]  }
0x33b: {  	s20 =	sshra.s32 s20, $0x2;
	s31 =	sld [smem:$0x0];
	v7 =	vld [tilespmem:s30+$0xC0];
	s17 =	smul.u32 $0x540, s29  }
0x33c: {  	s1 =	sshra.s32 s1, $0x2;
	v9 =	vld [tilespmem:s20+$0xC0];
	s23 =	sld [smem:s22+$0x0];
	s16 =	smul.u32 $0x540, s16  }
0x33d: {  	s20 =	sld [smem:$0x2];
	v10 =	vld [tilespmem:s1+$0xC0];
	s24 =	sshra.s32 s17, $0x2;
	s25 =	smul.u32 $0x540, s21  }
0x33e: {  	v4 =	vmul.f32 v4, v2;
	v11 =	vld [tilespmem:s24+$0xC0];
	s16 =	sshra.s32 s16, $0x2;
	s26 =	sld [smem:$0xA];
	s19 =	smul.u32 $0x540, s31;
	v5 =	vmul.f32 v5, v3  }
0x33f: {  	v13 =	vld [tilespmem:s16+$0xC0];
	s15 =	sld [smem:s15+$0x0];
	s1 =	sshra.s32 s25, $0x2;
	s18 =	smul.u32 $0x540, s23  }
0x340: {  	s16 =	sld [smem:$0x3];
	s19 =	sshra.s32 s19, $0x2;
	v14 =	vld [tilespmem:s1+$0xC0];
	s28 =	smul.u32 $0x540, s20;
	v5 =	vadd.f32 v5, v4;
	v12 =	vmul.f32 v7, v1  }
0x341: {  	v6 =	vld [tilespmem:s19+$0xC0];
	s17 =	smul.u32 $0x540, s26;
	s18 =	sshra.s32 s18, $0x2  }
0x342: {  	s19 =	sld [smem:$0xB];
	s1 =	sshra.s32 s28, $0x2;
	v7 =	vld [tilespmem:s18+$0xC0];
	s29 =	smul.u32 $0x540, s15;
	v15 =	vadd.f32 v12, v5;
	v10 =	vmul.f32 v10, v0  }
0x343: {  	v4 =	vmul.f32 v8, v3;
	s15 =	simm.s32 $0x8FE0;
	v5 =	vmul.f32 v9, v3;
	v8 =	vld [tilespmem:s1+$0xC0];
	s30 =	smul.u32 $0x540, s16;
	s31 =	sshra.s32 s17, $0x2  }
0x344: {  	s16 =	simm.s32 $0x8;
	s17 =	simm.s32 $0x0;
	v12 =	vmul.f32 v11, v2;
	v9 =	vld [tilespmem:s31+$0xC0];
	s18 =	sshra.s32 s29, $0x2;
	v11 =	vadd.f32 v10, v15;
	v13 =	vmul.f32 v13, v3  }
0x345: {  	s20 =	smul.u32 $0x540, s19;
	s19 =	sshra.s32 s30, $0x2;
	v14 =	vmul.f32 v14, v2;
	v10 =	vld [tilespmem:s18+$0xC0];
	s18 =	simm.s32 $0x1C  }
.LBB2_28:
0x346: {  	s1 =	sadd.s32 $0xFFFFFFF8, s18;
	s17 =	sadd.s32 $0x4, s17;
	v6 =	vmul.f32 v6, v2;
	v15 =	vld [tilespmem:s19+$0xC0];
	[tilespmem:s15+$0xFFFFFEB0] =	vst v11;
	v11 =	vadd.f32 v13, v12;
	s16 =	sadd.s32 $0x10, s16  }
0x347: {  	s21 =	sld [smem:s16+$0xFFFFFFFC];
	s19 =	sor.u32 $0x5, s1;
	p0 =	slt.u32 s17, $0xFC;
	v4 =	vadd.f32 v4, v14;
	v7 =	vmul.f32 v7, v1  }
0x348: {  	s23 =	sor.u32 $0x6, s18;
	s22 =	sld [smem:s19+$0x0];
	s19 =	sor.u32 $0x5, s18;
	v5 =	vadd.f32 v5, v6;
	v6 =	vmul.f32 v8, v1  }
0x349: {  	s24 =	sor.u32 $0x6, s1;
	s25 =	sld [smem:s19+$0x0];
	s19 =	sor.u32 $0x7, s18;
	v8 =	vmul.f32 v9, v1;
	v4 =	vadd.f32 v7, v4  }
0x34a: {  	s20 =	sshra.s32 s20, $0x2;
	s21 =	smul.u32 $0x540, s21;
	s24 =	sld [smem:s24+$0x0];
	v5 =	vadd.f32 v6, v5;
	v6 =	vmul.f32 v10, v0  }
0x34b: {  	s1 =	sor.u32 $0x7, s1;
	s26 =	sld [smem:s16+$0xFFFFFFF9];
	s22 =	smul.u32 $0x540, s22;
	v7 =	vmul.f32 v15, v0;
	v8 =	vadd.f32 v8, v11;
	v9 =	vld [tilespmem:s20+$0xC0]  }
0x34c: {  	s20 =	sshra.s32 s21, $0x2;
	s1 =	sld [smem:s1+$0x0];
	s21 =	smul.u32 $0x540, s25;
	v4 =	vadd.f32 v6, v4  }
0x34d: {  	v6 =	vld [tilespmem:s20+$0xC0];
	s20 =	sshra.s32 s22, $0x2;
	s22 =	smul.u32 $0x540, s24;
	s24 =	sld [smem:s16+$0x0];
	v5 =	vadd.f32 v7, v5  }
0x34e: {  	s25 =	smul.u32 $0x540, s26;
	v7 =	vld [tilespmem:s20+$0xC0];
	s20 =	sld [smem:s16+$0x1];
	s21 =	sshra.s32 s21, $0x2;
	[tilespmem:s15+$0x150] =	vst v4  }
0x34f: {  	s22 =	sshra.s32 s22, $0x2;
	s1 =	smul.u32 $0x540, s1;
	s26 =	sld [smem:s16+$0x4];
	v4 =	vld [tilespmem:s21+$0xC0];
	[tilespmem:s15+$0xFFFFFD60] =	vst v5  }
0x350: {  	s21 =	sld [smem:s16+$0xFFFFFFF8];
	s25 =	sshra.s32 s25, $0x2;
	v5 =	vld [tilespmem:s22+$0xC0];
	s22 =	smul.u32 $0x540, s24;
	v9 =	vmul.f32 v9, v0  }
0x351: {  	v10 =	vld [tilespmem:s25+$0xC0];
	s1 =	sshra.s32 s1, $0x2;
	s20 =	smul.u32 $0x540, s20;
	s23 =	sld [smem:s23+$0x0]  }
0x352: {  	s24 =	sld [smem:s16+$0xFFFFFFFA];
	v11 =	vld [tilespmem:s1+$0xC0];
	s1 =	sshra.s32 s22, $0x2;
	s22 =	smul.u32 $0x540, s26;
	v8 =	vadd.f32 v9, v8  }
0x353: {  	v6 =	vmul.f32 v6, v2;
	s21 =	smul.u32 $0x540, s21;
	v7 =	vmul.f32 v7, v3;
	v9 =	vld [tilespmem:s1+$0xC0];
	s1 =	sshra.s32 s20, $0x2;
	s20 =	sld [smem:s16+$0x2]  }
0x354: {  	v13 =	vld [tilespmem:s1+$0xC0];
	s1 =	sshra.s32 s22, $0x2;
	s22 =	smul.u32 $0x540, s23  }
0x355: {  	v4 =	vmul.f32 v4, v3;
	s19 =	sld [smem:s19+$0x0];
	[tilespmem:s15+$0x0] =	vst v8;
	s23 =	smul.u32 $0x540, s24  }
0x356: {  	s21 =	sshra.s32 s21, $0x2;
	s24 =	sld [smem:s16+$0xFFFFFFFB];
	v7 =	vadd.f32 v7, v6;
	v8 =	vmul.f32 v5, v1;
	v14 =	vld [tilespmem:s1+$0xC0];
	s1 =	smul.u32 $0x540, s20  }
.Ltmp13:
0x357: {  	v6 =	vld [tilespmem:s21+$0xC0];
	v5 =	vmul.f32 v10, v3;
	s20 =	sld [smem:s16+$0x3];
	s21 =	sshra.s32 s22, $0x2;
	(pc) =	sbr.rel @p0 .LBB2_28-.Ltmp13, $4  }
0x358: {  	s22 =	sshra.s32 s23, $0x2;
	v10 =	vadd.f32 v8, v7;
	v11 =	vmul.f32 v11, v0;
	v7 =	vld [tilespmem:s21+$0xC0];
	s19 =	smul.u32 $0x540, s19  }
0x359: {  	v8 =	vld [tilespmem:s22+$0xC0];
	s21 =	smul.u32 $0x540, s24;
	v12 =	vmul.f32 v9, v2;
	s1 =	sshra.s32 s1, $0x2  }
0x35a: {  	v11 =	vadd.f32 v11, v10;
	v13 =	vmul.f32 v13, v3;
	v9 =	vld [tilespmem:s1+$0xC0];
	s20 =	smul.u32 $0x540, s20;
	s1 =	sshra.s32 s19, $0x2  }
0x35b: {  	s18 =	sadd.s32 $0x10, s18;
	s15 =	sadd.s32 $0x540, s15;
	s19 =	sshra.s32 s21, $0x2;
	v14 =	vmul.f32 v14, v2;
	v10 =	vld [tilespmem:s1+$0xC0]  }
0x35c: {  	v3 =	vld [tilespmem:s19+$0xC0];
	s1 =	sshra.s32 s20, $0x2  }
0x35d: {  	v2 =	vmul.f32 v6, v2;
	v6 =	vld [tilespmem:s1+$0xC0]  }
0x35e: {  	v4 =	vadd.f32 v4, v14;
	v7 =	vmul.f32 v7, v1  }
0x35f: {  	v12 =	vadd.f32 v13, v12;
	v2 =	vadd.f32 v5, v2;
	v5 =	vmul.f32 v8, v1  }
0x360: {  	v1 =	vmul.f32 v9, v1;
	v4 =	vadd.f32 v7, v4;
	v7 =	vmul.f32 v10, v0  }
0x361: {  	v2 =	vadd.f32 v5, v2;
	v3 =	vmul.f32 v3, v0  }
0x362: {  	v1 =	vadd.f32 v1, v12;
	v4 =	vadd.f32 v7, v4;
	v0 =	vmul.f32 v6, v0  }
0x363: {  	[tilespmem:s15+$0xFFFFFEB0] =	vst v11;
	v2 =	vadd.f32 v3, v2  }
0x364: {  	[tilespmem:s15+$0x150] =	vst v4;
	v0 =	vadd.f32 v0, v1  }
0x365: {  	[tilespmem:s15+$0xFFFFFD60] =	vst v2  }
0x366: {  	[tilespmem:s15+$0x0] =	vst v0  }
0x367: {  	v2 =	vld [tilespmem:$0x8410]  }
0x368: {  	v3 =	vld [tilespmem:$0x8560]  }
0x369: {  	s24 =	simm.s32 $0x4;
	v1 =	vld [tilespmem:$0x86B0]  }
0x36a: {  	s17 =	sor.u32 $0x5, s24;
	s15 =	simm.s32 $0xC;
	v0 =	vld [tilespmem:$0x8800];
	s16 =	sld [smem:$0x4]  }
0x36b: {  	s18 =	sor.u32 $0x5, s15;
	s17 =	sld [smem:s17+$0x0]  }
0x36c: {  	s25 =	sor.u32 $0x6, s24;
	s1 =	sor.u32 $0x7, s24;
	s18 =	sld [smem:s18+$0x0]  }
0x36d: {  	s22 =	sor.u32 $0x6, s15;
	s19 =	sld [smem:s25+$0x0];
	s16 =	smul.u32 $0x540, s16  }
0x36e: {  	s15 =	sor.u32 $0x7, s15;
	s26 =	sld [smem:$0x1];
	s17 =	smul.u32 $0x540, s17  }
0x36f: {  	s1 =	sld [smem:s1+$0x0];
	s18 =	smul.u32 $0x540, s18;
	s16 =	sshra.s32 s16, $0x2  }
0x370: {  	s19 =	smul.u32 $0x540, s19;
	v4 =	vld [tilespmem:s16+$0xD0];
	s28 =	sshra.s32 s17, $0x2;
	s29 =	sld [smem:$0x8]  }
0x371: {  	s20 =	smul.u32 $0x540, s26;
	s18 =	sshra.s32 s18, $0x2;
	v5 =	vld [tilespmem:s28+$0xD0];
	s16 =	sld [smem:$0x9]  }
0x372: {  	s30 =	sshra.s32 s19, $0x2;
	s1 =	smul.u32 $0x540, s1;
	s21 =	sld [smem:$0xC];
	v8 =	vld [tilespmem:s18+$0xD0]  }
0x373: {  	s20 =	sshra.s32 s20, $0x2;
	s31 =	sld [smem:$0x0];
	v7 =	vld [tilespmem:s30+$0xD0];
	s17 =	smul.u32 $0x540, s29  }
0x374: {  	s1 =	sshra.s32 s1, $0x2;
	v9 =	vld [tilespmem:s20+$0xD0];
	s23 =	sld [smem:s22+$0x0];
	s16 =	smul.u32 $0x540, s16  }
0x375: {  	s20 =	sld [smem:$0x2];
	v10 =	vld [tilespmem:s1+$0xD0];
	s24 =	sshra.s32 s17, $0x2;
	s25 =	smul.u32 $0x540, s21  }
0x376: {  	v4 =	vmul.f32 v4, v2;
	v11 =	vld [tilespmem:s24+$0xD0];
	s16 =	sshra.s32 s16, $0x2;
	s26 =	sld [smem:$0xA];
	s19 =	smul.u32 $0x540, s31;
	v5 =	vmul.f32 v5, v3  }
0x377: {  	v13 =	vld [tilespmem:s16+$0xD0];
	s15 =	sld [smem:s15+$0x0];
	s1 =	sshra.s32 s25, $0x2;
	s18 =	smul.u32 $0x540, s23  }
0x378: {  	s16 =	sld [smem:$0x3];
	s19 =	sshra.s32 s19, $0x2;
	v14 =	vld [tilespmem:s1+$0xD0];
	s28 =	smul.u32 $0x540, s20;
	v5 =	vadd.f32 v5, v4;
	v12 =	vmul.f32 v7, v1  }
0x379: {  	v6 =	vld [tilespmem:s19+$0xD0];
	s17 =	smul.u32 $0x540, s26;
	s18 =	sshra.s32 s18, $0x2  }
0x37a: {  	s19 =	sld [smem:$0xB];
	s1 =	sshra.s32 s28, $0x2;
	v7 =	vld [tilespmem:s18+$0xD0];
	s29 =	smul.u32 $0x540, s15;
	v15 =	vadd.f32 v12, v5;
	v10 =	vmul.f32 v10, v0  }
0x37b: {  	v4 =	vmul.f32 v8, v3;
	s15 =	simm.s32 $0x8FF0;
	v5 =	vmul.f32 v9, v3;
	v8 =	vld [tilespmem:s1+$0xD0];
	s30 =	smul.u32 $0x540, s16;
	s31 =	sshra.s32 s17, $0x2  }
0x37c: {  	s16 =	simm.s32 $0x8;
	s17 =	simm.s32 $0x0;
	v12 =	vmul.f32 v11, v2;
	v9 =	vld [tilespmem:s31+$0xD0];
	s18 =	sshra.s32 s29, $0x2;
	v11 =	vadd.f32 v10, v15;
	v13 =	vmul.f32 v13, v3  }
0x37d: {  	s20 =	smul.u32 $0x540, s19;
	s19 =	sshra.s32 s30, $0x2;
	v14 =	vmul.f32 v14, v2;
	v10 =	vld [tilespmem:s18+$0xD0];
	s18 =	simm.s32 $0x1C  }
.LBB2_30:
0x37e: {  	s1 =	sadd.s32 $0xFFFFFFF8, s18;
	s17 =	sadd.s32 $0x4, s17;
	v6 =	vmul.f32 v6, v2;
	v15 =	vld [tilespmem:s19+$0xD0];
	[tilespmem:s15+$0xFFFFFEB0] =	vst v11;
	v11 =	vadd.f32 v13, v12;
	s16 =	sadd.s32 $0x10, s16  }
0x37f: {  	s21 =	sld [smem:s16+$0xFFFFFFFC];
	s19 =	sor.u32 $0x5, s1;
	p0 =	slt.u32 s17, $0xFC;
	v4 =	vadd.f32 v4, v14;
	v7 =	vmul.f32 v7, v1  }
0x380: {  	s23 =	sor.u32 $0x6, s18;
	s22 =	sld [smem:s19+$0x0];
	s19 =	sor.u32 $0x5, s18;
	v5 =	vadd.f32 v5, v6;
	v6 =	vmul.f32 v8, v1  }
0x381: {  	s24 =	sor.u32 $0x6, s1;
	s25 =	sld [smem:s19+$0x0];
	s19 =	sor.u32 $0x7, s18;
	v8 =	vmul.f32 v9, v1;
	v4 =	vadd.f32 v7, v4  }
0x382: {  	s20 =	sshra.s32 s20, $0x2;
	s21 =	smul.u32 $0x540, s21;
	s24 =	sld [smem:s24+$0x0];
	v5 =	vadd.f32 v6, v5;
	v6 =	vmul.f32 v10, v0  }
0x383: {  	s1 =	sor.u32 $0x7, s1;
	s26 =	sld [smem:s16+$0xFFFFFFF9];
	s22 =	smul.u32 $0x540, s22;
	v7 =	vmul.f32 v15, v0;
	v8 =	vadd.f32 v8, v11;
	v9 =	vld [tilespmem:s20+$0xD0]  }
0x384: {  	s20 =	sshra.s32 s21, $0x2;
	s1 =	sld [smem:s1+$0x0];
	s21 =	smul.u32 $0x540, s25;
	v4 =	vadd.f32 v6, v4  }
0x385: {  	v6 =	vld [tilespmem:s20+$0xD0];
	s20 =	sshra.s32 s22, $0x2;
	s22 =	smul.u32 $0x540, s24;
	s24 =	sld [smem:s16+$0x0];
	v5 =	vadd.f32 v7, v5  }
0x386: {  	s25 =	smul.u32 $0x540, s26;
	v7 =	vld [tilespmem:s20+$0xD0];
	s20 =	sld [smem:s16+$0x1];
	s21 =	sshra.s32 s21, $0x2;
	[tilespmem:s15+$0x150] =	vst v4  }
0x387: {  	s22 =	sshra.s32 s22, $0x2;
	s1 =	smul.u32 $0x540, s1;
	s26 =	sld [smem:s16+$0x4];
	v4 =	vld [tilespmem:s21+$0xD0];
	[tilespmem:s15+$0xFFFFFD60] =	vst v5  }
0x388: {  	s21 =	sld [smem:s16+$0xFFFFFFF8];
	s25 =	sshra.s32 s25, $0x2;
	v5 =	vld [tilespmem:s22+$0xD0];
	s22 =	smul.u32 $0x540, s24;
	v9 =	vmul.f32 v9, v0  }
0x389: {  	v10 =	vld [tilespmem:s25+$0xD0];
	s1 =	sshra.s32 s1, $0x2;
	s20 =	smul.u32 $0x540, s20;
	s23 =	sld [smem:s23+$0x0]  }
0x38a: {  	s24 =	sld [smem:s16+$0xFFFFFFFA];
	v11 =	vld [tilespmem:s1+$0xD0];
	s1 =	sshra.s32 s22, $0x2;
	s22 =	smul.u32 $0x540, s26;
	v8 =	vadd.f32 v9, v8  }
0x38b: {  	v6 =	vmul.f32 v6, v2;
	s21 =	smul.u32 $0x540, s21;
	v7 =	vmul.f32 v7, v3;
	v9 =	vld [tilespmem:s1+$0xD0];
	s1 =	sshra.s32 s20, $0x2;
	s20 =	sld [smem:s16+$0x2]  }
0x38c: {  	v13 =	vld [tilespmem:s1+$0xD0];
	s1 =	sshra.s32 s22, $0x2;
	s22 =	smul.u32 $0x540, s23  }
0x38d: {  	v4 =	vmul.f32 v4, v3;
	s19 =	sld [smem:s19+$0x0];
	[tilespmem:s15+$0x0] =	vst v8;
	s23 =	smul.u32 $0x540, s24  }
0x38e: {  	s21 =	sshra.s32 s21, $0x2;
	s24 =	sld [smem:s16+$0xFFFFFFFB];
	v7 =	vadd.f32 v7, v6;
	v8 =	vmul.f32 v5, v1;
	v14 =	vld [tilespmem:s1+$0xD0];
	s1 =	smul.u32 $0x540, s20  }
.Ltmp14:
0x38f: {  	v6 =	vld [tilespmem:s21+$0xD0];
	v5 =	vmul.f32 v10, v3;
	s20 =	sld [smem:s16+$0x3];
	s21 =	sshra.s32 s22, $0x2;
	(pc) =	sbr.rel @p0 .LBB2_30-.Ltmp14, $4  }
0x390: {  	s22 =	sshra.s32 s23, $0x2;
	v10 =	vadd.f32 v8, v7;
	v11 =	vmul.f32 v11, v0;
	v7 =	vld [tilespmem:s21+$0xD0];
	s19 =	smul.u32 $0x540, s19  }
0x391: {  	v8 =	vld [tilespmem:s22+$0xD0];
	s21 =	smul.u32 $0x540, s24;
	v12 =	vmul.f32 v9, v2;
	s1 =	sshra.s32 s1, $0x2  }
0x392: {  	v11 =	vadd.f32 v11, v10;
	v13 =	vmul.f32 v13, v3;
	v9 =	vld [tilespmem:s1+$0xD0];
	s20 =	smul.u32 $0x540, s20;
	s1 =	sshra.s32 s19, $0x2  }
0x393: {  	s18 =	sadd.s32 $0x10, s18;
	s15 =	sadd.s32 $0x540, s15;
	s19 =	sshra.s32 s21, $0x2;
	v14 =	vmul.f32 v14, v2;
	v10 =	vld [tilespmem:s1+$0xD0]  }
0x394: {  	v3 =	vld [tilespmem:s19+$0xD0];
	s1 =	sshra.s32 s20, $0x2  }
0x395: {  	v2 =	vmul.f32 v6, v2;
	v6 =	vld [tilespmem:s1+$0xD0]  }
0x396: {  	v4 =	vadd.f32 v4, v14;
	v7 =	vmul.f32 v7, v1  }
0x397: {  	v12 =	vadd.f32 v13, v12;
	v2 =	vadd.f32 v5, v2;
	v5 =	vmul.f32 v8, v1  }
0x398: {  	v1 =	vmul.f32 v9, v1;
	v4 =	vadd.f32 v7, v4;
	v7 =	vmul.f32 v10, v0  }
0x399: {  	v2 =	vadd.f32 v5, v2;
	v3 =	vmul.f32 v3, v0  }
0x39a: {  	v1 =	vadd.f32 v1, v12;
	v4 =	vadd.f32 v7, v4;
	v0 =	vmul.f32 v6, v0  }
0x39b: {  	[tilespmem:s15+$0xFFFFFEB0] =	vst v11;
	v2 =	vadd.f32 v3, v2  }
0x39c: {  	[tilespmem:s15+$0x150] =	vst v4;
	v0 =	vadd.f32 v0, v1  }
0x39d: {  	[tilespmem:s15+$0xFFFFFD60] =	vst v2  }
0x39e: {  	[tilespmem:s15+$0x0] =	vst v0  }
0x39f: {  	v2 =	vld [tilespmem:$0x8420]  }
0x3a0: {  	v3 =	vld [tilespmem:$0x8570]  }
0x3a1: {  	s24 =	simm.s32 $0x4;
	v1 =	vld [tilespmem:$0x86C0]  }
0x3a2: {  	s17 =	sor.u32 $0x5, s24;
	s15 =	simm.s32 $0xC;
	v0 =	vld [tilespmem:$0x8810];
	s16 =	sld [smem:$0x4]  }
0x3a3: {  	s18 =	sor.u32 $0x5, s15;
	s17 =	sld [smem:s17+$0x0]  }
0x3a4: {  	s25 =	sor.u32 $0x6, s24;
	s1 =	sor.u32 $0x7, s24;
	s18 =	sld [smem:s18+$0x0]  }
0x3a5: {  	s22 =	sor.u32 $0x6, s15;
	s19 =	sld [smem:s25+$0x0];
	s16 =	smul.u32 $0x540, s16  }
0x3a6: {  	s15 =	sor.u32 $0x7, s15;
	s26 =	sld [smem:$0x1];
	s17 =	smul.u32 $0x540, s17  }
0x3a7: {  	s1 =	sld [smem:s1+$0x0];
	s18 =	smul.u32 $0x540, s18;
	s16 =	sshra.s32 s16, $0x2  }
0x3a8: {  	s19 =	smul.u32 $0x540, s19;
	v4 =	vld [tilespmem:s16+$0xE0];
	s28 =	sshra.s32 s17, $0x2;
	s29 =	sld [smem:$0x8]  }
0x3a9: {  	s20 =	smul.u32 $0x540, s26;
	s18 =	sshra.s32 s18, $0x2;
	v5 =	vld [tilespmem:s28+$0xE0];
	s16 =	sld [smem:$0x9]  }
0x3aa: {  	s30 =	sshra.s32 s19, $0x2;
	s1 =	smul.u32 $0x540, s1;
	s21 =	sld [smem:$0xC];
	v8 =	vld [tilespmem:s18+$0xE0]  }
0x3ab: {  	s20 =	sshra.s32 s20, $0x2;
	s31 =	sld [smem:$0x0];
	v7 =	vld [tilespmem:s30+$0xE0];
	s17 =	smul.u32 $0x540, s29  }
0x3ac: {  	s1 =	sshra.s32 s1, $0x2;
	v9 =	vld [tilespmem:s20+$0xE0];
	s23 =	sld [smem:s22+$0x0];
	s16 =	smul.u32 $0x540, s16  }
0x3ad: {  	s20 =	sld [smem:$0x2];
	v10 =	vld [tilespmem:s1+$0xE0];
	s24 =	sshra.s32 s17, $0x2;
	s25 =	smul.u32 $0x540, s21  }
0x3ae: {  	v4 =	vmul.f32 v4, v2;
	v11 =	vld [tilespmem:s24+$0xE0];
	s16 =	sshra.s32 s16, $0x2;
	s26 =	sld [smem:$0xA];
	s19 =	smul.u32 $0x540, s31;
	v5 =	vmul.f32 v5, v3  }
0x3af: {  	v13 =	vld [tilespmem:s16+$0xE0];
	s15 =	sld [smem:s15+$0x0];
	s1 =	sshra.s32 s25, $0x2;
	s18 =	smul.u32 $0x540, s23  }
0x3b0: {  	s16 =	sld [smem:$0x3];
	s19 =	sshra.s32 s19, $0x2;
	v14 =	vld [tilespmem:s1+$0xE0];
	s28 =	smul.u32 $0x540, s20;
	v5 =	vadd.f32 v5, v4;
	v12 =	vmul.f32 v7, v1  }
0x3b1: {  	v6 =	vld [tilespmem:s19+$0xE0];
	s17 =	smul.u32 $0x540, s26;
	s18 =	sshra.s32 s18, $0x2  }
0x3b2: {  	s19 =	sld [smem:$0xB];
	s1 =	sshra.s32 s28, $0x2;
	v7 =	vld [tilespmem:s18+$0xE0];
	s29 =	smul.u32 $0x540, s15;
	v15 =	vadd.f32 v12, v5;
	v10 =	vmul.f32 v10, v0  }
0x3b3: {  	v4 =	vmul.f32 v8, v3;
	s15 =	simm.s32 $0x9000;
	v5 =	vmul.f32 v9, v3;
	v8 =	vld [tilespmem:s1+$0xE0];
	s30 =	smul.u32 $0x540, s16;
	s31 =	sshra.s32 s17, $0x2  }
0x3b4: {  	s16 =	simm.s32 $0x8;
	s17 =	simm.s32 $0x0;
	v12 =	vmul.f32 v11, v2;
	v9 =	vld [tilespmem:s31+$0xE0];
	s18 =	sshra.s32 s29, $0x2;
	v11 =	vadd.f32 v10, v15;
	v13 =	vmul.f32 v13, v3  }
0x3b5: {  	s20 =	smul.u32 $0x540, s19;
	s19 =	sshra.s32 s30, $0x2;
	v14 =	vmul.f32 v14, v2;
	v10 =	vld [tilespmem:s18+$0xE0];
	s18 =	simm.s32 $0x1C  }
.LBB2_32:
0x3b6: {  	s1 =	sadd.s32 $0xFFFFFFF8, s18;
	s17 =	sadd.s32 $0x4, s17;
	v6 =	vmul.f32 v6, v2;
	v15 =	vld [tilespmem:s19+$0xE0];
	[tilespmem:s15+$0xFFFFFEB0] =	vst v11;
	v11 =	vadd.f32 v13, v12;
	s16 =	sadd.s32 $0x10, s16  }
0x3b7: {  	s21 =	sld [smem:s16+$0xFFFFFFFC];
	s19 =	sor.u32 $0x5, s1;
	p0 =	slt.u32 s17, $0xFC;
	v4 =	vadd.f32 v4, v14;
	v7 =	vmul.f32 v7, v1  }
0x3b8: {  	s23 =	sor.u32 $0x6, s18;
	s22 =	sld [smem:s19+$0x0];
	s19 =	sor.u32 $0x5, s18;
	v5 =	vadd.f32 v5, v6;
	v6 =	vmul.f32 v8, v1  }
0x3b9: {  	s24 =	sor.u32 $0x6, s1;
	s25 =	sld [smem:s19+$0x0];
	s19 =	sor.u32 $0x7, s18;
	v8 =	vmul.f32 v9, v1;
	v4 =	vadd.f32 v7, v4  }
0x3ba: {  	s20 =	sshra.s32 s20, $0x2;
	s21 =	smul.u32 $0x540, s21;
	s24 =	sld [smem:s24+$0x0];
	v5 =	vadd.f32 v6, v5;
	v6 =	vmul.f32 v10, v0  }
0x3bb: {  	s1 =	sor.u32 $0x7, s1;
	s26 =	sld [smem:s16+$0xFFFFFFF9];
	s22 =	smul.u32 $0x540, s22;
	v7 =	vmul.f32 v15, v0;
	v8 =	vadd.f32 v8, v11;
	v9 =	vld [tilespmem:s20+$0xE0]  }
0x3bc: {  	s20 =	sshra.s32 s21, $0x2;
	s1 =	sld [smem:s1+$0x0];
	s21 =	smul.u32 $0x540, s25;
	v4 =	vadd.f32 v6, v4  }
0x3bd: {  	v6 =	vld [tilespmem:s20+$0xE0];
	s20 =	sshra.s32 s22, $0x2;
	s22 =	smul.u32 $0x540, s24;
	s24 =	sld [smem:s16+$0x0];
	v5 =	vadd.f32 v7, v5  }
0x3be: {  	s25 =	smul.u32 $0x540, s26;
	v7 =	vld [tilespmem:s20+$0xE0];
	s20 =	sld [smem:s16+$0x1];
	s21 =	sshra.s32 s21, $0x2;
	[tilespmem:s15+$0x150] =	vst v4  }
0x3bf: {  	s22 =	sshra.s32 s22, $0x2;
	s1 =	smul.u32 $0x540, s1;
	s26 =	sld [smem:s16+$0x4];
	v4 =	vld [tilespmem:s21+$0xE0];
	[tilespmem:s15+$0xFFFFFD60] =	vst v5  }
0x3c0: {  	s21 =	sld [smem:s16+$0xFFFFFFF8];
	s25 =	sshra.s32 s25, $0x2;
	v5 =	vld [tilespmem:s22+$0xE0];
	s22 =	smul.u32 $0x540, s24;
	v9 =	vmul.f32 v9, v0  }
0x3c1: {  	v10 =	vld [tilespmem:s25+$0xE0];
	s1 =	sshra.s32 s1, $0x2;
	s20 =	smul.u32 $0x540, s20;
	s23 =	sld [smem:s23+$0x0]  }
0x3c2: {  	s24 =	sld [smem:s16+$0xFFFFFFFA];
	v11 =	vld [tilespmem:s1+$0xE0];
	s1 =	sshra.s32 s22, $0x2;
	s22 =	smul.u32 $0x540, s26;
	v8 =	vadd.f32 v9, v8  }
0x3c3: {  	v6 =	vmul.f32 v6, v2;
	s21 =	smul.u32 $0x540, s21;
	v7 =	vmul.f32 v7, v3;
	v9 =	vld [tilespmem:s1+$0xE0];
	s1 =	sshra.s32 s20, $0x2;
	s20 =	sld [smem:s16+$0x2]  }
0x3c4: {  	v13 =	vld [tilespmem:s1+$0xE0];
	s1 =	sshra.s32 s22, $0x2;
	s22 =	smul.u32 $0x540, s23  }
0x3c5: {  	v4 =	vmul.f32 v4, v3;
	s19 =	sld [smem:s19+$0x0];
	[tilespmem:s15+$0x0] =	vst v8;
	s23 =	smul.u32 $0x540, s24  }
0x3c6: {  	s21 =	sshra.s32 s21, $0x2;
	s24 =	sld [smem:s16+$0xFFFFFFFB];
	v7 =	vadd.f32 v7, v6;
	v8 =	vmul.f32 v5, v1;
	v14 =	vld [tilespmem:s1+$0xE0];
	s1 =	smul.u32 $0x540, s20  }
.Ltmp15:
0x3c7: {  	v6 =	vld [tilespmem:s21+$0xE0];
	v5 =	vmul.f32 v10, v3;
	s20 =	sld [smem:s16+$0x3];
	s21 =	sshra.s32 s22, $0x2;
	(pc) =	sbr.rel @p0 .LBB2_32-.Ltmp15, $4  }
0x3c8: {  	s22 =	sshra.s32 s23, $0x2;
	v10 =	vadd.f32 v8, v7;
	v11 =	vmul.f32 v11, v0;
	v7 =	vld [tilespmem:s21+$0xE0];
	s19 =	smul.u32 $0x540, s19  }
0x3c9: {  	v8 =	vld [tilespmem:s22+$0xE0];
	s21 =	smul.u32 $0x540, s24;
	v12 =	vmul.f32 v9, v2;
	s1 =	sshra.s32 s1, $0x2  }
0x3ca: {  	v11 =	vadd.f32 v11, v10;
	v13 =	vmul.f32 v13, v3;
	v9 =	vld [tilespmem:s1+$0xE0];
	s20 =	smul.u32 $0x540, s20;
	s1 =	sshra.s32 s19, $0x2  }
0x3cb: {  	s18 =	sadd.s32 $0x10, s18;
	s15 =	sadd.s32 $0x540, s15;
	s19 =	sshra.s32 s21, $0x2;
	v14 =	vmul.f32 v14, v2;
	v10 =	vld [tilespmem:s1+$0xE0]  }
0x3cc: {  	v3 =	vld [tilespmem:s19+$0xE0];
	s1 =	sshra.s32 s20, $0x2  }
0x3cd: {  	v2 =	vmul.f32 v6, v2;
	v6 =	vld [tilespmem:s1+$0xE0]  }
0x3ce: {  	v4 =	vadd.f32 v4, v14;
	v7 =	vmul.f32 v7, v1  }
0x3cf: {  	v12 =	vadd.f32 v13, v12;
	v2 =	vadd.f32 v5, v2;
	v5 =	vmul.f32 v8, v1  }
0x3d0: {  	v1 =	vmul.f32 v9, v1;
	v4 =	vadd.f32 v7, v4;
	v7 =	vmul.f32 v10, v0  }
0x3d1: {  	v2 =	vadd.f32 v5, v2;
	v3 =	vmul.f32 v3, v0  }
0x3d2: {  	v1 =	vadd.f32 v1, v12;
	v4 =	vadd.f32 v7, v4;
	v0 =	vmul.f32 v6, v0  }
0x3d3: {  	[tilespmem:s15+$0xFFFFFEB0] =	vst v11;
	v2 =	vadd.f32 v3, v2  }
0x3d4: {  	[tilespmem:s15+$0x150] =	vst v4;
	v0 =	vadd.f32 v0, v1  }
0x3d5: {  	[tilespmem:s15+$0xFFFFFD60] =	vst v2  }
0x3d6: {  	[tilespmem:s15+$0x0] =	vst v0  }
0x3d7: {  	v2 =	vld [tilespmem:$0x8430]  }
0x3d8: {  	v3 =	vld [tilespmem:$0x8580]  }
0x3d9: {  	s24 =	simm.s32 $0x4;
	v1 =	vld [tilespmem:$0x86D0]  }
0x3da: {  	s17 =	sor.u32 $0x5, s24;
	s15 =	simm.s32 $0xC;
	v0 =	vld [tilespmem:$0x8820];
	s16 =	sld [smem:$0x4]  }
0x3db: {  	s18 =	sor.u32 $0x5, s15;
	s17 =	sld [smem:s17+$0x0]  }
0x3dc: {  	s25 =	sor.u32 $0x6, s24;
	s1 =	sor.u32 $0x7, s24;
	s18 =	sld [smem:s18+$0x0]  }
0x3dd: {  	s22 =	sor.u32 $0x6, s15;
	s19 =	sld [smem:s25+$0x0];
	s16 =	smul.u32 $0x540, s16  }
0x3de: {  	s15 =	sor.u32 $0x7, s15;
	s26 =	sld [smem:$0x1];
	s17 =	smul.u32 $0x540, s17  }
0x3df: {  	s1 =	sld [smem:s1+$0x0];
	s18 =	smul.u32 $0x540, s18;
	s16 =	sshra.s32 s16, $0x2  }
0x3e0: {  	s19 =	smul.u32 $0x540, s19;
	v4 =	vld [tilespmem:s16+$0xF0];
	s28 =	sshra.s32 s17, $0x2;
	s29 =	sld [smem:$0x8]  }
0x3e1: {  	s20 =	smul.u32 $0x540, s26;
	s18 =	sshra.s32 s18, $0x2;
	v5 =	vld [tilespmem:s28+$0xF0];
	s16 =	sld [smem:$0x9]  }
0x3e2: {  	s30 =	sshra.s32 s19, $0x2;
	s1 =	smul.u32 $0x540, s1;
	s21 =	sld [smem:$0xC];
	v8 =	vld [tilespmem:s18+$0xF0]  }
0x3e3: {  	s20 =	sshra.s32 s20, $0x2;
	s31 =	sld [smem:$0x0];
	v7 =	vld [tilespmem:s30+$0xF0];
	s17 =	smul.u32 $0x540, s29  }
0x3e4: {  	s1 =	sshra.s32 s1, $0x2;
	v9 =	vld [tilespmem:s20+$0xF0];
	s23 =	sld [smem:s22+$0x0];
	s16 =	smul.u32 $0x540, s16  }
0x3e5: {  	s20 =	sld [smem:$0x2];
	v10 =	vld [tilespmem:s1+$0xF0];
	s24 =	sshra.s32 s17, $0x2;
	s25 =	smul.u32 $0x540, s21  }
0x3e6: {  	v4 =	vmul.f32 v4, v2;
	v11 =	vld [tilespmem:s24+$0xF0];
	s16 =	sshra.s32 s16, $0x2;
	s26 =	sld [smem:$0xA];
	s19 =	smul.u32 $0x540, s31;
	v5 =	vmul.f32 v5, v3  }
0x3e7: {  	v13 =	vld [tilespmem:s16+$0xF0];
	s15 =	sld [smem:s15+$0x0];
	s1 =	sshra.s32 s25, $0x2;
	s18 =	smul.u32 $0x540, s23  }
0x3e8: {  	s16 =	sld [smem:$0x3];
	s19 =	sshra.s32 s19, $0x2;
	v14 =	vld [tilespmem:s1+$0xF0];
	s28 =	smul.u32 $0x540, s20;
	v5 =	vadd.f32 v5, v4;
	v12 =	vmul.f32 v7, v1  }
0x3e9: {  	v6 =	vld [tilespmem:s19+$0xF0];
	s17 =	smul.u32 $0x540, s26;
	s18 =	sshra.s32 s18, $0x2  }
0x3ea: {  	s19 =	sld [smem:$0xB];
	s1 =	sshra.s32 s28, $0x2;
	v7 =	vld [tilespmem:s18+$0xF0];
	s29 =	smul.u32 $0x540, s15;
	v15 =	vadd.f32 v12, v5;
	v10 =	vmul.f32 v10, v0  }
0x3eb: {  	v4 =	vmul.f32 v8, v3;
	s15 =	simm.s32 $0x9010;
	v5 =	vmul.f32 v9, v3;
	v8 =	vld [tilespmem:s1+$0xF0];
	s30 =	smul.u32 $0x540, s16;
	s31 =	sshra.s32 s17, $0x2  }
0x3ec: {  	s16 =	simm.s32 $0x8;
	s17 =	simm.s32 $0x0;
	v12 =	vmul.f32 v11, v2;
	v9 =	vld [tilespmem:s31+$0xF0];
	s18 =	sshra.s32 s29, $0x2;
	v11 =	vadd.f32 v10, v15;
	v13 =	vmul.f32 v13, v3  }
0x3ed: {  	s20 =	smul.u32 $0x540, s19;
	s19 =	sshra.s32 s30, $0x2;
	v14 =	vmul.f32 v14, v2;
	v10 =	vld [tilespmem:s18+$0xF0];
	s18 =	simm.s32 $0x1C  }
.LBB2_34:
0x3ee: {  	s1 =	sadd.s32 $0xFFFFFFF8, s18;
	s17 =	sadd.s32 $0x4, s17;
	v6 =	vmul.f32 v6, v2;
	v15 =	vld [tilespmem:s19+$0xF0];
	[tilespmem:s15+$0xFFFFFEB0] =	vst v11;
	v11 =	vadd.f32 v13, v12;
	s16 =	sadd.s32 $0x10, s16  }
0x3ef: {  	s21 =	sld [smem:s16+$0xFFFFFFFC];
	s19 =	sor.u32 $0x5, s1;
	p0 =	slt.u32 s17, $0xFC;
	v4 =	vadd.f32 v4, v14;
	v7 =	vmul.f32 v7, v1  }
0x3f0: {  	s23 =	sor.u32 $0x6, s18;
	s22 =	sld [smem:s19+$0x0];
	s19 =	sor.u32 $0x5, s18;
	v5 =	vadd.f32 v5, v6;
	v6 =	vmul.f32 v8, v1  }
0x3f1: {  	s24 =	sor.u32 $0x6, s1;
	s25 =	sld [smem:s19+$0x0];
	s19 =	sor.u32 $0x7, s18;
	v8 =	vmul.f32 v9, v1;
	v4 =	vadd.f32 v7, v4  }
0x3f2: {  	s20 =	sshra.s32 s20, $0x2;
	s21 =	smul.u32 $0x540, s21;
	s24 =	sld [smem:s24+$0x0];
	v5 =	vadd.f32 v6, v5;
	v6 =	vmul.f32 v10, v0  }
0x3f3: {  	s1 =	sor.u32 $0x7, s1;
	s26 =	sld [smem:s16+$0xFFFFFFF9];
	s22 =	smul.u32 $0x540, s22;
	v7 =	vmul.f32 v15, v0;
	v8 =	vadd.f32 v8, v11;
	v9 =	vld [tilespmem:s20+$0xF0]  }
0x3f4: {  	s20 =	sshra.s32 s21, $0x2;
	s1 =	sld [smem:s1+$0x0];
	s21 =	smul.u32 $0x540, s25;
	v4 =	vadd.f32 v6, v4  }
0x3f5: {  	v6 =	vld [tilespmem:s20+$0xF0];
	s20 =	sshra.s32 s22, $0x2;
	s22 =	smul.u32 $0x540, s24;
	s24 =	sld [smem:s16+$0x0];
	v5 =	vadd.f32 v7, v5  }
0x3f6: {  	s25 =	smul.u32 $0x540, s26;
	v7 =	vld [tilespmem:s20+$0xF0];
	s20 =	sld [smem:s16+$0x1];
	s21 =	sshra.s32 s21, $0x2;
	[tilespmem:s15+$0x150] =	vst v4  }
0x3f7: {  	s22 =	sshra.s32 s22, $0x2;
	s1 =	smul.u32 $0x540, s1;
	s26 =	sld [smem:s16+$0x4];
	v4 =	vld [tilespmem:s21+$0xF0];
	[tilespmem:s15+$0xFFFFFD60] =	vst v5  }
0x3f8: {  	s21 =	sld [smem:s16+$0xFFFFFFF8];
	s25 =	sshra.s32 s25, $0x2;
	v5 =	vld [tilespmem:s22+$0xF0];
	s22 =	smul.u32 $0x540, s24;
	v9 =	vmul.f32 v9, v0  }
0x3f9: {  	v10 =	vld [tilespmem:s25+$0xF0];
	s1 =	sshra.s32 s1, $0x2;
	s20 =	smul.u32 $0x540, s20;
	s23 =	sld [smem:s23+$0x0]  }
0x3fa: {  	s24 =	sld [smem:s16+$0xFFFFFFFA];
	v11 =	vld [tilespmem:s1+$0xF0];
	s1 =	sshra.s32 s22, $0x2;
	s22 =	smul.u32 $0x540, s26;
	v8 =	vadd.f32 v9, v8  }
0x3fb: {  	v6 =	vmul.f32 v6, v2;
	s21 =	smul.u32 $0x540, s21;
	v7 =	vmul.f32 v7, v3;
	v9 =	vld [tilespmem:s1+$0xF0];
	s1 =	sshra.s32 s20, $0x2;
	s20 =	sld [smem:s16+$0x2]  }
0x3fc: {  	v13 =	vld [tilespmem:s1+$0xF0];
	s1 =	sshra.s32 s22, $0x2;
	s22 =	smul.u32 $0x540, s23  }
0x3fd: {  	v4 =	vmul.f32 v4, v3;
	s19 =	sld [smem:s19+$0x0];
	[tilespmem:s15+$0x0] =	vst v8;
	s23 =	smul.u32 $0x540, s24  }
0x3fe: {  	s21 =	sshra.s32 s21, $0x2;
	s24 =	sld [smem:s16+$0xFFFFFFFB];
	v7 =	vadd.f32 v7, v6;
	v8 =	vmul.f32 v5, v1;
	v14 =	vld [tilespmem:s1+$0xF0];
	s1 =	smul.u32 $0x540, s20  }
.Ltmp16:
0x3ff: {  	v6 =	vld [tilespmem:s21+$0xF0];
	v5 =	vmul.f32 v10, v3;
	s20 =	sld [smem:s16+$0x3];
	s21 =	sshra.s32 s22, $0x2;
	(pc) =	sbr.rel @p0 .LBB2_34-.Ltmp16, $4  }
0x400: {  	s22 =	sshra.s32 s23, $0x2;
	v10 =	vadd.f32 v8, v7;
	v11 =	vmul.f32 v11, v0;
	v7 =	vld [tilespmem:s21+$0xF0];
	s19 =	smul.u32 $0x540, s19  }
0x401: {  	v8 =	vld [tilespmem:s22+$0xF0];
	s21 =	smul.u32 $0x540, s24;
	v12 =	vmul.f32 v9, v2;
	s1 =	sshra.s32 s1, $0x2  }
0x402: {  	v11 =	vadd.f32 v11, v10;
	v13 =	vmul.f32 v13, v3;
	v9 =	vld [tilespmem:s1+$0xF0];
	s20 =	smul.u32 $0x540, s20;
	s1 =	sshra.s32 s19, $0x2  }
0x403: {  	s18 =	sadd.s32 $0x10, s18;
	s15 =	sadd.s32 $0x540, s15;
	s19 =	sshra.s32 s21, $0x2;
	v14 =	vmul.f32 v14, v2;
	v10 =	vld [tilespmem:s1+$0xF0]  }
0x404: {  	v3 =	vld [tilespmem:s19+$0xF0];
	s1 =	sshra.s32 s20, $0x2  }
0x405: {  	v2 =	vmul.f32 v6, v2;
	v6 =	vld [tilespmem:s1+$0xF0]  }
0x406: {  	v4 =	vadd.f32 v4, v14;
	v7 =	vmul.f32 v7, v1  }
0x407: {  	v12 =	vadd.f32 v13, v12;
	v2 =	vadd.f32 v5, v2;
	v5 =	vmul.f32 v8, v1  }
0x408: {  	v1 =	vmul.f32 v9, v1;
	v4 =	vadd.f32 v7, v4;
	v7 =	vmul.f32 v10, v0  }
0x409: {  	v2 =	vadd.f32 v5, v2;
	v3 =	vmul.f32 v3, v0  }
0x40a: {  	v1 =	vadd.f32 v1, v12;
	v4 =	vadd.f32 v7, v4;
	v0 =	vmul.f32 v6, v0  }
0x40b: {  	[tilespmem:s15+$0xFFFFFEB0] =	vst v11;
	v2 =	vadd.f32 v3, v2  }
0x40c: {  	[tilespmem:s15+$0x150] =	vst v4;
	v0 =	vadd.f32 v0, v1  }
0x40d: {  	[tilespmem:s15+$0xFFFFFD60] =	vst v2  }
0x40e: {  	[tilespmem:s15+$0x0] =	vst v0  }
0x40f: {  	v2 =	vld [tilespmem:$0x8440]  }
0x410: {  	v3 =	vld [tilespmem:$0x8590]  }
0x411: {  	s24 =	simm.s32 $0x4;
	v1 =	vld [tilespmem:$0x86E0]  }
0x412: {  	s17 =	sor.u32 $0x5, s24;
	s15 =	simm.s32 $0xC;
	v0 =	vld [tilespmem:$0x8830];
	s16 =	sld [smem:$0x4]  }
0x413: {  	s18 =	sor.u32 $0x5, s15;
	s17 =	sld [smem:s17+$0x0]  }
0x414: {  	s25 =	sor.u32 $0x6, s24;
	s1 =	sor.u32 $0x7, s24;
	s18 =	sld [smem:s18+$0x0]  }
0x415: {  	s22 =	sor.u32 $0x6, s15;
	s19 =	sld [smem:s25+$0x0];
	s16 =	smul.u32 $0x540, s16  }
0x416: {  	s15 =	sor.u32 $0x7, s15;
	s26 =	sld [smem:$0x1];
	s17 =	smul.u32 $0x540, s17  }
0x417: {  	s1 =	sld [smem:s1+$0x0];
	s18 =	smul.u32 $0x540, s18;
	s16 =	sshra.s32 s16, $0x2  }
0x418: {  	s19 =	smul.u32 $0x540, s19;
	v4 =	vld [tilespmem:s16+$0x100];
	s28 =	sshra.s32 s17, $0x2;
	s29 =	sld [smem:$0x8]  }
0x419: {  	s20 =	smul.u32 $0x540, s26;
	s18 =	sshra.s32 s18, $0x2;
	v5 =	vld [tilespmem:s28+$0x100];
	s16 =	sld [smem:$0x9]  }
0x41a: {  	s30 =	sshra.s32 s19, $0x2;
	s1 =	smul.u32 $0x540, s1;
	s21 =	sld [smem:$0xC];
	v8 =	vld [tilespmem:s18+$0x100]  }
0x41b: {  	s20 =	sshra.s32 s20, $0x2;
	s31 =	sld [smem:$0x0];
	v7 =	vld [tilespmem:s30+$0x100];
	s17 =	smul.u32 $0x540, s29  }
0x41c: {  	s1 =	sshra.s32 s1, $0x2;
	v9 =	vld [tilespmem:s20+$0x100];
	s23 =	sld [smem:s22+$0x0];
	s16 =	smul.u32 $0x540, s16  }
0x41d: {  	s20 =	sld [smem:$0x2];
	v10 =	vld [tilespmem:s1+$0x100];
	s24 =	sshra.s32 s17, $0x2;
	s25 =	smul.u32 $0x540, s21  }
0x41e: {  	v4 =	vmul.f32 v4, v2;
	v11 =	vld [tilespmem:s24+$0x100];
	s16 =	sshra.s32 s16, $0x2;
	s26 =	sld [smem:$0xA];
	s19 =	smul.u32 $0x540, s31;
	v5 =	vmul.f32 v5, v3  }
0x41f: {  	v13 =	vld [tilespmem:s16+$0x100];
	s15 =	sld [smem:s15+$0x0];
	s1 =	sshra.s32 s25, $0x2;
	s18 =	smul.u32 $0x540, s23  }
0x420: {  	s16 =	sld [smem:$0x3];
	s19 =	sshra.s32 s19, $0x2;
	v14 =	vld [tilespmem:s1+$0x100];
	s28 =	smul.u32 $0x540, s20;
	v5 =	vadd.f32 v5, v4;
	v12 =	vmul.f32 v7, v1  }
0x421: {  	v6 =	vld [tilespmem:s19+$0x100];
	s17 =	smul.u32 $0x540, s26;
	s18 =	sshra.s32 s18, $0x2  }
0x422: {  	s19 =	sld [smem:$0xB];
	s1 =	sshra.s32 s28, $0x2;
	v7 =	vld [tilespmem:s18+$0x100];
	s29 =	smul.u32 $0x540, s15;
	v15 =	vadd.f32 v12, v5;
	v10 =	vmul.f32 v10, v0  }
0x423: {  	v4 =	vmul.f32 v8, v3;
	s15 =	simm.s32 $0x9020;
	v5 =	vmul.f32 v9, v3;
	v8 =	vld [tilespmem:s1+$0x100];
	s30 =	smul.u32 $0x540, s16;
	s31 =	sshra.s32 s17, $0x2  }
0x424: {  	s16 =	simm.s32 $0x8;
	s17 =	simm.s32 $0x0;
	v12 =	vmul.f32 v11, v2;
	v9 =	vld [tilespmem:s31+$0x100];
	s18 =	sshra.s32 s29, $0x2;
	v11 =	vadd.f32 v10, v15;
	v13 =	vmul.f32 v13, v3  }
0x425: {  	s20 =	smul.u32 $0x540, s19;
	s19 =	sshra.s32 s30, $0x2;
	v14 =	vmul.f32 v14, v2;
	v10 =	vld [tilespmem:s18+$0x100];
	s18 =	simm.s32 $0x1C  }
.LBB2_36:
0x426: {  	s1 =	sadd.s32 $0xFFFFFFF8, s18;
	s17 =	sadd.s32 $0x4, s17;
	v6 =	vmul.f32 v6, v2;
	v15 =	vld [tilespmem:s19+$0x100];
	[tilespmem:s15+$0xFFFFFEB0] =	vst v11;
	v11 =	vadd.f32 v13, v12;
	s16 =	sadd.s32 $0x10, s16  }
0x427: {  	s21 =	sld [smem:s16+$0xFFFFFFFC];
	s19 =	sor.u32 $0x5, s1;
	p0 =	slt.u32 s17, $0xFC;
	v4 =	vadd.f32 v4, v14;
	v7 =	vmul.f32 v7, v1  }
0x428: {  	s23 =	sor.u32 $0x6, s18;
	s22 =	sld [smem:s19+$0x0];
	s19 =	sor.u32 $0x5, s18;
	v5 =	vadd.f32 v5, v6;
	v6 =	vmul.f32 v8, v1  }
0x429: {  	s24 =	sor.u32 $0x6, s1;
	s25 =	sld [smem:s19+$0x0];
	s19 =	sor.u32 $0x7, s18;
	v8 =	vmul.f32 v9, v1;
	v4 =	vadd.f32 v7, v4  }
0x42a: {  	s20 =	sshra.s32 s20, $0x2;
	s21 =	smul.u32 $0x540, s21;
	s24 =	sld [smem:s24+$0x0];
	v5 =	vadd.f32 v6, v5;
	v6 =	vmul.f32 v10, v0  }
0x42b: {  	s1 =	sor.u32 $0x7, s1;
	s26 =	sld [smem:s16+$0xFFFFFFF9];
	s22 =	smul.u32 $0x540, s22;
	v7 =	vmul.f32 v15, v0;
	v8 =	vadd.f32 v8, v11;
	v9 =	vld [tilespmem:s20+$0x100]  }
0x42c: {  	s20 =	sshra.s32 s21, $0x2;
	s1 =	sld [smem:s1+$0x0];
	s21 =	smul.u32 $0x540, s25;
	v4 =	vadd.f32 v6, v4  }
0x42d: {  	v6 =	vld [tilespmem:s20+$0x100];
	s20 =	sshra.s32 s22, $0x2;
	s22 =	smul.u32 $0x540, s24;
	s24 =	sld [smem:s16+$0x0];
	v5 =	vadd.f32 v7, v5  }
0x42e: {  	s25 =	smul.u32 $0x540, s26;
	v7 =	vld [tilespmem:s20+$0x100];
	s20 =	sld [smem:s16+$0x1];
	s21 =	sshra.s32 s21, $0x2;
	[tilespmem:s15+$0x150] =	vst v4  }
0x42f: {  	s22 =	sshra.s32 s22, $0x2;
	s1 =	smul.u32 $0x540, s1;
	s26 =	sld [smem:s16+$0x4];
	v4 =	vld [tilespmem:s21+$0x100];
	[tilespmem:s15+$0xFFFFFD60] =	vst v5  }
0x430: {  	s21 =	sld [smem:s16+$0xFFFFFFF8];
	s25 =	sshra.s32 s25, $0x2;
	v5 =	vld [tilespmem:s22+$0x100];
	s22 =	smul.u32 $0x540, s24;
	v9 =	vmul.f32 v9, v0  }
0x431: {  	v10 =	vld [tilespmem:s25+$0x100];
	s1 =	sshra.s32 s1, $0x2;
	s20 =	smul.u32 $0x540, s20;
	s23 =	sld [smem:s23+$0x0]  }
0x432: {  	s24 =	sld [smem:s16+$0xFFFFFFFA];
	v11 =	vld [tilespmem:s1+$0x100];
	s1 =	sshra.s32 s22, $0x2;
	s22 =	smul.u32 $0x540, s26;
	v8 =	vadd.f32 v9, v8  }
0x433: {  	v6 =	vmul.f32 v6, v2;
	s21 =	smul.u32 $0x540, s21;
	v7 =	vmul.f32 v7, v3;
	v9 =	vld [tilespmem:s1+$0x100];
	s1 =	sshra.s32 s20, $0x2;
	s20 =	sld [smem:s16+$0x2]  }
0x434: {  	v13 =	vld [tilespmem:s1+$0x100];
	s1 =	sshra.s32 s22, $0x2;
	s22 =	smul.u32 $0x540, s23  }
0x435: {  	v4 =	vmul.f32 v4, v3;
	s19 =	sld [smem:s19+$0x0];
	[tilespmem:s15+$0x0] =	vst v8;
	s23 =	smul.u32 $0x540, s24  }
0x436: {  	s21 =	sshra.s32 s21, $0x2;
	s24 =	sld [smem:s16+$0xFFFFFFFB];
	v7 =	vadd.f32 v7, v6;
	v8 =	vmul.f32 v5, v1;
	v14 =	vld [tilespmem:s1+$0x100];
	s1 =	smul.u32 $0x540, s20  }
.Ltmp17:
0x437: {  	v6 =	vld [tilespmem:s21+$0x100];
	v5 =	vmul.f32 v10, v3;
	s20 =	sld [smem:s16+$0x3];
	s21 =	sshra.s32 s22, $0x2;
	(pc) =	sbr.rel @p0 .LBB2_36-.Ltmp17, $4  }
0x438: {  	s22 =	sshra.s32 s23, $0x2;
	v10 =	vadd.f32 v8, v7;
	v11 =	vmul.f32 v11, v0;
	v7 =	vld [tilespmem:s21+$0x100];
	s19 =	smul.u32 $0x540, s19  }
0x439: {  	v8 =	vld [tilespmem:s22+$0x100];
	s21 =	smul.u32 $0x540, s24;
	v12 =	vmul.f32 v9, v2;
	s1 =	sshra.s32 s1, $0x2  }
0x43a: {  	v11 =	vadd.f32 v11, v10;
	v13 =	vmul.f32 v13, v3;
	v9 =	vld [tilespmem:s1+$0x100];
	s20 =	smul.u32 $0x540, s20;
	s1 =	sshra.s32 s19, $0x2  }
0x43b: {  	s18 =	sadd.s32 $0x10, s18;
	s15 =	sadd.s32 $0x540, s15;
	s19 =	sshra.s32 s21, $0x2;
	v14 =	vmul.f32 v14, v2;
	v10 =	vld [tilespmem:s1+$0x100]  }
0x43c: {  	v3 =	vld [tilespmem:s19+$0x100];
	s1 =	sshra.s32 s20, $0x2  }
0x43d: {  	v2 =	vmul.f32 v6, v2;
	v6 =	vld [tilespmem:s1+$0x100]  }
0x43e: {  	v4 =	vadd.f32 v4, v14;
	v7 =	vmul.f32 v7, v1  }
0x43f: {  	v12 =	vadd.f32 v13, v12;
	v2 =	vadd.f32 v5, v2;
	v5 =	vmul.f32 v8, v1  }
0x440: {  	v1 =	vmul.f32 v9, v1;
	v4 =	vadd.f32 v7, v4;
	v7 =	vmul.f32 v10, v0  }
0x441: {  	v2 =	vadd.f32 v5, v2;
	v3 =	vmul.f32 v3, v0  }
0x442: {  	v1 =	vadd.f32 v1, v12;
	v4 =	vadd.f32 v7, v4;
	v0 =	vmul.f32 v6, v0  }
0x443: {  	[tilespmem:s15+$0xFFFFFEB0] =	vst v11;
	v2 =	vadd.f32 v3, v2  }
0x444: {  	[tilespmem:s15+$0x150] =	vst v4;
	v0 =	vadd.f32 v0, v1  }
0x445: {  	[tilespmem:s15+$0xFFFFFD60] =	vst v2  }
0x446: {  	[tilespmem:s15+$0x0] =	vst v0  }
0x447: {  	v2 =	vld [tilespmem:$0x8450]  }
0x448: {  	v3 =	vld [tilespmem:$0x85A0]  }
0x449: {  	s24 =	simm.s32 $0x4;
	v1 =	vld [tilespmem:$0x86F0]  }
0x44a: {  	s17 =	sor.u32 $0x5, s24;
	s15 =	simm.s32 $0xC;
	v0 =	vld [tilespmem:$0x8840];
	s16 =	sld [smem:$0x4]  }
0x44b: {  	s18 =	sor.u32 $0x5, s15;
	s17 =	sld [smem:s17+$0x0]  }
0x44c: {  	s25 =	sor.u32 $0x6, s24;
	s1 =	sor.u32 $0x7, s24;
	s18 =	sld [smem:s18+$0x0]  }
0x44d: {  	s22 =	sor.u32 $0x6, s15;
	s19 =	sld [smem:s25+$0x0];
	s16 =	smul.u32 $0x540, s16  }
0x44e: {  	s15 =	sor.u32 $0x7, s15;
	s26 =	sld [smem:$0x1];
	s17 =	smul.u32 $0x540, s17  }
0x44f: {  	s1 =	sld [smem:s1+$0x0];
	s18 =	smul.u32 $0x540, s18;
	s16 =	sshra.s32 s16, $0x2  }
0x450: {  	s19 =	smul.u32 $0x540, s19;
	v4 =	vld [tilespmem:s16+$0x110];
	s28 =	sshra.s32 s17, $0x2;
	s29 =	sld [smem:$0x8]  }
0x451: {  	s20 =	smul.u32 $0x540, s26;
	s18 =	sshra.s32 s18, $0x2;
	v5 =	vld [tilespmem:s28+$0x110];
	s16 =	sld [smem:$0x9]  }
0x452: {  	s30 =	sshra.s32 s19, $0x2;
	s1 =	smul.u32 $0x540, s1;
	s21 =	sld [smem:$0xC];
	v8 =	vld [tilespmem:s18+$0x110]  }
0x453: {  	s20 =	sshra.s32 s20, $0x2;
	s31 =	sld [smem:$0x0];
	v7 =	vld [tilespmem:s30+$0x110];
	s17 =	smul.u32 $0x540, s29  }
0x454: {  	s1 =	sshra.s32 s1, $0x2;
	v9 =	vld [tilespmem:s20+$0x110];
	s23 =	sld [smem:s22+$0x0];
	s16 =	smul.u32 $0x540, s16  }
0x455: {  	s20 =	sld [smem:$0x2];
	v10 =	vld [tilespmem:s1+$0x110];
	s24 =	sshra.s32 s17, $0x2;
	s25 =	smul.u32 $0x540, s21  }
0x456: {  	v4 =	vmul.f32 v4, v2;
	v11 =	vld [tilespmem:s24+$0x110];
	s16 =	sshra.s32 s16, $0x2;
	s26 =	sld [smem:$0xA];
	s19 =	smul.u32 $0x540, s31;
	v5 =	vmul.f32 v5, v3  }
0x457: {  	v13 =	vld [tilespmem:s16+$0x110];
	s15 =	sld [smem:s15+$0x0];
	s1 =	sshra.s32 s25, $0x2;
	s18 =	smul.u32 $0x540, s23  }
0x458: {  	s16 =	sld [smem:$0x3];
	s19 =	sshra.s32 s19, $0x2;
	v14 =	vld [tilespmem:s1+$0x110];
	s28 =	smul.u32 $0x540, s20;
	v5 =	vadd.f32 v5, v4;
	v12 =	vmul.f32 v7, v1  }
0x459: {  	v6 =	vld [tilespmem:s19+$0x110];
	s17 =	smul.u32 $0x540, s26;
	s18 =	sshra.s32 s18, $0x2  }
0x45a: {  	s19 =	sld [smem:$0xB];
	s1 =	sshra.s32 s28, $0x2;
	v7 =	vld [tilespmem:s18+$0x110];
	s29 =	smul.u32 $0x540, s15;
	v15 =	vadd.f32 v12, v5;
	v10 =	vmul.f32 v10, v0  }
0x45b: {  	v4 =	vmul.f32 v8, v3;
	s15 =	simm.s32 $0x9030;
	v5 =	vmul.f32 v9, v3;
	v8 =	vld [tilespmem:s1+$0x110];
	s30 =	smul.u32 $0x540, s16;
	s31 =	sshra.s32 s17, $0x2  }
0x45c: {  	s16 =	simm.s32 $0x8;
	s17 =	simm.s32 $0x0;
	v12 =	vmul.f32 v11, v2;
	v9 =	vld [tilespmem:s31+$0x110];
	s18 =	sshra.s32 s29, $0x2;
	v11 =	vadd.f32 v10, v15;
	v13 =	vmul.f32 v13, v3  }
0x45d: {  	s20 =	smul.u32 $0x540, s19;
	s19 =	sshra.s32 s30, $0x2;
	v14 =	vmul.f32 v14, v2;
	v10 =	vld [tilespmem:s18+$0x110];
	s18 =	simm.s32 $0x1C  }
.LBB2_38:
0x45e: {  	s1 =	sadd.s32 $0xFFFFFFF8, s18;
	s17 =	sadd.s32 $0x4, s17;
	v6 =	vmul.f32 v6, v2;
	v15 =	vld [tilespmem:s19+$0x110];
	[tilespmem:s15+$0xFFFFFEB0] =	vst v11;
	v11 =	vadd.f32 v13, v12;
	s16 =	sadd.s32 $0x10, s16  }
0x45f: {  	s21 =	sld [smem:s16+$0xFFFFFFFC];
	s19 =	sor.u32 $0x5, s1;
	p0 =	slt.u32 s17, $0xFC;
	v4 =	vadd.f32 v4, v14;
	v7 =	vmul.f32 v7, v1  }
0x460: {  	s23 =	sor.u32 $0x6, s18;
	s22 =	sld [smem:s19+$0x0];
	s19 =	sor.u32 $0x5, s18;
	v5 =	vadd.f32 v5, v6;
	v6 =	vmul.f32 v8, v1  }
0x461: {  	s24 =	sor.u32 $0x6, s1;
	s25 =	sld [smem:s19+$0x0];
	s19 =	sor.u32 $0x7, s18;
	v8 =	vmul.f32 v9, v1;
	v4 =	vadd.f32 v7, v4  }
0x462: {  	s20 =	sshra.s32 s20, $0x2;
	s21 =	smul.u32 $0x540, s21;
	s24 =	sld [smem:s24+$0x0];
	v5 =	vadd.f32 v6, v5;
	v6 =	vmul.f32 v10, v0  }
0x463: {  	s1 =	sor.u32 $0x7, s1;
	s26 =	sld [smem:s16+$0xFFFFFFF9];
	s22 =	smul.u32 $0x540, s22;
	v7 =	vmul.f32 v15, v0;
	v8 =	vadd.f32 v8, v11;
	v9 =	vld [tilespmem:s20+$0x110]  }
0x464: {  	s20 =	sshra.s32 s21, $0x2;
	s1 =	sld [smem:s1+$0x0];
	s21 =	smul.u32 $0x540, s25;
	v4 =	vadd.f32 v6, v4  }
0x465: {  	v6 =	vld [tilespmem:s20+$0x110];
	s20 =	sshra.s32 s22, $0x2;
	s22 =	smul.u32 $0x540, s24;
	s24 =	sld [smem:s16+$0x0];
	v5 =	vadd.f32 v7, v5  }
0x466: {  	s25 =	smul.u32 $0x540, s26;
	v7 =	vld [tilespmem:s20+$0x110];
	s20 =	sld [smem:s16+$0x1];
	s21 =	sshra.s32 s21, $0x2;
	[tilespmem:s15+$0x150] =	vst v4  }
0x467: {  	s22 =	sshra.s32 s22, $0x2;
	s1 =	smul.u32 $0x540, s1;
	s26 =	sld [smem:s16+$0x4];
	v4 =	vld [tilespmem:s21+$0x110];
	[tilespmem:s15+$0xFFFFFD60] =	vst v5  }
0x468: {  	s21 =	sld [smem:s16+$0xFFFFFFF8];
	s25 =	sshra.s32 s25, $0x2;
	v5 =	vld [tilespmem:s22+$0x110];
	s22 =	smul.u32 $0x540, s24;
	v9 =	vmul.f32 v9, v0  }
0x469: {  	v10 =	vld [tilespmem:s25+$0x110];
	s1 =	sshra.s32 s1, $0x2;
	s20 =	smul.u32 $0x540, s20;
	s23 =	sld [smem:s23+$0x0]  }
0x46a: {  	s24 =	sld [smem:s16+$0xFFFFFFFA];
	v11 =	vld [tilespmem:s1+$0x110];
	s1 =	sshra.s32 s22, $0x2;
	s22 =	smul.u32 $0x540, s26;
	v8 =	vadd.f32 v9, v8  }
0x46b: {  	v6 =	vmul.f32 v6, v2;
	s21 =	smul.u32 $0x540, s21;
	v7 =	vmul.f32 v7, v3;
	v9 =	vld [tilespmem:s1+$0x110];
	s1 =	sshra.s32 s20, $0x2;
	s20 =	sld [smem:s16+$0x2]  }
0x46c: {  	v13 =	vld [tilespmem:s1+$0x110];
	s1 =	sshra.s32 s22, $0x2;
	s22 =	smul.u32 $0x540, s23  }
0x46d: {  	v4 =	vmul.f32 v4, v3;
	s19 =	sld [smem:s19+$0x0];
	[tilespmem:s15+$0x0] =	vst v8;
	s23 =	smul.u32 $0x540, s24  }
0x46e: {  	s21 =	sshra.s32 s21, $0x2;
	s24 =	sld [smem:s16+$0xFFFFFFFB];
	v7 =	vadd.f32 v7, v6;
	v8 =	vmul.f32 v5, v1;
	v14 =	vld [tilespmem:s1+$0x110];
	s1 =	smul.u32 $0x540, s20  }
.Ltmp18:
0x46f: {  	v6 =	vld [tilespmem:s21+$0x110];
	v5 =	vmul.f32 v10, v3;
	s20 =	sld [smem:s16+$0x3];
	s21 =	sshra.s32 s22, $0x2;
	(pc) =	sbr.rel @p0 .LBB2_38-.Ltmp18, $4  }
0x470: {  	s22 =	sshra.s32 s23, $0x2;
	v10 =	vadd.f32 v8, v7;
	v11 =	vmul.f32 v11, v0;
	v7 =	vld [tilespmem:s21+$0x110];
	s19 =	smul.u32 $0x540, s19  }
0x471: {  	v8 =	vld [tilespmem:s22+$0x110];
	s21 =	smul.u32 $0x540, s24;
	v12 =	vmul.f32 v9, v2;
	s1 =	sshra.s32 s1, $0x2  }
0x472: {  	v11 =	vadd.f32 v11, v10;
	v13 =	vmul.f32 v13, v3;
	v9 =	vld [tilespmem:s1+$0x110];
	s20 =	smul.u32 $0x540, s20;
	s1 =	sshra.s32 s19, $0x2  }
0x473: {  	s18 =	sadd.s32 $0x10, s18;
	s15 =	sadd.s32 $0x540, s15;
	s19 =	sshra.s32 s21, $0x2;
	v14 =	vmul.f32 v14, v2;
	v10 =	vld [tilespmem:s1+$0x110]  }
0x474: {  	v3 =	vld [tilespmem:s19+$0x110];
	s1 =	sshra.s32 s20, $0x2  }
0x475: {  	v2 =	vmul.f32 v6, v2;
	v6 =	vld [tilespmem:s1+$0x110]  }
0x476: {  	v4 =	vadd.f32 v4, v14;
	v7 =	vmul.f32 v7, v1  }
0x477: {  	v12 =	vadd.f32 v13, v12;
	v2 =	vadd.f32 v5, v2;
	v5 =	vmul.f32 v8, v1  }
0x478: {  	v1 =	vmul.f32 v9, v1;
	v4 =	vadd.f32 v7, v4;
	v7 =	vmul.f32 v10, v0  }
0x479: {  	v2 =	vadd.f32 v5, v2;
	v3 =	vmul.f32 v3, v0  }
0x47a: {  	v1 =	vadd.f32 v1, v12;
	v4 =	vadd.f32 v7, v4;
	v0 =	vmul.f32 v6, v0  }
0x47b: {  	[tilespmem:s15+$0xFFFFFEB0] =	vst v11;
	v2 =	vadd.f32 v3, v2  }
0x47c: {  	[tilespmem:s15+$0x150] =	vst v4;
	v0 =	vadd.f32 v0, v1  }
0x47d: {  	[tilespmem:s15+$0xFFFFFD60] =	vst v2  }
0x47e: {  	[tilespmem:s15+$0x0] =	vst v0  }
0x47f: {  	v2 =	vld [tilespmem:$0x8460]  }
0x480: {  	v3 =	vld [tilespmem:$0x85B0]  }
0x481: {  	s24 =	simm.s32 $0x4;
	v1 =	vld [tilespmem:$0x8700]  }
0x482: {  	s17 =	sor.u32 $0x5, s24;
	s15 =	simm.s32 $0xC;
	v0 =	vld [tilespmem:$0x8850];
	s16 =	sld [smem:$0x4]  }
0x483: {  	s18 =	sor.u32 $0x5, s15;
	s17 =	sld [smem:s17+$0x0]  }
0x484: {  	s25 =	sor.u32 $0x6, s24;
	s1 =	sor.u32 $0x7, s24;
	s18 =	sld [smem:s18+$0x0]  }
0x485: {  	s22 =	sor.u32 $0x6, s15;
	s19 =	sld [smem:s25+$0x0];
	s16 =	smul.u32 $0x540, s16  }
0x486: {  	s15 =	sor.u32 $0x7, s15;
	s26 =	sld [smem:$0x1];
	s17 =	smul.u32 $0x540, s17  }
0x487: {  	s1 =	sld [smem:s1+$0x0];
	s18 =	smul.u32 $0x540, s18;
	s16 =	sshra.s32 s16, $0x2  }
0x488: {  	s19 =	smul.u32 $0x540, s19;
	v4 =	vld [tilespmem:s16+$0x120];
	s28 =	sshra.s32 s17, $0x2;
	s29 =	sld [smem:$0x8]  }
0x489: {  	s20 =	smul.u32 $0x540, s26;
	s18 =	sshra.s32 s18, $0x2;
	v5 =	vld [tilespmem:s28+$0x120];
	s16 =	sld [smem:$0x9]  }
0x48a: {  	s30 =	sshra.s32 s19, $0x2;
	s1 =	smul.u32 $0x540, s1;
	s21 =	sld [smem:$0xC];
	v8 =	vld [tilespmem:s18+$0x120]  }
0x48b: {  	s20 =	sshra.s32 s20, $0x2;
	s31 =	sld [smem:$0x0];
	v7 =	vld [tilespmem:s30+$0x120];
	s17 =	smul.u32 $0x540, s29  }
0x48c: {  	s1 =	sshra.s32 s1, $0x2;
	v9 =	vld [tilespmem:s20+$0x120];
	s23 =	sld [smem:s22+$0x0];
	s16 =	smul.u32 $0x540, s16  }
0x48d: {  	s20 =	sld [smem:$0x2];
	v10 =	vld [tilespmem:s1+$0x120];
	s24 =	sshra.s32 s17, $0x2;
	s25 =	smul.u32 $0x540, s21  }
0x48e: {  	v4 =	vmul.f32 v4, v2;
	v11 =	vld [tilespmem:s24+$0x120];
	s16 =	sshra.s32 s16, $0x2;
	s26 =	sld [smem:$0xA];
	s19 =	smul.u32 $0x540, s31;
	v5 =	vmul.f32 v5, v3  }
0x48f: {  	v13 =	vld [tilespmem:s16+$0x120];
	s15 =	sld [smem:s15+$0x0];
	s1 =	sshra.s32 s25, $0x2;
	s18 =	smul.u32 $0x540, s23  }
0x490: {  	s16 =	sld [smem:$0x3];
	s19 =	sshra.s32 s19, $0x2;
	v14 =	vld [tilespmem:s1+$0x120];
	s28 =	smul.u32 $0x540, s20;
	v5 =	vadd.f32 v5, v4;
	v12 =	vmul.f32 v7, v1  }
0x491: {  	v6 =	vld [tilespmem:s19+$0x120];
	s17 =	smul.u32 $0x540, s26;
	s18 =	sshra.s32 s18, $0x2  }
0x492: {  	s19 =	sld [smem:$0xB];
	s1 =	sshra.s32 s28, $0x2;
	v7 =	vld [tilespmem:s18+$0x120];
	s29 =	smul.u32 $0x540, s15;
	v15 =	vadd.f32 v12, v5;
	v10 =	vmul.f32 v10, v0  }
0x493: {  	v4 =	vmul.f32 v8, v3;
	s15 =	simm.s32 $0x9040;
	v5 =	vmul.f32 v9, v3;
	v8 =	vld [tilespmem:s1+$0x120];
	s30 =	smul.u32 $0x540, s16;
	s31 =	sshra.s32 s17, $0x2  }
0x494: {  	s16 =	simm.s32 $0x8;
	s17 =	simm.s32 $0x0;
	v12 =	vmul.f32 v11, v2;
	v9 =	vld [tilespmem:s31+$0x120];
	s18 =	sshra.s32 s29, $0x2;
	v11 =	vadd.f32 v10, v15;
	v13 =	vmul.f32 v13, v3  }
0x495: {  	s20 =	smul.u32 $0x540, s19;
	s19 =	sshra.s32 s30, $0x2;
	v14 =	vmul.f32 v14, v2;
	v10 =	vld [tilespmem:s18+$0x120];
	s18 =	simm.s32 $0x1C  }
.LBB2_40:
0x496: {  	s1 =	sadd.s32 $0xFFFFFFF8, s18;
	s17 =	sadd.s32 $0x4, s17;
	v6 =	vmul.f32 v6, v2;
	v15 =	vld [tilespmem:s19+$0x120];
	[tilespmem:s15+$0xFFFFFEB0] =	vst v11;
	v11 =	vadd.f32 v13, v12;
	s16 =	sadd.s32 $0x10, s16  }
0x497: {  	s21 =	sld [smem:s16+$0xFFFFFFFC];
	s19 =	sor.u32 $0x5, s1;
	p0 =	slt.u32 s17, $0xFC;
	v4 =	vadd.f32 v4, v14;
	v7 =	vmul.f32 v7, v1  }
0x498: {  	s23 =	sor.u32 $0x6, s18;
	s22 =	sld [smem:s19+$0x0];
	s19 =	sor.u32 $0x5, s18;
	v5 =	vadd.f32 v5, v6;
	v6 =	vmul.f32 v8, v1  }
0x499: {  	s24 =	sor.u32 $0x6, s1;
	s25 =	sld [smem:s19+$0x0];
	s19 =	sor.u32 $0x7, s18;
	v8 =	vmul.f32 v9, v1;
	v4 =	vadd.f32 v7, v4  }
0x49a: {  	s20 =	sshra.s32 s20, $0x2;
	s21 =	smul.u32 $0x540, s21;
	s24 =	sld [smem:s24+$0x0];
	v5 =	vadd.f32 v6, v5;
	v6 =	vmul.f32 v10, v0  }
0x49b: {  	s1 =	sor.u32 $0x7, s1;
	s26 =	sld [smem:s16+$0xFFFFFFF9];
	s22 =	smul.u32 $0x540, s22;
	v7 =	vmul.f32 v15, v0;
	v8 =	vadd.f32 v8, v11;
	v9 =	vld [tilespmem:s20+$0x120]  }
0x49c: {  	s20 =	sshra.s32 s21, $0x2;
	s1 =	sld [smem:s1+$0x0];
	s21 =	smul.u32 $0x540, s25;
	v4 =	vadd.f32 v6, v4  }
0x49d: {  	v6 =	vld [tilespmem:s20+$0x120];
	s20 =	sshra.s32 s22, $0x2;
	s22 =	smul.u32 $0x540, s24;
	s24 =	sld [smem:s16+$0x0];
	v5 =	vadd.f32 v7, v5  }
0x49e: {  	s25 =	smul.u32 $0x540, s26;
	v7 =	vld [tilespmem:s20+$0x120];
	s20 =	sld [smem:s16+$0x1];
	s21 =	sshra.s32 s21, $0x2;
	[tilespmem:s15+$0x150] =	vst v4  }
0x49f: {  	s22 =	sshra.s32 s22, $0x2;
	s1 =	smul.u32 $0x540, s1;
	s26 =	sld [smem:s16+$0x4];
	v4 =	vld [tilespmem:s21+$0x120];
	[tilespmem:s15+$0xFFFFFD60] =	vst v5  }
0x4a0: {  	s21 =	sld [smem:s16+$0xFFFFFFF8];
	s25 =	sshra.s32 s25, $0x2;
	v5 =	vld [tilespmem:s22+$0x120];
	s22 =	smul.u32 $0x540, s24;
	v9 =	vmul.f32 v9, v0  }
0x4a1: {  	v10 =	vld [tilespmem:s25+$0x120];
	s1 =	sshra.s32 s1, $0x2;
	s20 =	smul.u32 $0x540, s20;
	s23 =	sld [smem:s23+$0x0]  }
0x4a2: {  	s24 =	sld [smem:s16+$0xFFFFFFFA];
	v11 =	vld [tilespmem:s1+$0x120];
	s1 =	sshra.s32 s22, $0x2;
	s22 =	smul.u32 $0x540, s26;
	v8 =	vadd.f32 v9, v8  }
0x4a3: {  	v6 =	vmul.f32 v6, v2;
	s21 =	smul.u32 $0x540, s21;
	v7 =	vmul.f32 v7, v3;
	v9 =	vld [tilespmem:s1+$0x120];
	s1 =	sshra.s32 s20, $0x2;
	s20 =	sld [smem:s16+$0x2]  }
0x4a4: {  	v13 =	vld [tilespmem:s1+$0x120];
	s1 =	sshra.s32 s22, $0x2;
	s22 =	smul.u32 $0x540, s23  }
0x4a5: {  	v4 =	vmul.f32 v4, v3;
	s19 =	sld [smem:s19+$0x0];
	[tilespmem:s15+$0x0] =	vst v8;
	s23 =	smul.u32 $0x540, s24  }
0x4a6: {  	s21 =	sshra.s32 s21, $0x2;
	s24 =	sld [smem:s16+$0xFFFFFFFB];
	v7 =	vadd.f32 v7, v6;
	v8 =	vmul.f32 v5, v1;
	v14 =	vld [tilespmem:s1+$0x120];
	s1 =	smul.u32 $0x540, s20  }
.Ltmp19:
0x4a7: {  	v6 =	vld [tilespmem:s21+$0x120];
	v5 =	vmul.f32 v10, v3;
	s20 =	sld [smem:s16+$0x3];
	s21 =	sshra.s32 s22, $0x2;
	(pc) =	sbr.rel @p0 .LBB2_40-.Ltmp19, $4  }
0x4a8: {  	s22 =	sshra.s32 s23, $0x2;
	v10 =	vadd.f32 v8, v7;
	v11 =	vmul.f32 v11, v0;
	v7 =	vld [tilespmem:s21+$0x120];
	s19 =	smul.u32 $0x540, s19  }
0x4a9: {  	v8 =	vld [tilespmem:s22+$0x120];
	s21 =	smul.u32 $0x540, s24;
	v12 =	vmul.f32 v9, v2;
	s1 =	sshra.s32 s1, $0x2  }
0x4aa: {  	v11 =	vadd.f32 v11, v10;
	v13 =	vmul.f32 v13, v3;
	v9 =	vld [tilespmem:s1+$0x120];
	s20 =	smul.u32 $0x540, s20;
	s1 =	sshra.s32 s19, $0x2  }
0x4ab: {  	s18 =	sadd.s32 $0x10, s18;
	s15 =	sadd.s32 $0x540, s15;
	s19 =	sshra.s32 s21, $0x2;
	v14 =	vmul.f32 v14, v2;
	v10 =	vld [tilespmem:s1+$0x120]  }
0x4ac: {  	v3 =	vld [tilespmem:s19+$0x120];
	s1 =	sshra.s32 s20, $0x2  }
0x4ad: {  	v2 =	vmul.f32 v6, v2;
	v6 =	vld [tilespmem:s1+$0x120]  }
0x4ae: {  	v4 =	vadd.f32 v4, v14;
	v7 =	vmul.f32 v7, v1  }
0x4af: {  	v12 =	vadd.f32 v13, v12;
	v2 =	vadd.f32 v5, v2;
	v5 =	vmul.f32 v8, v1  }
0x4b0: {  	v1 =	vmul.f32 v9, v1;
	v4 =	vadd.f32 v7, v4;
	v7 =	vmul.f32 v10, v0  }
0x4b1: {  	v2 =	vadd.f32 v5, v2;
	v3 =	vmul.f32 v3, v0  }
0x4b2: {  	v1 =	vadd.f32 v1, v12;
	v4 =	vadd.f32 v7, v4;
	v0 =	vmul.f32 v6, v0  }
0x4b3: {  	[tilespmem:s15+$0xFFFFFEB0] =	vst v11;
	v2 =	vadd.f32 v3, v2  }
0x4b4: {  	[tilespmem:s15+$0x150] =	vst v4;
	v0 =	vadd.f32 v0, v1  }
0x4b5: {  	[tilespmem:s15+$0xFFFFFD60] =	vst v2  }
0x4b6: {  	[tilespmem:s15+$0x0] =	vst v0  }
0x4b7: {  	v2 =	vld [tilespmem:$0x8470]  }
0x4b8: {  	v3 =	vld [tilespmem:$0x85C0]  }
0x4b9: {  	s24 =	simm.s32 $0x4;
	v1 =	vld [tilespmem:$0x8710]  }
0x4ba: {  	s17 =	sor.u32 $0x5, s24;
	s15 =	simm.s32 $0xC;
	v0 =	vld [tilespmem:$0x8860];
	s16 =	sld [smem:$0x4]  }
0x4bb: {  	s18 =	sor.u32 $0x5, s15;
	s17 =	sld [smem:s17+$0x0]  }
0x4bc: {  	s25 =	sor.u32 $0x6, s24;
	s1 =	sor.u32 $0x7, s24;
	s18 =	sld [smem:s18+$0x0]  }
0x4bd: {  	s22 =	sor.u32 $0x6, s15;
	s19 =	sld [smem:s25+$0x0];
	s16 =	smul.u32 $0x540, s16  }
0x4be: {  	s15 =	sor.u32 $0x7, s15;
	s26 =	sld [smem:$0x1];
	s17 =	smul.u32 $0x540, s17  }
0x4bf: {  	s1 =	sld [smem:s1+$0x0];
	s18 =	smul.u32 $0x540, s18;
	s16 =	sshra.s32 s16, $0x2  }
0x4c0: {  	s19 =	smul.u32 $0x540, s19;
	v4 =	vld [tilespmem:s16+$0x130];
	s28 =	sshra.s32 s17, $0x2;
	s29 =	sld [smem:$0x8]  }
0x4c1: {  	s20 =	smul.u32 $0x540, s26;
	s18 =	sshra.s32 s18, $0x2;
	v5 =	vld [tilespmem:s28+$0x130];
	s16 =	sld [smem:$0x9]  }
0x4c2: {  	s30 =	sshra.s32 s19, $0x2;
	s1 =	smul.u32 $0x540, s1;
	s21 =	sld [smem:$0xC];
	v8 =	vld [tilespmem:s18+$0x130]  }
0x4c3: {  	s20 =	sshra.s32 s20, $0x2;
	s31 =	sld [smem:$0x0];
	v7 =	vld [tilespmem:s30+$0x130];
	s17 =	smul.u32 $0x540, s29  }
0x4c4: {  	s1 =	sshra.s32 s1, $0x2;
	v9 =	vld [tilespmem:s20+$0x130];
	s23 =	sld [smem:s22+$0x0];
	s16 =	smul.u32 $0x540, s16  }
0x4c5: {  	s20 =	sld [smem:$0x2];
	v10 =	vld [tilespmem:s1+$0x130];
	s24 =	sshra.s32 s17, $0x2;
	s25 =	smul.u32 $0x540, s21  }
0x4c6: {  	v4 =	vmul.f32 v4, v2;
	v11 =	vld [tilespmem:s24+$0x130];
	s16 =	sshra.s32 s16, $0x2;
	s26 =	sld [smem:$0xA];
	s19 =	smul.u32 $0x540, s31;
	v5 =	vmul.f32 v5, v3  }
0x4c7: {  	v13 =	vld [tilespmem:s16+$0x130];
	s15 =	sld [smem:s15+$0x0];
	s1 =	sshra.s32 s25, $0x2;
	s18 =	smul.u32 $0x540, s23  }
0x4c8: {  	s16 =	sld [smem:$0x3];
	s19 =	sshra.s32 s19, $0x2;
	v14 =	vld [tilespmem:s1+$0x130];
	s28 =	smul.u32 $0x540, s20;
	v5 =	vadd.f32 v5, v4;
	v12 =	vmul.f32 v7, v1  }
0x4c9: {  	v6 =	vld [tilespmem:s19+$0x130];
	s17 =	smul.u32 $0x540, s26;
	s18 =	sshra.s32 s18, $0x2  }
0x4ca: {  	s19 =	sld [smem:$0xB];
	s1 =	sshra.s32 s28, $0x2;
	v7 =	vld [tilespmem:s18+$0x130];
	s29 =	smul.u32 $0x540, s15;
	v15 =	vadd.f32 v12, v5;
	v10 =	vmul.f32 v10, v0  }
0x4cb: {  	v4 =	vmul.f32 v8, v3;
	s15 =	simm.s32 $0x9050;
	v5 =	vmul.f32 v9, v3;
	v8 =	vld [tilespmem:s1+$0x130];
	s30 =	smul.u32 $0x540, s16;
	s31 =	sshra.s32 s17, $0x2  }
0x4cc: {  	s16 =	simm.s32 $0x8;
	s17 =	simm.s32 $0x0;
	v12 =	vmul.f32 v11, v2;
	v9 =	vld [tilespmem:s31+$0x130];
	s18 =	sshra.s32 s29, $0x2;
	v11 =	vadd.f32 v10, v15;
	v13 =	vmul.f32 v13, v3  }
0x4cd: {  	s20 =	smul.u32 $0x540, s19;
	s19 =	sshra.s32 s30, $0x2;
	v14 =	vmul.f32 v14, v2;
	v10 =	vld [tilespmem:s18+$0x130];
	s18 =	simm.s32 $0x1C  }
.LBB2_42:
0x4ce: {  	s1 =	sadd.s32 $0xFFFFFFF8, s18;
	s17 =	sadd.s32 $0x4, s17;
	v6 =	vmul.f32 v6, v2;
	v15 =	vld [tilespmem:s19+$0x130];
	[tilespmem:s15+$0xFFFFFEB0] =	vst v11;
	v11 =	vadd.f32 v13, v12;
	s16 =	sadd.s32 $0x10, s16  }
0x4cf: {  	s21 =	sld [smem:s16+$0xFFFFFFFC];
	s19 =	sor.u32 $0x5, s1;
	p0 =	slt.u32 s17, $0xFC;
	v4 =	vadd.f32 v4, v14;
	v7 =	vmul.f32 v7, v1  }
0x4d0: {  	s23 =	sor.u32 $0x6, s18;
	s22 =	sld [smem:s19+$0x0];
	s19 =	sor.u32 $0x5, s18;
	v5 =	vadd.f32 v5, v6;
	v6 =	vmul.f32 v8, v1  }
0x4d1: {  	s24 =	sor.u32 $0x6, s1;
	s25 =	sld [smem:s19+$0x0];
	s19 =	sor.u32 $0x7, s18;
	v8 =	vmul.f32 v9, v1;
	v4 =	vadd.f32 v7, v4  }
0x4d2: {  	s20 =	sshra.s32 s20, $0x2;
	s21 =	smul.u32 $0x540, s21;
	s24 =	sld [smem:s24+$0x0];
	v5 =	vadd.f32 v6, v5;
	v6 =	vmul.f32 v10, v0  }
0x4d3: {  	s1 =	sor.u32 $0x7, s1;
	s26 =	sld [smem:s16+$0xFFFFFFF9];
	s22 =	smul.u32 $0x540, s22;
	v7 =	vmul.f32 v15, v0;
	v8 =	vadd.f32 v8, v11;
	v9 =	vld [tilespmem:s20+$0x130]  }
0x4d4: {  	s20 =	sshra.s32 s21, $0x2;
	s1 =	sld [smem:s1+$0x0];
	s21 =	smul.u32 $0x540, s25;
	v4 =	vadd.f32 v6, v4  }
0x4d5: {  	v6 =	vld [tilespmem:s20+$0x130];
	s20 =	sshra.s32 s22, $0x2;
	s22 =	smul.u32 $0x540, s24;
	s24 =	sld [smem:s16+$0x0];
	v5 =	vadd.f32 v7, v5  }
0x4d6: {  	s25 =	smul.u32 $0x540, s26;
	v7 =	vld [tilespmem:s20+$0x130];
	s20 =	sld [smem:s16+$0x1];
	s21 =	sshra.s32 s21, $0x2;
	[tilespmem:s15+$0x150] =	vst v4  }
0x4d7: {  	s22 =	sshra.s32 s22, $0x2;
	s1 =	smul.u32 $0x540, s1;
	s26 =	sld [smem:s16+$0x4];
	v4 =	vld [tilespmem:s21+$0x130];
	[tilespmem:s15+$0xFFFFFD60] =	vst v5  }
0x4d8: {  	s21 =	sld [smem:s16+$0xFFFFFFF8];
	s25 =	sshra.s32 s25, $0x2;
	v5 =	vld [tilespmem:s22+$0x130];
	s22 =	smul.u32 $0x540, s24;
	v9 =	vmul.f32 v9, v0  }
0x4d9: {  	v10 =	vld [tilespmem:s25+$0x130];
	s1 =	sshra.s32 s1, $0x2;
	s20 =	smul.u32 $0x540, s20;
	s23 =	sld [smem:s23+$0x0]  }
0x4da: {  	s24 =	sld [smem:s16+$0xFFFFFFFA];
	v11 =	vld [tilespmem:s1+$0x130];
	s1 =	sshra.s32 s22, $0x2;
	s22 =	smul.u32 $0x540, s26;
	v8 =	vadd.f32 v9, v8  }
0x4db: {  	v6 =	vmul.f32 v6, v2;
	s21 =	smul.u32 $0x540, s21;
	v7 =	vmul.f32 v7, v3;
	v9 =	vld [tilespmem:s1+$0x130];
	s1 =	sshra.s32 s20, $0x2;
	s20 =	sld [smem:s16+$0x2]  }
0x4dc: {  	v13 =	vld [tilespmem:s1+$0x130];
	s1 =	sshra.s32 s22, $0x2;
	s22 =	smul.u32 $0x540, s23  }
0x4dd: {  	v4 =	vmul.f32 v4, v3;
	s19 =	sld [smem:s19+$0x0];
	[tilespmem:s15+$0x0] =	vst v8;
	s23 =	smul.u32 $0x540, s24  }
0x4de: {  	s21 =	sshra.s32 s21, $0x2;
	s24 =	sld [smem:s16+$0xFFFFFFFB];
	v7 =	vadd.f32 v7, v6;
	v8 =	vmul.f32 v5, v1;
	v14 =	vld [tilespmem:s1+$0x130];
	s1 =	smul.u32 $0x540, s20  }
.Ltmp20:
0x4df: {  	v6 =	vld [tilespmem:s21+$0x130];
	v5 =	vmul.f32 v10, v3;
	s20 =	sld [smem:s16+$0x3];
	s21 =	sshra.s32 s22, $0x2;
	(pc) =	sbr.rel @p0 .LBB2_42-.Ltmp20, $4  }
0x4e0: {  	s22 =	sshra.s32 s23, $0x2;
	v10 =	vadd.f32 v8, v7;
	v11 =	vmul.f32 v11, v0;
	v7 =	vld [tilespmem:s21+$0x130];
	s19 =	smul.u32 $0x540, s19  }
0x4e1: {  	v8 =	vld [tilespmem:s22+$0x130];
	s21 =	smul.u32 $0x540, s24;
	v12 =	vmul.f32 v9, v2;
	s1 =	sshra.s32 s1, $0x2  }
0x4e2: {  	v11 =	vadd.f32 v11, v10;
	v13 =	vmul.f32 v13, v3;
	v9 =	vld [tilespmem:s1+$0x130];
	s20 =	smul.u32 $0x540, s20;
	s1 =	sshra.s32 s19, $0x2  }
0x4e3: {  	s18 =	sadd.s32 $0x10, s18;
	s15 =	sadd.s32 $0x540, s15;
	s19 =	sshra.s32 s21, $0x2;
	v14 =	vmul.f32 v14, v2;
	v10 =	vld [tilespmem:s1+$0x130]  }
0x4e4: {  	v3 =	vld [tilespmem:s19+$0x130];
	s1 =	sshra.s32 s20, $0x2  }
0x4e5: {  	v2 =	vmul.f32 v6, v2;
	v6 =	vld [tilespmem:s1+$0x130]  }
0x4e6: {  	v4 =	vadd.f32 v4, v14;
	v7 =	vmul.f32 v7, v1  }
0x4e7: {  	v12 =	vadd.f32 v13, v12;
	v2 =	vadd.f32 v5, v2;
	v5 =	vmul.f32 v8, v1  }
0x4e8: {  	v1 =	vmul.f32 v9, v1;
	v4 =	vadd.f32 v7, v4;
	v7 =	vmul.f32 v10, v0  }
0x4e9: {  	v2 =	vadd.f32 v5, v2;
	v3 =	vmul.f32 v3, v0  }
0x4ea: {  	v1 =	vadd.f32 v1, v12;
	v4 =	vadd.f32 v7, v4;
	v0 =	vmul.f32 v6, v0  }
0x4eb: {  	[tilespmem:s15+$0xFFFFFEB0] =	vst v11;
	v2 =	vadd.f32 v3, v2  }
0x4ec: {  	[tilespmem:s15+$0x150] =	vst v4;
	v0 =	vadd.f32 v0, v1  }
0x4ed: {  	[tilespmem:s15+$0xFFFFFD60] =	vst v2  }
0x4ee: {  	[tilespmem:s15+$0x0] =	vst v0  }
0x4ef: {  	v2 =	vld [tilespmem:$0x8480]  }
0x4f0: {  	v3 =	vld [tilespmem:$0x85D0]  }
0x4f1: {  	s26 =	simm.s32 $0x4;
	v1 =	vld [tilespmem:$0x8720]  }
0x4f2: {  	s17 =	sor.u32 $0x5, s26;
	s15 =	simm.s32 $0xC;
	v0 =	vld [tilespmem:$0x8870];
	s16 =	sld [smem:$0x4]  }
0x4f3: {  	s18 =	sor.u32 $0x5, s15;
	s17 =	sld [smem:s17+$0x0]  }
0x4f4: {  	s28 =	sor.u32 $0x6, s26;
	s1 =	sor.u32 $0x7, s26;
	s18 =	sld [smem:s18+$0x0]  }
0x4f5: {  	s22 =	sor.u32 $0x6, s15;
	s19 =	sld [smem:s28+$0x0];
	s16 =	smul.u32 $0x540, s16  }
0x4f6: {  	s15 =	sor.u32 $0x7, s15;
	s29 =	sld [smem:$0x1];
	s17 =	smul.u32 $0x540, s17  }
0x4f7: {  	s1 =	sld [smem:s1+$0x0];
	s18 =	smul.u32 $0x540, s18;
	s16 =	sshra.s32 s16, $0x2  }
0x4f8: {  	s19 =	smul.u32 $0x540, s19;
	v4 =	vld [tilespmem:s16+$0x140];
	s30 =	sshra.s32 s17, $0x2;
	s31 =	sld [smem:$0x8]  }
0x4f9: {  	s20 =	smul.u32 $0x540, s29;
	s18 =	sshra.s32 s18, $0x2;
	v5 =	vld [tilespmem:s30+$0x140];
	s16 =	sld [smem:$0x9]  }
0x4fa: {  	s23 =	sshra.s32 s19, $0x2;
	s1 =	smul.u32 $0x540, s1;
	s21 =	sld [smem:$0xC];
	v6 =	vld [tilespmem:s18+$0x140]  }
0x4fb: {  	s20 =	sshra.s32 s20, $0x2;
	s24 =	sld [smem:$0x0];
	v8 =	vld [tilespmem:s23+$0x140];
	s17 =	smul.u32 $0x540, s31  }
0x4fc: {  	s1 =	sshra.s32 s1, $0x2;
	v10 =	vld [tilespmem:s20+$0x140];
	s25 =	sld [smem:s22+$0x0];
	s16 =	smul.u32 $0x540, s16  }
0x4fd: {  	s20 =	sld [smem:$0x2];
	v9 =	vld [tilespmem:s1+$0x140];
	s26 =	sshra.s32 s17, $0x2;
	s28 =	smul.u32 $0x540, s21  }
0x4fe: {  	v4 =	vmul.f32 v4, v2;
	v11 =	vld [tilespmem:s26+$0x140];
	s16 =	sshra.s32 s16, $0x2;
	s29 =	sld [smem:$0xA];
	s19 =	smul.u32 $0x540, s24;
	v5 =	vmul.f32 v5, v3  }
0x4ff: {  	v14 =	vld [tilespmem:s16+$0x140];
	s30 =	sld [smem:s15+$0x0];
	s1 =	sshra.s32 s28, $0x2;
	s22 =	smul.u32 $0x540, s25  }
0x500: {  	s31 =	sld [smem:$0x3];
	s23 =	sshra.s32 s19, $0x2;
	v15 =	vld [tilespmem:s1+$0x140];
	s24 =	smul.u32 $0x540, s20;
	v4 =	vadd.f32 v5, v4;
	v12 =	vmul.f32 v8, v1  }
0x501: {  	s18 =	simm.s32 $0x0;
	v7 =	vld [tilespmem:s23+$0x140];
	s25 =	smul.u32 $0x540, s29;
	s28 =	sshra.s32 s22, $0x2  }
0x502: {  	s26 =	sld [smem:$0xB];
	s1 =	sshra.s32 s24, $0x2;
	v8 =	vld [tilespmem:s28+$0x140];
	s16 =	smul.u32 $0x540, s30;
	v4 =	vadd.f32 v12, v4;
	v12 =	vmul.f32 v9, v0  }
0x503: {  	s17 =	simm.s32 $0x8;
	v5 =	vmul.f32 v6, v3;
	v6 =	vmul.f32 v10, v3;
	v9 =	vld [tilespmem:s1+$0x140];
	s29 =	smul.u32 $0x540, s31;
	s30 =	sshra.s32 s25, $0x2  }
0x504: {  	s15 =	simm.s32 $0x9060;
	s19 =	simm.s32 $0x1C;
	v13 =	vmul.f32 v11, v2;
	v10 =	vld [tilespmem:s30+$0x140];
	s31 =	sshra.s32 s16, $0x2;
	v12 =	vadd.f32 v12, v4;
	v14 =	vmul.f32 v14, v3  }
0x505: {  	s21 =	smul.u32 $0x540, s26;
	s16 =	simm.s32 $0x9070;
	s20 =	sshra.s32 s29, $0x2;
	v15 =	vmul.f32 v15, v2;
	v11 =	vld [tilespmem:s31+$0x140]  }
.LBB2_44:
0x506: {  	s1 =	sadd.s32 $0xFFFFFFF8, s19;
	s18 =	sadd.s32 $0x4, s18;
	v7 =	vmul.f32 v7, v2;
	v16 =	vld [tilespmem:s20+$0x140];
	[tilespmem:s15+$0xFFFFFEB0] =	vst v12;
	v12 =	vadd.f32 v14, v13;
	s17 =	sadd.s32 $0x10, s17;
	v4 =	vimm.f32 $0.0e+00  }
0x507: {  	s22 =	sld [smem:s17+$0xFFFFFFFC];
	s20 =	sor.u32 $0x5, s1;
	p0 =	slt.u32 s18, $0xFC;
	v5 =	vadd.f32 v5, v15;
	v8 =	vmul.f32 v8, v1  }
0x508: {  	s24 =	sor.u32 $0x6, s19;
	s23 =	sld [smem:s20+$0x0];
	s20 =	sor.u32 $0x5, s19;
	v6 =	vadd.f32 v6, v7;
	v7 =	vmul.f32 v9, v1  }
0x509: {  	s25 =	sor.u32 $0x6, s1;
	s26 =	sld [smem:s20+$0x0];
	s20 =	sor.u32 $0x7, s19;
	v9 =	vmul.f32 v10, v1;
	v5 =	vadd.f32 v8, v5  }
0x50a: {  	s21 =	sshra.s32 s21, $0x2;
	s22 =	smul.u32 $0x540, s22;
	s25 =	sld [smem:s25+$0x0];
	v6 =	vadd.f32 v7, v6;
	v7 =	vmul.f32 v11, v0  }
0x50b: {  	s1 =	sor.u32 $0x7, s1;
	s28 =	sld [smem:s17+$0xFFFFFFF9];
	s23 =	smul.u32 $0x540, s23;
	v8 =	vmul.f32 v16, v0;
	v9 =	vadd.f32 v9, v12;
	v10 =	vld [tilespmem:s21+$0x140]  }
0x50c: {  	s21 =	sshra.s32 s22, $0x2;
	s1 =	sld [smem:s1+$0x0];
	s22 =	smul.u32 $0x540, s26;
	v5 =	vadd.f32 v7, v5  }
0x50d: {  	v7 =	vld [tilespmem:s21+$0x140];
	s21 =	sshra.s32 s23, $0x2;
	s23 =	smul.u32 $0x540, s25;
	s25 =	sld [smem:s17+$0x0];
	v6 =	vadd.f32 v8, v6  }
0x50e: {  	s26 =	smul.u32 $0x540, s28;
	v8 =	vld [tilespmem:s21+$0x140];
	s21 =	sld [smem:s17+$0x1];
	s22 =	sshra.s32 s22, $0x2;
	[tilespmem:s15+$0x150] =	vst v5  }
0x50f: {  	s23 =	sshra.s32 s23, $0x2;
	s1 =	smul.u32 $0x540, s1;
	s28 =	sld [smem:s17+$0x4];
	v5 =	vld [tilespmem:s22+$0x140];
	[tilespmem:s15+$0xFFFFFD60] =	vst v6  }
0x510: {  	s22 =	sld [smem:s17+$0xFFFFFFF8];
	s26 =	sshra.s32 s26, $0x2;
	v6 =	vld [tilespmem:s23+$0x140];
	s23 =	smul.u32 $0x540, s25;
	v10 =	vmul.f32 v10, v0  }
0x511: {  	v11 =	vld [tilespmem:s26+$0x140];
	s1 =	sshra.s32 s1, $0x2;
	s21 =	smul.u32 $0x540, s21;
	s24 =	sld [smem:s24+$0x0]  }
0x512: {  	s25 =	sld [smem:s17+$0xFFFFFFFA];
	v12 =	vld [tilespmem:s1+$0x140];
	s1 =	sshra.s32 s23, $0x2;
	s23 =	smul.u32 $0x540, s28;
	v9 =	vadd.f32 v10, v9  }
0x513: {  	v7 =	vmul.f32 v7, v2;
	s22 =	smul.u32 $0x540, s22;
	v8 =	vmul.f32 v8, v3;
	v10 =	vld [tilespmem:s1+$0x140];
	s1 =	sshra.s32 s21, $0x2;
	s21 =	sld [smem:s17+$0x2]  }
0x514: {  	v14 =	vld [tilespmem:s1+$0x140];
	s1 =	sshra.s32 s23, $0x2;
	s23 =	smul.u32 $0x540, s24  }
0x515: {  	v5 =	vmul.f32 v5, v3;
	s20 =	sld [smem:s20+$0x0];
	[tilespmem:s15+$0x0] =	vst v9;
	s24 =	smul.u32 $0x540, s25  }
0x516: {  	s22 =	sshra.s32 s22, $0x2;
	s25 =	sld [smem:s17+$0xFFFFFFFB];
	v8 =	vadd.f32 v8, v7;
	v9 =	vmul.f32 v6, v1;
	v15 =	vld [tilespmem:s1+$0x140];
	s1 =	smul.u32 $0x540, s21  }
.Ltmp21:
0x517: {  	v7 =	vld [tilespmem:s22+$0x140];
	v6 =	vmul.f32 v11, v3;
	s21 =	sld [smem:s17+$0x3];
	s22 =	sshra.s32 s23, $0x2;
	(pc) =	sbr.rel @p0 .LBB2_44-.Ltmp21, $4  }
0x518: {  	s23 =	sshra.s32 s24, $0x2;
	v11 =	vadd.f32 v9, v8;
	v12 =	vmul.f32 v12, v0;
	v8 =	vld [tilespmem:s22+$0x140];
	s20 =	smul.u32 $0x540, s20  }
0x519: {  	v9 =	vld [tilespmem:s23+$0x140];
	s22 =	smul.u32 $0x540, s25;
	v13 =	vmul.f32 v10, v2;
	s1 =	sshra.s32 s1, $0x2  }
0x51a: {  	v12 =	vadd.f32 v12, v11;
	v14 =	vmul.f32 v14, v3;
	v10 =	vld [tilespmem:s1+$0x140];
	s21 =	smul.u32 $0x540, s21;
	s1 =	sshra.s32 s20, $0x2  }
0x51b: {  	s19 =	sadd.s32 $0x10, s19;
	s15 =	sadd.s32 $0x540, s15;
	s20 =	sshra.s32 s22, $0x2;
	v15 =	vmul.f32 v15, v2;
	v11 =	vld [tilespmem:s1+$0x140]  }
0x51c: {  	v3 =	vld [tilespmem:s20+$0x140];
	s1 =	sshra.s32 s21, $0x2  }
0x51d: {  	v2 =	vmul.f32 v7, v2;
	v7 =	vld [tilespmem:s1+$0x140]  }
0x51e: {  	v5 =	vadd.f32 v5, v15;
	v8 =	vmul.f32 v8, v1  }
0x51f: {  	v13 =	vadd.f32 v14, v13;
	v2 =	vadd.f32 v6, v2;
	v6 =	vmul.f32 v9, v1  }
0x520: {  	v1 =	vmul.f32 v10, v1;
	v5 =	vadd.f32 v8, v5;
	v8 =	vmul.f32 v11, v0  }
0x521: {  	v2 =	vadd.f32 v6, v2;
	v3 =	vmul.f32 v3, v0  }
0x522: {  	v1 =	vadd.f32 v1, v13;
	v5 =	vadd.f32 v8, v5;
	v0 =	vmul.f32 v7, v0  }
0x523: {  	[tilespmem:s15+$0xFFFFFEB0] =	vst v12;
	v2 =	vadd.f32 v3, v2  }
0x524: {  	[tilespmem:s15+$0x150] =	vst v5;
	v0 =	vadd.f32 v0, v1  }
0x525: {  	[tilespmem:s15+$0xFFFFFD60] =	vst v2  }
0x526: {  	[tilespmem:s15+$0x0] =	vst v0  }
0x527: {  	v1 =	vld [tilespmem:s16+$0x152]  }
0x528: {  	v0 =	vld [tilespmem:s16+$0x2]  }
0x529: {  	v5 =	vld [tilespmem:s16+$0xFFFFFEB2]  }
0x52a: {  	v2 =	vld [tilespmem:s16+$0xFFFFFC10]  }
0x52b: {  	v6 =	vld [tilespmem:s16+$0xFFFFFD61]  }
0x52c: {  	v9 =	vld [tilespmem:s16+$0xFFFFFD60]  }
0x52d: {  	v10 =	vld [tilespmem:s16+$0xFFFFFEB1]  }
0x52e: {  	v3 =	vld [tilespmem:s16+$0xFFFFFEB0]  }
0x52f: {  	v7 =	vld [tilespmem:s16+$0x1]  }
0x530: {  	v8 =	vmul.f32 v6, v2;
	v2 =	vld [tilespmem:s16+$0x0]  }
0x531: {  	v6 =	vld [tilespmem:s16+$0x151]  }
0x532: {  	s15 =	simm.s32 $0x0;
	v9 =	vmul.f32 v10, v9;
	v8 =	vmul.f32 v5, v8;
	v5 =	vld [tilespmem:s16+$0x2A2];
	s16 =	simm.s32 $0x95B0  }
.LBB2_46:
0x533: {  	v10 =	vld [tilespmem:s16+$0x152]  }
0x534: {  	v4 =	vadd.f32 v8, v4;
	v8 =	vmul.f32 v0, v9;
	v0 =	vld [tilespmem:s16+$0x2];
	v3 =	vmul.f32 v7, v3  }
0x535: {  	v9 =	vld [tilespmem:s16+$0xFFFFFEB2]  }
0x536: {  	v11 =	vld [tilespmem:s16+$0xFFFFFC10];
	v4 =	vadd.f32 v8, v4;
	v3 =	vmul.f32 v1, v3;
	v2 =	vmul.f32 v6, v2  }
0x537: {  	s15 =	sadd.s32 $0x4, s15;
	v6 =	vld [tilespmem:s16+$0xFFFFFD61]  }
0x538: {  	p0 =	slt.u32 s15, $0xF8;
	v12 =	vld [tilespmem:s16+$0xFFFFFD60];
	v4 =	vadd.f32 v3, v4;
	v2 =	vmul.f32 v5, v2;
	v1 =	vmov v10  }
0x539: {  	v5 =	vld [tilespmem:s16+$0xFFFFFEB1]  }
.Ltmp22:
0x53a: {  	v3 =	vld [tilespmem:s16+$0xFFFFFEB0];
	v4 =	vadd.f32 v2, v4;
	(pc) =	sbr.rel @p0 .LBB2_46-.Ltmp22, $4  }
0x53b: {  	v7 =	vld [tilespmem:s16+$0x1]  }
0x53c: {  	v8 =	vmul.f32 v6, v11;
	v2 =	vld [tilespmem:s16+$0x0]  }
0x53d: {  	v6 =	vld [tilespmem:s16+$0x151]  }
0x53e: {  	v8 =	vmul.f32 v9, v8;
	v9 =	vmul.f32 v5, v12;
	v5 =	vld [tilespmem:s16+$0x2A2];
	s16 =	sadd.s32 $0x540, s16  }
0x53f: {  	_ = 	snop  }
0x540: {  	v4 =	vadd.f32 v8, v4;
	v0 =	vmul.f32 v0, v9;
	v3 =	vmul.f32 v7, v3;
	_ =	sdelay $0x1  }
0x541: {  	v0 =	vadd.f32 v0, v4;
	v1 =	vmul.f32 v1, v3;
	v2 =	vmul.f32 v6, v2;
	_ =	sdelay $0x1  }
0x542: {  	v0 =	vadd.f32 v1, v0;
	v1 =	vmul.f32 v5, v2;
	_ =	sdelay $0x1  }
0x543: {  	s15 =	simm.s32 $0x0;
	v0 =	vadd.f32 v1, v0  }
.LBB2_48:
0x544: {  	s1 =	sshra.s32 s15, $0x2  }
0x545: {  	v1 =	vld [tilespmem:s1+$0x1D740]  }
0x546: {  	v2 =	vld [tilespmem:s1+$0x1D891];
	_ =	sdelay $0x1  }
0x547: {  	v3 =	vld [tilespmem:s1+$0x1D9E2];
	_ =	sdelay $0x1  }
0x548: {  	p0 =	sne.s32 s15, $0x540  }
.Ltmp23:
0x549: {  	v1 =	vmul.f32 v2, v1;
	(pc) =	sbr.rel @p0 .LBB2_48-.Ltmp23, $3  }
0x54a: {  	_ = 	snop  }
0x54b: {  	v1 =	vmul.f32 v3, v1;
	_ =	sdelay $0x1  }
0x54c: {  	s15 =	sadd.s32 $0x540, s15;
	v0 =	vadd.f32 v1, v0  }
0x54d: {  	_ = 	snop  }
0x54e: {  	s1 =	simm.s32 $0x9080;
	[tilespmem:$0x1DC80] =	vst v0  }
0x54f: {  	v1 =	vld [tilespmem:s1+$0x152]  }
0x550: {  	v0 =	vld [tilespmem:s1+$0x2]  }
0x551: {  	v4 =	vld [tilespmem:s1+$0xFFFFFEB2]  }
0x552: {  	v2 =	vld [tilespmem:s1+$0xFFFFFC10]  }
0x553: {  	v5 =	vld [tilespmem:s1+$0xFFFFFD61]  }
0x554: {  	v9 =	vld [tilespmem:s1+$0xFFFFFD60]  }
0x555: {  	v10 =	vld [tilespmem:s1+$0xFFFFFEB1]  }
0x556: {  	v3 =	vld [tilespmem:s1+$0xFFFFFEB0]  }
0x557: {  	v6 =	vld [tilespmem:s1+$0x1]  }
0x558: {  	v8 =	vmul.f32 v5, v2;
	v2 =	vld [tilespmem:s1+$0x0]  }
0x559: {  	v5 =	vld [tilespmem:s1+$0x151]  }
0x55a: {  	v7 =	vimm.f32 $0.0e+00;
	s15 =	simm.s32 $0x0;
	s16 =	simm.s32 $0x95C0;
	v9 =	vmul.f32 v10, v9;
	v8 =	vmul.f32 v4, v8;
	v4 =	vld [tilespmem:s1+$0x2A2]  }
.LBB2_50:
0x55b: {  	v10 =	vld [tilespmem:s16+$0x152]  }
0x55c: {  	v7 =	vadd.f32 v8, v7;
	v8 =	vmul.f32 v0, v9;
	v0 =	vld [tilespmem:s16+$0x2];
	v3 =	vmul.f32 v6, v3  }
0x55d: {  	v9 =	vld [tilespmem:s16+$0xFFFFFEB2]  }
0x55e: {  	v11 =	vld [tilespmem:s16+$0xFFFFFC10];
	v6 =	vadd.f32 v8, v7;
	v3 =	vmul.f32 v1, v3;
	v2 =	vmul.f32 v5, v2  }
0x55f: {  	s15 =	sadd.s32 $0x4, s15;
	v5 =	vld [tilespmem:s16+$0xFFFFFD61]  }
0x560: {  	p0 =	slt.u32 s15, $0xF8;
	v12 =	vld [tilespmem:s16+$0xFFFFFD60];
	v6 =	vadd.f32 v3, v6;
	v2 =	vmul.f32 v4, v2;
	v1 =	vmov v10  }
0x561: {  	v4 =	vld [tilespmem:s16+$0xFFFFFEB1]  }
.Ltmp24:
0x562: {  	v3 =	vld [tilespmem:s16+$0xFFFFFEB0];
	v7 =	vadd.f32 v2, v6;
	(pc) =	sbr.rel @p0 .LBB2_50-.Ltmp24, $4  }
0x563: {  	v6 =	vld [tilespmem:s16+$0x1]  }
0x564: {  	v8 =	vmul.f32 v5, v11;
	v2 =	vld [tilespmem:s16+$0x0]  }
0x565: {  	v5 =	vld [tilespmem:s16+$0x151]  }
0x566: {  	v8 =	vmul.f32 v9, v8;
	v9 =	vmul.f32 v4, v12;
	v4 =	vld [tilespmem:s16+$0x2A2];
	s16 =	sadd.s32 $0x540, s16  }
0x567: {  	_ = 	snop  }
0x568: {  	v7 =	vadd.f32 v8, v7;
	v0 =	vmul.f32 v0, v9;
	v3 =	vmul.f32 v6, v3;
	_ =	sdelay $0x1  }
0x569: {  	v0 =	vadd.f32 v0, v7;
	v1 =	vmul.f32 v1, v3;
	v2 =	vmul.f32 v5, v2;
	_ =	sdelay $0x1  }
0x56a: {  	v0 =	vadd.f32 v1, v0;
	v1 =	vmul.f32 v4, v2;
	_ =	sdelay $0x1  }
0x56b: {  	s15 =	simm.s32 $0x0;
	v0 =	vadd.f32 v1, v0  }
.LBB2_52:
0x56c: {  	s1 =	sshra.s32 s15, $0x2  }
0x56d: {  	v1 =	vld [tilespmem:s1+$0x1D750]  }
0x56e: {  	v2 =	vld [tilespmem:s1+$0x1D8A1];
	_ =	sdelay $0x1  }
0x56f: {  	v3 =	vld [tilespmem:s1+$0x1D9F2];
	_ =	sdelay $0x1  }
0x570: {  	p0 =	sne.s32 s15, $0x540  }
.Ltmp25:
0x571: {  	v1 =	vmul.f32 v2, v1;
	(pc) =	sbr.rel @p0 .LBB2_52-.Ltmp25, $3  }
0x572: {  	_ = 	snop  }
0x573: {  	v1 =	vmul.f32 v3, v1;
	_ =	sdelay $0x1  }
0x574: {  	s15 =	sadd.s32 $0x540, s15;
	v0 =	vadd.f32 v1, v0  }
0x575: {  	_ = 	snop  }
0x576: {  	s1 =	simm.s32 $0x9090;
	[tilespmem:$0x1DC90] =	vst v0  }
0x577: {  	v1 =	vld [tilespmem:s1+$0x152]  }
0x578: {  	v0 =	vld [tilespmem:s1+$0x2]  }
0x579: {  	v4 =	vld [tilespmem:s1+$0xFFFFFEB2]  }
0x57a: {  	v2 =	vld [tilespmem:s1+$0xFFFFFC10]  }
0x57b: {  	v5 =	vld [tilespmem:s1+$0xFFFFFD61]  }
0x57c: {  	v9 =	vld [tilespmem:s1+$0xFFFFFD60]  }
0x57d: {  	v10 =	vld [tilespmem:s1+$0xFFFFFEB1]  }
0x57e: {  	v3 =	vld [tilespmem:s1+$0xFFFFFEB0]  }
0x57f: {  	v6 =	vld [tilespmem:s1+$0x1]  }
0x580: {  	v8 =	vmul.f32 v5, v2;
	v2 =	vld [tilespmem:s1+$0x0]  }
0x581: {  	v5 =	vld [tilespmem:s1+$0x151]  }
0x582: {  	v7 =	vimm.f32 $0.0e+00;
	s15 =	simm.s32 $0x0;
	s16 =	simm.s32 $0x95D0;
	v9 =	vmul.f32 v10, v9;
	v8 =	vmul.f32 v4, v8;
	v4 =	vld [tilespmem:s1+$0x2A2]  }
.LBB2_54:
0x583: {  	v10 =	vld [tilespmem:s16+$0x152]  }
0x584: {  	v7 =	vadd.f32 v8, v7;
	v8 =	vmul.f32 v0, v9;
	v0 =	vld [tilespmem:s16+$0x2];
	v3 =	vmul.f32 v6, v3  }
0x585: {  	v9 =	vld [tilespmem:s16+$0xFFFFFEB2]  }
0x586: {  	v11 =	vld [tilespmem:s16+$0xFFFFFC10];
	v6 =	vadd.f32 v8, v7;
	v3 =	vmul.f32 v1, v3;
	v2 =	vmul.f32 v5, v2  }
0x587: {  	s15 =	sadd.s32 $0x4, s15;
	v5 =	vld [tilespmem:s16+$0xFFFFFD61]  }
0x588: {  	p0 =	slt.u32 s15, $0xF8;
	v12 =	vld [tilespmem:s16+$0xFFFFFD60];
	v6 =	vadd.f32 v3, v6;
	v2 =	vmul.f32 v4, v2;
	v1 =	vmov v10  }
0x589: {  	v4 =	vld [tilespmem:s16+$0xFFFFFEB1]  }
.Ltmp26:
0x58a: {  	v3 =	vld [tilespmem:s16+$0xFFFFFEB0];
	v7 =	vadd.f32 v2, v6;
	(pc) =	sbr.rel @p0 .LBB2_54-.Ltmp26, $4  }
0x58b: {  	v6 =	vld [tilespmem:s16+$0x1]  }
0x58c: {  	v8 =	vmul.f32 v5, v11;
	v2 =	vld [tilespmem:s16+$0x0]  }
0x58d: {  	v5 =	vld [tilespmem:s16+$0x151]  }
0x58e: {  	v8 =	vmul.f32 v9, v8;
	v9 =	vmul.f32 v4, v12;
	v4 =	vld [tilespmem:s16+$0x2A2];
	s16 =	sadd.s32 $0x540, s16  }
0x58f: {  	_ = 	snop  }
0x590: {  	v7 =	vadd.f32 v8, v7;
	v0 =	vmul.f32 v0, v9;
	v3 =	vmul.f32 v6, v3;
	_ =	sdelay $0x1  }
0x591: {  	v0 =	vadd.f32 v0, v7;
	v1 =	vmul.f32 v1, v3;
	v2 =	vmul.f32 v5, v2;
	_ =	sdelay $0x1  }
0x592: {  	v0 =	vadd.f32 v1, v0;
	v1 =	vmul.f32 v4, v2;
	_ =	sdelay $0x1  }
0x593: {  	s15 =	simm.s32 $0x0;
	v0 =	vadd.f32 v1, v0  }
.LBB2_56:
0x594: {  	s1 =	sshra.s32 s15, $0x2  }
0x595: {  	v1 =	vld [tilespmem:s1+$0x1D760]  }
0x596: {  	v2 =	vld [tilespmem:s1+$0x1D8B1];
	_ =	sdelay $0x1  }
0x597: {  	v3 =	vld [tilespmem:s1+$0x1DA02];
	_ =	sdelay $0x1  }
0x598: {  	p0 =	sne.s32 s15, $0x540  }
.Ltmp27:
0x599: {  	v1 =	vmul.f32 v2, v1;
	(pc) =	sbr.rel @p0 .LBB2_56-.Ltmp27, $3  }
0x59a: {  	_ = 	snop  }
0x59b: {  	v1 =	vmul.f32 v3, v1;
	_ =	sdelay $0x1  }
0x59c: {  	s15 =	sadd.s32 $0x540, s15;
	v0 =	vadd.f32 v1, v0  }
0x59d: {  	_ = 	snop  }
0x59e: {  	s1 =	simm.s32 $0x90A0;
	[tilespmem:$0x1DCA0] =	vst v0  }
0x59f: {  	v1 =	vld [tilespmem:s1+$0x152]  }
0x5a0: {  	v0 =	vld [tilespmem:s1+$0x2]  }
0x5a1: {  	v4 =	vld [tilespmem:s1+$0xFFFFFEB2]  }
0x5a2: {  	v2 =	vld [tilespmem:s1+$0xFFFFFC10]  }
0x5a3: {  	v5 =	vld [tilespmem:s1+$0xFFFFFD61]  }
0x5a4: {  	v9 =	vld [tilespmem:s1+$0xFFFFFD60]  }
0x5a5: {  	v10 =	vld [tilespmem:s1+$0xFFFFFEB1]  }
0x5a6: {  	v3 =	vld [tilespmem:s1+$0xFFFFFEB0]  }
0x5a7: {  	v6 =	vld [tilespmem:s1+$0x1]  }
0x5a8: {  	v8 =	vmul.f32 v5, v2;
	v2 =	vld [tilespmem:s1+$0x0]  }
0x5a9: {  	v5 =	vld [tilespmem:s1+$0x151]  }
0x5aa: {  	v7 =	vimm.f32 $0.0e+00;
	s15 =	simm.s32 $0x0;
	s16 =	simm.s32 $0x95E0;
	v9 =	vmul.f32 v10, v9;
	v8 =	vmul.f32 v4, v8;
	v4 =	vld [tilespmem:s1+$0x2A2]  }
.LBB2_58:
0x5ab: {  	v10 =	vld [tilespmem:s16+$0x152]  }
0x5ac: {  	v7 =	vadd.f32 v8, v7;
	v8 =	vmul.f32 v0, v9;
	v0 =	vld [tilespmem:s16+$0x2];
	v3 =	vmul.f32 v6, v3  }
0x5ad: {  	v9 =	vld [tilespmem:s16+$0xFFFFFEB2]  }
0x5ae: {  	v11 =	vld [tilespmem:s16+$0xFFFFFC10];
	v6 =	vadd.f32 v8, v7;
	v3 =	vmul.f32 v1, v3;
	v2 =	vmul.f32 v5, v2  }
0x5af: {  	s15 =	sadd.s32 $0x4, s15;
	v5 =	vld [tilespmem:s16+$0xFFFFFD61]  }
0x5b0: {  	p0 =	slt.u32 s15, $0xF8;
	v12 =	vld [tilespmem:s16+$0xFFFFFD60];
	v6 =	vadd.f32 v3, v6;
	v2 =	vmul.f32 v4, v2;
	v1 =	vmov v10  }
0x5b1: {  	v4 =	vld [tilespmem:s16+$0xFFFFFEB1]  }
.Ltmp28:
0x5b2: {  	v3 =	vld [tilespmem:s16+$0xFFFFFEB0];
	v7 =	vadd.f32 v2, v6;
	(pc) =	sbr.rel @p0 .LBB2_58-.Ltmp28, $4  }
0x5b3: {  	v6 =	vld [tilespmem:s16+$0x1]  }
0x5b4: {  	v8 =	vmul.f32 v5, v11;
	v2 =	vld [tilespmem:s16+$0x0]  }
0x5b5: {  	v5 =	vld [tilespmem:s16+$0x151]  }
0x5b6: {  	v8 =	vmul.f32 v9, v8;
	v9 =	vmul.f32 v4, v12;
	v4 =	vld [tilespmem:s16+$0x2A2];
	s16 =	sadd.s32 $0x540, s16  }
0x5b7: {  	_ = 	snop  }
0x5b8: {  	v7 =	vadd.f32 v8, v7;
	v0 =	vmul.f32 v0, v9;
	v3 =	vmul.f32 v6, v3;
	_ =	sdelay $0x1  }
0x5b9: {  	v0 =	vadd.f32 v0, v7;
	v1 =	vmul.f32 v1, v3;
	v2 =	vmul.f32 v5, v2;
	_ =	sdelay $0x1  }
0x5ba: {  	v0 =	vadd.f32 v1, v0;
	v1 =	vmul.f32 v4, v2;
	_ =	sdelay $0x1  }
0x5bb: {  	s15 =	simm.s32 $0x0;
	v0 =	vadd.f32 v1, v0  }
.LBB2_60:
0x5bc: {  	s1 =	sshra.s32 s15, $0x2  }
0x5bd: {  	v1 =	vld [tilespmem:s1+$0x1D770]  }
0x5be: {  	v2 =	vld [tilespmem:s1+$0x1D8C1];
	_ =	sdelay $0x1  }
0x5bf: {  	v3 =	vld [tilespmem:s1+$0x1DA12];
	_ =	sdelay $0x1  }
0x5c0: {  	p0 =	sne.s32 s15, $0x540  }
.Ltmp29:
0x5c1: {  	v1 =	vmul.f32 v2, v1;
	(pc) =	sbr.rel @p0 .LBB2_60-.Ltmp29, $3  }
0x5c2: {  	_ = 	snop  }
0x5c3: {  	v1 =	vmul.f32 v3, v1;
	_ =	sdelay $0x1  }
0x5c4: {  	s15 =	sadd.s32 $0x540, s15;
	v0 =	vadd.f32 v1, v0  }
0x5c5: {  	_ = 	snop  }
0x5c6: {  	s1 =	simm.s32 $0x90B0;
	[tilespmem:$0x1DCB0] =	vst v0  }
0x5c7: {  	v1 =	vld [tilespmem:s1+$0x152]  }
0x5c8: {  	v0 =	vld [tilespmem:s1+$0x2]  }
0x5c9: {  	v4 =	vld [tilespmem:s1+$0xFFFFFEB2]  }
0x5ca: {  	v2 =	vld [tilespmem:s1+$0xFFFFFC10]  }
0x5cb: {  	v5 =	vld [tilespmem:s1+$0xFFFFFD61]  }
0x5cc: {  	v9 =	vld [tilespmem:s1+$0xFFFFFD60]  }
0x5cd: {  	v10 =	vld [tilespmem:s1+$0xFFFFFEB1]  }
0x5ce: {  	v3 =	vld [tilespmem:s1+$0xFFFFFEB0]  }
0x5cf: {  	v6 =	vld [tilespmem:s1+$0x1]  }
0x5d0: {  	v8 =	vmul.f32 v5, v2;
	v2 =	vld [tilespmem:s1+$0x0]  }
0x5d1: {  	v5 =	vld [tilespmem:s1+$0x151]  }
0x5d2: {  	v7 =	vimm.f32 $0.0e+00;
	s15 =	simm.s32 $0x0;
	s16 =	simm.s32 $0x95F0;
	v9 =	vmul.f32 v10, v9;
	v8 =	vmul.f32 v4, v8;
	v4 =	vld [tilespmem:s1+$0x2A2]  }
.LBB2_62:
0x5d3: {  	v10 =	vld [tilespmem:s16+$0x152]  }
0x5d4: {  	v7 =	vadd.f32 v8, v7;
	v8 =	vmul.f32 v0, v9;
	v0 =	vld [tilespmem:s16+$0x2];
	v3 =	vmul.f32 v6, v3  }
0x5d5: {  	v9 =	vld [tilespmem:s16+$0xFFFFFEB2]  }
0x5d6: {  	v11 =	vld [tilespmem:s16+$0xFFFFFC10];
	v6 =	vadd.f32 v8, v7;
	v3 =	vmul.f32 v1, v3;
	v2 =	vmul.f32 v5, v2  }
0x5d7: {  	s15 =	sadd.s32 $0x4, s15;
	v5 =	vld [tilespmem:s16+$0xFFFFFD61]  }
0x5d8: {  	p0 =	slt.u32 s15, $0xF8;
	v12 =	vld [tilespmem:s16+$0xFFFFFD60];
	v6 =	vadd.f32 v3, v6;
	v2 =	vmul.f32 v4, v2;
	v1 =	vmov v10  }
0x5d9: {  	v4 =	vld [tilespmem:s16+$0xFFFFFEB1]  }
.Ltmp30:
0x5da: {  	v3 =	vld [tilespmem:s16+$0xFFFFFEB0];
	v7 =	vadd.f32 v2, v6;
	(pc) =	sbr.rel @p0 .LBB2_62-.Ltmp30, $4  }
0x5db: {  	v6 =	vld [tilespmem:s16+$0x1]  }
0x5dc: {  	v8 =	vmul.f32 v5, v11;
	v2 =	vld [tilespmem:s16+$0x0]  }
0x5dd: {  	v5 =	vld [tilespmem:s16+$0x151]  }
0x5de: {  	v8 =	vmul.f32 v9, v8;
	v9 =	vmul.f32 v4, v12;
	v4 =	vld [tilespmem:s16+$0x2A2];
	s16 =	sadd.s32 $0x540, s16  }
0x5df: {  	_ = 	snop  }
0x5e0: {  	v7 =	vadd.f32 v8, v7;
	v0 =	vmul.f32 v0, v9;
	v3 =	vmul.f32 v6, v3;
	_ =	sdelay $0x1  }
0x5e1: {  	v0 =	vadd.f32 v0, v7;
	v1 =	vmul.f32 v1, v3;
	v2 =	vmul.f32 v5, v2;
	_ =	sdelay $0x1  }
0x5e2: {  	v0 =	vadd.f32 v1, v0;
	v1 =	vmul.f32 v4, v2;
	_ =	sdelay $0x1  }
0x5e3: {  	s15 =	simm.s32 $0x0;
	v0 =	vadd.f32 v1, v0  }
.LBB2_64:
0x5e4: {  	s1 =	sshra.s32 s15, $0x2  }
0x5e5: {  	v1 =	vld [tilespmem:s1+$0x1D780]  }
0x5e6: {  	v2 =	vld [tilespmem:s1+$0x1D8D1];
	_ =	sdelay $0x1  }
0x5e7: {  	v3 =	vld [tilespmem:s1+$0x1DA22];
	_ =	sdelay $0x1  }
0x5e8: {  	p0 =	sne.s32 s15, $0x540  }
.Ltmp31:
0x5e9: {  	v1 =	vmul.f32 v2, v1;
	(pc) =	sbr.rel @p0 .LBB2_64-.Ltmp31, $3  }
0x5ea: {  	_ = 	snop  }
0x5eb: {  	v1 =	vmul.f32 v3, v1;
	_ =	sdelay $0x1  }
0x5ec: {  	s15 =	sadd.s32 $0x540, s15;
	v0 =	vadd.f32 v1, v0  }
0x5ed: {  	_ = 	snop  }
0x5ee: {  	s1 =	simm.s32 $0x90C0;
	[tilespmem:$0x1DCC0] =	vst v0  }
0x5ef: {  	v1 =	vld [tilespmem:s1+$0x152]  }
0x5f0: {  	v0 =	vld [tilespmem:s1+$0x2]  }
0x5f1: {  	v4 =	vld [tilespmem:s1+$0xFFFFFEB2]  }
0x5f2: {  	v2 =	vld [tilespmem:s1+$0xFFFFFC10]  }
0x5f3: {  	v5 =	vld [tilespmem:s1+$0xFFFFFD61]  }
0x5f4: {  	v9 =	vld [tilespmem:s1+$0xFFFFFD60]  }
0x5f5: {  	v10 =	vld [tilespmem:s1+$0xFFFFFEB1]  }
0x5f6: {  	v3 =	vld [tilespmem:s1+$0xFFFFFEB0]  }
0x5f7: {  	v6 =	vld [tilespmem:s1+$0x1]  }
0x5f8: {  	v8 =	vmul.f32 v5, v2;
	v2 =	vld [tilespmem:s1+$0x0]  }
0x5f9: {  	v5 =	vld [tilespmem:s1+$0x151]  }
0x5fa: {  	v7 =	vimm.f32 $0.0e+00;
	s15 =	simm.s32 $0x0;
	s16 =	simm.s32 $0x9600;
	v9 =	vmul.f32 v10, v9;
	v8 =	vmul.f32 v4, v8;
	v4 =	vld [tilespmem:s1+$0x2A2]  }
.LBB2_66:
0x5fb: {  	v10 =	vld [tilespmem:s16+$0x152]  }
0x5fc: {  	v7 =	vadd.f32 v8, v7;
	v8 =	vmul.f32 v0, v9;
	v0 =	vld [tilespmem:s16+$0x2];
	v3 =	vmul.f32 v6, v3  }
0x5fd: {  	v9 =	vld [tilespmem:s16+$0xFFFFFEB2]  }
0x5fe: {  	v11 =	vld [tilespmem:s16+$0xFFFFFC10];
	v6 =	vadd.f32 v8, v7;
	v3 =	vmul.f32 v1, v3;
	v2 =	vmul.f32 v5, v2  }
0x5ff: {  	s15 =	sadd.s32 $0x4, s15;
	v5 =	vld [tilespmem:s16+$0xFFFFFD61]  }
0x600: {  	p0 =	slt.u32 s15, $0xF8;
	v12 =	vld [tilespmem:s16+$0xFFFFFD60];
	v6 =	vadd.f32 v3, v6;
	v2 =	vmul.f32 v4, v2;
	v1 =	vmov v10  }
0x601: {  	v4 =	vld [tilespmem:s16+$0xFFFFFEB1]  }
.Ltmp32:
0x602: {  	v3 =	vld [tilespmem:s16+$0xFFFFFEB0];
	v7 =	vadd.f32 v2, v6;
	(pc) =	sbr.rel @p0 .LBB2_66-.Ltmp32, $4  }
0x603: {  	v6 =	vld [tilespmem:s16+$0x1]  }
0x604: {  	v8 =	vmul.f32 v5, v11;
	v2 =	vld [tilespmem:s16+$0x0]  }
0x605: {  	v5 =	vld [tilespmem:s16+$0x151]  }
0x606: {  	v8 =	vmul.f32 v9, v8;
	v9 =	vmul.f32 v4, v12;
	v4 =	vld [tilespmem:s16+$0x2A2];
	s16 =	sadd.s32 $0x540, s16  }
0x607: {  	_ = 	snop  }
0x608: {  	v7 =	vadd.f32 v8, v7;
	v0 =	vmul.f32 v0, v9;
	v3 =	vmul.f32 v6, v3;
	_ =	sdelay $0x1  }
0x609: {  	v0 =	vadd.f32 v0, v7;
	v1 =	vmul.f32 v1, v3;
	v2 =	vmul.f32 v5, v2;
	_ =	sdelay $0x1  }
0x60a: {  	v0 =	vadd.f32 v1, v0;
	v1 =	vmul.f32 v4, v2;
	_ =	sdelay $0x1  }
0x60b: {  	s15 =	simm.s32 $0x0;
	v0 =	vadd.f32 v1, v0  }
.LBB2_68:
0x60c: {  	s1 =	sshra.s32 s15, $0x2  }
0x60d: {  	v1 =	vld [tilespmem:s1+$0x1D790]  }
0x60e: {  	v2 =	vld [tilespmem:s1+$0x1D8E1];
	_ =	sdelay $0x1  }
0x60f: {  	v3 =	vld [tilespmem:s1+$0x1DA32];
	_ =	sdelay $0x1  }
0x610: {  	p0 =	sne.s32 s15, $0x540  }
.Ltmp33:
0x611: {  	v1 =	vmul.f32 v2, v1;
	(pc) =	sbr.rel @p0 .LBB2_68-.Ltmp33, $3  }
0x612: {  	_ = 	snop  }
0x613: {  	v1 =	vmul.f32 v3, v1;
	_ =	sdelay $0x1  }
0x614: {  	s15 =	sadd.s32 $0x540, s15;
	v0 =	vadd.f32 v1, v0  }
0x615: {  	_ = 	snop  }
0x616: {  	s1 =	simm.s32 $0x90D0;
	[tilespmem:$0x1DCD0] =	vst v0  }
0x617: {  	v1 =	vld [tilespmem:s1+$0x152]  }
0x618: {  	v0 =	vld [tilespmem:s1+$0x2]  }
0x619: {  	v4 =	vld [tilespmem:s1+$0xFFFFFEB2]  }
0x61a: {  	v2 =	vld [tilespmem:s1+$0xFFFFFC10]  }
0x61b: {  	v5 =	vld [tilespmem:s1+$0xFFFFFD61]  }
0x61c: {  	v9 =	vld [tilespmem:s1+$0xFFFFFD60]  }
0x61d: {  	v10 =	vld [tilespmem:s1+$0xFFFFFEB1]  }
0x61e: {  	v3 =	vld [tilespmem:s1+$0xFFFFFEB0]  }
0x61f: {  	v6 =	vld [tilespmem:s1+$0x1]  }
0x620: {  	v8 =	vmul.f32 v5, v2;
	v2 =	vld [tilespmem:s1+$0x0]  }
0x621: {  	v5 =	vld [tilespmem:s1+$0x151]  }
0x622: {  	v7 =	vimm.f32 $0.0e+00;
	s15 =	simm.s32 $0x0;
	s16 =	simm.s32 $0x9610;
	v9 =	vmul.f32 v10, v9;
	v8 =	vmul.f32 v4, v8;
	v4 =	vld [tilespmem:s1+$0x2A2]  }
.LBB2_70:
0x623: {  	v10 =	vld [tilespmem:s16+$0x152]  }
0x624: {  	v7 =	vadd.f32 v8, v7;
	v8 =	vmul.f32 v0, v9;
	v0 =	vld [tilespmem:s16+$0x2];
	v3 =	vmul.f32 v6, v3  }
0x625: {  	v9 =	vld [tilespmem:s16+$0xFFFFFEB2]  }
0x626: {  	v11 =	vld [tilespmem:s16+$0xFFFFFC10];
	v6 =	vadd.f32 v8, v7;
	v3 =	vmul.f32 v1, v3;
	v2 =	vmul.f32 v5, v2  }
0x627: {  	s15 =	sadd.s32 $0x4, s15;
	v5 =	vld [tilespmem:s16+$0xFFFFFD61]  }
0x628: {  	p0 =	slt.u32 s15, $0xF8;
	v12 =	vld [tilespmem:s16+$0xFFFFFD60];
	v6 =	vadd.f32 v3, v6;
	v2 =	vmul.f32 v4, v2;
	v1 =	vmov v10  }
0x629: {  	v4 =	vld [tilespmem:s16+$0xFFFFFEB1]  }
.Ltmp34:
0x62a: {  	v3 =	vld [tilespmem:s16+$0xFFFFFEB0];
	v7 =	vadd.f32 v2, v6;
	(pc) =	sbr.rel @p0 .LBB2_70-.Ltmp34, $4  }
0x62b: {  	v6 =	vld [tilespmem:s16+$0x1]  }
0x62c: {  	v8 =	vmul.f32 v5, v11;
	v2 =	vld [tilespmem:s16+$0x0]  }
0x62d: {  	v5 =	vld [tilespmem:s16+$0x151]  }
0x62e: {  	v8 =	vmul.f32 v9, v8;
	v9 =	vmul.f32 v4, v12;
	v4 =	vld [tilespmem:s16+$0x2A2];
	s16 =	sadd.s32 $0x540, s16  }
0x62f: {  	_ = 	snop  }
0x630: {  	v7 =	vadd.f32 v8, v7;
	v0 =	vmul.f32 v0, v9;
	v3 =	vmul.f32 v6, v3;
	_ =	sdelay $0x1  }
0x631: {  	v0 =	vadd.f32 v0, v7;
	v1 =	vmul.f32 v1, v3;
	v2 =	vmul.f32 v5, v2;
	_ =	sdelay $0x1  }
0x632: {  	v0 =	vadd.f32 v1, v0;
	v1 =	vmul.f32 v4, v2;
	_ =	sdelay $0x1  }
0x633: {  	s15 =	simm.s32 $0x0;
	v0 =	vadd.f32 v1, v0  }
.LBB2_72:
0x634: {  	s1 =	sshra.s32 s15, $0x2  }
0x635: {  	v1 =	vld [tilespmem:s1+$0x1D7A0]  }
0x636: {  	v2 =	vld [tilespmem:s1+$0x1D8F1];
	_ =	sdelay $0x1  }
0x637: {  	v3 =	vld [tilespmem:s1+$0x1DA42];
	_ =	sdelay $0x1  }
0x638: {  	p0 =	sne.s32 s15, $0x540  }
.Ltmp35:
0x639: {  	v1 =	vmul.f32 v2, v1;
	(pc) =	sbr.rel @p0 .LBB2_72-.Ltmp35, $3  }
0x63a: {  	_ = 	snop  }
0x63b: {  	v1 =	vmul.f32 v3, v1;
	_ =	sdelay $0x1  }
0x63c: {  	s15 =	sadd.s32 $0x540, s15;
	v0 =	vadd.f32 v1, v0  }
0x63d: {  	_ = 	snop  }
0x63e: {  	s1 =	simm.s32 $0x90E0;
	[tilespmem:$0x1DCE0] =	vst v0  }
0x63f: {  	v1 =	vld [tilespmem:s1+$0x152]  }
0x640: {  	v0 =	vld [tilespmem:s1+$0x2]  }
0x641: {  	v4 =	vld [tilespmem:s1+$0xFFFFFEB2]  }
0x642: {  	v2 =	vld [tilespmem:s1+$0xFFFFFC10]  }
0x643: {  	v5 =	vld [tilespmem:s1+$0xFFFFFD61]  }
0x644: {  	v9 =	vld [tilespmem:s1+$0xFFFFFD60]  }
0x645: {  	v10 =	vld [tilespmem:s1+$0xFFFFFEB1]  }
0x646: {  	v3 =	vld [tilespmem:s1+$0xFFFFFEB0]  }
0x647: {  	v6 =	vld [tilespmem:s1+$0x1]  }
0x648: {  	v8 =	vmul.f32 v5, v2;
	v2 =	vld [tilespmem:s1+$0x0]  }
0x649: {  	v5 =	vld [tilespmem:s1+$0x151]  }
0x64a: {  	v7 =	vimm.f32 $0.0e+00;
	s15 =	simm.s32 $0x0;
	s16 =	simm.s32 $0x9620;
	v9 =	vmul.f32 v10, v9;
	v8 =	vmul.f32 v4, v8;
	v4 =	vld [tilespmem:s1+$0x2A2]  }
.LBB2_74:
0x64b: {  	v10 =	vld [tilespmem:s16+$0x152]  }
0x64c: {  	v7 =	vadd.f32 v8, v7;
	v8 =	vmul.f32 v0, v9;
	v0 =	vld [tilespmem:s16+$0x2];
	v3 =	vmul.f32 v6, v3  }
0x64d: {  	v9 =	vld [tilespmem:s16+$0xFFFFFEB2]  }
0x64e: {  	v11 =	vld [tilespmem:s16+$0xFFFFFC10];
	v6 =	vadd.f32 v8, v7;
	v3 =	vmul.f32 v1, v3;
	v2 =	vmul.f32 v5, v2  }
0x64f: {  	s15 =	sadd.s32 $0x4, s15;
	v5 =	vld [tilespmem:s16+$0xFFFFFD61]  }
0x650: {  	p0 =	slt.u32 s15, $0xF8;
	v12 =	vld [tilespmem:s16+$0xFFFFFD60];
	v6 =	vadd.f32 v3, v6;
	v2 =	vmul.f32 v4, v2;
	v1 =	vmov v10  }
0x651: {  	v4 =	vld [tilespmem:s16+$0xFFFFFEB1]  }
.Ltmp36:
0x652: {  	v3 =	vld [tilespmem:s16+$0xFFFFFEB0];
	v7 =	vadd.f32 v2, v6;
	(pc) =	sbr.rel @p0 .LBB2_74-.Ltmp36, $4  }
0x653: {  	v6 =	vld [tilespmem:s16+$0x1]  }
0x654: {  	v8 =	vmul.f32 v5, v11;
	v2 =	vld [tilespmem:s16+$0x0]  }
0x655: {  	v5 =	vld [tilespmem:s16+$0x151]  }
0x656: {  	v8 =	vmul.f32 v9, v8;
	v9 =	vmul.f32 v4, v12;
	v4 =	vld [tilespmem:s16+$0x2A2];
	s16 =	sadd.s32 $0x540, s16  }
0x657: {  	_ = 	snop  }
0x658: {  	v7 =	vadd.f32 v8, v7;
	v0 =	vmul.f32 v0, v9;
	v3 =	vmul.f32 v6, v3;
	_ =	sdelay $0x1  }
0x659: {  	v0 =	vadd.f32 v0, v7;
	v1 =	vmul.f32 v1, v3;
	v2 =	vmul.f32 v5, v2;
	_ =	sdelay $0x1  }
0x65a: {  	v0 =	vadd.f32 v1, v0;
	v1 =	vmul.f32 v4, v2;
	_ =	sdelay $0x1  }
0x65b: {  	s15 =	simm.s32 $0x0;
	v0 =	vadd.f32 v1, v0  }
.LBB2_76:
0x65c: {  	s1 =	sshra.s32 s15, $0x2  }
0x65d: {  	v1 =	vld [tilespmem:s1+$0x1D7B0]  }
0x65e: {  	v2 =	vld [tilespmem:s1+$0x1D901];
	_ =	sdelay $0x1  }
0x65f: {  	v3 =	vld [tilespmem:s1+$0x1DA52];
	_ =	sdelay $0x1  }
0x660: {  	p0 =	sne.s32 s15, $0x540  }
.Ltmp37:
0x661: {  	v1 =	vmul.f32 v2, v1;
	(pc) =	sbr.rel @p0 .LBB2_76-.Ltmp37, $3  }
0x662: {  	_ = 	snop  }
0x663: {  	v1 =	vmul.f32 v3, v1;
	_ =	sdelay $0x1  }
0x664: {  	s15 =	sadd.s32 $0x540, s15;
	v0 =	vadd.f32 v1, v0  }
0x665: {  	_ = 	snop  }
0x666: {  	s1 =	simm.s32 $0x90F0;
	[tilespmem:$0x1DCF0] =	vst v0  }
0x667: {  	v1 =	vld [tilespmem:s1+$0x152]  }
0x668: {  	v0 =	vld [tilespmem:s1+$0x2]  }
0x669: {  	v4 =	vld [tilespmem:s1+$0xFFFFFEB2]  }
0x66a: {  	v2 =	vld [tilespmem:s1+$0xFFFFFC10]  }
0x66b: {  	v5 =	vld [tilespmem:s1+$0xFFFFFD61]  }
0x66c: {  	v9 =	vld [tilespmem:s1+$0xFFFFFD60]  }
0x66d: {  	v10 =	vld [tilespmem:s1+$0xFFFFFEB1]  }
0x66e: {  	v3 =	vld [tilespmem:s1+$0xFFFFFEB0]  }
0x66f: {  	v6 =	vld [tilespmem:s1+$0x1]  }
0x670: {  	v8 =	vmul.f32 v5, v2;
	v2 =	vld [tilespmem:s1+$0x0]  }
0x671: {  	v5 =	vld [tilespmem:s1+$0x151]  }
0x672: {  	v7 =	vimm.f32 $0.0e+00;
	s15 =	simm.s32 $0x0;
	s16 =	simm.s32 $0x9630;
	v9 =	vmul.f32 v10, v9;
	v8 =	vmul.f32 v4, v8;
	v4 =	vld [tilespmem:s1+$0x2A2]  }
.LBB2_78:
0x673: {  	v10 =	vld [tilespmem:s16+$0x152]  }
0x674: {  	v7 =	vadd.f32 v8, v7;
	v8 =	vmul.f32 v0, v9;
	v0 =	vld [tilespmem:s16+$0x2];
	v3 =	vmul.f32 v6, v3  }
0x675: {  	v9 =	vld [tilespmem:s16+$0xFFFFFEB2]  }
0x676: {  	v11 =	vld [tilespmem:s16+$0xFFFFFC10];
	v6 =	vadd.f32 v8, v7;
	v3 =	vmul.f32 v1, v3;
	v2 =	vmul.f32 v5, v2  }
0x677: {  	s15 =	sadd.s32 $0x4, s15;
	v5 =	vld [tilespmem:s16+$0xFFFFFD61]  }
0x678: {  	p0 =	slt.u32 s15, $0xF8;
	v12 =	vld [tilespmem:s16+$0xFFFFFD60];
	v6 =	vadd.f32 v3, v6;
	v2 =	vmul.f32 v4, v2;
	v1 =	vmov v10  }
0x679: {  	v4 =	vld [tilespmem:s16+$0xFFFFFEB1]  }
.Ltmp38:
0x67a: {  	v3 =	vld [tilespmem:s16+$0xFFFFFEB0];
	v7 =	vadd.f32 v2, v6;
	(pc) =	sbr.rel @p0 .LBB2_78-.Ltmp38, $4  }
0x67b: {  	v6 =	vld [tilespmem:s16+$0x1]  }
0x67c: {  	v8 =	vmul.f32 v5, v11;
	v2 =	vld [tilespmem:s16+$0x0]  }
0x67d: {  	v5 =	vld [tilespmem:s16+$0x151]  }
0x67e: {  	v8 =	vmul.f32 v9, v8;
	v9 =	vmul.f32 v4, v12;
	v4 =	vld [tilespmem:s16+$0x2A2];
	s16 =	sadd.s32 $0x540, s16  }
0x67f: {  	_ = 	snop  }
0x680: {  	v7 =	vadd.f32 v8, v7;
	v0 =	vmul.f32 v0, v9;
	v3 =	vmul.f32 v6, v3;
	_ =	sdelay $0x1  }
0x681: {  	v0 =	vadd.f32 v0, v7;
	v1 =	vmul.f32 v1, v3;
	v2 =	vmul.f32 v5, v2;
	_ =	sdelay $0x1  }
0x682: {  	v0 =	vadd.f32 v1, v0;
	v1 =	vmul.f32 v4, v2;
	_ =	sdelay $0x1  }
0x683: {  	s15 =	simm.s32 $0x0;
	v0 =	vadd.f32 v1, v0  }
.LBB2_80:
0x684: {  	s1 =	sshra.s32 s15, $0x2  }
0x685: {  	v1 =	vld [tilespmem:s1+$0x1D7C0]  }
0x686: {  	v2 =	vld [tilespmem:s1+$0x1D911];
	_ =	sdelay $0x1  }
0x687: {  	v3 =	vld [tilespmem:s1+$0x1DA62];
	_ =	sdelay $0x1  }
0x688: {  	p0 =	sne.s32 s15, $0x540  }
.Ltmp39:
0x689: {  	v1 =	vmul.f32 v2, v1;
	(pc) =	sbr.rel @p0 .LBB2_80-.Ltmp39, $3  }
0x68a: {  	_ = 	snop  }
0x68b: {  	v1 =	vmul.f32 v3, v1;
	_ =	sdelay $0x1  }
0x68c: {  	s15 =	sadd.s32 $0x540, s15;
	v0 =	vadd.f32 v1, v0  }
0x68d: {  	_ = 	snop  }
0x68e: {  	s1 =	simm.s32 $0x9100;
	[tilespmem:$0x1DD00] =	vst v0  }
0x68f: {  	v1 =	vld [tilespmem:s1+$0x152]  }
0x690: {  	v0 =	vld [tilespmem:s1+$0x2]  }
0x691: {  	v4 =	vld [tilespmem:s1+$0xFFFFFEB2]  }
0x692: {  	v2 =	vld [tilespmem:s1+$0xFFFFFC10]  }
0x693: {  	v5 =	vld [tilespmem:s1+$0xFFFFFD61]  }
0x694: {  	v9 =	vld [tilespmem:s1+$0xFFFFFD60]  }
0x695: {  	v10 =	vld [tilespmem:s1+$0xFFFFFEB1]  }
0x696: {  	v3 =	vld [tilespmem:s1+$0xFFFFFEB0]  }
0x697: {  	v6 =	vld [tilespmem:s1+$0x1]  }
0x698: {  	v8 =	vmul.f32 v5, v2;
	v2 =	vld [tilespmem:s1+$0x0]  }
0x699: {  	v5 =	vld [tilespmem:s1+$0x151]  }
0x69a: {  	v7 =	vimm.f32 $0.0e+00;
	s15 =	simm.s32 $0x0;
	s16 =	simm.s32 $0x9640;
	v9 =	vmul.f32 v10, v9;
	v8 =	vmul.f32 v4, v8;
	v4 =	vld [tilespmem:s1+$0x2A2]  }
.LBB2_82:
0x69b: {  	v10 =	vld [tilespmem:s16+$0x152]  }
0x69c: {  	v7 =	vadd.f32 v8, v7;
	v8 =	vmul.f32 v0, v9;
	v0 =	vld [tilespmem:s16+$0x2];
	v3 =	vmul.f32 v6, v3  }
0x69d: {  	v9 =	vld [tilespmem:s16+$0xFFFFFEB2]  }
0x69e: {  	v11 =	vld [tilespmem:s16+$0xFFFFFC10];
	v6 =	vadd.f32 v8, v7;
	v3 =	vmul.f32 v1, v3;
	v2 =	vmul.f32 v5, v2  }
0x69f: {  	s15 =	sadd.s32 $0x4, s15;
	v5 =	vld [tilespmem:s16+$0xFFFFFD61]  }
0x6a0: {  	p0 =	slt.u32 s15, $0xF8;
	v12 =	vld [tilespmem:s16+$0xFFFFFD60];
	v6 =	vadd.f32 v3, v6;
	v2 =	vmul.f32 v4, v2;
	v1 =	vmov v10  }
0x6a1: {  	v4 =	vld [tilespmem:s16+$0xFFFFFEB1]  }
.Ltmp40:
0x6a2: {  	v3 =	vld [tilespmem:s16+$0xFFFFFEB0];
	v7 =	vadd.f32 v2, v6;
	(pc) =	sbr.rel @p0 .LBB2_82-.Ltmp40, $4  }
0x6a3: {  	v6 =	vld [tilespmem:s16+$0x1]  }
0x6a4: {  	v8 =	vmul.f32 v5, v11;
	v2 =	vld [tilespmem:s16+$0x0]  }
0x6a5: {  	v5 =	vld [tilespmem:s16+$0x151]  }
0x6a6: {  	v8 =	vmul.f32 v9, v8;
	v9 =	vmul.f32 v4, v12;
	v4 =	vld [tilespmem:s16+$0x2A2];
	s16 =	sadd.s32 $0x540, s16  }
0x6a7: {  	_ = 	snop  }
0x6a8: {  	v7 =	vadd.f32 v8, v7;
	v0 =	vmul.f32 v0, v9;
	v3 =	vmul.f32 v6, v3;
	_ =	sdelay $0x1  }
0x6a9: {  	v0 =	vadd.f32 v0, v7;
	v1 =	vmul.f32 v1, v3;
	v2 =	vmul.f32 v5, v2;
	_ =	sdelay $0x1  }
0x6aa: {  	v0 =	vadd.f32 v1, v0;
	v1 =	vmul.f32 v4, v2;
	_ =	sdelay $0x1  }
0x6ab: {  	s15 =	simm.s32 $0x0;
	v0 =	vadd.f32 v1, v0  }
.LBB2_84:
0x6ac: {  	s1 =	sshra.s32 s15, $0x2  }
0x6ad: {  	v1 =	vld [tilespmem:s1+$0x1D7D0]  }
0x6ae: {  	v2 =	vld [tilespmem:s1+$0x1D921];
	_ =	sdelay $0x1  }
0x6af: {  	v3 =	vld [tilespmem:s1+$0x1DA72];
	_ =	sdelay $0x1  }
0x6b0: {  	p0 =	sne.s32 s15, $0x540  }
.Ltmp41:
0x6b1: {  	v1 =	vmul.f32 v2, v1;
	(pc) =	sbr.rel @p0 .LBB2_84-.Ltmp41, $3  }
0x6b2: {  	_ = 	snop  }
0x6b3: {  	v1 =	vmul.f32 v3, v1;
	_ =	sdelay $0x1  }
0x6b4: {  	s15 =	sadd.s32 $0x540, s15;
	v0 =	vadd.f32 v1, v0  }
0x6b5: {  	_ = 	snop  }
0x6b6: {  	s1 =	simm.s32 $0x9110;
	[tilespmem:$0x1DD10] =	vst v0  }
0x6b7: {  	v1 =	vld [tilespmem:s1+$0x152]  }
0x6b8: {  	v0 =	vld [tilespmem:s1+$0x2]  }
0x6b9: {  	v4 =	vld [tilespmem:s1+$0xFFFFFEB2]  }
0x6ba: {  	v2 =	vld [tilespmem:s1+$0xFFFFFC10]  }
0x6bb: {  	v5 =	vld [tilespmem:s1+$0xFFFFFD61]  }
0x6bc: {  	v9 =	vld [tilespmem:s1+$0xFFFFFD60]  }
0x6bd: {  	v10 =	vld [tilespmem:s1+$0xFFFFFEB1]  }
0x6be: {  	v3 =	vld [tilespmem:s1+$0xFFFFFEB0]  }
0x6bf: {  	v6 =	vld [tilespmem:s1+$0x1]  }
0x6c0: {  	v8 =	vmul.f32 v5, v2;
	v2 =	vld [tilespmem:s1+$0x0]  }
0x6c1: {  	v5 =	vld [tilespmem:s1+$0x151]  }
0x6c2: {  	v7 =	vimm.f32 $0.0e+00;
	s15 =	simm.s32 $0x0;
	s16 =	simm.s32 $0x9650;
	v9 =	vmul.f32 v10, v9;
	v8 =	vmul.f32 v4, v8;
	v4 =	vld [tilespmem:s1+$0x2A2]  }
.LBB2_86:
0x6c3: {  	v10 =	vld [tilespmem:s16+$0x152]  }
0x6c4: {  	v7 =	vadd.f32 v8, v7;
	v8 =	vmul.f32 v0, v9;
	v0 =	vld [tilespmem:s16+$0x2];
	v3 =	vmul.f32 v6, v3  }
0x6c5: {  	v9 =	vld [tilespmem:s16+$0xFFFFFEB2]  }
0x6c6: {  	v11 =	vld [tilespmem:s16+$0xFFFFFC10];
	v6 =	vadd.f32 v8, v7;
	v3 =	vmul.f32 v1, v3;
	v2 =	vmul.f32 v5, v2  }
0x6c7: {  	s15 =	sadd.s32 $0x4, s15;
	v5 =	vld [tilespmem:s16+$0xFFFFFD61]  }
0x6c8: {  	p0 =	slt.u32 s15, $0xF8;
	v12 =	vld [tilespmem:s16+$0xFFFFFD60];
	v6 =	vadd.f32 v3, v6;
	v2 =	vmul.f32 v4, v2;
	v1 =	vmov v10  }
0x6c9: {  	v4 =	vld [tilespmem:s16+$0xFFFFFEB1]  }
.Ltmp42:
0x6ca: {  	v3 =	vld [tilespmem:s16+$0xFFFFFEB0];
	v7 =	vadd.f32 v2, v6;
	(pc) =	sbr.rel @p0 .LBB2_86-.Ltmp42, $4  }
0x6cb: {  	v6 =	vld [tilespmem:s16+$0x1]  }
0x6cc: {  	v8 =	vmul.f32 v5, v11;
	v2 =	vld [tilespmem:s16+$0x0]  }
0x6cd: {  	v5 =	vld [tilespmem:s16+$0x151]  }
0x6ce: {  	v8 =	vmul.f32 v9, v8;
	v9 =	vmul.f32 v4, v12;
	v4 =	vld [tilespmem:s16+$0x2A2];
	s16 =	sadd.s32 $0x540, s16  }
0x6cf: {  	_ = 	snop  }
0x6d0: {  	v7 =	vadd.f32 v8, v7;
	v0 =	vmul.f32 v0, v9;
	v3 =	vmul.f32 v6, v3;
	_ =	sdelay $0x1  }
0x6d1: {  	v0 =	vadd.f32 v0, v7;
	v1 =	vmul.f32 v1, v3;
	v2 =	vmul.f32 v5, v2;
	_ =	sdelay $0x1  }
0x6d2: {  	v0 =	vadd.f32 v1, v0;
	v1 =	vmul.f32 v4, v2;
	_ =	sdelay $0x1  }
0x6d3: {  	s15 =	simm.s32 $0x0;
	v0 =	vadd.f32 v1, v0  }
.LBB2_88:
0x6d4: {  	s1 =	sshra.s32 s15, $0x2  }
0x6d5: {  	v1 =	vld [tilespmem:s1+$0x1D7E0]  }
0x6d6: {  	v2 =	vld [tilespmem:s1+$0x1D931];
	_ =	sdelay $0x1  }
0x6d7: {  	v3 =	vld [tilespmem:s1+$0x1DA82];
	_ =	sdelay $0x1  }
0x6d8: {  	p0 =	sne.s32 s15, $0x540  }
.Ltmp43:
0x6d9: {  	v1 =	vmul.f32 v2, v1;
	(pc) =	sbr.rel @p0 .LBB2_88-.Ltmp43, $3  }
0x6da: {  	_ = 	snop  }
0x6db: {  	v1 =	vmul.f32 v3, v1;
	_ =	sdelay $0x1  }
0x6dc: {  	s15 =	sadd.s32 $0x540, s15;
	v0 =	vadd.f32 v1, v0  }
0x6dd: {  	_ = 	snop  }
0x6de: {  	s1 =	simm.s32 $0x9120;
	[tilespmem:$0x1DD20] =	vst v0  }
0x6df: {  	v1 =	vld [tilespmem:s1+$0x152]  }
0x6e0: {  	v0 =	vld [tilespmem:s1+$0x2]  }
0x6e1: {  	v4 =	vld [tilespmem:s1+$0xFFFFFEB2]  }
0x6e2: {  	v2 =	vld [tilespmem:s1+$0xFFFFFC10]  }
0x6e3: {  	v5 =	vld [tilespmem:s1+$0xFFFFFD61]  }
0x6e4: {  	v9 =	vld [tilespmem:s1+$0xFFFFFD60]  }
0x6e5: {  	v10 =	vld [tilespmem:s1+$0xFFFFFEB1]  }
0x6e6: {  	v3 =	vld [tilespmem:s1+$0xFFFFFEB0]  }
0x6e7: {  	v6 =	vld [tilespmem:s1+$0x1]  }
0x6e8: {  	v8 =	vmul.f32 v5, v2;
	v2 =	vld [tilespmem:s1+$0x0]  }
0x6e9: {  	v5 =	vld [tilespmem:s1+$0x151]  }
0x6ea: {  	v7 =	vimm.f32 $0.0e+00;
	s15 =	simm.s32 $0x0;
	s16 =	simm.s32 $0x9660;
	v9 =	vmul.f32 v10, v9;
	v8 =	vmul.f32 v4, v8;
	v4 =	vld [tilespmem:s1+$0x2A2]  }
.LBB2_90:
0x6eb: {  	v10 =	vld [tilespmem:s16+$0x152]  }
0x6ec: {  	v7 =	vadd.f32 v8, v7;
	v8 =	vmul.f32 v0, v9;
	v0 =	vld [tilespmem:s16+$0x2];
	v3 =	vmul.f32 v6, v3  }
0x6ed: {  	v9 =	vld [tilespmem:s16+$0xFFFFFEB2]  }
0x6ee: {  	v11 =	vld [tilespmem:s16+$0xFFFFFC10];
	v6 =	vadd.f32 v8, v7;
	v3 =	vmul.f32 v1, v3;
	v2 =	vmul.f32 v5, v2  }
0x6ef: {  	s15 =	sadd.s32 $0x4, s15;
	v5 =	vld [tilespmem:s16+$0xFFFFFD61]  }
0x6f0: {  	p0 =	slt.u32 s15, $0xF8;
	v12 =	vld [tilespmem:s16+$0xFFFFFD60];
	v6 =	vadd.f32 v3, v6;
	v2 =	vmul.f32 v4, v2;
	v1 =	vmov v10  }
0x6f1: {  	v4 =	vld [tilespmem:s16+$0xFFFFFEB1]  }
.Ltmp44:
0x6f2: {  	v3 =	vld [tilespmem:s16+$0xFFFFFEB0];
	v7 =	vadd.f32 v2, v6;
	(pc) =	sbr.rel @p0 .LBB2_90-.Ltmp44, $4  }
0x6f3: {  	v6 =	vld [tilespmem:s16+$0x1]  }
0x6f4: {  	v8 =	vmul.f32 v5, v11;
	v2 =	vld [tilespmem:s16+$0x0]  }
0x6f5: {  	v5 =	vld [tilespmem:s16+$0x151]  }
0x6f6: {  	v8 =	vmul.f32 v9, v8;
	v9 =	vmul.f32 v4, v12;
	v4 =	vld [tilespmem:s16+$0x2A2];
	s16 =	sadd.s32 $0x540, s16  }
0x6f7: {  	_ = 	snop  }
0x6f8: {  	v7 =	vadd.f32 v8, v7;
	v0 =	vmul.f32 v0, v9;
	v3 =	vmul.f32 v6, v3;
	_ =	sdelay $0x1  }
0x6f9: {  	v0 =	vadd.f32 v0, v7;
	v1 =	vmul.f32 v1, v3;
	v2 =	vmul.f32 v5, v2;
	_ =	sdelay $0x1  }
0x6fa: {  	v0 =	vadd.f32 v1, v0;
	v1 =	vmul.f32 v4, v2;
	_ =	sdelay $0x1  }
0x6fb: {  	s15 =	simm.s32 $0x0;
	v0 =	vadd.f32 v1, v0  }
.LBB2_92:
0x6fc: {  	s1 =	sshra.s32 s15, $0x2  }
0x6fd: {  	v1 =	vld [tilespmem:s1+$0x1D7F0]  }
0x6fe: {  	v2 =	vld [tilespmem:s1+$0x1D941];
	_ =	sdelay $0x1  }
0x6ff: {  	v3 =	vld [tilespmem:s1+$0x1DA92];
	_ =	sdelay $0x1  }
0x700: {  	p0 =	sne.s32 s15, $0x540  }
.Ltmp45:
0x701: {  	v1 =	vmul.f32 v2, v1;
	(pc) =	sbr.rel @p0 .LBB2_92-.Ltmp45, $3  }
0x702: {  	_ = 	snop  }
0x703: {  	v1 =	vmul.f32 v3, v1;
	_ =	sdelay $0x1  }
0x704: {  	s15 =	sadd.s32 $0x540, s15;
	v0 =	vadd.f32 v1, v0  }
0x705: {  	_ = 	snop  }
0x706: {  	s1 =	simm.s32 $0x9130;
	[tilespmem:$0x1DD30] =	vst v0  }
0x707: {  	v1 =	vld [tilespmem:s1+$0x152]  }
0x708: {  	v0 =	vld [tilespmem:s1+$0x2]  }
0x709: {  	v4 =	vld [tilespmem:s1+$0xFFFFFEB2]  }
0x70a: {  	v2 =	vld [tilespmem:s1+$0xFFFFFC10]  }
0x70b: {  	v5 =	vld [tilespmem:s1+$0xFFFFFD61]  }
0x70c: {  	v9 =	vld [tilespmem:s1+$0xFFFFFD60]  }
0x70d: {  	v10 =	vld [tilespmem:s1+$0xFFFFFEB1]  }
0x70e: {  	v3 =	vld [tilespmem:s1+$0xFFFFFEB0]  }
0x70f: {  	v6 =	vld [tilespmem:s1+$0x1]  }
0x710: {  	v8 =	vmul.f32 v5, v2;
	v2 =	vld [tilespmem:s1+$0x0]  }
0x711: {  	v5 =	vld [tilespmem:s1+$0x151]  }
0x712: {  	v7 =	vimm.f32 $0.0e+00;
	s15 =	simm.s32 $0x0;
	s16 =	simm.s32 $0x9670;
	v9 =	vmul.f32 v10, v9;
	v8 =	vmul.f32 v4, v8;
	v4 =	vld [tilespmem:s1+$0x2A2]  }
.LBB2_94:
0x713: {  	v10 =	vld [tilespmem:s16+$0x152]  }
0x714: {  	v7 =	vadd.f32 v8, v7;
	v8 =	vmul.f32 v0, v9;
	v0 =	vld [tilespmem:s16+$0x2];
	v3 =	vmul.f32 v6, v3  }
0x715: {  	v9 =	vld [tilespmem:s16+$0xFFFFFEB2]  }
0x716: {  	v11 =	vld [tilespmem:s16+$0xFFFFFC10];
	v6 =	vadd.f32 v8, v7;
	v3 =	vmul.f32 v1, v3;
	v2 =	vmul.f32 v5, v2  }
0x717: {  	s15 =	sadd.s32 $0x4, s15;
	v5 =	vld [tilespmem:s16+$0xFFFFFD61]  }
0x718: {  	p0 =	slt.u32 s15, $0xF8;
	v12 =	vld [tilespmem:s16+$0xFFFFFD60];
	v6 =	vadd.f32 v3, v6;
	v2 =	vmul.f32 v4, v2;
	v1 =	vmov v10  }
0x719: {  	v4 =	vld [tilespmem:s16+$0xFFFFFEB1]  }
.Ltmp46:
0x71a: {  	v3 =	vld [tilespmem:s16+$0xFFFFFEB0];
	v7 =	vadd.f32 v2, v6;
	(pc) =	sbr.rel @p0 .LBB2_94-.Ltmp46, $4  }
0x71b: {  	v6 =	vld [tilespmem:s16+$0x1]  }
0x71c: {  	v8 =	vmul.f32 v5, v11;
	v2 =	vld [tilespmem:s16+$0x0]  }
0x71d: {  	v5 =	vld [tilespmem:s16+$0x151]  }
0x71e: {  	v8 =	vmul.f32 v9, v8;
	v9 =	vmul.f32 v4, v12;
	v4 =	vld [tilespmem:s16+$0x2A2];
	s16 =	sadd.s32 $0x540, s16  }
0x71f: {  	_ = 	snop  }
0x720: {  	v7 =	vadd.f32 v8, v7;
	v0 =	vmul.f32 v0, v9;
	v3 =	vmul.f32 v6, v3;
	_ =	sdelay $0x1  }
0x721: {  	v0 =	vadd.f32 v0, v7;
	v1 =	vmul.f32 v1, v3;
	v2 =	vmul.f32 v5, v2;
	_ =	sdelay $0x1  }
0x722: {  	v0 =	vadd.f32 v1, v0;
	v1 =	vmul.f32 v4, v2;
	_ =	sdelay $0x1  }
0x723: {  	s15 =	simm.s32 $0x0;
	v0 =	vadd.f32 v1, v0  }
.LBB2_96:
0x724: {  	s1 =	sshra.s32 s15, $0x2  }
0x725: {  	v1 =	vld [tilespmem:s1+$0x1D800]  }
0x726: {  	v2 =	vld [tilespmem:s1+$0x1D951];
	_ =	sdelay $0x1  }
0x727: {  	v3 =	vld [tilespmem:s1+$0x1DAA2];
	_ =	sdelay $0x1  }
0x728: {  	p0 =	sne.s32 s15, $0x540  }
.Ltmp47:
0x729: {  	v1 =	vmul.f32 v2, v1;
	(pc) =	sbr.rel @p0 .LBB2_96-.Ltmp47, $3  }
0x72a: {  	_ = 	snop  }
0x72b: {  	v1 =	vmul.f32 v3, v1;
	_ =	sdelay $0x1  }
0x72c: {  	s15 =	sadd.s32 $0x540, s15;
	v0 =	vadd.f32 v1, v0  }
0x72d: {  	_ = 	snop  }
0x72e: {  	s1 =	simm.s32 $0x9140;
	[tilespmem:$0x1DD40] =	vst v0  }
0x72f: {  	v1 =	vld [tilespmem:s1+$0x152]  }
0x730: {  	v0 =	vld [tilespmem:s1+$0x2]  }
0x731: {  	v4 =	vld [tilespmem:s1+$0xFFFFFEB2]  }
0x732: {  	v2 =	vld [tilespmem:s1+$0xFFFFFC10]  }
0x733: {  	v5 =	vld [tilespmem:s1+$0xFFFFFD61]  }
0x734: {  	v9 =	vld [tilespmem:s1+$0xFFFFFD60]  }
0x735: {  	v10 =	vld [tilespmem:s1+$0xFFFFFEB1]  }
0x736: {  	v3 =	vld [tilespmem:s1+$0xFFFFFEB0]  }
0x737: {  	v6 =	vld [tilespmem:s1+$0x1]  }
0x738: {  	v8 =	vmul.f32 v5, v2;
	v2 =	vld [tilespmem:s1+$0x0]  }
0x739: {  	v5 =	vld [tilespmem:s1+$0x151]  }
0x73a: {  	v7 =	vimm.f32 $0.0e+00;
	s15 =	simm.s32 $0x0;
	s16 =	simm.s32 $0x9680;
	v9 =	vmul.f32 v10, v9;
	v8 =	vmul.f32 v4, v8;
	v4 =	vld [tilespmem:s1+$0x2A2]  }
.LBB2_98:
0x73b: {  	v10 =	vld [tilespmem:s16+$0x152]  }
0x73c: {  	v7 =	vadd.f32 v8, v7;
	v8 =	vmul.f32 v0, v9;
	v0 =	vld [tilespmem:s16+$0x2];
	v3 =	vmul.f32 v6, v3  }
0x73d: {  	v9 =	vld [tilespmem:s16+$0xFFFFFEB2]  }
0x73e: {  	v11 =	vld [tilespmem:s16+$0xFFFFFC10];
	v6 =	vadd.f32 v8, v7;
	v3 =	vmul.f32 v1, v3;
	v2 =	vmul.f32 v5, v2  }
0x73f: {  	s15 =	sadd.s32 $0x4, s15;
	v5 =	vld [tilespmem:s16+$0xFFFFFD61]  }
0x740: {  	p0 =	slt.u32 s15, $0xF8;
	v12 =	vld [tilespmem:s16+$0xFFFFFD60];
	v6 =	vadd.f32 v3, v6;
	v2 =	vmul.f32 v4, v2;
	v1 =	vmov v10  }
0x741: {  	v4 =	vld [tilespmem:s16+$0xFFFFFEB1]  }
.Ltmp48:
0x742: {  	v3 =	vld [tilespmem:s16+$0xFFFFFEB0];
	v7 =	vadd.f32 v2, v6;
	(pc) =	sbr.rel @p0 .LBB2_98-.Ltmp48, $4  }
0x743: {  	v6 =	vld [tilespmem:s16+$0x1]  }
0x744: {  	v8 =	vmul.f32 v5, v11;
	v2 =	vld [tilespmem:s16+$0x0]  }
0x745: {  	v5 =	vld [tilespmem:s16+$0x151]  }
0x746: {  	v8 =	vmul.f32 v9, v8;
	v9 =	vmul.f32 v4, v12;
	v4 =	vld [tilespmem:s16+$0x2A2];
	s16 =	sadd.s32 $0x540, s16  }
0x747: {  	_ = 	snop  }
0x748: {  	v7 =	vadd.f32 v8, v7;
	v0 =	vmul.f32 v0, v9;
	v3 =	vmul.f32 v6, v3;
	_ =	sdelay $0x1  }
0x749: {  	v0 =	vadd.f32 v0, v7;
	v1 =	vmul.f32 v1, v3;
	v2 =	vmul.f32 v5, v2;
	_ =	sdelay $0x1  }
0x74a: {  	v0 =	vadd.f32 v1, v0;
	v1 =	vmul.f32 v4, v2;
	_ =	sdelay $0x1  }
0x74b: {  	s15 =	simm.s32 $0x0;
	v0 =	vadd.f32 v1, v0  }
.LBB2_100:
0x74c: {  	s1 =	sshra.s32 s15, $0x2  }
0x74d: {  	v1 =	vld [tilespmem:s1+$0x1D810]  }
0x74e: {  	v2 =	vld [tilespmem:s1+$0x1D961];
	_ =	sdelay $0x1  }
0x74f: {  	v3 =	vld [tilespmem:s1+$0x1DAB2];
	_ =	sdelay $0x1  }
0x750: {  	p0 =	sne.s32 s15, $0x540  }
.Ltmp49:
0x751: {  	v1 =	vmul.f32 v2, v1;
	(pc) =	sbr.rel @p0 .LBB2_100-.Ltmp49, $3  }
0x752: {  	_ = 	snop  }
0x753: {  	v1 =	vmul.f32 v3, v1;
	_ =	sdelay $0x1  }
0x754: {  	s15 =	sadd.s32 $0x540, s15;
	v0 =	vadd.f32 v1, v0  }
0x755: {  	_ = 	snop  }
0x756: {  	s1 =	simm.s32 $0x9150;
	[tilespmem:$0x1DD50] =	vst v0  }
0x757: {  	v1 =	vld [tilespmem:s1+$0x152]  }
0x758: {  	v0 =	vld [tilespmem:s1+$0x2]  }
0x759: {  	v4 =	vld [tilespmem:s1+$0xFFFFFEB2]  }
0x75a: {  	v2 =	vld [tilespmem:s1+$0xFFFFFC10]  }
0x75b: {  	v5 =	vld [tilespmem:s1+$0xFFFFFD61]  }
0x75c: {  	v9 =	vld [tilespmem:s1+$0xFFFFFD60]  }
0x75d: {  	v10 =	vld [tilespmem:s1+$0xFFFFFEB1]  }
0x75e: {  	v3 =	vld [tilespmem:s1+$0xFFFFFEB0]  }
0x75f: {  	v6 =	vld [tilespmem:s1+$0x1]  }
0x760: {  	v8 =	vmul.f32 v5, v2;
	v2 =	vld [tilespmem:s1+$0x0]  }
0x761: {  	v5 =	vld [tilespmem:s1+$0x151]  }
0x762: {  	v7 =	vimm.f32 $0.0e+00;
	s15 =	simm.s32 $0x0;
	s16 =	simm.s32 $0x9690;
	v9 =	vmul.f32 v10, v9;
	v8 =	vmul.f32 v4, v8;
	v4 =	vld [tilespmem:s1+$0x2A2]  }
.LBB2_102:
0x763: {  	v10 =	vld [tilespmem:s16+$0x152]  }
0x764: {  	v7 =	vadd.f32 v8, v7;
	v8 =	vmul.f32 v0, v9;
	v0 =	vld [tilespmem:s16+$0x2];
	v3 =	vmul.f32 v6, v3  }
0x765: {  	v9 =	vld [tilespmem:s16+$0xFFFFFEB2]  }
0x766: {  	v11 =	vld [tilespmem:s16+$0xFFFFFC10];
	v6 =	vadd.f32 v8, v7;
	v3 =	vmul.f32 v1, v3;
	v2 =	vmul.f32 v5, v2  }
0x767: {  	s15 =	sadd.s32 $0x4, s15;
	v5 =	vld [tilespmem:s16+$0xFFFFFD61]  }
0x768: {  	p0 =	slt.u32 s15, $0xF8;
	v12 =	vld [tilespmem:s16+$0xFFFFFD60];
	v6 =	vadd.f32 v3, v6;
	v2 =	vmul.f32 v4, v2;
	v1 =	vmov v10  }
0x769: {  	v4 =	vld [tilespmem:s16+$0xFFFFFEB1]  }
.Ltmp50:
0x76a: {  	v3 =	vld [tilespmem:s16+$0xFFFFFEB0];
	v7 =	vadd.f32 v2, v6;
	(pc) =	sbr.rel @p0 .LBB2_102-.Ltmp50, $4  }
0x76b: {  	v6 =	vld [tilespmem:s16+$0x1]  }
0x76c: {  	v8 =	vmul.f32 v5, v11;
	v2 =	vld [tilespmem:s16+$0x0]  }
0x76d: {  	v5 =	vld [tilespmem:s16+$0x151]  }
0x76e: {  	v8 =	vmul.f32 v9, v8;
	v9 =	vmul.f32 v4, v12;
	v4 =	vld [tilespmem:s16+$0x2A2];
	s16 =	sadd.s32 $0x540, s16  }
0x76f: {  	_ = 	snop  }
0x770: {  	v7 =	vadd.f32 v8, v7;
	v0 =	vmul.f32 v0, v9;
	v3 =	vmul.f32 v6, v3;
	_ =	sdelay $0x1  }
0x771: {  	v0 =	vadd.f32 v0, v7;
	v1 =	vmul.f32 v1, v3;
	v2 =	vmul.f32 v5, v2;
	_ =	sdelay $0x1  }
0x772: {  	v0 =	vadd.f32 v1, v0;
	v1 =	vmul.f32 v4, v2;
	_ =	sdelay $0x1  }
0x773: {  	s15 =	simm.s32 $0x0;
	v0 =	vadd.f32 v1, v0  }
.LBB2_104:
0x774: {  	s1 =	sshra.s32 s15, $0x2  }
0x775: {  	v1 =	vld [tilespmem:s1+$0x1D820]  }
0x776: {  	v2 =	vld [tilespmem:s1+$0x1D971];
	_ =	sdelay $0x1  }
0x777: {  	v3 =	vld [tilespmem:s1+$0x1DAC2];
	_ =	sdelay $0x1  }
0x778: {  	p0 =	sne.s32 s15, $0x540  }
.Ltmp51:
0x779: {  	v1 =	vmul.f32 v2, v1;
	(pc) =	sbr.rel @p0 .LBB2_104-.Ltmp51, $3  }
0x77a: {  	_ = 	snop  }
0x77b: {  	v1 =	vmul.f32 v3, v1;
	_ =	sdelay $0x1  }
0x77c: {  	s15 =	sadd.s32 $0x540, s15;
	v0 =	vadd.f32 v1, v0  }
0x77d: {  	_ = 	snop  }
0x77e: {  	s1 =	simm.s32 $0x9160;
	[tilespmem:$0x1DD60] =	vst v0  }
0x77f: {  	v1 =	vld [tilespmem:s1+$0x152]  }
0x780: {  	v0 =	vld [tilespmem:s1+$0x2]  }
0x781: {  	v4 =	vld [tilespmem:s1+$0xFFFFFEB2]  }
0x782: {  	v2 =	vld [tilespmem:s1+$0xFFFFFC10]  }
0x783: {  	v5 =	vld [tilespmem:s1+$0xFFFFFD61]  }
0x784: {  	v9 =	vld [tilespmem:s1+$0xFFFFFD60]  }
0x785: {  	v10 =	vld [tilespmem:s1+$0xFFFFFEB1]  }
0x786: {  	v3 =	vld [tilespmem:s1+$0xFFFFFEB0]  }
0x787: {  	v6 =	vld [tilespmem:s1+$0x1]  }
0x788: {  	v8 =	vmul.f32 v5, v2;
	v2 =	vld [tilespmem:s1+$0x0]  }
0x789: {  	v5 =	vld [tilespmem:s1+$0x151]  }
0x78a: {  	v7 =	vimm.f32 $0.0e+00;
	s15 =	simm.s32 $0x0;
	s16 =	simm.s32 $0x96A0;
	v9 =	vmul.f32 v10, v9;
	v8 =	vmul.f32 v4, v8;
	v4 =	vld [tilespmem:s1+$0x2A2]  }
.LBB2_106:
0x78b: {  	v10 =	vld [tilespmem:s16+$0x152]  }
0x78c: {  	v7 =	vadd.f32 v8, v7;
	v8 =	vmul.f32 v0, v9;
	v0 =	vld [tilespmem:s16+$0x2];
	v3 =	vmul.f32 v6, v3  }
0x78d: {  	v9 =	vld [tilespmem:s16+$0xFFFFFEB2]  }
0x78e: {  	v11 =	vld [tilespmem:s16+$0xFFFFFC10];
	v6 =	vadd.f32 v8, v7;
	v3 =	vmul.f32 v1, v3;
	v2 =	vmul.f32 v5, v2  }
0x78f: {  	s15 =	sadd.s32 $0x4, s15;
	v5 =	vld [tilespmem:s16+$0xFFFFFD61]  }
0x790: {  	p0 =	slt.u32 s15, $0xF8;
	v12 =	vld [tilespmem:s16+$0xFFFFFD60];
	v6 =	vadd.f32 v3, v6;
	v2 =	vmul.f32 v4, v2;
	v1 =	vmov v10  }
0x791: {  	v4 =	vld [tilespmem:s16+$0xFFFFFEB1]  }
.Ltmp52:
0x792: {  	v3 =	vld [tilespmem:s16+$0xFFFFFEB0];
	v7 =	vadd.f32 v2, v6;
	(pc) =	sbr.rel @p0 .LBB2_106-.Ltmp52, $4  }
0x793: {  	v6 =	vld [tilespmem:s16+$0x1]  }
0x794: {  	v8 =	vmul.f32 v5, v11;
	v2 =	vld [tilespmem:s16+$0x0]  }
0x795: {  	v5 =	vld [tilespmem:s16+$0x151]  }
0x796: {  	v8 =	vmul.f32 v9, v8;
	v9 =	vmul.f32 v4, v12;
	v4 =	vld [tilespmem:s16+$0x2A2];
	s16 =	sadd.s32 $0x540, s16  }
0x797: {  	_ = 	snop  }
0x798: {  	v7 =	vadd.f32 v8, v7;
	v0 =	vmul.f32 v0, v9;
	v3 =	vmul.f32 v6, v3;
	_ =	sdelay $0x1  }
0x799: {  	v0 =	vadd.f32 v0, v7;
	v1 =	vmul.f32 v1, v3;
	v2 =	vmul.f32 v5, v2;
	_ =	sdelay $0x1  }
0x79a: {  	v0 =	vadd.f32 v1, v0;
	v1 =	vmul.f32 v4, v2;
	_ =	sdelay $0x1  }
0x79b: {  	s15 =	simm.s32 $0x0;
	v0 =	vadd.f32 v1, v0  }
.LBB2_108:
0x79c: {  	s1 =	sshra.s32 s15, $0x2  }
0x79d: {  	v1 =	vld [tilespmem:s1+$0x1D830]  }
0x79e: {  	v2 =	vld [tilespmem:s1+$0x1D981];
	_ =	sdelay $0x1  }
0x79f: {  	v3 =	vld [tilespmem:s1+$0x1DAD2];
	_ =	sdelay $0x1  }
0x7a0: {  	p0 =	sne.s32 s15, $0x540  }
.Ltmp53:
0x7a1: {  	v1 =	vmul.f32 v2, v1;
	(pc) =	sbr.rel @p0 .LBB2_108-.Ltmp53, $3  }
0x7a2: {  	_ = 	snop  }
0x7a3: {  	v1 =	vmul.f32 v3, v1;
	_ =	sdelay $0x1  }
0x7a4: {  	s15 =	sadd.s32 $0x540, s15;
	v0 =	vadd.f32 v1, v0  }
0x7a5: {  	_ = 	snop  }
0x7a6: {  	s1 =	simm.s32 $0x9170;
	[tilespmem:$0x1DD70] =	vst v0  }
0x7a7: {  	v1 =	vld [tilespmem:s1+$0x152]  }
0x7a8: {  	v0 =	vld [tilespmem:s1+$0x2]  }
0x7a9: {  	v4 =	vld [tilespmem:s1+$0xFFFFFEB2]  }
0x7aa: {  	v2 =	vld [tilespmem:s1+$0xFFFFFC10]  }
0x7ab: {  	v5 =	vld [tilespmem:s1+$0xFFFFFD61]  }
0x7ac: {  	v9 =	vld [tilespmem:s1+$0xFFFFFD60]  }
0x7ad: {  	v10 =	vld [tilespmem:s1+$0xFFFFFEB1]  }
0x7ae: {  	v3 =	vld [tilespmem:s1+$0xFFFFFEB0]  }
0x7af: {  	v6 =	vld [tilespmem:s1+$0x1]  }
0x7b0: {  	v8 =	vmul.f32 v5, v2;
	v2 =	vld [tilespmem:s1+$0x0]  }
0x7b1: {  	v5 =	vld [tilespmem:s1+$0x151]  }
0x7b2: {  	v7 =	vimm.f32 $0.0e+00;
	s15 =	simm.s32 $0x0;
	s16 =	simm.s32 $0x96B0;
	v9 =	vmul.f32 v10, v9;
	v8 =	vmul.f32 v4, v8;
	v4 =	vld [tilespmem:s1+$0x2A2]  }
.LBB2_110:
0x7b3: {  	v10 =	vld [tilespmem:s16+$0x152]  }
0x7b4: {  	v7 =	vadd.f32 v8, v7;
	v8 =	vmul.f32 v0, v9;
	v0 =	vld [tilespmem:s16+$0x2];
	v3 =	vmul.f32 v6, v3  }
0x7b5: {  	v9 =	vld [tilespmem:s16+$0xFFFFFEB2]  }
0x7b6: {  	v11 =	vld [tilespmem:s16+$0xFFFFFC10];
	v6 =	vadd.f32 v8, v7;
	v3 =	vmul.f32 v1, v3;
	v2 =	vmul.f32 v5, v2  }
0x7b7: {  	s15 =	sadd.s32 $0x4, s15;
	v5 =	vld [tilespmem:s16+$0xFFFFFD61]  }
0x7b8: {  	p0 =	slt.u32 s15, $0xF8;
	v12 =	vld [tilespmem:s16+$0xFFFFFD60];
	v6 =	vadd.f32 v3, v6;
	v2 =	vmul.f32 v4, v2;
	v1 =	vmov v10  }
0x7b9: {  	v4 =	vld [tilespmem:s16+$0xFFFFFEB1]  }
.Ltmp54:
0x7ba: {  	v3 =	vld [tilespmem:s16+$0xFFFFFEB0];
	v7 =	vadd.f32 v2, v6;
	(pc) =	sbr.rel @p0 .LBB2_110-.Ltmp54, $4  }
0x7bb: {  	v6 =	vld [tilespmem:s16+$0x1]  }
0x7bc: {  	v8 =	vmul.f32 v5, v11;
	v2 =	vld [tilespmem:s16+$0x0]  }
0x7bd: {  	v5 =	vld [tilespmem:s16+$0x151]  }
0x7be: {  	v8 =	vmul.f32 v9, v8;
	v9 =	vmul.f32 v4, v12;
	v4 =	vld [tilespmem:s16+$0x2A2];
	s16 =	sadd.s32 $0x540, s16  }
0x7bf: {  	_ = 	snop  }
0x7c0: {  	v7 =	vadd.f32 v8, v7;
	v0 =	vmul.f32 v0, v9;
	v3 =	vmul.f32 v6, v3;
	_ =	sdelay $0x1  }
0x7c1: {  	v0 =	vadd.f32 v0, v7;
	v1 =	vmul.f32 v1, v3;
	v2 =	vmul.f32 v5, v2;
	_ =	sdelay $0x1  }
0x7c2: {  	v0 =	vadd.f32 v1, v0;
	v1 =	vmul.f32 v4, v2;
	_ =	sdelay $0x1  }
0x7c3: {  	s15 =	simm.s32 $0x0;
	v0 =	vadd.f32 v1, v0  }
.LBB2_112:
0x7c4: {  	s1 =	sshra.s32 s15, $0x2  }
0x7c5: {  	v1 =	vld [tilespmem:s1+$0x1D840]  }
0x7c6: {  	v2 =	vld [tilespmem:s1+$0x1D991];
	_ =	sdelay $0x1  }
0x7c7: {  	v3 =	vld [tilespmem:s1+$0x1DAE2];
	_ =	sdelay $0x1  }
0x7c8: {  	p0 =	sne.s32 s15, $0x540  }
.Ltmp55:
0x7c9: {  	v1 =	vmul.f32 v2, v1;
	(pc) =	sbr.rel @p0 .LBB2_112-.Ltmp55, $3  }
0x7ca: {  	_ = 	snop  }
0x7cb: {  	v1 =	vmul.f32 v3, v1;
	_ =	sdelay $0x1  }
0x7cc: {  	s15 =	sadd.s32 $0x540, s15;
	v0 =	vadd.f32 v1, v0  }
0x7cd: {  	_ = 	snop  }
0x7ce: {  	s1 =	simm.s32 $0x9180;
	[tilespmem:$0x1DD80] =	vst v0  }
0x7cf: {  	v1 =	vld [tilespmem:s1+$0x152]  }
0x7d0: {  	v0 =	vld [tilespmem:s1+$0x2]  }
0x7d1: {  	v4 =	vld [tilespmem:s1+$0xFFFFFEB2]  }
0x7d2: {  	v2 =	vld [tilespmem:s1+$0xFFFFFC10]  }
0x7d3: {  	v5 =	vld [tilespmem:s1+$0xFFFFFD61]  }
0x7d4: {  	v9 =	vld [tilespmem:s1+$0xFFFFFD60]  }
0x7d5: {  	v10 =	vld [tilespmem:s1+$0xFFFFFEB1]  }
0x7d6: {  	v3 =	vld [tilespmem:s1+$0xFFFFFEB0]  }
0x7d7: {  	v6 =	vld [tilespmem:s1+$0x1]  }
0x7d8: {  	v8 =	vmul.f32 v5, v2;
	v2 =	vld [tilespmem:s1+$0x0]  }
0x7d9: {  	v5 =	vld [tilespmem:s1+$0x151]  }
0x7da: {  	v7 =	vimm.f32 $0.0e+00;
	s15 =	simm.s32 $0x0;
	s16 =	simm.s32 $0x96C0;
	v9 =	vmul.f32 v10, v9;
	v8 =	vmul.f32 v4, v8;
	v4 =	vld [tilespmem:s1+$0x2A2]  }
.LBB2_114:
0x7db: {  	v10 =	vld [tilespmem:s16+$0x152]  }
0x7dc: {  	v7 =	vadd.f32 v8, v7;
	v8 =	vmul.f32 v0, v9;
	v0 =	vld [tilespmem:s16+$0x2];
	v3 =	vmul.f32 v6, v3  }
0x7dd: {  	v9 =	vld [tilespmem:s16+$0xFFFFFEB2]  }
0x7de: {  	v11 =	vld [tilespmem:s16+$0xFFFFFC10];
	v6 =	vadd.f32 v8, v7;
	v3 =	vmul.f32 v1, v3;
	v2 =	vmul.f32 v5, v2  }
0x7df: {  	s15 =	sadd.s32 $0x4, s15;
	v5 =	vld [tilespmem:s16+$0xFFFFFD61]  }
0x7e0: {  	p0 =	slt.u32 s15, $0xF8;
	v12 =	vld [tilespmem:s16+$0xFFFFFD60];
	v6 =	vadd.f32 v3, v6;
	v2 =	vmul.f32 v4, v2;
	v1 =	vmov v10  }
0x7e1: {  	v4 =	vld [tilespmem:s16+$0xFFFFFEB1]  }
.Ltmp56:
0x7e2: {  	v3 =	vld [tilespmem:s16+$0xFFFFFEB0];
	v7 =	vadd.f32 v2, v6;
	(pc) =	sbr.rel @p0 .LBB2_114-.Ltmp56, $4  }
0x7e3: {  	v6 =	vld [tilespmem:s16+$0x1]  }
0x7e4: {  	v8 =	vmul.f32 v5, v11;
	v2 =	vld [tilespmem:s16+$0x0]  }
0x7e5: {  	v5 =	vld [tilespmem:s16+$0x151]  }
0x7e6: {  	v8 =	vmul.f32 v9, v8;
	v9 =	vmul.f32 v4, v12;
	v4 =	vld [tilespmem:s16+$0x2A2];
	s16 =	sadd.s32 $0x540, s16  }
0x7e7: {  	_ = 	snop  }
0x7e8: {  	v7 =	vadd.f32 v8, v7;
	v0 =	vmul.f32 v0, v9;
	v3 =	vmul.f32 v6, v3;
	_ =	sdelay $0x1  }
0x7e9: {  	v0 =	vadd.f32 v0, v7;
	v1 =	vmul.f32 v1, v3;
	v2 =	vmul.f32 v5, v2;
	_ =	sdelay $0x1  }
0x7ea: {  	v0 =	vadd.f32 v1, v0;
	v1 =	vmul.f32 v4, v2;
	_ =	sdelay $0x1  }
0x7eb: {  	s15 =	simm.s32 $0x0;
	v0 =	vadd.f32 v1, v0  }
.LBB2_116:
0x7ec: {  	s1 =	sshra.s32 s15, $0x2  }
0x7ed: {  	v1 =	vld [tilespmem:s1+$0x1D850]  }
0x7ee: {  	v2 =	vld [tilespmem:s1+$0x1D9A1];
	_ =	sdelay $0x1  }
0x7ef: {  	v3 =	vld [tilespmem:s1+$0x1DAF2];
	_ =	sdelay $0x1  }
0x7f0: {  	p0 =	sne.s32 s15, $0x540  }
.Ltmp57:
0x7f1: {  	v1 =	vmul.f32 v2, v1;
	(pc) =	sbr.rel @p0 .LBB2_116-.Ltmp57, $3  }
0x7f2: {  	_ = 	snop  }
0x7f3: {  	v1 =	vmul.f32 v3, v1;
	_ =	sdelay $0x1  }
0x7f4: {  	s15 =	sadd.s32 $0x540, s15;
	v0 =	vadd.f32 v1, v0  }
0x7f5: {  	_ = 	snop  }
0x7f6: {  	s1 =	simm.s32 $0x9190;
	[tilespmem:$0x1DD90] =	vst v0  }
0x7f7: {  	v1 =	vld [tilespmem:s1+$0x152]  }
0x7f8: {  	v0 =	vld [tilespmem:s1+$0x2]  }
0x7f9: {  	v4 =	vld [tilespmem:s1+$0xFFFFFEB2]  }
0x7fa: {  	v2 =	vld [tilespmem:s1+$0xFFFFFC10]  }
0x7fb: {  	v5 =	vld [tilespmem:s1+$0xFFFFFD61]  }
0x7fc: {  	v9 =	vld [tilespmem:s1+$0xFFFFFD60]  }
0x7fd: {  	v10 =	vld [tilespmem:s1+$0xFFFFFEB1]  }
0x7fe: {  	v3 =	vld [tilespmem:s1+$0xFFFFFEB0]  }
0x7ff: {  	v6 =	vld [tilespmem:s1+$0x1]  }
0x800: {  	v8 =	vmul.f32 v5, v2;
	v2 =	vld [tilespmem:s1+$0x0]  }
0x801: {  	v5 =	vld [tilespmem:s1+$0x151]  }
0x802: {  	v7 =	vimm.f32 $0.0e+00;
	s15 =	simm.s32 $0x0;
	s16 =	simm.s32 $0x96D0;
	v9 =	vmul.f32 v10, v9;
	v8 =	vmul.f32 v4, v8;
	v4 =	vld [tilespmem:s1+$0x2A2]  }
.LBB2_118:
0x803: {  	v10 =	vld [tilespmem:s16+$0x152]  }
0x804: {  	v7 =	vadd.f32 v8, v7;
	v8 =	vmul.f32 v0, v9;
	v0 =	vld [tilespmem:s16+$0x2];
	v3 =	vmul.f32 v6, v3  }
0x805: {  	v9 =	vld [tilespmem:s16+$0xFFFFFEB2]  }
0x806: {  	v11 =	vld [tilespmem:s16+$0xFFFFFC10];
	v6 =	vadd.f32 v8, v7;
	v3 =	vmul.f32 v1, v3;
	v2 =	vmul.f32 v5, v2  }
0x807: {  	s15 =	sadd.s32 $0x4, s15;
	v5 =	vld [tilespmem:s16+$0xFFFFFD61]  }
0x808: {  	p0 =	slt.u32 s15, $0xF8;
	v12 =	vld [tilespmem:s16+$0xFFFFFD60];
	v6 =	vadd.f32 v3, v6;
	v2 =	vmul.f32 v4, v2;
	v1 =	vmov v10  }
0x809: {  	v4 =	vld [tilespmem:s16+$0xFFFFFEB1]  }
.Ltmp58:
0x80a: {  	v3 =	vld [tilespmem:s16+$0xFFFFFEB0];
	v7 =	vadd.f32 v2, v6;
	(pc) =	sbr.rel @p0 .LBB2_118-.Ltmp58, $4  }
0x80b: {  	v6 =	vld [tilespmem:s16+$0x1]  }
0x80c: {  	v8 =	vmul.f32 v5, v11;
	v2 =	vld [tilespmem:s16+$0x0]  }
0x80d: {  	v5 =	vld [tilespmem:s16+$0x151]  }
0x80e: {  	v8 =	vmul.f32 v9, v8;
	v9 =	vmul.f32 v4, v12;
	v4 =	vld [tilespmem:s16+$0x2A2];
	s16 =	sadd.s32 $0x540, s16  }
0x80f: {  	_ = 	snop  }
0x810: {  	v7 =	vadd.f32 v8, v7;
	v0 =	vmul.f32 v0, v9;
	v3 =	vmul.f32 v6, v3;
	_ =	sdelay $0x1  }
0x811: {  	v0 =	vadd.f32 v0, v7;
	v1 =	vmul.f32 v1, v3;
	v2 =	vmul.f32 v5, v2;
	_ =	sdelay $0x1  }
0x812: {  	v0 =	vadd.f32 v1, v0;
	v1 =	vmul.f32 v4, v2;
	_ =	sdelay $0x1  }
0x813: {  	s15 =	simm.s32 $0x0;
	v0 =	vadd.f32 v1, v0  }
.LBB2_120:
0x814: {  	s1 =	sshra.s32 s15, $0x2  }
0x815: {  	v1 =	vld [tilespmem:s1+$0x1D860]  }
0x816: {  	v2 =	vld [tilespmem:s1+$0x1D9B1];
	_ =	sdelay $0x1  }
0x817: {  	v3 =	vld [tilespmem:s1+$0x1DB02];
	_ =	sdelay $0x1  }
0x818: {  	p0 =	sne.s32 s15, $0x540  }
.Ltmp59:
0x819: {  	v1 =	vmul.f32 v2, v1;
	(pc) =	sbr.rel @p0 .LBB2_120-.Ltmp59, $3  }
0x81a: {  	_ = 	snop  }
0x81b: {  	v1 =	vmul.f32 v3, v1;
	_ =	sdelay $0x1  }
0x81c: {  	s15 =	sadd.s32 $0x540, s15;
	v0 =	vadd.f32 v1, v0  }
0x81d: {  	_ = 	snop  }
0x81e: {  	s1 =	simm.s32 $0x91A0;
	[tilespmem:$0x1DDA0] =	vst v0  }
0x81f: {  	v1 =	vld [tilespmem:s1+$0x152]  }
0x820: {  	v0 =	vld [tilespmem:s1+$0x2]  }
0x821: {  	v4 =	vld [tilespmem:s1+$0xFFFFFEB2]  }
0x822: {  	v2 =	vld [tilespmem:s1+$0xFFFFFC10]  }
0x823: {  	v5 =	vld [tilespmem:s1+$0xFFFFFD61]  }
0x824: {  	v9 =	vld [tilespmem:s1+$0xFFFFFD60]  }
0x825: {  	v10 =	vld [tilespmem:s1+$0xFFFFFEB1]  }
0x826: {  	v3 =	vld [tilespmem:s1+$0xFFFFFEB0]  }
0x827: {  	v6 =	vld [tilespmem:s1+$0x1]  }
0x828: {  	v8 =	vmul.f32 v5, v2;
	v2 =	vld [tilespmem:s1+$0x0]  }
0x829: {  	v5 =	vld [tilespmem:s1+$0x151]  }
0x82a: {  	v7 =	vimm.f32 $0.0e+00;
	s15 =	simm.s32 $0x0;
	s16 =	simm.s32 $0x96E0;
	v9 =	vmul.f32 v10, v9;
	v8 =	vmul.f32 v4, v8;
	v4 =	vld [tilespmem:s1+$0x2A2]  }
.LBB2_122:
0x82b: {  	v10 =	vld [tilespmem:s16+$0x152]  }
0x82c: {  	v7 =	vadd.f32 v8, v7;
	v8 =	vmul.f32 v0, v9;
	v0 =	vld [tilespmem:s16+$0x2];
	v3 =	vmul.f32 v6, v3  }
0x82d: {  	v9 =	vld [tilespmem:s16+$0xFFFFFEB2]  }
0x82e: {  	v11 =	vld [tilespmem:s16+$0xFFFFFC10];
	v6 =	vadd.f32 v8, v7;
	v3 =	vmul.f32 v1, v3;
	v2 =	vmul.f32 v5, v2  }
0x82f: {  	s15 =	sadd.s32 $0x4, s15;
	v5 =	vld [tilespmem:s16+$0xFFFFFD61]  }
0x830: {  	p0 =	slt.u32 s15, $0xF8;
	v12 =	vld [tilespmem:s16+$0xFFFFFD60];
	v6 =	vadd.f32 v3, v6;
	v2 =	vmul.f32 v4, v2;
	v1 =	vmov v10  }
0x831: {  	v4 =	vld [tilespmem:s16+$0xFFFFFEB1]  }
.Ltmp60:
0x832: {  	v3 =	vld [tilespmem:s16+$0xFFFFFEB0];
	v7 =	vadd.f32 v2, v6;
	(pc) =	sbr.rel @p0 .LBB2_122-.Ltmp60, $4  }
0x833: {  	v6 =	vld [tilespmem:s16+$0x1]  }
0x834: {  	v8 =	vmul.f32 v5, v11;
	v2 =	vld [tilespmem:s16+$0x0]  }
0x835: {  	v5 =	vld [tilespmem:s16+$0x151]  }
0x836: {  	v8 =	vmul.f32 v9, v8;
	v9 =	vmul.f32 v4, v12;
	v4 =	vld [tilespmem:s16+$0x2A2];
	s16 =	sadd.s32 $0x540, s16  }
0x837: {  	_ = 	snop  }
0x838: {  	v7 =	vadd.f32 v8, v7;
	v0 =	vmul.f32 v0, v9;
	v3 =	vmul.f32 v6, v3;
	_ =	sdelay $0x1  }
0x839: {  	v0 =	vadd.f32 v0, v7;
	v1 =	vmul.f32 v1, v3;
	v2 =	vmul.f32 v5, v2;
	_ =	sdelay $0x1  }
0x83a: {  	v0 =	vadd.f32 v1, v0;
	v1 =	vmul.f32 v4, v2;
	_ =	sdelay $0x1  }
0x83b: {  	s15 =	simm.s32 $0x0;
	v0 =	vadd.f32 v1, v0  }
.LBB2_124:
0x83c: {  	s1 =	sshra.s32 s15, $0x2  }
0x83d: {  	v1 =	vld [tilespmem:s1+$0x1D870]  }
0x83e: {  	v2 =	vld [tilespmem:s1+$0x1D9C1];
	_ =	sdelay $0x1  }
0x83f: {  	v3 =	vld [tilespmem:s1+$0x1DB12];
	_ =	sdelay $0x1  }
0x840: {  	p0 =	sne.s32 s15, $0x540  }
.Ltmp61:
0x841: {  	v1 =	vmul.f32 v2, v1;
	(pc) =	sbr.rel @p0 .LBB2_124-.Ltmp61, $3  }
0x842: {  	_ = 	snop  }
0x843: {  	v1 =	vmul.f32 v3, v1;
	_ =	sdelay $0x1  }
0x844: {  	s15 =	sadd.s32 $0x540, s15;
	v0 =	vadd.f32 v1, v0  }
0x845: {  	s14 =	sadd.s32 $0x1, s14  }
0x846: {  	p0 =	sne.s32 s14, s7  }
.Ltmp62:
0x847: {  	[tilespmem:$0x1DDB0] =	vst v0;
	(pc) =	sbr.rel @p0 .LBB2_1-.Ltmp62, $4  }
0x848: {  	[hbm4b:s6+s2] =	stream.linear.scatter [tilespmem:s13], [sflag:$0x1], $0x140, $0x38;
	[tilespmem:$0x1DDC0] =	vst v63  }
0x849: {  	_ =	swait.ge [sflag:s10], $0x140  }
0x84a: {  	[sflag:s10] =	ssyncset.done $0x0  }
0x84b: {  	[sflag:s10] =	ssyncadd.s32 $0xFFFFFEC0  }
0x84c: {  	_ =	sfence.sel $0x180000  }
0x84d: {  	[bflag:$0x0] =	sbarrier.arrive $0xFFFF  }
0x84e: {  	_ =	strace $0x90000047  }
0x84f: {  	[bflag:$0x2] =	sbarrier.arrive $0xFFFF  }
0x850: {  	p0 =	sne.s32 s0, $0x0;
	s0 =	rddreg [dreg:$0x2]  }
0x851: {  	s0 =	sadd.s32 @!p0 $0x100000, s0  }
0x852: {  	[sflag:s0] =	ssyncadd.tile.s32 @!p0 $0x1;
	_ =	shalt  }
.Lfunc_end2:
_tile_overlayer_lowered:
.L_overlay_start_2:
0x853: {  	(tag) =	ssettag $0x2  }
0x854: {  	s0 =	rddreg [dreg:$0x0];
	s2 =	stileid.u32  }
0x855: {  	s1 =	rddreg [dreg:$0x1];
	p0 =	sne.s32 s2, $0x0  }
0x856: {  	s3 =	rddreg [dreg:$0x2];
	[bflag:$0x3] =	sbarrier.arrive $0xFFFF;
	s2 =	simm.s32 @!p0 $0x1C01  }
0x857: {  	[timem:s3], [sflag:s2] =	dma.local @!p0 [hbm:s0], s1  }
0x858: {  	s0 =	simm.s32 @!p0 $0x1  }
0x859: {  	_ =	swait.ge @!p0 [sflag:s0], s1  }
0x85a: {  	s1 =	ssub.s32 @!p0 $0x0, s1;
	[sflag:s0] =	ssyncset.done @!p0 $0x0  }
0x85b: {  	[sflag:s0] =	ssyncadd.s32 @!p0 s1  }
0x85c: {  	[bflag:$0x3] =	sbarrier.arrive $0xFFFF  }
0x85d: {  	_ =	shalt  }

</sc_bundles>
